<compile_context>
chip_gen: v7x
topology: tpu7x:2x2x1
jax: 0.10.2.dev20260603
libtpu: 0.0.44.dev20260713+nightly
codegen_flags: <defaults>
</compile_context>

<pallas_src>
import functools

import jax
import jax.numpy as jnp
import numpy as np
from jax import lax
from jax.experimental import pallas as pl
from jax.experimental.pallas import tpu as pltpu
from jax.experimental.pallas import tpu_sc as plsc

N = 10000
D = 128
NC, NS = 2, 16
NW = NC * NS
N_EXT = 10240
ROWS_PER_SUB = N_EXT // NS

E_REAL = 320000
CH = 128
EC = 80
E_PAD = NW * EC * CH

L_REAL = 100000
LC = 25
L_PAD = NW * LC * CH

_PAD_GATHER = np.arange(E_PAD - E_REAL, dtype=np.int32) % N
_PAD_SCATTER = np.arange(E_PAD - E_REAL, dtype=np.int32) % 16 + N
_PAD_LABEL = np.arange(L_PAD - L_REAL, dtype=np.int32) % N

_mesh = plsc.VectorSubcoreMesh(core_axis_name="c", subcore_axis_name="s")


def _sc_deg_body(dst_hbm, zeros1_hbm, degp_hbm, didx, ones_v, acc, dsem):
    c = lax.axis_index("c")
    s = lax.axis_index("s")
    w = c * NS + s
    for i in range(CH // 16):
        ones_v[pl.ds(i * 16, 16)] = jnp.full((16,), 1.0, jnp.float32)
    base = s * ROWS_PER_SUB
    pltpu.sync_copy(dst_hbm.at[w], didx)
    pltpu.sync_copy(zeros1_hbm, acc.at[pl.ds(base, ROWS_PER_SUB)])
    plsc.subcore_barrier()

    DB = 8

    def body(jj, carry):
        j0 = DB * jj
        dds = [pltpu.async_copy(ones_v, acc.at[didx.at[j0 + b]], dsem,
                                add=True)
               for b in range(DB)]
        for d in dds:
            d.wait()
        return carry

    lax.fori_loop(0, EC // DB, body, 0)
    plsc.subcore_barrier()
    pltpu.sync_copy(acc.at[pl.ds(base, ROWS_PER_SUB)],
                    degp_hbm.at[c, pl.ds(base, ROWS_PER_SUB)])


_sc_deg = pl.kernel(
    _sc_deg_body,
    out_type=jax.ShapeDtypeStruct((NC, N_EXT), jnp.float32),
    mesh=_mesh,
    scratch_types=[
        pltpu.VMEM((EC, CH), jnp.int32),
        pltpu.VMEM((CH,), jnp.float32),
        pltpu.VMEM_SHARED((N_EXT,), jnp.float32),
        pltpu.SemaphoreType.DMA,
    ],
)


def _sc_hop_body(t_hbm, ei_hbm, zeros_hbm, out_hbm,
                 idxA, rows0, rows1, acc,
                 iq0, iq1, iq2, iq3, g0, g1, s0, s1):
    c = lax.axis_index("c")
    s = lax.axis_index("s")
    w = c * NS + s
    base = s * ROWS_PER_SUB

    @pl.when(c == 0)
    def _():
        pltpu.sync_copy(t_hbm.at[pl.ds(base, ROWS_PER_SUB)],
                        acc.at[pl.ds(base, ROWS_PER_SUB)])

    @pl.when(c != 0)
    def _():
        pltpu.sync_copy(zeros_hbm, acc.at[pl.ds(base, ROWS_PER_SUB)])

    plsc.subcore_barrier()

    rows = [rows0, rows1]
    iq = [iq0, iq1, iq2, iq3]
    gs = [g0, g1]
    ss = [s0, s1]

    def idx_load(j, q):
        pltpu.async_copy(ei_hbm.at[w, j], idxA.at[q], iq[q])

    def idx_wait(q):
        pltpu.make_async_copy(ei_hbm.at[w, 0], idxA.at[q], iq[q]).wait()

    def gather(j_unused, q, b):
        pltpu.async_copy(t_hbm.at[idxA.at[q, 0]], rows[b], gs[b])

    def gather_wait(b):
        pltpu.make_async_copy(t_hbm.at[pl.ds(0, CH)], rows[b], gs[b]).wait()

    def scatter(q, b):
        pltpu.async_copy(rows[b], acc.at[idxA.at[q, 1]], ss[b], add=True)

    def scatter_wait(b):
        pltpu.make_async_copy(t_hbm.at[pl.ds(0, CH)], rows[b], ss[b]).wait()

    def step(j, o, first=False, warm=False, prefetch=True, prev=True):
        q, b = o % 4, o % 2
        qp, bp = (o - 1) % 4, (o - 1) % 2
        idx_wait(q)
        if not (first or warm):
            scatter_wait(b)
        gather(j, q, b)
        if prefetch:
            idx_load(j + 2, (o + 2) % 4)
        if not first:
            gather_wait(bp)
            scatter(qp, bp)

    idx_load(0, 0)
    idx_load(1, 1)
    step(0, 0, first=True)
    step(1, 1, warm=True)
    step(2, 2)
    step(3, 3)

    def body(jj, carry):
        j0 = 4 * jj + 4
        for o in range(4):
            step(j0 + o, o)
        return carry

    lax.fori_loop(0, (EC - 8) // 4, body, 0)

    step(EC - 4, 0)
    step(EC - 3, 1)
    step(EC - 2, 2, prefetch=False)
    step(EC - 1, 3, prefetch=False)
    gather_wait(1)
    scatter(3, 1)
    scatter_wait(0)
    scatter_wait(1)
    plsc.subcore_barrier()
    pltpu.sync_copy(acc.at[pl.ds(base, ROWS_PER_SUB)],
                    out_hbm.at[c, pl.ds(base, ROWS_PER_SUB)])


_sc_hop = pl.kernel(
    _sc_hop_body,
    out_type=jax.ShapeDtypeStruct((NC, N_EXT, D), jnp.float32),
    mesh=_mesh,
    scratch_types=[
        pltpu.VMEM((4, 2, CH), jnp.int32),
        pltpu.VMEM((CH, D), jnp.float32),
        pltpu.VMEM((CH, D), jnp.float32),
        pltpu.VMEM_SHARED((N_EXT, D), jnp.float32),
        pltpu.SemaphoreType.DMA,
        pltpu.SemaphoreType.DMA,
        pltpu.SemaphoreType.DMA,
        pltpu.SemaphoreType.DMA,
        pltpu.SemaphoreType.DMA,
        pltpu.SemaphoreType.DMA,
        pltpu.SemaphoreType.DMA,
        pltpu.SemaphoreType.DMA,
    ],
)


CH2 = 64
LC2 = L_PAD // (NW * CH2)


def _sc_dec_body(z_hbm, i0_hbm, i1_hbm, s_hbm, zspm, i0v, i1v,
                 ra0, rb0, ra1, rb1, ga0, gb0, ga1, gb1, st0, st1):
    c = lax.axis_index("c")
    s = lax.axis_index("s")
    w = c * NS + s
    wbase = w * (LC2 * CH2)
    base = s * ROWS_PER_SUB
    pltpu.sync_copy(z_hbm.at[pl.ds(base, ROWS_PER_SUB)],
                    zspm.at[pl.ds(base, ROWS_PER_SUB)])
    pltpu.sync_copy(i0_hbm.at[w], i0v)
    pltpu.sync_copy(i1_hbm.at[w], i1v)
    plsc.subcore_barrier()

    ras = [ra0, ra1]
    rbs = [rb0, rb1]
    gas = [ga0, ga1]
    gbs = [gb0, gb1]
    sts = [st0, st1]

    def _multiply(b):
        def mul_row(r, carry2):
            for i in range(D // 16):
                sl = pl.ds(i * 16, 16)
                ras[b][r, sl] = ras[b][r, sl] * rbs[b][r, sl]
            return carry2

        lax.fori_loop(0, CH2, mul_row, 0)

    def body(jj, carry):
        j0 = 2 * jj
        gds = []
        for b in range(2):
            gds.append(pltpu.async_copy(zspm.at[i0v.at[j0 + b]], ras[b],
                                        gas[b]))
            gds.append(pltpu.async_copy(zspm.at[i1v.at[j0 + b]], rbs[b],
                                        gbs[b]))
        sds = []
        for b in range(2):
            gds[2 * b].wait()
            gds[2 * b + 1].wait()
            _multiply(b)
            sds.append(pltpu.async_copy(
                ras[b], s_hbm.at[pl.ds(wbase + (j0 + b) * CH2, CH2)],
                sts[b]))
        for d in sds:
            d.wait()
        return carry

    lax.fori_loop(0, LC2 // 2, body, 0)


_sc_dec = pl.kernel(
    _sc_dec_body,
    out_type=jax.ShapeDtypeStruct((L_PAD, D), jnp.float32),
    mesh=_mesh,
    scratch_types=[
        pltpu.VMEM_SHARED((N_EXT, D), jnp.float32),
        pltpu.VMEM((LC2, CH2), jnp.int32),
        pltpu.VMEM((LC2, CH2), jnp.int32),
        pltpu.VMEM((CH2, D), jnp.float32),
        pltpu.VMEM((CH2, D), jnp.float32),
        pltpu.VMEM((CH2, D), jnp.float32),
        pltpu.VMEM((CH2, D), jnp.float32),
        pltpu.SemaphoreType.DMA,
        pltpu.SemaphoreType.DMA,
        pltpu.SemaphoreType.DMA,
        pltpu.SemaphoreType.DMA,
        pltpu.SemaphoreType.DMA,
        pltpu.SemaphoreType.DMA,
    ],
)


_BLK = 2048


def _tc_scale_x_body(degp_ref, x_ref, o_ref):
    deg = degp_ref[0] + degp_ref[1] + 1.0
    dinv = lax.rsqrt(deg)
    o_ref[...] = x_ref[...] * dinv[:, None]


def _tc_mid_body(degp_ref, up_ref, o_ref):
    deg = degp_ref[0] + degp_ref[1] + 1.0
    u = up_ref[0] + up_ref[1]
    o_ref[...] = u / deg[:, None]


def _tc_z_body(degp_ref, up_ref, w_ref, b_ref, o_ref):
    deg = degp_ref[0] + degp_ref[1] + 1.0
    dinv = lax.rsqrt(deg)
    h = (up_ref[0] + up_ref[1]) * dinv[:, None]
    o_ref[...] = (
        jnp.dot(h, w_ref[...], preferred_element_type=jnp.float32) + b_ref[...]
    )


def _tc_mlp_body(s_ref, w1_ref, b1_ref, w2_ref, b2_ref, o_ref):
    h = jnp.maximum(
        jnp.dot(s_ref[...], w1_ref[...], preferred_element_type=jnp.float32)
        + b1_ref[...], 0.0)
    o_ref[...] = jax.lax.dot_general(
        w2_ref[...], h, (((1,), (1,)), ((), ())),
        preferred_element_type=jnp.float32,
    )[0] + b2_ref[0, 0]


def _tc_scale_x(degp, x_ext):
    grid = N_EXT // _BLK
    return pl.pallas_call(
        _tc_scale_x_body,
        grid=(grid,),
        in_specs=[
            pl.BlockSpec((NC, _BLK), lambda i: (0, i)),
            pl.BlockSpec((_BLK, D), lambda i: (i, 0)),
        ],
        out_specs=pl.BlockSpec((_BLK, D), lambda i: (i, 0)),
        out_shape=jax.ShapeDtypeStruct((N_EXT, D), jnp.float32),
    )(degp, x_ext)


def _tc_mid(degp, up):
    grid = N_EXT // _BLK
    return pl.pallas_call(
        _tc_mid_body,
        grid=(grid,),
        in_specs=[
            pl.BlockSpec((NC, _BLK), lambda i: (0, i)),
            pl.BlockSpec((NC, _BLK, D), lambda i: (0, i, 0)),
        ],
        out_specs=pl.BlockSpec((_BLK, D), lambda i: (i, 0)),
        out_shape=jax.ShapeDtypeStruct((N_EXT, D), jnp.float32),
    )(degp, up)


def _tc_z(degp, up, wT, b):
    grid = N_EXT // _BLK
    return pl.pallas_call(
        _tc_z_body,
        grid=(grid,),
        in_specs=[
            pl.BlockSpec((NC, _BLK), lambda i: (0, i)),
            pl.BlockSpec((NC, _BLK, D), lambda i: (0, i, 0)),
            pl.BlockSpec((D, D), lambda i: (0, 0)),
            pl.BlockSpec((1, D), lambda i: (0, 0)),
        ],
        out_specs=pl.BlockSpec((_BLK, D), lambda i: (i, 0)),
        out_shape=jax.ShapeDtypeStruct((N_EXT, D), jnp.float32),
    )(degp, up, wT, b)


def _tc_mlp(s, w1T, b1, w2T, b2):
    blk = 4096
    grid = L_PAD // blk
    return pl.pallas_call(
        _tc_mlp_body,
        grid=(grid,),
        in_specs=[
            pl.BlockSpec((blk, D), lambda i: (i, 0)),
            pl.BlockSpec((D, D // 2), lambda i: (0, 0)),
            pl.BlockSpec((1, D // 2), lambda i: (0, 0)),
            pl.BlockSpec((1, D // 2), lambda i: (0, 0)),
            pl.BlockSpec((1, 1), lambda i: (0, 0)),
        ],
        out_specs=pl.BlockSpec((blk,), lambda i: (i,)),
        out_shape=jax.ShapeDtypeStruct((L_PAD,), jnp.float32),
    )(s, w1T, b1, w2T, b2)


@jax.jit
def kernel(x, edge_index, edge_label_index, W_conv, b_conv, W1, b1, W2, b2):
    src = edge_index[0].astype(jnp.int32)
    dst = edge_index[1].astype(jnp.int32)
    ep = E_PAD - E_REAL
    pad_gather = _PAD_GATHER
    pad_scatter = _PAD_SCATTER
    src_p = jnp.concatenate([src, pad_gather]).reshape(NW, EC, 1, CH)
    dst_p = jnp.concatenate([dst, pad_scatter]).reshape(NW, EC, 1, CH)
    ei_p = jnp.concatenate([src_p, dst_p], axis=2)

    i0 = edge_label_index[0].astype(jnp.int32)
    i1 = edge_label_index[1].astype(jnp.int32)
    lp = L_PAD - L_REAL
    lpad = _PAD_LABEL
    i0_p = jnp.concatenate([i0, lpad]).reshape(NW, LC2, CH2)
    i1_p = jnp.concatenate([i1, lpad]).reshape(NW, LC2, CH2)

    x_ext = jnp.zeros((N_EXT, D), jnp.float32).at[:N].set(x)
    zeros_rows = jnp.zeros((ROWS_PER_SUB, D), jnp.float32)
    zeros_1d = jnp.zeros((ROWS_PER_SUB,), jnp.float32)

    wcT = W_conv.T
    bc = b_conv.reshape(1, D)
    w1T = W1.T
    b1r = b1.reshape(1, D // 2)
    w2r = W2.reshape(1, D // 2)
    b2r = b2.reshape(1, 1)

    degp = _sc_deg(dst_p.reshape(NW, EC, CH), zeros_1d)
    t0 = _tc_scale_x(degp, x_ext)
    u1 = _sc_hop(t0, ei_p, zeros_rows)
    t1 = _tc_mid(degp, u1)
    u2 = _sc_hop(t1, ei_p, zeros_rows)
    z = _tc_z(degp, u2, wcT, bc)
    s = _sc_dec(z, i0_p, i1_p)
    r = _tc_mlp(s, w1T, b1r, w2r, b2r)
    return r[:L_REAL]

# --- scband reference (transcript-rebuilt; emitter-appended) ---
"""Pipeline reference for scband-sgc-48129403519234 (READ-ONLY COPY).

The authoritative reference and input builder live on the scoring server;
editing this copy changes nothing except your own understanding.
"""

import jax, jax.numpy as jnp
import numpy as np

N_NODES = 10000
N_EDGES = 320000
N_LABEL = 100000
D_IN = 128
D_OUT = 128
K_HOPS = 2


def setup_inputs(seed: int = 0) -> dict:
    key = jax.random.key(seed)
    ks = jax.random.split(key, 10)
    x = jax.random.normal(ks[0], (N_NODES, D_IN), dtype=jnp.float32)
    edge_index = jax.random.randint(ks[1], (2, N_EDGES), 0, N_NODES, dtype=jnp.int64)
    edge_label_index = jax.random.randint(ks[2], (2, N_LABEL), 0, N_NODES, dtype=jnp.int64)
    # SGConv linear: Linear(in_channels=128, out_channels=128)
    W_conv = jax.random.normal(ks[3], (D_OUT, D_IN), dtype=jnp.float32) * (1.0 / np.sqrt(D_IN))
    b_conv = jnp.zeros((D_OUT,), dtype=jnp.float32)
    # MLP: Linear(128 -> 64), ReLU, Linear(64 -> 1)
    W1 = jax.random.normal(ks[4], (D_OUT // 2, D_OUT), dtype=jnp.float32) * (1.0 / np.sqrt(D_OUT))
    b1 = jnp.zeros((D_OUT // 2,), dtype=jnp.float32)
    W2 = jax.random.normal(ks[5], (1, D_OUT // 2), dtype=jnp.float32) * (1.0 / np.sqrt(D_OUT // 2))
    b2 = jnp.zeros((1,), dtype=jnp.float32)
    return {"x": x, "edge_index": edge_index, "edge_label_index": edge_label_index,
            "W_conv": W_conv, "b_conv": b_conv, "W1": W1, "b1": b1, "W2": W2, "b2": b2}


def reference(x, edge_index, edge_label_index, W_conv, b_conv, W1, b1, W2, b2):
    N = x.shape[0]
    # --- SGConv encode: K rounds of GCN-normalized propagation, then linear ---
    loop = jnp.arange(N, dtype=edge_index.dtype)
    src = jnp.concatenate([edge_index[0], loop])
    dst = jnp.concatenate([edge_index[1], loop])
    ones = jnp.ones(src.shape[0], dtype=x.dtype)
    deg = jax.ops.segment_sum(ones, dst, num_segments=N)
    dinv = jnp.where(deg > 0, jax.lax.rsqrt(deg), 0.0)
    norm = dinv[src] * dinv[dst]
    h = x
    for _ in range(K_HOPS):
        msgs = norm[:, None] * h[src]
        h = jax.ops.segment_sum(msgs, dst, num_segments=N)
    z = h @ W_conv.T + b_conv
    # --- decode: elementwise product of endpoint embeddings -> MLP (dropout = identity in eval) ---
    s = z[edge_label_index[0]] * z[edge_label_index[1]]
    hmlp = jnp.maximum(s @ W1.T + b1, 0.0)
    r = (hmlp @ W2.T + b2).sum(axis=-1)
    return r

if __name__ == "__main__":
    import jax
    _d = setup_inputs()
    print(jax.jit(kernel)(*tuple(_d.values())))

</pallas_src>

<mosaic_0001>
#map = affine_map<(d0, d1) -> (0, 0, 0)>
#map1 = affine_map<(d0, d1) -> (0)>
#map2 = affine_map<(d0, d1) -> (0, 0)>
module attributes {stable_mosaic.version = 14 : i64} {
  func.func @_sc_deg_body(%arg0: i32, %arg1: i32, %arg2: memref<32x80x128xi32, #tpu.memory_space<hbm>>, %arg3: memref<640xf32, #tpu.memory_space<hbm>>, %arg4: memref<2x10240xf32, #tpu.memory_space<hbm>>, %arg5: memref<80x128xi32, #tpu.memory_space<vmem>>, %arg6: memref<128xf32, #tpu.memory_space<vmem>>, %arg7: memref<10240xf32, #tpu.memory_space<vmem_shared>>, %arg8: memref<!tpu.dma_semaphore, #tpu.memory_space<semaphore_mem>>) attributes {dimension_semantics = [#tpu.dimension_semantics<core_parallel>, #tpu.dimension_semantics<subcore_parallel>], iteration_bounds = array<i64: 2, 16>, scalar_prefetch = 0 : i64, scratch_operands = 4 : i64, tpu.core_type = #tpu.core_type<sc_vector_subcore>, window_params = [{transform_indices = #map}, {transform_indices = #map1}, {transform_indices = #map2}]} {
    %mul3A = arith.constant 16 : i32
    %mul3A_0 = arith.muli %arg0, %mul3A : i32
    %add3A = arith.addi %mul3A_0, %arg1 : i32
    %broadcast_in_dim3A = arith.constant 1.000000e+00 : f32
    %broadcast_in_dim3A_1 = vector.broadcast %broadcast_in_dim3A : f32 to vector<16xf32>
    %swap3A = arith.constant 0 : index
    %swap3A_2 = tpu.vector_load %arg6[%swap3A] {strides = array<i32>} : memref<128xf32, #tpu.memory_space<vmem>>, vector<16xf32>,
    %swap3A_3 = vector.shape_cast %swap3A_2 : vector<16xf32> to vector<16xf32>
    %swap3A_4 = vector.shape_cast %broadcast_in_dim3A_1 : vector<16xf32> to vector<16xf32>
    tpu.vector_store %arg6[%swap3A], %swap3A_4 {strides = array<i32>} : memref<128xf32, #tpu.memory_space<vmem>>, vector<16xf32>,
    %broadcast_in_dim3A_5 = arith.constant 1.000000e+00 : f32
    %broadcast_in_dim3A_6 = vector.broadcast %broadcast_in_dim3A_5 : f32 to vector<16xf32>
    %swap3A_7 = arith.constant 16 : index
    %swap3A_8 = tpu.vector_load %arg6[%swap3A_7] {strides = array<i32>} : memref<128xf32, #tpu.memory_space<vmem>>, vector<16xf32>,
    %swap3A_9 = vector.shape_cast %swap3A_8 : vector<16xf32> to vector<16xf32>
    %swap3A_10 = vector.shape_cast %broadcast_in_dim3A_6 : vector<16xf32> to vector<16xf32>
    tpu.vector_store %arg6[%swap3A_7], %swap3A_10 {strides = array<i32>} : memref<128xf32, #tpu.memory_space<vmem>>, vector<16xf32>,
    %broadcast_in_dim3A_11 = arith.constant 1.000000e+00 : f32
    %broadcast_in_dim3A_12 = vector.broadcast %broadcast_in_dim3A_11 : f32 to vector<16xf32>
    %swap3A_13 = arith.constant 32 : index
    %swap3A_14 = tpu.vector_load %arg6[%swap3A_13] {strides = array<i32>} : memref<128xf32, #tpu.memory_space<vmem>>, vector<16xf32>,
    %swap3A_15 = vector.shape_cast %swap3A_14 : vector<16xf32> to vector<16xf32>
    %swap3A_16 = vector.shape_cast %broadcast_in_dim3A_12 : vector<16xf32> to vector<16xf32>
    tpu.vector_store %arg6[%swap3A_13], %swap3A_16 {strides = array<i32>} : memref<128xf32, #tpu.memory_space<vmem>>, vector<16xf32>,
    %broadcast_in_dim3A_17 = arith.constant 1.000000e+00 : f32
    %broadcast_in_dim3A_18 = vector.broadcast %broadcast_in_dim3A_17 : f32 to vector<16xf32>
    %swap3A_19 = arith.constant 48 : index
    %swap3A_20 = tpu.vector_load %arg6[%swap3A_19] {strides = array<i32>} : memref<128xf32, #tpu.memory_space<vmem>>, vector<16xf32>,
    %swap3A_21 = vector.shape_cast %swap3A_20 : vector<16xf32> to vector<16xf32>
    %swap3A_22 = vector.shape_cast %broadcast_in_dim3A_18 : vector<16xf32> to vector<16xf32>
    tpu.vector_store %arg6[%swap3A_19], %swap3A_22 {strides = array<i32>} : memref<128xf32, #tpu.memory_space<vmem>>, vector<16xf32>,
    %broadcast_in_dim3A_23 = arith.constant 1.000000e+00 : f32
    %broadcast_in_dim3A_24 = vector.broadcast %broadcast_in_dim3A_23 : f32 to vector<16xf32>
    %swap3A_25 = arith.constant 64 : index
    %swap3A_26 = tpu.vector_load %arg6[%swap3A_25] {strides = array<i32>} : memref<128xf32, #tpu.memory_space<vmem>>, vector<16xf32>,
    %swap3A_27 = vector.shape_cast %swap3A_26 : vector<16xf32> to vector<16xf32>
    %swap3A_28 = vector.shape_cast %broadcast_in_dim3A_24 : vector<16xf32> to vector<16xf32>
    tpu.vector_store %arg6[%swap3A_25], %swap3A_28 {strides = array<i32>} : memref<128xf32, #tpu.memory_space<vmem>>, vector<16xf32>,
    %broadcast_in_dim3A_29 = arith.constant 1.000000e+00 : f32
    %broadcast_in_dim3A_30 = vector.broadcast %broadcast_in_dim3A_29 : f32 to vector<16xf32>
    %swap3A_31 = arith.constant 80 : index
    %swap3A_32 = tpu.vector_load %arg6[%swap3A_31] {strides = array<i32>} : memref<128xf32, #tpu.memory_space<vmem>>, vector<16xf32>,
    %swap3A_33 = vector.shape_cast %swap3A_32 : vector<16xf32> to vector<16xf32>
    %swap3A_34 = vector.shape_cast %broadcast_in_dim3A_30 : vector<16xf32> to vector<16xf32>
    tpu.vector_store %arg6[%swap3A_31], %swap3A_34 {strides = array<i32>} : memref<128xf32, #tpu.memory_space<vmem>>, vector<16xf32>,
    %broadcast_in_dim3A_35 = arith.constant 1.000000e+00 : f32
    %broadcast_in_dim3A_36 = vector.broadcast %broadcast_in_dim3A_35 : f32 to vector<16xf32>
    %swap3A_37 = arith.constant 96 : index
    %swap3A_38 = tpu.vector_load %arg6[%swap3A_37] {strides = array<i32>} : memref<128xf32, #tpu.memory_space<vmem>>, vector<16xf32>,
    %swap3A_39 = vector.shape_cast %swap3A_38 : vector<16xf32> to vector<16xf32>
    %swap3A_40 = vector.shape_cast %broadcast_in_dim3A_36 : vector<16xf32> to vector<16xf32>
    tpu.vector_store %arg6[%swap3A_37], %swap3A_40 {strides = array<i32>} : memref<128xf32, #tpu.memory_space<vmem>>, vector<16xf32>,
    %broadcast_in_dim3A_41 = arith.constant 1.000000e+00 : f32
    %broadcast_in_dim3A_42 = vector.broadcast %broadcast_in_dim3A_41 : f32 to vector<16xf32>
    %swap3A_43 = arith.constant 112 : index
    %swap3A_44 = tpu.vector_load %arg6[%swap3A_43] {strides = array<i32>} : memref<128xf32, #tpu.memory_space<vmem>>, vector<16xf32>,
    %swap3A_45 = vector.shape_cast %swap3A_44 : vector<16xf32> to vector<16xf32>
    %swap3A_46 = vector.shape_cast %broadcast_in_dim3A_42 : vector<16xf32> to vector<16xf32>
    tpu.vector_store %arg6[%swap3A_43], %swap3A_46 {strides = array<i32>} : memref<128xf32, #tpu.memory_space<vmem>>, vector<16xf32>,
    %mul3A_47 = arith.constant 640 : i32
    %mul3A_48 = arith.muli %arg1, %mul3A_47 : i32
    "tpu.region"() ({
      %run_scoped3A = tpu.sem_alloc : memref<!tpu.dma_semaphore, #tpu.memory_space<semaphore_mem>>
      %dma_start3A = arith.constant 0 : i32
      %dma_start3A_55 = arith.constant 0 : i32
      %dma_start3A_56 = tpu.memref_slice %arg2[%add3A, %dma_start3A, %dma_start3A_55] : memref<32x80x128xi32, #tpu.memory_space<hbm>> -> memref<1x80x128xi32, #tpu.memory_space<hbm>>
      %dma_start3A_57 = tpu.memref_squeeze %dma_start3A_56 : memref<1x80x128xi32, #tpu.memory_space<hbm>> -> memref<80x128xi32, #tpu.memory_space<hbm>>
      %dma_start3A_58 = arith.constant 0 : i32
      %dma_start3A_59 = arith.constant 0 : i32
      %dma_start3A_60 = tpu.memref_slice %arg2[%add3A, %dma_start3A_58, %dma_start3A_59] : memref<32x80x128xi32, #tpu.memory_space<hbm>> -> memref<1x80x128xi32, #tpu.memory_space<hbm>>
      %dma_start3A_61 = tpu.memref_squeeze %dma_start3A_60 : memref<1x80x128xi32, #tpu.memory_space<hbm>> -> memref<80x128xi32, #tpu.memory_space<hbm>>
      tpu.enqueue_dma source(%dma_start3A_61 : memref<80x128xi32, #tpu.memory_space<hbm>>) target(%arg5 : memref<80x128xi32, #tpu.memory_space<vmem>>) target_semaphore(%run_scoped3A : memref<!tpu.dma_semaphore, #tpu.memory_space<semaphore_mem>>)
      %dma_wait3A = arith.constant 0 : i32
      %dma_wait3A_62 = arith.constant 0 : i32
      %dma_wait3A_63 = tpu.memref_slice %arg2[%add3A, %dma_wait3A, %dma_wait3A_62] : memref<32x80x128xi32, #tpu.memory_space<hbm>> -> memref<1x80x128xi32, #tpu.memory_space<hbm>>
      %dma_wait3A_64 = tpu.memref_squeeze %dma_wait3A_63 : memref<1x80x128xi32, #tpu.memory_space<hbm>> -> memref<80x128xi32, #tpu.memory_space<hbm>>
      %dma_wait3A_65 = arith.constant 0 : i32
      %dma_wait3A_66 = arith.constant 0 : i32
      %dma_wait3A_67 = tpu.memref_slice %arg2[%add3A, %dma_wait3A_65, %dma_wait3A_66] : memref<32x80x128xi32, #tpu.memory_space<hbm>> -> memref<1x80x128xi32, #tpu.memory_space<hbm>>
      %dma_wait3A_68 = tpu.memref_squeeze %dma_wait3A_67 : memref<1x80x128xi32, #tpu.memory_space<hbm>> -> memref<80x128xi32, #tpu.memory_space<hbm>>
      tpu.wait_dma2 semaphore(%run_scoped3A : memref<!tpu.dma_semaphore, #tpu.memory_space<semaphore_mem>>) src(%dma_wait3A_68 : memref<80x128xi32, #tpu.memory_space<hbm>>) dst(%arg5 : memref<80x128xi32, #tpu.memory_space<vmem>>)
      tpu.yield
    }) : () -> ()
    "tpu.region"() ({
      %run_scoped3A = tpu.sem_alloc : memref<!tpu.dma_semaphore, #tpu.memory_space<semaphore_mem>>
      %dma_start3A = tpu.memref_slice %arg7[%mul3A_48] : memref<10240xf32, #tpu.memory_space<vmem_shared>> -> memref<640xf32, #tpu.memory_space<vmem_shared>>
      tpu.enqueue_dma source(%arg3 : memref<640xf32, #tpu.memory_space<hbm>>) target(%dma_start3A : memref<640xf32, #tpu.memory_space<vmem_shared>>) target_semaphore(%run_scoped3A : memref<!tpu.dma_semaphore, #tpu.memory_space<semaphore_mem>>)
      %dma_wait3A = tpu.memref_slice %arg7[%mul3A_48] : memref<10240xf32, #tpu.memory_space<vmem_shared>> -> memref<640xf32, #tpu.memory_space<vmem_shared>>
      tpu.wait_dma2 semaphore(%run_scoped3A : memref<!tpu.dma_semaphore, #tpu.memory_space<semaphore_mem>>) src(%arg3 : memref<640xf32, #tpu.memory_space<hbm>>) dst(%dma_wait3A : memref<640xf32, #tpu.memory_space<vmem_shared>>)
      tpu.yield
    }) : () -> ()
    %barrier3A = arith.constant 0 : index
    tpu.barrier barrier_id(%barrier3A)
    %scan3A = arith.constant 0 : i32
    %scan3A_49 = arith.constant 0 : i32
    %scan3A_50 = arith.constant 10 : i32
    %scan3A_51 = arith.addi %scan3A_49, %scan3A_50 : i32
    %scan3A_52 = arith.constant 1 : i32
    scf.for %scan3A_55 = %scan3A_49 to %scan3A_51 step %scan3A_52  : i32 {
      %mul3A_56 = arith.constant 8 : i32
      %mul3A_57 = arith.muli %mul3A_56, %scan3A_55 : i32
      %add3A_58 = arith.constant 0 : i32
      %add3A_59 = arith.addi %mul3A_57, %add3A_58 : i32
      %dma_start3A = arith.constant 0 : i32
      %dma_start3A_60 = tpu.memref_slice %arg5[%add3A_59, %dma_start3A] : memref<80x128xi32, #tpu.memory_space<vmem>> -> memref<1x128xi32, #tpu.memory_space<vmem>>
      %dma_start3A_61 = tpu.memref_squeeze %dma_start3A_60 : memref<1x128xi32, #tpu.memory_space<vmem>> -> memref<128xi32, #tpu.memory_space<vmem>>
      %dma_start3A_62 = arith.constant 0 : i32
      %dma_start3A_63 = tpu.memref_slice %arg7[%dma_start3A_62] : memref<10240xf32, #tpu.memory_space<vmem_shared>> -> memref<10240xf32, #tpu.memory_space<vmem_shared>>
      tpu.enqueue_indirect_dma source(%arg6 : memref<128xf32, #tpu.memory_space<vmem>>) target(%dma_start3A_63 : memref<10240xf32, #tpu.memory_space<vmem_shared>>) offsets(%dma_start3A_61 : memref<128xi32, #tpu.memory_space<vmem>>) semaphore(%arg8 : memref<!tpu.dma_semaphore, #tpu.memory_space<semaphore_mem>>) {add = true}
      %add3A_64 = arith.constant 1 : i32
      %add3A_65 = arith.addi %mul3A_57, %add3A_64 : i32
      %dma_start3A_66 = arith.constant 0 : i32
      %dma_start3A_67 = tpu.memref_slice %arg5[%add3A_65, %dma_start3A_66] : memref<80x128xi32, #tpu.memory_space<vmem>> -> memref<1x128xi32, #tpu.memory_space<vmem>>
      %dma_start3A_68 = tpu.memref_squeeze %dma_start3A_67 : memref<1x128xi32, #tpu.memory_space<vmem>> -> memref<128xi32, #tpu.memory_space<vmem>>
      %dma_start3A_69 = arith.constant 0 : i32
      %dma_start3A_70 = tpu.memref_slice %arg7[%dma_start3A_69] : memref<10240xf32, #tpu.memory_space<vmem_shared>> -> memref<10240xf32, #tpu.memory_space<vmem_shared>>
      tpu.enqueue_indirect_dma source(%arg6 : memref<128xf32, #tpu.memory_space<vmem>>) target(%dma_start3A_70 : memref<10240xf32, #tpu.memory_space<vmem_shared>>) offsets(%dma_start3A_68 : memref<128xi32, #tpu.memory_space<vmem>>) semaphore(%arg8 : memref<!tpu.dma_semaphore, #tpu.memory_space<semaphore_mem>>) {add = true}
      %add3A_71 = arith.constant 2 : i32
      %add3A_72 = arith.addi %mul3A_57, %add3A_71 : i32
      %dma_start3A_73 = arith.constant 0 : i32
      %dma_start3A_74 = tpu.memref_slice %arg5[%add3A_72, %dma_start3A_73] : memref<80x128xi32, #tpu.memory_space<vmem>> -> memref<1x128xi32, #tpu.memory_space<vmem>>
      %dma_start3A_75 = tpu.memref_squeeze %dma_start3A_74 : memref<1x128xi32, #tpu.memory_space<vmem>> -> memref<128xi32, #tpu.memory_space<vmem>>
      %dma_start3A_76 = arith.constant 0 : i32
      %dma_start3A_77 = tpu.memref_slice %arg7[%dma_start3A_76] : memref<10240xf32, #tpu.memory_space<vmem_shared>> -> memref<10240xf32, #tpu.memory_space<vmem_shared>>
      tpu.enqueue_indirect_dma source(%arg6 : memref<128xf32, #tpu.memory_space<vmem>>) target(%dma_start3A_77 : memref<10240xf32, #tpu.memory_space<vmem_shared>>) offsets(%dma_start3A_75 : memref<128xi32, #tpu.memory_space<vmem>>) semaphore(%arg8 : memref<!tpu.dma_semaphore, #tpu.memory_space<semaphore_mem>>) {add = true}
      %add3A_78 = arith.constant 3 : i32
      %add3A_79 = arith.addi %mul3A_57, %add3A_78 : i32
      %dma_start3A_80 = arith.constant 0 : i32
      %dma_start3A_81 = tpu.memref_slice %arg5[%add3A_79, %dma_start3A_80] : memref<80x128xi32, #tpu.memory_space<vmem>> -> memref<1x128xi32, #tpu.memory_space<vmem>>
      %dma_start3A_82 = tpu.memref_squeeze %dma_start3A_81 : memref<1x128xi32, #tpu.memory_space<vmem>> -> memref<128xi32, #tpu.memory_space<vmem>>
      %dma_start3A_83 = arith.constant 0 : i32
      %dma_start3A_84 = tpu.memref_slice %arg7[%dma_start3A_83] : memref<10240xf32, #tpu.memory_space<vmem_shared>> -> memref<10240xf32, #tpu.memory_space<vmem_shared>>
      tpu.enqueue_indirect_dma source(%arg6 : memref<128xf32, #tpu.memory_space<vmem>>) target(%dma_start3A_84 : memref<10240xf32, #tpu.memory_space<vmem_shared>>) offsets(%dma_start3A_82 : memref<128xi32, #tpu.memory_space<vmem>>) semaphore(%arg8 : memref<!tpu.dma_semaphore, #tpu.memory_space<semaphore_mem>>) {add = true}
      %add3A_85 = arith.constant 4 : i32
      %add3A_86 = arith.addi %mul3A_57, %add3A_85 : i32
      %dma_start3A_87 = arith.constant 0 : i32
      %dma_start3A_88 = tpu.memref_slice %arg5[%add3A_86, %dma_start3A_87] : memref<80x128xi32, #tpu.memory_space<vmem>> -> memref<1x128xi32, #tpu.memory_space<vmem>>
      %dma_start3A_89 = tpu.memref_squeeze %dma_start3A_88 : memref<1x128xi32, #tpu.memory_space<vmem>> -> memref<128xi32, #tpu.memory_space<vmem>>
      %dma_start3A_90 = arith.constant 0 : i32
      %dma_start3A_91 = tpu.memref_slice %arg7[%dma_start3A_90] : memref<10240xf32, #tpu.memory_space<vmem_shared>> -> memref<10240xf32, #tpu.memory_space<vmem_shared>>
      tpu.enqueue_indirect_dma source(%arg6 : memref<128xf32, #tpu.memory_space<vmem>>) target(%dma_start3A_91 : memref<10240xf32, #tpu.memory_space<vmem_shared>>) offsets(%dma_start3A_89 : memref<128xi32, #tpu.memory_space<vmem>>) semaphore(%arg8 : memref<!tpu.dma_semaphore, #tpu.memory_space<semaphore_mem>>) {add = true}
      %add3A_92 = arith.constant 5 : i32
      %add3A_93 = arith.addi %mul3A_57, %add3A_92 : i32
      %dma_start3A_94 = arith.constant 0 : i32
      %dma_start3A_95 = tpu.memref_slice %arg5[%add3A_93, %dma_start3A_94] : memref<80x128xi32, #tpu.memory_space<vmem>> -> memref<1x128xi32, #tpu.memory_space<vmem>>
      %dma_start3A_96 = tpu.memref_squeeze %dma_start3A_95 : memref<1x128xi32, #tpu.memory_space<vmem>> -> memref<128xi32, #tpu.memory_space<vmem>>
      %dma_start3A_97 = arith.constant 0 : i32
      %dma_start3A_98 = tpu.memref_slice %arg7[%dma_start3A_97] : memref<10240xf32, #tpu.memory_space<vmem_shared>> -> memref<10240xf32, #tpu.memory_space<vmem_shared>>
      tpu.enqueue_indirect_dma source(%arg6 : memref<128xf32, #tpu.memory_space<vmem>>) target(%dma_start3A_98 : memref<10240xf32, #tpu.memory_space<vmem_shared>>) offsets(%dma_start3A_96 : memref<128xi32, #tpu.memory_space<vmem>>) semaphore(%arg8 : memref<!tpu.dma_semaphore, #tpu.memory_space<semaphore_mem>>) {add = true}
      %add3A_99 = arith.constant 6 : i32
      %add3A_100 = arith.addi %mul3A_57, %add3A_99 : i32
      %dma_start3A_101 = arith.constant 0 : i32
      %dma_start3A_102 = tpu.memref_slice %arg5[%add3A_100, %dma_start3A_101] : memref<80x128xi32, #tpu.memory_space<vmem>> -> memref<1x128xi32, #tpu.memory_space<vmem>>
      %dma_start3A_103 = tpu.memref_squeeze %dma_start3A_102 : memref<1x128xi32, #tpu.memory_space<vmem>> -> memref<128xi32, #tpu.memory_space<vmem>>
      %dma_start3A_104 = arith.constant 0 : i32
      %dma_start3A_105 = tpu.memref_slice %arg7[%dma_start3A_104] : memref<10240xf32, #tpu.memory_space<vmem_shared>> -> memref<10240xf32, #tpu.memory_space<vmem_shared>>
      tpu.enqueue_indirect_dma source(%arg6 : memref<128xf32, #tpu.memory_space<vmem>>) target(%dma_start3A_105 : memref<10240xf32, #tpu.memory_space<vmem_shared>>) offsets(%dma_start3A_103 : memref<128xi32, #tpu.memory_space<vmem>>) semaphore(%arg8 : memref<!tpu.dma_semaphore, #tpu.memory_space<semaphore_mem>>) {add = true}
      %add3A_106 = arith.constant 7 : i32
      %add3A_107 = arith.addi %mul3A_57, %add3A_106 : i32
      %dma_start3A_108 = arith.constant 0 : i32
      %dma_start3A_109 = tpu.memref_slice %arg5[%add3A_107, %dma_start3A_108] : memref<80x128xi32, #tpu.memory_space<vmem>> -> memref<1x128xi32, #tpu.memory_space<vmem>>
      %dma_start3A_110 = tpu.memref_squeeze %dma_start3A_109 : memref<1x128xi32, #tpu.memory_space<vmem>> -> memref<128xi32, #tpu.memory_space<vmem>>
      %dma_start3A_111 = arith.constant 0 : i32
      %dma_start3A_112 = tpu.memref_slice %arg7[%dma_start3A_111] : memref<10240xf32, #tpu.memory_space<vmem_shared>> -> memref<10240xf32, #tpu.memory_space<vmem_shared>>
      tpu.enqueue_indirect_dma source(%arg6 : memref<128xf32, #tpu.memory_space<vmem>>) target(%dma_start3A_112 : memref<10240xf32, #tpu.memory_space<vmem_shared>>) offsets(%dma_start3A_110 : memref<128xi32, #tpu.memory_space<vmem>>) semaphore(%arg8 : memref<!tpu.dma_semaphore, #tpu.memory_space<semaphore_mem>>) {add = true}
      %dma_wait3A = arith.constant 0 : i32
      %dma_wait3A_113 = tpu.memref_slice %arg5[%add3A_59, %dma_wait3A] : memref<80x128xi32, #tpu.memory_space<vmem>> -> memref<1x128xi32, #tpu.memory_space<vmem>>
      %dma_wait3A_114 = tpu.memref_squeeze %dma_wait3A_113 : memref<1x128xi32, #tpu.memory_space<vmem>> -> memref<128xi32, #tpu.memory_space<vmem>>
      %dma_wait3A_115 = arith.constant 0 : i32
      %dma_wait3A_116 = tpu.memref_slice %arg7[%dma_wait3A_115] : memref<10240xf32, #tpu.memory_space<vmem_shared>> -> memref<10240xf32, #tpu.memory_space<vmem_shared>>
      tpu.wait_indirect_dma semaphore(%arg8 : memref<!tpu.dma_semaphore, #tpu.memory_space<semaphore_mem>>) src(%arg6 : memref<128xf32, #tpu.memory_space<vmem>>) dst(%dma_wait3A_116 : memref<10240xf32, #tpu.memory_space<vmem_shared>>)
      %dma_wait3A_117 = arith.constant 0 : i32
      %dma_wait3A_118 = tpu.memref_slice %arg5[%add3A_65, %dma_wait3A_117] : memref<80x128xi32, #tpu.memory_space<vmem>> -> memref<1x128xi32, #tpu.memory_space<vmem>>
      %dma_wait3A_119 = tpu.memref_squeeze %dma_wait3A_118 : memref<1x128xi32, #tpu.memory_space<vmem>> -> memref<128xi32, #tpu.memory_space<vmem>>
      %dma_wait3A_120 = arith.constant 0 : i32
      %dma_wait3A_121 = tpu.memref_slice %arg7[%dma_wait3A_120] : memref<10240xf32, #tpu.memory_space<vmem_shared>> -> memref<10240xf32, #tpu.memory_space<vmem_shared>>
      tpu.wait_indirect_dma semaphore(%arg8 : memref<!tpu.dma_semaphore, #tpu.memory_space<semaphore_mem>>) src(%arg6 : memref<128xf32, #tpu.memory_space<vmem>>) dst(%dma_wait3A_121 : memref<10240xf32, #tpu.memory_space<vmem_shared>>)
      %dma_wait3A_122 = arith.constant 0 : i32
      %dma_wait3A_123 = tpu.memref_slice %arg5[%add3A_72, %dma_wait3A_122] : memref<80x128xi32, #tpu.memory_space<vmem>> -> memref<1x128xi32, #tpu.memory_space<vmem>>
      %dma_wait3A_124 = tpu.memref_squeeze %dma_wait3A_123 : memref<1x128xi32, #tpu.memory_space<vmem>> -> memref<128xi32, #tpu.memory_space<vmem>>
      %dma_wait3A_125 = arith.constant 0 : i32
      %dma_wait3A_126 = tpu.memref_slice %arg7[%dma_wait3A_125] : memref<10240xf32, #tpu.memory_space<vmem_shared>> -> memref<10240xf32, #tpu.memory_space<vmem_shared>>
      tpu.wait_indirect_dma semaphore(%arg8 : memref<!tpu.dma_semaphore, #tpu.memory_space<semaphore_mem>>) src(%arg6 : memref<128xf32, #tpu.memory_space<vmem>>) dst(%dma_wait3A_126 : memref<10240xf32, #tpu.memory_space<vmem_shared>>)
      %dma_wait3A_127 = arith.constant 0 : i32
      %dma_wait3A_128 = tpu.memref_slice %arg5[%add3A_79, %dma_wait3A_127] : memref<80x128xi32, #tpu.memory_space<vmem>> -> memref<1x128xi32, #tpu.memory_space<vmem>>
      %dma_wait3A_129 = tpu.memref_squeeze %dma_wait3A_128 : memref<1x128xi32, #tpu.memory_space<vmem>> -> memref<128xi32, #tpu.memory_space<vmem>>
      %dma_wait3A_130 = arith.constant 0 : i32
      %dma_wait3A_131 = tpu.memref_slice %arg7[%dma_wait3A_130] : memref<10240xf32, #tpu.memory_space<vmem_shared>> -> memref<10240xf32, #tpu.memory_space<vmem_shared>>
      tpu.wait_indirect_dma semaphore(%arg8 : memref<!tpu.dma_semaphore, #tpu.memory_space<semaphore_mem>>) src(%arg6 : memref<128xf32, #tpu.memory_space<vmem>>) dst(%dma_wait3A_131 : memref<10240xf32, #tpu.memory_space<vmem_shared>>)
      %dma_wait3A_132 = arith.constant 0 : i32
      %dma_wait3A_133 = tpu.memref_slice %arg5[%add3A_86, %dma_wait3A_132] : memref<80x128xi32, #tpu.memory_space<vmem>> -> memref<1x128xi32, #tpu.memory_space<vmem>>
      %dma_wait3A_134 = tpu.memref_squeeze %dma_wait3A_133 : memref<1x128xi32, #tpu.memory_space<vmem>> -> memref<128xi32, #tpu.memory_space<vmem>>
      %dma_wait3A_135 = arith.constant 0 : i32
      %dma_wait3A_136 = tpu.memref_slice %arg7[%dma_wait3A_135] : memref<10240xf32, #tpu.memory_space<vmem_shared>> -> memref<10240xf32, #tpu.memory_space<vmem_shared>>
      tpu.wait_indirect_dma semaphore(%arg8 : memref<!tpu.dma_semaphore, #tpu.memory_space<semaphore_mem>>) src(%arg6 : memref<128xf32, #tpu.memory_space<vmem>>) dst(%dma_wait3A_136 : memref<10240xf32, #tpu.memory_space<vmem_shared>>)
      %dma_wait3A_137 = arith.constant 0 : i32
      %dma_wait3A_138 = tpu.memref_slice %arg5[%add3A_93, %dma_wait3A_137] : memref<80x128xi32, #tpu.memory_space<vmem>> -> memref<1x128xi32, #tpu.memory_space<vmem>>
      %dma_wait3A_139 = tpu.memref_squeeze %dma_wait3A_138 : memref<1x128xi32, #tpu.memory_space<vmem>> -> memref<128xi32, #tpu.memory_space<vmem>>
      %dma_wait3A_140 = arith.constant 0 : i32
      %dma_wait3A_141 = tpu.memref_slice %arg7[%dma_wait3A_140] : memref<10240xf32, #tpu.memory_space<vmem_shared>> -> memref<10240xf32, #tpu.memory_space<vmem_shared>>
      tpu.wait_indirect_dma semaphore(%arg8 : memref<!tpu.dma_semaphore, #tpu.memory_space<semaphore_mem>>) src(%arg6 : memref<128xf32, #tpu.memory_space<vmem>>) dst(%dma_wait3A_141 : memref<10240xf32, #tpu.memory_space<vmem_shared>>)
      %dma_wait3A_142 = arith.constant 0 : i32
      %dma_wait3A_143 = tpu.memref_slice %arg5[%add3A_100, %dma_wait3A_142] : memref<80x128xi32, #tpu.memory_space<vmem>> -> memref<1x128xi32, #tpu.memory_space<vmem>>
      %dma_wait3A_144 = tpu.memref_squeeze %dma_wait3A_143 : memref<1x128xi32, #tpu.memory_space<vmem>> -> memref<128xi32, #tpu.memory_space<vmem>>
      %dma_wait3A_145 = arith.constant 0 : i32
      %dma_wait3A_146 = tpu.memref_slice %arg7[%dma_wait3A_145] : memref<10240xf32, #tpu.memory_space<vmem_shared>> -> memref<10240xf32, #tpu.memory_space<vmem_shared>>
      tpu.wait_indirect_dma semaphore(%arg8 : memref<!tpu.dma_semaphore, #tpu.memory_space<semaphore_mem>>) src(%arg6 : memref<128xf32, #tpu.memory_space<vmem>>) dst(%dma_wait3A_146 : memref<10240xf32, #tpu.memory_space<vmem_shared>>)
      %dma_wait3A_147 = arith.constant 0 : i32
      %dma_wait3A_148 = tpu.memref_slice %arg5[%add3A_107, %dma_wait3A_147] : memref<80x128xi32, #tpu.memory_space<vmem>> -> memref<1x128xi32, #tpu.memory_space<vmem>>
      %dma_wait3A_149 = tpu.memref_squeeze %dma_wait3A_148 : memref<1x128xi32, #tpu.memory_space<vmem>> -> memref<128xi32, #tpu.memory_space<vmem>>
      %dma_wait3A_150 = arith.constant 0 : i32
      %dma_wait3A_151 = tpu.memref_slice %arg7[%dma_wait3A_150] : memref<10240xf32, #tpu.memory_space<vmem_shared>> -> memref<10240xf32, #tpu.memory_space<vmem_shared>>
      tpu.wait_indirect_dma semaphore(%arg8 : memref<!tpu.dma_semaphore, #tpu.memory_space<semaphore_mem>>) src(%arg6 : memref<128xf32, #tpu.memory_space<vmem>>) dst(%dma_wait3A_151 : memref<10240xf32, #tpu.memory_space<vmem_shared>>)
    }
    %scan3A_53 = arith.constant 10 : i32
    %barrier3A_54 = arith.constant 0 : index
    tpu.barrier barrier_id(%barrier3A_54)
    "tpu.region"() ({
      %run_scoped3A = tpu.sem_alloc : memref<!tpu.dma_semaphore, #tpu.memory_space<semaphore_mem>>
      %dma_start3A = tpu.memref_slice %arg4[%arg0, %mul3A_48] : memref<2x10240xf32, #tpu.memory_space<hbm>> -> memref<1x640xf32, #tpu.memory_space<hbm>>
      %dma_start3A_55 = tpu.memref_squeeze %dma_start3A : memref<1x640xf32, #tpu.memory_space<hbm>> -> memref<640xf32, #tpu.memory_space<hbm>>
      %dma_start3A_56 = tpu.memref_slice %arg7[%mul3A_48] : memref<10240xf32, #tpu.memory_space<vmem_shared>> -> memref<640xf32, #tpu.memory_space<vmem_shared>>
      tpu.enqueue_dma source(%dma_start3A_56 : memref<640xf32, #tpu.memory_space<vmem_shared>>) target(%dma_start3A_55 : memref<640xf32, #tpu.memory_space<hbm>>) target_semaphore(%run_scoped3A : memref<!tpu.dma_semaphore, #tpu.memory_space<semaphore_mem>>)
      %dma_wait3A = tpu.memref_slice %arg4[%arg0, %mul3A_48] : memref<2x10240xf32, #tpu.memory_space<hbm>> -> memref<1x640xf32, #tpu.memory_space<hbm>>
      %dma_wait3A_57 = tpu.memref_squeeze %dma_wait3A : memref<1x640xf32, #tpu.memory_space<hbm>> -> memref<640xf32, #tpu.memory_space<hbm>>
      %dma_wait3A_58 = tpu.memref_slice %arg7[%mul3A_48] : memref<10240xf32, #tpu.memory_space<vmem_shared>> -> memref<640xf32, #tpu.memory_space<vmem_shared>>
      tpu.wait_dma2 semaphore(%run_scoped3A : memref<!tpu.dma_semaphore, #tpu.memory_space<semaphore_mem>>) src(%dma_wait3A_58 : memref<640xf32, #tpu.memory_space<vmem_shared>>) dst(%dma_wait3A_57 : memref<640xf32, #tpu.memory_space<hbm>>)
      tpu.yield
    }) : () -> ()
    return
  }
}

#map = affine_map<(d0, d1) -> (0, 0)>
#map1 = affine_map<(d0, d1) -> (0, 0, 0, 0)>
#map2 = affine_map<(d0, d1) -> (0, 0, 0)>
module attributes {stable_mosaic.version = 14 : i64} {
  func.func @_sc_hop_body(%arg0: i32, %arg1: i32, %arg2: memref<10240x128xf32, #tpu.memory_space<hbm>>, %arg3: memref<32x80x2x128xi32, #tpu.memory_space<hbm>>, %arg4: memref<640x128xf32, #tpu.memory_space<hbm>>, %arg5: memref<2x10240x128xf32, #tpu.memory_space<hbm>>, %arg6: memref<4x2x128xi32, #tpu.memory_space<vmem>>, %arg7: memref<128x128xf32, #tpu.memory_space<vmem>>, %arg8: memref<128x128xf32, #tpu.memory_space<vmem>>, %arg9: memref<10240x128xf32, #tpu.memory_space<vmem_shared>>, %arg10: memref<!tpu.dma_semaphore, #tpu.memory_space<semaphore_mem>>, %arg11: memref<!tpu.dma_semaphore, #tpu.memory_space<semaphore_mem>>, %arg12: memref<!tpu.dma_semaphore, #tpu.memory_space<semaphore_mem>>, %arg13: memref<!tpu.dma_semaphore, #tpu.memory_space<semaphore_mem>>, %arg14: memref<!tpu.dma_semaphore, #tpu.memory_space<semaphore_mem>>, %arg15: memref<!tpu.dma_semaphore, #tpu.memory_space<semaphore_mem>>, %arg16: memref<!tpu.dma_semaphore, #tpu.memory_space<semaphore_mem>>, %arg17: memref<!tpu.dma_semaphore, #tpu.memory_space<semaphore_mem>>) attributes {dimension_semantics = [#tpu.dimension_semantics<core_parallel>, #tpu.dimension_semantics<subcore_parallel>], iteration_bounds = array<i64: 2, 16>, scalar_prefetch = 0 : i64, scratch_operands = 12 : i64, tpu.core_type = #tpu.core_type<sc_vector_subcore>, window_params = [{transform_indices = #map}, {transform_indices = #map1}, {transform_indices = #map}, {transform_indices = #map2}]} {
    %mul3A = arith.constant 16 : i32
    %mul3A_0 = arith.muli %arg0, %mul3A : i32
    %add3A = arith.addi %mul3A_0, %arg1 : i32
    %mul3A_1 = arith.constant 640 : i32
    %mul3A_2 = arith.muli %arg1, %mul3A_1 : i32
    %eq3A = arith.constant 0 : i32
    %eq3A_3 = arith.cmpi eq, %arg0, %eq3A : i32
    %convert_element_type3A = arith.extui %eq3A_3 : i1 to i32
    %cond3A = arith.constant 0 : i32
    %cond3A_4 = arith.cmpi ne, %convert_element_type3A, %cond3A : i32
    scf.if %cond3A_4 {
      "tpu.region"() ({
        %run_scoped3A = tpu.sem_alloc : memref<!tpu.dma_semaphore, #tpu.memory_space<semaphore_mem>>
        %dma_start3A_525 = arith.constant 0 : i32
        %dma_start3A_526 = tpu.memref_slice %arg9[%mul3A_2, %dma_start3A_525] : memref<10240x128xf32, #tpu.memory_space<vmem_shared>> -> memref<640x128xf32, #tpu.memory_space<vmem_shared>>
        %dma_start3A_527 = arith.constant 0 : i32
        %dma_start3A_528 = tpu.memref_slice %arg2[%mul3A_2, %dma_start3A_527] : memref<10240x128xf32, #tpu.memory_space<hbm>> -> memref<640x128xf32, #tpu.memory_space<hbm>>
        tpu.enqueue_dma source(%dma_start3A_528 : memref<640x128xf32, #tpu.memory_space<hbm>>) target(%dma_start3A_526 : memref<640x128xf32, #tpu.memory_space<vmem_shared>>) target_semaphore(%run_scoped3A : memref<!tpu.dma_semaphore, #tpu.memory_space<semaphore_mem>>)
        %dma_wait3A_529 = arith.constant 0 : i32
        %dma_wait3A_530 = tpu.memref_slice %arg9[%mul3A_2, %dma_wait3A_529] : memref<10240x128xf32, #tpu.memory_space<vmem_shared>> -> memref<640x128xf32, #tpu.memory_space<vmem_shared>>
        %dma_wait3A_531 = arith.constant 0 : i32
        %dma_wait3A_532 = tpu.memref_slice %arg2[%mul3A_2, %dma_wait3A_531] : memref<10240x128xf32, #tpu.memory_space<hbm>> -> memref<640x128xf32, #tpu.memory_space<hbm>>
        tpu.wait_dma2 semaphore(%run_scoped3A : memref<!tpu.dma_semaphore, #tpu.memory_space<semaphore_mem>>) src(%dma_wait3A_532 : memref<640x128xf32, #tpu.memory_space<hbm>>) dst(%dma_wait3A_530 : memref<640x128xf32, #tpu.memory_space<vmem_shared>>)
        tpu.yield
      }) : () -> ()
    } else {
    }
    %ne3A = arith.constant 0 : i32
    %ne3A_5 = arith.cmpi ne, %arg0, %ne3A : i32
    %convert_element_type3A_6 = arith.extui %ne3A_5 : i1 to i32
    %cond3A_7 = arith.constant 0 : i32
    %cond3A_8 = arith.cmpi ne, %convert_element_type3A_6, %cond3A_7 : i32
    scf.if %cond3A_8 {
      "tpu.region"() ({
        %run_scoped3A = tpu.sem_alloc : memref<!tpu.dma_semaphore, #tpu.memory_space<semaphore_mem>>
        %dma_start3A_525 = arith.constant 0 : i32
        %dma_start3A_526 = tpu.memref_slice %arg9[%mul3A_2, %dma_start3A_525] : memref<10240x128xf32, #tpu.memory_space<vmem_shared>> -> memref<640x128xf32, #tpu.memory_space<vmem_shared>>
        tpu.enqueue_dma source(%arg4 : memref<640x128xf32, #tpu.memory_space<hbm>>) target(%dma_start3A_526 : memref<640x128xf32, #tpu.memory_space<vmem_shared>>) target_semaphore(%run_scoped3A : memref<!tpu.dma_semaphore, #tpu.memory_space<semaphore_mem>>)
        %dma_wait3A_527 = arith.constant 0 : i32
        %dma_wait3A_528 = tpu.memref_slice %arg9[%mul3A_2, %dma_wait3A_527] : memref<10240x128xf32, #tpu.memory_space<vmem_shared>> -> memref<640x128xf32, #tpu.memory_space<vmem_shared>>
        tpu.wait_dma2 semaphore(%run_scoped3A : memref<!tpu.dma_semaphore, #tpu.memory_space<semaphore_mem>>) src(%arg4 : memref<640x128xf32, #tpu.memory_space<hbm>>) dst(%dma_wait3A_528 : memref<640x128xf32, #tpu.memory_space<vmem_shared>>)
        tpu.yield
      }) : () -> ()
    } else {
    }
    %barrier3A = arith.constant 0 : index
    tpu.barrier barrier_id(%barrier3A)
    %dma_start3A = arith.constant 0 : i32
    %dma_start3A_9 = arith.constant 0 : i32
    %dma_start3A_10 = arith.constant 0 : i32
    %dma_start3A_11 = arith.constant 0 : i32
    %dma_start3A_12 = tpu.memref_slice %arg6[%dma_start3A_9, %dma_start3A_10, %dma_start3A_11] : memref<4x2x128xi32, #tpu.memory_space<vmem>> -> memref<1x2x128xi32, #tpu.memory_space<vmem>>
    %dma_start3A_13 = tpu.memref_squeeze %dma_start3A_12 : memref<1x2x128xi32, #tpu.memory_space<vmem>> -> memref<2x128xi32, #tpu.memory_space<vmem>>
    %dma_start3A_14 = arith.constant 0 : i32
    %dma_start3A_15 = arith.constant 0 : i32
    %dma_start3A_16 = tpu.memref_slice %arg3[%add3A, %dma_start3A, %dma_start3A_14, %dma_start3A_15] : memref<32x80x2x128xi32, #tpu.memory_space<hbm>> -> memref<1x1x2x128xi32, #tpu.memory_space<hbm>>
    %dma_start3A_17 = tpu.memref_squeeze %dma_start3A_16 : memref<1x1x2x128xi32, #tpu.memory_space<hbm>> -> memref<2x128xi32, #tpu.memory_space<hbm>>
    %dma_start3A_18 = arith.constant 0 : i32
    %dma_start3A_19 = arith.constant 0 : i32
    %dma_start3A_20 = tpu.memref_slice %arg6[%dma_start3A_9, %dma_start3A_18, %dma_start3A_19] : memref<4x2x128xi32, #tpu.memory_space<vmem>> -> memref<1x2x128xi32, #tpu.memory_space<vmem>>
    %dma_start3A_21 = tpu.memref_squeeze %dma_start3A_20 : memref<1x2x128xi32, #tpu.memory_space<vmem>> -> memref<2x128xi32, #tpu.memory_space<vmem>>
    %dma_start3A_22 = arith.constant 0 : i32
    %dma_start3A_23 = arith.constant 0 : i32
    %dma_start3A_24 = tpu.memref_slice %arg3[%add3A, %dma_start3A, %dma_start3A_22, %dma_start3A_23] : memref<32x80x2x128xi32, #tpu.memory_space<hbm>> -> memref<1x1x2x128xi32, #tpu.memory_space<hbm>>
    %dma_start3A_25 = tpu.memref_squeeze %dma_start3A_24 : memref<1x1x2x128xi32, #tpu.memory_space<hbm>> -> memref<2x128xi32, #tpu.memory_space<hbm>>
    tpu.enqueue_dma source(%dma_start3A_25 : memref<2x128xi32, #tpu.memory_space<hbm>>) target(%dma_start3A_21 : memref<2x128xi32, #tpu.memory_space<vmem>>) target_semaphore(%arg10 : memref<!tpu.dma_semaphore, #tpu.memory_space<semaphore_mem>>)
    %dma_start3A_26 = arith.constant 1 : i32
    %dma_start3A_27 = arith.constant 1 : i32
    %dma_start3A_28 = arith.constant 0 : i32
    %dma_start3A_29 = arith.constant 0 : i32
    %dma_start3A_30 = tpu.memref_slice %arg6[%dma_start3A_27, %dma_start3A_28, %dma_start3A_29] : memref<4x2x128xi32, #tpu.memory_space<vmem>> -> memref<1x2x128xi32, #tpu.memory_space<vmem>>
    %dma_start3A_31 = tpu.memref_squeeze %dma_start3A_30 : memref<1x2x128xi32, #tpu.memory_space<vmem>> -> memref<2x128xi32, #tpu.memory_space<vmem>>
    %dma_start3A_32 = arith.constant 0 : i32
    %dma_start3A_33 = arith.constant 0 : i32
    %dma_start3A_34 = tpu.memref_slice %arg3[%add3A, %dma_start3A_26, %dma_start3A_32, %dma_start3A_33] : memref<32x80x2x128xi32, #tpu.memory_space<hbm>> -> memref<1x1x2x128xi32, #tpu.memory_space<hbm>>
    %dma_start3A_35 = tpu.memref_squeeze %dma_start3A_34 : memref<1x1x2x128xi32, #tpu.memory_space<hbm>> -> memref<2x128xi32, #tpu.memory_space<hbm>>
    %dma_start3A_36 = arith.constant 0 : i32
    %dma_start3A_37 = arith.constant 0 : i32
    %dma_start3A_38 = tpu.memref_slice %arg6[%dma_start3A_27, %dma_start3A_36, %dma_start3A_37] : memref<4x2x128xi32, #tpu.memory_space<vmem>> -> memref<1x2x128xi32, #tpu.memory_space<vmem>>
    %dma_start3A_39 = tpu.memref_squeeze %dma_start3A_38 : memref<1x2x128xi32, #tpu.memory_space<vmem>> -> memref<2x128xi32, #tpu.memory_space<vmem>>
    %dma_start3A_40 = arith.constant 0 : i32
    %dma_start3A_41 = arith.constant 0 : i32
    %dma_start3A_42 = tpu.memref_slice %arg3[%add3A, %dma_start3A_26, %dma_start3A_40, %dma_start3A_41] : memref<32x80x2x128xi32, #tpu.memory_space<hbm>> -> memref<1x1x2x128xi32, #tpu.memory_space<hbm>>
    %dma_start3A_43 = tpu.memref_squeeze %dma_start3A_42 : memref<1x1x2x128xi32, #tpu.memory_space<hbm>> -> memref<2x128xi32, #tpu.memory_space<hbm>>
    tpu.enqueue_dma source(%dma_start3A_43 : memref<2x128xi32, #tpu.memory_space<hbm>>) target(%dma_start3A_39 : memref<2x128xi32, #tpu.memory_space<vmem>>) target_semaphore(%arg11 : memref<!tpu.dma_semaphore, #tpu.memory_space<semaphore_mem>>)
    %dma_wait3A = arith.constant 0 : i32
    %dma_wait3A_44 = arith.constant 0 : i32
    %dma_wait3A_45 = arith.constant 0 : i32
    %dma_wait3A_46 = arith.constant 0 : i32
    %dma_wait3A_47 = tpu.memref_slice %arg6[%dma_wait3A_44, %dma_wait3A_45, %dma_wait3A_46] : memref<4x2x128xi32, #tpu.memory_space<vmem>> -> memref<1x2x128xi32, #tpu.memory_space<vmem>>
    %dma_wait3A_48 = tpu.memref_squeeze %dma_wait3A_47 : memref<1x2x128xi32, #tpu.memory_space<vmem>> -> memref<2x128xi32, #tpu.memory_space<vmem>>
    %dma_wait3A_49 = arith.constant 0 : i32
    %dma_wait3A_50 = arith.constant 0 : i32
    %dma_wait3A_51 = tpu.memref_slice %arg3[%add3A, %dma_wait3A, %dma_wait3A_49, %dma_wait3A_50] : memref<32x80x2x128xi32, #tpu.memory_space<hbm>> -> memref<1x1x2x128xi32, #tpu.memory_space<hbm>>
    %dma_wait3A_52 = tpu.memref_squeeze %dma_wait3A_51 : memref<1x1x2x128xi32, #tpu.memory_space<hbm>> -> memref<2x128xi32, #tpu.memory_space<hbm>>
    %dma_wait3A_53 = arith.constant 0 : i32
    %dma_wait3A_54 = arith.constant 0 : i32
    %dma_wait3A_55 = tpu.memref_slice %arg6[%dma_wait3A_44, %dma_wait3A_53, %dma_wait3A_54] : memref<4x2x128xi32, #tpu.memory_space<vmem>> -> memref<1x2x128xi32, #tpu.memory_space<vmem>>
    %dma_wait3A_56 = tpu.memref_squeeze %dma_wait3A_55 : memref<1x2x128xi32, #tpu.memory_space<vmem>> -> memref<2x128xi32, #tpu.memory_space<vmem>>
    %dma_wait3A_57 = arith.constant 0 : i32
    %dma_wait3A_58 = arith.constant 0 : i32
    %dma_wait3A_59 = tpu.memref_slice %arg3[%add3A, %dma_wait3A, %dma_wait3A_57, %dma_wait3A_58] : memref<32x80x2x128xi32, #tpu.memory_space<hbm>> -> memref<1x1x2x128xi32, #tpu.memory_space<hbm>>
    %dma_wait3A_60 = tpu.memref_squeeze %dma_wait3A_59 : memref<1x1x2x128xi32, #tpu.memory_space<hbm>> -> memref<2x128xi32, #tpu.memory_space<hbm>>
    tpu.wait_dma2 semaphore(%arg10 : memref<!tpu.dma_semaphore, #tpu.memory_space<semaphore_mem>>) src(%dma_wait3A_60 : memref<2x128xi32, #tpu.memory_space<hbm>>) dst(%dma_wait3A_56 : memref<2x128xi32, #tpu.memory_space<vmem>>)
    %dma_start3A_61 = arith.constant 0 : i32
    %dma_start3A_62 = arith.constant 0 : i32
    %dma_start3A_63 = arith.constant 0 : i32
    %dma_start3A_64 = tpu.memref_slice %arg6[%dma_start3A_61, %dma_start3A_62, %dma_start3A_63] : memref<4x2x128xi32, #tpu.memory_space<vmem>> -> memref<1x1x128xi32, #tpu.memory_space<vmem>>
    %dma_start3A_65 = tpu.memref_squeeze %dma_start3A_64 : memref<1x1x128xi32, #tpu.memory_space<vmem>> -> memref<128xi32, #tpu.memory_space<vmem>>
    %dma_start3A_66 = arith.constant 0 : i32
    %dma_start3A_67 = arith.constant 0 : i32
    %dma_start3A_68 = tpu.memref_slice %arg2[%dma_start3A_66, %dma_start3A_67] : memref<10240x128xf32, #tpu.memory_space<hbm>> -> memref<10240x128xf32, #tpu.memory_space<hbm>>
    tpu.enqueue_indirect_dma source(%dma_start3A_68 : memref<10240x128xf32, #tpu.memory_space<hbm>>) target(%arg7 : memref<128x128xf32, #tpu.memory_space<vmem>>) offsets(%dma_start3A_65 : memref<128xi32, #tpu.memory_space<vmem>>) semaphore(%arg14 : memref<!tpu.dma_semaphore, #tpu.memory_space<semaphore_mem>>)
    %dma_start3A_69 = arith.constant 2 : i32
    %dma_start3A_70 = arith.constant 2 : i32
    %dma_start3A_71 = arith.constant 0 : i32
    %dma_start3A_72 = arith.constant 0 : i32
    %dma_start3A_73 = tpu.memref_slice %arg6[%dma_start3A_70, %dma_start3A_71, %dma_start3A_72] : memref<4x2x128xi32, #tpu.memory_space<vmem>> -> memref<1x2x128xi32, #tpu.memory_space<vmem>>
    %dma_start3A_74 = tpu.memref_squeeze %dma_start3A_73 : memref<1x2x128xi32, #tpu.memory_space<vmem>> -> memref<2x128xi32, #tpu.memory_space<vmem>>
    %dma_start3A_75 = arith.constant 0 : i32
    %dma_start3A_76 = arith.constant 0 : i32
    %dma_start3A_77 = tpu.memref_slice %arg3[%add3A, %dma_start3A_69, %dma_start3A_75, %dma_start3A_76] : memref<32x80x2x128xi32, #tpu.memory_space<hbm>> -> memref<1x1x2x128xi32, #tpu.memory_space<hbm>>
    %dma_start3A_78 = tpu.memref_squeeze %dma_start3A_77 : memref<1x1x2x128xi32, #tpu.memory_space<hbm>> -> memref<2x128xi32, #tpu.memory_space<hbm>>
    %dma_start3A_79 = arith.constant 0 : i32
    %dma_start3A_80 = arith.constant 0 : i32
    %dma_start3A_81 = tpu.memref_slice %arg6[%dma_start3A_70, %dma_start3A_79, %dma_start3A_80] : memref<4x2x128xi32, #tpu.memory_space<vmem>> -> memref<1x2x128xi32, #tpu.memory_space<vmem>>
    %dma_start3A_82 = tpu.memref_squeeze %dma_start3A_81 : memref<1x2x128xi32, #tpu.memory_space<vmem>> -> memref<2x128xi32, #tpu.memory_space<vmem>>
    %dma_start3A_83 = arith.constant 0 : i32
    %dma_start3A_84 = arith.constant 0 : i32
    %dma_start3A_85 = tpu.memref_slice %arg3[%add3A, %dma_start3A_69, %dma_start3A_83, %dma_start3A_84] : memref<32x80x2x128xi32, #tpu.memory_space<hbm>> -> memref<1x1x2x128xi32, #tpu.memory_space<hbm>>
    %dma_start3A_86 = tpu.memref_squeeze %dma_start3A_85 : memref<1x1x2x128xi32, #tpu.memory_space<hbm>> -> memref<2x128xi32, #tpu.memory_space<hbm>>
    tpu.enqueue_dma source(%dma_start3A_86 : memref<2x128xi32, #tpu.memory_space<hbm>>) target(%dma_start3A_82 : memref<2x128xi32, #tpu.memory_space<vmem>>) target_semaphore(%arg12 : memref<!tpu.dma_semaphore, #tpu.memory_space<semaphore_mem>>)
    %dma_wait3A_87 = arith.constant 0 : i32
    %dma_wait3A_88 = arith.constant 1 : i32
    %dma_wait3A_89 = arith.constant 0 : i32
    %dma_wait3A_90 = arith.constant 0 : i32
    %dma_wait3A_91 = tpu.memref_slice %arg6[%dma_wait3A_88, %dma_wait3A_89, %dma_wait3A_90] : memref<4x2x128xi32, #tpu.memory_space<vmem>> -> memref<1x2x128xi32, #tpu.memory_space<vmem>>
    %dma_wait3A_92 = tpu.memref_squeeze %dma_wait3A_91 : memref<1x2x128xi32, #tpu.memory_space<vmem>> -> memref<2x128xi32, #tpu.memory_space<vmem>>
    %dma_wait3A_93 = arith.constant 0 : i32
    %dma_wait3A_94 = arith.constant 0 : i32
    %dma_wait3A_95 = tpu.memref_slice %arg3[%add3A, %dma_wait3A_87, %dma_wait3A_93, %dma_wait3A_94] : memref<32x80x2x128xi32, #tpu.memory_space<hbm>> -> memref<1x1x2x128xi32, #tpu.memory_space<hbm>>
    %dma_wait3A_96 = tpu.memref_squeeze %dma_wait3A_95 : memref<1x1x2x128xi32, #tpu.memory_space<hbm>> -> memref<2x128xi32, #tpu.memory_space<hbm>>
    %dma_wait3A_97 = arith.constant 0 : i32
    %dma_wait3A_98 = arith.constant 0 : i32
    %dma_wait3A_99 = tpu.memref_slice %arg6[%dma_wait3A_88, %dma_wait3A_97, %dma_wait3A_98] : memref<4x2x128xi32, #tpu.memory_space<vmem>> -> memref<1x2x128xi32, #tpu.memory_space<vmem>>
    %dma_wait3A_100 = tpu.memref_squeeze %dma_wait3A_99 : memref<1x2x128xi32, #tpu.memory_space<vmem>> -> memref<2x128xi32, #tpu.memory_space<vmem>>
    %dma_wait3A_101 = arith.constant 0 : i32
    %dma_wait3A_102 = arith.constant 0 : i32
    %dma_wait3A_103 = tpu.memref_slice %arg3[%add3A, %dma_wait3A_87, %dma_wait3A_101, %dma_wait3A_102] : memref<32x80x2x128xi32, #tpu.memory_space<hbm>> -> memref<1x1x2x128xi32, #tpu.memory_space<hbm>>
    %dma_wait3A_104 = tpu.memref_squeeze %dma_wait3A_103 : memref<1x1x2x128xi32, #tpu.memory_space<hbm>> -> memref<2x128xi32, #tpu.memory_space<hbm>>
    tpu.wait_dma2 semaphore(%arg11 : memref<!tpu.dma_semaphore, #tpu.memory_space<semaphore_mem>>) src(%dma_wait3A_104 : memref<2x128xi32, #tpu.memory_space<hbm>>) dst(%dma_wait3A_100 : memref<2x128xi32, #tpu.memory_space<vmem>>)
    %dma_start3A_105 = arith.constant 1 : i32
    %dma_start3A_106 = arith.constant 0 : i32
    %dma_start3A_107 = arith.constant 0 : i32
    %dma_start3A_108 = tpu.memref_slice %arg6[%dma_start3A_105, %dma_start3A_106, %dma_start3A_107] : memref<4x2x128xi32, #tpu.memory_space<vmem>> -> memref<1x1x128xi32, #tpu.memory_space<vmem>>
    %dma_start3A_109 = tpu.memref_squeeze %dma_start3A_108 : memref<1x1x128xi32, #tpu.memory_space<vmem>> -> memref<128xi32, #tpu.memory_space<vmem>>
    %dma_start3A_110 = arith.constant 0 : i32
    %dma_start3A_111 = arith.constant 0 : i32
    %dma_start3A_112 = tpu.memref_slice %arg2[%dma_start3A_110, %dma_start3A_111] : memref<10240x128xf32, #tpu.memory_space<hbm>> -> memref<10240x128xf32, #tpu.memory_space<hbm>>
    tpu.enqueue_indirect_dma source(%dma_start3A_112 : memref<10240x128xf32, #tpu.memory_space<hbm>>) target(%arg8 : memref<128x128xf32, #tpu.memory_space<vmem>>) offsets(%dma_start3A_109 : memref<128xi32, #tpu.memory_space<vmem>>) semaphore(%arg15 : memref<!tpu.dma_semaphore, #tpu.memory_space<semaphore_mem>>)
    %dma_start3A_113 = arith.constant 3 : i32
    %dma_start3A_114 = arith.constant 3 : i32
    %dma_start3A_115 = arith.constant 0 : i32
    %dma_start3A_116 = arith.constant 0 : i32
    %dma_start3A_117 = tpu.memref_slice %arg6[%dma_start3A_114, %dma_start3A_115, %dma_start3A_116] : memref<4x2x128xi32, #tpu.memory_space<vmem>> -> memref<1x2x128xi32, #tpu.memory_space<vmem>>
    %dma_start3A_118 = tpu.memref_squeeze %dma_start3A_117 : memref<1x2x128xi32, #tpu.memory_space<vmem>> -> memref<2x128xi32, #tpu.memory_space<vmem>>
    %dma_start3A_119 = arith.constant 0 : i32
    %dma_start3A_120 = arith.constant 0 : i32
    %dma_start3A_121 = tpu.memref_slice %arg3[%add3A, %dma_start3A_113, %dma_start3A_119, %dma_start3A_120] : memref<32x80x2x128xi32, #tpu.memory_space<hbm>> -> memref<1x1x2x128xi32, #tpu.memory_space<hbm>>
    %dma_start3A_122 = tpu.memref_squeeze %dma_start3A_121 : memref<1x1x2x128xi32, #tpu.memory_space<hbm>> -> memref<2x128xi32, #tpu.memory_space<hbm>>
    %dma_start3A_123 = arith.constant 0 : i32
    %dma_start3A_124 = arith.constant 0 : i32
    %dma_start3A_125 = tpu.memref_slice %arg6[%dma_start3A_114, %dma_start3A_123, %dma_start3A_124] : memref<4x2x128xi32, #tpu.memory_space<vmem>> -> memref<1x2x128xi32, #tpu.memory_space<vmem>>
    %dma_start3A_126 = tpu.memref_squeeze %dma_start3A_125 : memref<1x2x128xi32, #tpu.memory_space<vmem>> -> memref<2x128xi32, #tpu.memory_space<vmem>>
    %dma_start3A_127 = arith.constant 0 : i32
    %dma_start3A_128 = arith.constant 0 : i32
    %dma_start3A_129 = tpu.memref_slice %arg3[%add3A, %dma_start3A_113, %dma_start3A_127, %dma_start3A_128] : memref<32x80x2x128xi32, #tpu.memory_space<hbm>> -> memref<1x1x2x128xi32, #tpu.memory_space<hbm>>
    %dma_start3A_130 = tpu.memref_squeeze %dma_start3A_129 : memref<1x1x2x128xi32, #tpu.memory_space<hbm>> -> memref<2x128xi32, #tpu.memory_space<hbm>>
    tpu.enqueue_dma source(%dma_start3A_130 : memref<2x128xi32, #tpu.memory_space<hbm>>) target(%dma_start3A_126 : memref<2x128xi32, #tpu.memory_space<vmem>>) target_semaphore(%arg13 : memref<!tpu.dma_semaphore, #tpu.memory_space<semaphore_mem>>)
    %dma_wait3A_131 = arith.constant 0 : i32
    %dma_wait3A_132 = arith.constant 0 : i32
    %dma_wait3A_133 = tpu.memref_slice %arg2[%dma_wait3A_131, %dma_wait3A_132] : memref<10240x128xf32, #tpu.memory_space<hbm>> -> memref<128x128xf32, #tpu.memory_space<hbm>>
    %dma_wait3A_134 = arith.constant 0 : i32
    %dma_wait3A_135 = arith.constant 0 : i32
    %dma_wait3A_136 = tpu.memref_slice %arg2[%dma_wait3A_134, %dma_wait3A_135] : memref<10240x128xf32, #tpu.memory_space<hbm>> -> memref<128x128xf32, #tpu.memory_space<hbm>>
    tpu.wait_dma2 semaphore(%arg14 : memref<!tpu.dma_semaphore, #tpu.memory_space<semaphore_mem>>) src(%dma_wait3A_136 : memref<128x128xf32, #tpu.memory_space<hbm>>) dst(%arg7 : memref<128x128xf32, #tpu.memory_space<vmem>>)
    %dma_start3A_137 = arith.constant 0 : i32
    %dma_start3A_138 = arith.constant 1 : i32
    %dma_start3A_139 = arith.constant 0 : i32
    %dma_start3A_140 = tpu.memref_slice %arg6[%dma_start3A_137, %dma_start3A_138, %dma_start3A_139] : memref<4x2x128xi32, #tpu.memory_space<vmem>> -> memref<1x1x128xi32, #tpu.memory_space<vmem>>
    %dma_start3A_141 = tpu.memref_squeeze %dma_start3A_140 : memref<1x1x128xi32, #tpu.memory_space<vmem>> -> memref<128xi32, #tpu.memory_space<vmem>>
    %dma_start3A_142 = arith.constant 0 : i32
    %dma_start3A_143 = arith.constant 0 : i32
    %dma_start3A_144 = tpu.memref_slice %arg9[%dma_start3A_142, %dma_start3A_143] : memref<10240x128xf32, #tpu.memory_space<vmem_shared>> -> memref<10240x128xf32, #tpu.memory_space<vmem_shared>>
    tpu.enqueue_indirect_dma source(%arg7 : memref<128x128xf32, #tpu.memory_space<vmem>>) target(%dma_start3A_144 : memref<10240x128xf32, #tpu.memory_space<vmem_shared>>) offsets(%dma_start3A_141 : memref<128xi32, #tpu.memory_space<vmem>>) semaphore(%arg16 : memref<!tpu.dma_semaphore, #tpu.memory_space<semaphore_mem>>) {add = true}
    %dma_wait3A_145 = arith.constant 0 : i32
    %dma_wait3A_146 = arith.constant 2 : i32
    %dma_wait3A_147 = arith.constant 0 : i32
    %dma_wait3A_148 = arith.constant 0 : i32
    %dma_wait3A_149 = tpu.memref_slice %arg6[%dma_wait3A_146, %dma_wait3A_147, %dma_wait3A_148] : memref<4x2x128xi32, #tpu.memory_space<vmem>> -> memref<1x2x128xi32, #tpu.memory_space<vmem>>
    %dma_wait3A_150 = tpu.memref_squeeze %dma_wait3A_149 : memref<1x2x128xi32, #tpu.memory_space<vmem>> -> memref<2x128xi32, #tpu.memory_space<vmem>>
    %dma_wait3A_151 = arith.constant 0 : i32
    %dma_wait3A_152 = arith.constant 0 : i32
    %dma_wait3A_153 = tpu.memref_slice %arg3[%add3A, %dma_wait3A_145, %dma_wait3A_151, %dma_wait3A_152] : memref<32x80x2x128xi32, #tpu.memory_space<hbm>> -> memref<1x1x2x128xi32, #tpu.memory_space<hbm>>
    %dma_wait3A_154 = tpu.memref_squeeze %dma_wait3A_153 : memref<1x1x2x128xi32, #tpu.memory_space<hbm>> -> memref<2x128xi32, #tpu.memory_space<hbm>>
    %dma_wait3A_155 = arith.constant 0 : i32
    %dma_wait3A_156 = arith.constant 0 : i32
    %dma_wait3A_157 = tpu.memref_slice %arg6[%dma_wait3A_146, %dma_wait3A_155, %dma_wait3A_156] : memref<4x2x128xi32, #tpu.memory_space<vmem>> -> memref<1x2x128xi32, #tpu.memory_space<vmem>>
    %dma_wait3A_158 = tpu.memref_squeeze %dma_wait3A_157 : memref<1x2x128xi32, #tpu.memory_space<vmem>> -> memref<2x128xi32, #tpu.memory_space<vmem>>
    %dma_wait3A_159 = arith.constant 0 : i32
    %dma_wait3A_160 = arith.constant 0 : i32
    %dma_wait3A_161 = tpu.memref_slice %arg3[%add3A, %dma_wait3A_145, %dma_wait3A_159, %dma_wait3A_160] : memref<32x80x2x128xi32, #tpu.memory_space<hbm>> -> memref<1x1x2x128xi32, #tpu.memory_space<hbm>>
    %dma_wait3A_162 = tpu.memref_squeeze %dma_wait3A_161 : memref<1x1x2x128xi32, #tpu.memory_space<hbm>> -> memref<2x128xi32, #tpu.memory_space<hbm>>
    tpu.wait_dma2 semaphore(%arg12 : memref<!tpu.dma_semaphore, #tpu.memory_space<semaphore_mem>>) src(%dma_wait3A_162 : memref<2x128xi32, #tpu.memory_space<hbm>>) dst(%dma_wait3A_158 : memref<2x128xi32, #tpu.memory_space<vmem>>)
    %dma_wait3A_163 = arith.constant 0 : i32
    %dma_wait3A_164 = arith.constant 0 : i32
    %dma_wait3A_165 = tpu.memref_slice %arg2[%dma_wait3A_163, %dma_wait3A_164] : memref<10240x128xf32, #tpu.memory_space<hbm>> -> memref<128x128xf32, #tpu.memory_space<hbm>>
    %dma_wait3A_166 = arith.constant 0 : i32
    %dma_wait3A_167 = arith.constant 0 : i32
    %dma_wait3A_168 = tpu.memref_slice %arg2[%dma_wait3A_166, %dma_wait3A_167] : memref<10240x128xf32, #tpu.memory_space<hbm>> -> memref<128x128xf32, #tpu.memory_space<hbm>>
    tpu.wait_dma2 semaphore(%arg16 : memref<!tpu.dma_semaphore, #tpu.memory_space<semaphore_mem>>) src(%dma_wait3A_168 : memref<128x128xf32, #tpu.memory_space<hbm>>) dst(%arg7 : memref<128x128xf32, #tpu.memory_space<vmem>>)
    %dma_start3A_169 = arith.constant 2 : i32
    %dma_start3A_170 = arith.constant 0 : i32
    %dma_start3A_171 = arith.constant 0 : i32
    %dma_start3A_172 = tpu.memref_slice %arg6[%dma_start3A_169, %dma_start3A_170, %dma_start3A_171] : memref<4x2x128xi32, #tpu.memory_space<vmem>> -> memref<1x1x128xi32, #tpu.memory_space<vmem>>
    %dma_start3A_173 = tpu.memref_squeeze %dma_start3A_172 : memref<1x1x128xi32, #tpu.memory_space<vmem>> -> memref<128xi32, #tpu.memory_space<vmem>>
    %dma_start3A_174 = arith.constant 0 : i32
    %dma_start3A_175 = arith.constant 0 : i32
    %dma_start3A_176 = tpu.memref_slice %arg2[%dma_start3A_174, %dma_start3A_175] : memref<10240x128xf32, #tpu.memory_space<hbm>> -> memref<10240x128xf32, #tpu.memory_space<hbm>>
    tpu.enqueue_indirect_dma source(%dma_start3A_176 : memref<10240x128xf32, #tpu.memory_space<hbm>>) target(%arg7 : memref<128x128xf32, #tpu.memory_space<vmem>>) offsets(%dma_start3A_173 : memref<128xi32, #tpu.memory_space<vmem>>) semaphore(%arg14 : memref<!tpu.dma_semaphore, #tpu.memory_space<semaphore_mem>>)
    %dma_start3A_177 = arith.constant 4 : i32
    %dma_start3A_178 = arith.constant 0 : i32
    %dma_start3A_179 = arith.constant 0 : i32
    %dma_start3A_180 = arith.constant 0 : i32
    %dma_start3A_181 = tpu.memref_slice %arg6[%dma_start3A_178, %dma_start3A_179, %dma_start3A_180] : memref<4x2x128xi32, #tpu.memory_space<vmem>> -> memref<1x2x128xi32, #tpu.memory_space<vmem>>
    %dma_start3A_182 = tpu.memref_squeeze %dma_start3A_181 : memref<1x2x128xi32, #tpu.memory_space<vmem>> -> memref<2x128xi32, #tpu.memory_space<vmem>>
    %dma_start3A_183 = arith.constant 0 : i32
    %dma_start3A_184 = arith.constant 0 : i32
    %dma_start3A_185 = tpu.memref_slice %arg3[%add3A, %dma_start3A_177, %dma_start3A_183, %dma_start3A_184] : memref<32x80x2x128xi32, #tpu.memory_space<hbm>> -> memref<1x1x2x128xi32, #tpu.memory_space<hbm>>
    %dma_start3A_186 = tpu.memref_squeeze %dma_start3A_185 : memref<1x1x2x128xi32, #tpu.memory_space<hbm>> -> memref<2x128xi32, #tpu.memory_space<hbm>>
    %dma_start3A_187 = arith.constant 0 : i32
    %dma_start3A_188 = arith.constant 0 : i32
    %dma_start3A_189 = tpu.memref_slice %arg6[%dma_start3A_178, %dma_start3A_187, %dma_start3A_188] : memref<4x2x128xi32, #tpu.memory_space<vmem>> -> memref<1x2x128xi32, #tpu.memory_space<vmem>>
    %dma_start3A_190 = tpu.memref_squeeze %dma_start3A_189 : memref<1x2x128xi32, #tpu.memory_space<vmem>> -> memref<2x128xi32, #tpu.memory_space<vmem>>
    %dma_start3A_191 = arith.constant 0 : i32
    %dma_start3A_192 = arith.constant 0 : i32
    %dma_start3A_193 = tpu.memref_slice %arg3[%add3A, %dma_start3A_177, %dma_start3A_191, %dma_start3A_192] : memref<32x80x2x128xi32, #tpu.memory_space<hbm>> -> memref<1x1x2x128xi32, #tpu.memory_space<hbm>>
    %dma_start3A_194 = tpu.memref_squeeze %dma_start3A_193 : memref<1x1x2x128xi32, #tpu.memory_space<hbm>> -> memref<2x128xi32, #tpu.memory_space<hbm>>
    tpu.enqueue_dma source(%dma_start3A_194 : memref<2x128xi32, #tpu.memory_space<hbm>>) target(%dma_start3A_190 : memref<2x128xi32, #tpu.memory_space<vmem>>) target_semaphore(%arg10 : memref<!tpu.dma_semaphore, #tpu.memory_space<semaphore_mem>>)
    %dma_wait3A_195 = arith.constant 0 : i32
    %dma_wait3A_196 = arith.constant 0 : i32
    %dma_wait3A_197 = tpu.memref_slice %arg2[%dma_wait3A_195, %dma_wait3A_196] : memref<10240x128xf32, #tpu.memory_space<hbm>> -> memref<128x128xf32, #tpu.memory_space<hbm>>
    %dma_wait3A_198 = arith.constant 0 : i32
    %dma_wait3A_199 = arith.constant 0 : i32
    %dma_wait3A_200 = tpu.memref_slice %arg2[%dma_wait3A_198, %dma_wait3A_199] : memref<10240x128xf32, #tpu.memory_space<hbm>> -> memref<128x128xf32, #tpu.memory_space<hbm>>
    tpu.wait_dma2 semaphore(%arg15 : memref<!tpu.dma_semaphore, #tpu.memory_space<semaphore_mem>>) src(%dma_wait3A_200 : memref<128x128xf32, #tpu.memory_space<hbm>>) dst(%arg8 : memref<128x128xf32, #tpu.memory_space<vmem>>)
    %dma_start3A_201 = arith.constant 1 : i32
    %dma_start3A_202 = arith.constant 1 : i32
    %dma_start3A_203 = arith.constant 0 : i32
    %dma_start3A_204 = tpu.memref_slice %arg6[%dma_start3A_201, %dma_start3A_202, %dma_start3A_203] : memref<4x2x128xi32, #tpu.memory_space<vmem>> -> memref<1x1x128xi32, #tpu.memory_space<vmem>>
    %dma_start3A_205 = tpu.memref_squeeze %dma_start3A_204 : memref<1x1x128xi32, #tpu.memory_space<vmem>> -> memref<128xi32, #tpu.memory_space<vmem>>
    %dma_start3A_206 = arith.constant 0 : i32
    %dma_start3A_207 = arith.constant 0 : i32
    %dma_start3A_208 = tpu.memref_slice %arg9[%dma_start3A_206, %dma_start3A_207] : memref<10240x128xf32, #tpu.memory_space<vmem_shared>> -> memref<10240x128xf32, #tpu.memory_space<vmem_shared>>
    tpu.enqueue_indirect_dma source(%arg8 : memref<128x128xf32, #tpu.memory_space<vmem>>) target(%dma_start3A_208 : memref<10240x128xf32, #tpu.memory_space<vmem_shared>>) offsets(%dma_start3A_205 : memref<128xi32, #tpu.memory_space<vmem>>) semaphore(%arg17 : memref<!tpu.dma_semaphore, #tpu.memory_space<semaphore_mem>>) {add = true}
    %dma_wait3A_209 = arith.constant 0 : i32
    %dma_wait3A_210 = arith.constant 3 : i32
    %dma_wait3A_211 = arith.constant 0 : i32
    %dma_wait3A_212 = arith.constant 0 : i32
    %dma_wait3A_213 = tpu.memref_slice %arg6[%dma_wait3A_210, %dma_wait3A_211, %dma_wait3A_212] : memref<4x2x128xi32, #tpu.memory_space<vmem>> -> memref<1x2x128xi32, #tpu.memory_space<vmem>>
    %dma_wait3A_214 = tpu.memref_squeeze %dma_wait3A_213 : memref<1x2x128xi32, #tpu.memory_space<vmem>> -> memref<2x128xi32, #tpu.memory_space<vmem>>
    %dma_wait3A_215 = arith.constant 0 : i32
    %dma_wait3A_216 = arith.constant 0 : i32
    %dma_wait3A_217 = tpu.memref_slice %arg3[%add3A, %dma_wait3A_209, %dma_wait3A_215, %dma_wait3A_216] : memref<32x80x2x128xi32, #tpu.memory_space<hbm>> -> memref<1x1x2x128xi32, #tpu.memory_space<hbm>>
    %dma_wait3A_218 = tpu.memref_squeeze %dma_wait3A_217 : memref<1x1x2x128xi32, #tpu.memory_space<hbm>> -> memref<2x128xi32, #tpu.memory_space<hbm>>
    %dma_wait3A_219 = arith.constant 0 : i32
    %dma_wait3A_220 = arith.constant 0 : i32
    %dma_wait3A_221 = tpu.memref_slice %arg6[%dma_wait3A_210, %dma_wait3A_219, %dma_wait3A_220] : memref<4x2x128xi32, #tpu.memory_space<vmem>> -> memref<1x2x128xi32, #tpu.memory_space<vmem>>
    %dma_wait3A_222 = tpu.memref_squeeze %dma_wait3A_221 : memref<1x2x128xi32, #tpu.memory_space<vmem>> -> memref<2x128xi32, #tpu.memory_space<vmem>>
    %dma_wait3A_223 = arith.constant 0 : i32
    %dma_wait3A_224 = arith.constant 0 : i32
    %dma_wait3A_225 = tpu.memref_slice %arg3[%add3A, %dma_wait3A_209, %dma_wait3A_223, %dma_wait3A_224] : memref<32x80x2x128xi32, #tpu.memory_space<hbm>> -> memref<1x1x2x128xi32, #tpu.memory_space<hbm>>
    %dma_wait3A_226 = tpu.memref_squeeze %dma_wait3A_225 : memref<1x1x2x128xi32, #tpu.memory_space<hbm>> -> memref<2x128xi32, #tpu.memory_space<hbm>>
    tpu.wait_dma2 semaphore(%arg13 : memref<!tpu.dma_semaphore, #tpu.memory_space<semaphore_mem>>) src(%dma_wait3A_226 : memref<2x128xi32, #tpu.memory_space<hbm>>) dst(%dma_wait3A_222 : memref<2x128xi32, #tpu.memory_space<vmem>>)
    %dma_wait3A_227 = arith.constant 0 : i32
    %dma_wait3A_228 = arith.constant 0 : i32
    %dma_wait3A_229 = tpu.memref_slice %arg2[%dma_wait3A_227, %dma_wait3A_228] : memref<10240x128xf32, #tpu.memory_space<hbm>> -> memref<128x128xf32, #tpu.memory_space<hbm>>
    %dma_wait3A_230 = arith.constant 0 : i32
    %dma_wait3A_231 = arith.constant 0 : i32
    %dma_wait3A_232 = tpu.memref_slice %arg2[%dma_wait3A_230, %dma_wait3A_231] : memref<10240x128xf32, #tpu.memory_space<hbm>> -> memref<128x128xf32, #tpu.memory_space<hbm>>
    tpu.wait_dma2 semaphore(%arg17 : memref<!tpu.dma_semaphore, #tpu.memory_space<semaphore_mem>>) src(%dma_wait3A_232 : memref<128x128xf32, #tpu.memory_space<hbm>>) dst(%arg8 : memref<128x128xf32, #tpu.memory_space<vmem>>)
    %dma_start3A_233 = arith.constant 3 : i32
    %dma_start3A_234 = arith.constant 0 : i32
    %dma_start3A_235 = arith.constant 0 : i32
    %dma_start3A_236 = tpu.memref_slice %arg6[%dma_start3A_233, %dma_start3A_234, %dma_start3A_235] : memref<4x2x128xi32, #tpu.memory_space<vmem>> -> memref<1x1x128xi32, #tpu.memory_space<vmem>>
    %dma_start3A_237 = tpu.memref_squeeze %dma_start3A_236 : memref<1x1x128xi32, #tpu.memory_space<vmem>> -> memref<128xi32, #tpu.memory_space<vmem>>
    %dma_start3A_238 = arith.constant 0 : i32
    %dma_start3A_239 = arith.constant 0 : i32
    %dma_start3A_240 = tpu.memref_slice %arg2[%dma_start3A_238, %dma_start3A_239] : memref<10240x128xf32, #tpu.memory_space<hbm>> -> memref<10240x128xf32, #tpu.memory_space<hbm>>
    tpu.enqueue_indirect_dma source(%dma_start3A_240 : memref<10240x128xf32, #tpu.memory_space<hbm>>) target(%arg8 : memref<128x128xf32, #tpu.memory_space<vmem>>) offsets(%dma_start3A_237 : memref<128xi32, #tpu.memory_space<vmem>>) semaphore(%arg15 : memref<!tpu.dma_semaphore, #tpu.memory_space<semaphore_mem>>)
    %dma_start3A_241 = arith.constant 5 : i32
    %dma_start3A_242 = arith.constant 1 : i32
    %dma_start3A_243 = arith.constant 0 : i32
    %dma_start3A_244 = arith.constant 0 : i32
    %dma_start3A_245 = tpu.memref_slice %arg6[%dma_start3A_242, %dma_start3A_243, %dma_start3A_244] : memref<4x2x128xi32, #tpu.memory_space<vmem>> -> memref<1x2x128xi32, #tpu.memory_space<vmem>>
    %dma_start3A_246 = tpu.memref_squeeze %dma_start3A_245 : memref<1x2x128xi32, #tpu.memory_space<vmem>> -> memref<2x128xi32, #tpu.memory_space<vmem>>
    %dma_start3A_247 = arith.constant 0 : i32
    %dma_start3A_248 = arith.constant 0 : i32
    %dma_start3A_249 = tpu.memref_slice %arg3[%add3A, %dma_start3A_241, %dma_start3A_247, %dma_start3A_248] : memref<32x80x2x128xi32, #tpu.memory_space<hbm>> -> memref<1x1x2x128xi32, #tpu.memory_space<hbm>>
    %dma_start3A_250 = tpu.memref_squeeze %dma_start3A_249 : memref<1x1x2x128xi32, #tpu.memory_space<hbm>> -> memref<2x128xi32, #tpu.memory_space<hbm>>
    %dma_start3A_251 = arith.constant 0 : i32
    %dma_start3A_252 = arith.constant 0 : i32
    %dma_start3A_253 = tpu.memref_slice %arg6[%dma_start3A_242, %dma_start3A_251, %dma_start3A_252] : memref<4x2x128xi32, #tpu.memory_space<vmem>> -> memref<1x2x128xi32, #tpu.memory_space<vmem>>
    %dma_start3A_254 = tpu.memref_squeeze %dma_start3A_253 : memref<1x2x128xi32, #tpu.memory_space<vmem>> -> memref<2x128xi32, #tpu.memory_space<vmem>>
    %dma_start3A_255 = arith.constant 0 : i32
    %dma_start3A_256 = arith.constant 0 : i32
    %dma_start3A_257 = tpu.memref_slice %arg3[%add3A, %dma_start3A_241, %dma_start3A_255, %dma_start3A_256] : memref<32x80x2x128xi32, #tpu.memory_space<hbm>> -> memref<1x1x2x128xi32, #tpu.memory_space<hbm>>
    %dma_start3A_258 = tpu.memref_squeeze %dma_start3A_257 : memref<1x1x2x128xi32, #tpu.memory_space<hbm>> -> memref<2x128xi32, #tpu.memory_space<hbm>>
    tpu.enqueue_dma source(%dma_start3A_258 : memref<2x128xi32, #tpu.memory_space<hbm>>) target(%dma_start3A_254 : memref<2x128xi32, #tpu.memory_space<vmem>>) target_semaphore(%arg11 : memref<!tpu.dma_semaphore, #tpu.memory_space<semaphore_mem>>)
    %dma_wait3A_259 = arith.constant 0 : i32
    %dma_wait3A_260 = arith.constant 0 : i32
    %dma_wait3A_261 = tpu.memref_slice %arg2[%dma_wait3A_259, %dma_wait3A_260] : memref<10240x128xf32, #tpu.memory_space<hbm>> -> memref<128x128xf32, #tpu.memory_space<hbm>>
    %dma_wait3A_262 = arith.constant 0 : i32
    %dma_wait3A_263 = arith.constant 0 : i32
    %dma_wait3A_264 = tpu.memref_slice %arg2[%dma_wait3A_262, %dma_wait3A_263] : memref<10240x128xf32, #tpu.memory_space<hbm>> -> memref<128x128xf32, #tpu.memory_space<hbm>>
    tpu.wait_dma2 semaphore(%arg14 : memref<!tpu.dma_semaphore, #tpu.memory_space<semaphore_mem>>) src(%dma_wait3A_264 : memref<128x128xf32, #tpu.memory_space<hbm>>) dst(%arg7 : memref<128x128xf32, #tpu.memory_space<vmem>>)
    %dma_start3A_265 = arith.constant 2 : i32
    %dma_start3A_266 = arith.constant 1 : i32
    %dma_start3A_267 = arith.constant 0 : i32
    %dma_start3A_268 = tpu.memref_slice %arg6[%dma_start3A_265, %dma_start3A_266, %dma_start3A_267] : memref<4x2x128xi32, #tpu.memory_space<vmem>> -> memref<1x1x128xi32, #tpu.memory_space<vmem>>
    %dma_start3A_269 = tpu.memref_squeeze %dma_start3A_268 : memref<1x1x128xi32, #tpu.memory_space<vmem>> -> memref<128xi32, #tpu.memory_space<vmem>>
    %dma_start3A_270 = arith.constant 0 : i32
    %dma_start3A_271 = arith.constant 0 : i32
    %dma_start3A_272 = tpu.memref_slice %arg9[%dma_start3A_270, %dma_start3A_271] : memref<10240x128xf32, #tpu.memory_space<vmem_shared>> -> memref<10240x128xf32, #tpu.memory_space<vmem_shared>>
    tpu.enqueue_indirect_dma source(%arg7 : memref<128x128xf32, #tpu.memory_space<vmem>>) target(%dma_start3A_272 : memref<10240x128xf32, #tpu.memory_space<vmem_shared>>) offsets(%dma_start3A_269 : memref<128xi32, #tpu.memory_space<vmem>>) semaphore(%arg16 : memref<!tpu.dma_semaphore, #tpu.memory_space<semaphore_mem>>) {add = true}
    %scan3A = arith.constant 0 : i32
    %scan3A_273 = arith.constant 0 : i32
    %scan3A_274 = arith.constant 18 : i32
    %scan3A_275 = arith.addi %scan3A_273, %scan3A_274 : i32
    %scan3A_276 = arith.constant 1 : i32
    scf.for %scan3A_525 = %scan3A_273 to %scan3A_275 step %scan3A_276  : i32 {
      %mul3A_526 = arith.constant 4 : i32
      %mul3A_527 = arith.muli %mul3A_526, %scan3A_525 : i32
      %add3A_528 = arith.constant 4 : i32
      %add3A_529 = arith.addi %mul3A_527, %add3A_528 : i32
      %add3A_530 = arith.constant 0 : i32
      %add3A_531 = arith.addi %add3A_529, %add3A_530 : i32
      %dma_wait3A_532 = arith.constant 0 : i32
      %dma_wait3A_533 = arith.constant 0 : i32
      %dma_wait3A_534 = arith.constant 0 : i32
      %dma_wait3A_535 = arith.constant 0 : i32
      %dma_wait3A_536 = tpu.memref_slice %arg6[%dma_wait3A_533, %dma_wait3A_534, %dma_wait3A_535] : memref<4x2x128xi32, #tpu.memory_space<vmem>> -> memref<1x2x128xi32, #tpu.memory_space<vmem>>
      %dma_wait3A_537 = tpu.memref_squeeze %dma_wait3A_536 : memref<1x2x128xi32, #tpu.memory_space<vmem>> -> memref<2x128xi32, #tpu.memory_space<vmem>>
      %dma_wait3A_538 = arith.constant 0 : i32
      %dma_wait3A_539 = arith.constant 0 : i32
      %dma_wait3A_540 = tpu.memref_slice %arg3[%add3A, %dma_wait3A_532, %dma_wait3A_538, %dma_wait3A_539] : memref<32x80x2x128xi32, #tpu.memory_space<hbm>> -> memref<1x1x2x128xi32, #tpu.memory_space<hbm>>
      %dma_wait3A_541 = tpu.memref_squeeze %dma_wait3A_540 : memref<1x1x2x128xi32, #tpu.memory_space<hbm>> -> memref<2x128xi32, #tpu.memory_space<hbm>>
      %dma_wait3A_542 = arith.constant 0 : i32
      %dma_wait3A_543 = arith.constant 0 : i32
      %dma_wait3A_544 = tpu.memref_slice %arg6[%dma_wait3A_533, %dma_wait3A_542, %dma_wait3A_543] : memref<4x2x128xi32, #tpu.memory_space<vmem>> -> memref<1x2x128xi32, #tpu.memory_space<vmem>>
      %dma_wait3A_545 = tpu.memref_squeeze %dma_wait3A_544 : memref<1x2x128xi32, #tpu.memory_space<vmem>> -> memref<2x128xi32, #tpu.memory_space<vmem>>
      %dma_wait3A_546 = arith.constant 0 : i32
      %dma_wait3A_547 = arith.constant 0 : i32
      %dma_wait3A_548 = tpu.memref_slice %arg3[%add3A, %dma_wait3A_532, %dma_wait3A_546, %dma_wait3A_547] : memref<32x80x2x128xi32, #tpu.memory_space<hbm>> -> memref<1x1x2x128xi32, #tpu.memory_space<hbm>>
      %dma_wait3A_549 = tpu.memref_squeeze %dma_wait3A_548 : memref<1x1x2x128xi32, #tpu.memory_space<hbm>> -> memref<2x128xi32, #tpu.memory_space<hbm>>
      tpu.wait_dma2 semaphore(%arg10 : memref<!tpu.dma_semaphore, #tpu.memory_space<semaphore_mem>>) src(%dma_wait3A_549 : memref<2x128xi32, #tpu.memory_space<hbm>>) dst(%dma_wait3A_545 : memref<2x128xi32, #tpu.memory_space<vmem>>)
      %dma_wait3A_550 = arith.constant 0 : i32
      %dma_wait3A_551 = arith.constant 0 : i32
      %dma_wait3A_552 = tpu.memref_slice %arg2[%dma_wait3A_550, %dma_wait3A_551] : memref<10240x128xf32, #tpu.memory_space<hbm>> -> memref<128x128xf32, #tpu.memory_space<hbm>>
      %dma_wait3A_553 = arith.constant 0 : i32
      %dma_wait3A_554 = arith.constant 0 : i32
      %dma_wait3A_555 = tpu.memref_slice %arg2[%dma_wait3A_553, %dma_wait3A_554] : memref<10240x128xf32, #tpu.memory_space<hbm>> -> memref<128x128xf32, #tpu.memory_space<hbm>>
      tpu.wait_dma2 semaphore(%arg16 : memref<!tpu.dma_semaphore, #tpu.memory_space<semaphore_mem>>) src(%dma_wait3A_555 : memref<128x128xf32, #tpu.memory_space<hbm>>) dst(%arg7 : memref<128x128xf32, #tpu.memory_space<vmem>>)
      %dma_start3A_556 = arith.constant 0 : i32
      %dma_start3A_557 = arith.constant 0 : i32
      %dma_start3A_558 = arith.constant 0 : i32
      %dma_start3A_559 = tpu.memref_slice %arg6[%dma_start3A_556, %dma_start3A_557, %dma_start3A_558] : memref<4x2x128xi32, #tpu.memory_space<vmem>> -> memref<1x1x128xi32, #tpu.memory_space<vmem>>
      %dma_start3A_560 = tpu.memref_squeeze %dma_start3A_559 : memref<1x1x128xi32, #tpu.memory_space<vmem>> -> memref<128xi32, #tpu.memory_space<vmem>>
      %dma_start3A_561 = arith.constant 0 : i32
      %dma_start3A_562 = arith.constant 0 : i32
      %dma_start3A_563 = tpu.memref_slice %arg2[%dma_start3A_561, %dma_start3A_562] : memref<10240x128xf32, #tpu.memory_space<hbm>> -> memref<10240x128xf32, #tpu.memory_space<hbm>>
      tpu.enqueue_indirect_dma source(%dma_start3A_563 : memref<10240x128xf32, #tpu.memory_space<hbm>>) target(%arg7 : memref<128x128xf32, #tpu.memory_space<vmem>>) offsets(%dma_start3A_560 : memref<128xi32, #tpu.memory_space<vmem>>) semaphore(%arg14 : memref<!tpu.dma_semaphore, #tpu.memory_space<semaphore_mem>>)
      %add3A_564 = arith.constant 2 : i32
      %add3A_565 = arith.addi %add3A_531, %add3A_564 : i32
      %dma_start3A_566 = arith.constant 2 : i32
      %dma_start3A_567 = arith.constant 0 : i32
      %dma_start3A_568 = arith.constant 0 : i32
      %dma_start3A_569 = tpu.memref_slice %arg6[%dma_start3A_566, %dma_start3A_567, %dma_start3A_568] : memref<4x2x128xi32, #tpu.memory_space<vmem>> -> memref<1x2x128xi32, #tpu.memory_space<vmem>>
      %dma_start3A_570 = tpu.memref_squeeze %dma_start3A_569 : memref<1x2x128xi32, #tpu.memory_space<vmem>> -> memref<2x128xi32, #tpu.memory_space<vmem>>
      %dma_start3A_571 = arith.constant 0 : i32
      %dma_start3A_572 = arith.constant 0 : i32
      %dma_start3A_573 = tpu.memref_slice %arg3[%add3A, %add3A_565, %dma_start3A_571, %dma_start3A_572] : memref<32x80x2x128xi32, #tpu.memory_space<hbm>> -> memref<1x1x2x128xi32, #tpu.memory_space<hbm>>
      %dma_start3A_574 = tpu.memref_squeeze %dma_start3A_573 : memref<1x1x2x128xi32, #tpu.memory_space<hbm>> -> memref<2x128xi32, #tpu.memory_space<hbm>>
      %dma_start3A_575 = arith.constant 0 : i32
      %dma_start3A_576 = arith.constant 0 : i32
      %dma_start3A_577 = tpu.memref_slice %arg6[%dma_start3A_566, %dma_start3A_575, %dma_start3A_576] : memref<4x2x128xi32, #tpu.memory_space<vmem>> -> memref<1x2x128xi32, #tpu.memory_space<vmem>>
      %dma_start3A_578 = tpu.memref_squeeze %dma_start3A_577 : memref<1x2x128xi32, #tpu.memory_space<vmem>> -> memref<2x128xi32, #tpu.memory_space<vmem>>
      %dma_start3A_579 = arith.constant 0 : i32
      %dma_start3A_580 = arith.constant 0 : i32
      %dma_start3A_581 = tpu.memref_slice %arg3[%add3A, %add3A_565, %dma_start3A_579, %dma_start3A_580] : memref<32x80x2x128xi32, #tpu.memory_space<hbm>> -> memref<1x1x2x128xi32, #tpu.memory_space<hbm>>
      %dma_start3A_582 = tpu.memref_squeeze %dma_start3A_581 : memref<1x1x2x128xi32, #tpu.memory_space<hbm>> -> memref<2x128xi32, #tpu.memory_space<hbm>>
      tpu.enqueue_dma source(%dma_start3A_582 : memref<2x128xi32, #tpu.memory_space<hbm>>) target(%dma_start3A_578 : memref<2x128xi32, #tpu.memory_space<vmem>>) target_semaphore(%arg12 : memref<!tpu.dma_semaphore, #tpu.memory_space<semaphore_mem>>)
      %dma_wait3A_583 = arith.constant 0 : i32
      %dma_wait3A_584 = arith.constant 0 : i32
      %dma_wait3A_585 = tpu.memref_slice %arg2[%dma_wait3A_583, %dma_wait3A_584] : memref<10240x128xf32, #tpu.memory_space<hbm>> -> memref<128x128xf32, #tpu.memory_space<hbm>>
      %dma_wait3A_586 = arith.constant 0 : i32
      %dma_wait3A_587 = arith.constant 0 : i32
      %dma_wait3A_588 = tpu.memref_slice %arg2[%dma_wait3A_586, %dma_wait3A_587] : memref<10240x128xf32, #tpu.memory_space<hbm>> -> memref<128x128xf32, #tpu.memory_space<hbm>>
      tpu.wait_dma2 semaphore(%arg15 : memref<!tpu.dma_semaphore, #tpu.memory_space<semaphore_mem>>) src(%dma_wait3A_588 : memref<128x128xf32, #tpu.memory_space<hbm>>) dst(%arg8 : memref<128x128xf32, #tpu.memory_space<vmem>>)
      %dma_start3A_589 = arith.constant 3 : i32
      %dma_start3A_590 = arith.constant 1 : i32
      %dma_start3A_591 = arith.constant 0 : i32
      %dma_start3A_592 = tpu.memref_slice %arg6[%dma_start3A_589, %dma_start3A_590, %dma_start3A_591] : memref<4x2x128xi32, #tpu.memory_space<vmem>> -> memref<1x1x128xi32, #tpu.memory_space<vmem>>
      %dma_start3A_593 = tpu.memref_squeeze %dma_start3A_592 : memref<1x1x128xi32, #tpu.memory_space<vmem>> -> memref<128xi32, #tpu.memory_space<vmem>>
      %dma_start3A_594 = arith.constant 0 : i32
      %dma_start3A_595 = arith.constant 0 : i32
      %dma_start3A_596 = tpu.memref_slice %arg9[%dma_start3A_594, %dma_start3A_595] : memref<10240x128xf32, #tpu.memory_space<vmem_shared>> -> memref<10240x128xf32, #tpu.memory_space<vmem_shared>>
      tpu.enqueue_indirect_dma source(%arg8 : memref<128x128xf32, #tpu.memory_space<vmem>>) target(%dma_start3A_596 : memref<10240x128xf32, #tpu.memory_space<vmem_shared>>) offsets(%dma_start3A_593 : memref<128xi32, #tpu.memory_space<vmem>>) semaphore(%arg17 : memref<!tpu.dma_semaphore, #tpu.memory_space<semaphore_mem>>) {add = true}
      %add3A_597 = arith.constant 1 : i32
      %add3A_598 = arith.addi %add3A_529, %add3A_597 : i32
      %dma_wait3A_599 = arith.constant 0 : i32
      %dma_wait3A_600 = arith.constant 1 : i32
      %dma_wait3A_601 = arith.constant 0 : i32
      %dma_wait3A_602 = arith.constant 0 : i32
      %dma_wait3A_603 = tpu.memref_slice %arg6[%dma_wait3A_600, %dma_wait3A_601, %dma_wait3A_602] : memref<4x2x128xi32, #tpu.memory_space<vmem>> -> memref<1x2x128xi32, #tpu.memory_space<vmem>>
      %dma_wait3A_604 = tpu.memref_squeeze %dma_wait3A_603 : memref<1x2x128xi32, #tpu.memory_space<vmem>> -> memref<2x128xi32, #tpu.memory_space<vmem>>
      %dma_wait3A_605 = arith.constant 0 : i32
      %dma_wait3A_606 = arith.constant 0 : i32
      %dma_wait3A_607 = tpu.memref_slice %arg3[%add3A, %dma_wait3A_599, %dma_wait3A_605, %dma_wait3A_606] : memref<32x80x2x128xi32, #tpu.memory_space<hbm>> -> memref<1x1x2x128xi32, #tpu.memory_space<hbm>>
      %dma_wait3A_608 = tpu.memref_squeeze %dma_wait3A_607 : memref<1x1x2x128xi32, #tpu.memory_space<hbm>> -> memref<2x128xi32, #tpu.memory_space<hbm>>
      %dma_wait3A_609 = arith.constant 0 : i32
      %dma_wait3A_610 = arith.constant 0 : i32
      %dma_wait3A_611 = tpu.memref_slice %arg6[%dma_wait3A_600, %dma_wait3A_609, %dma_wait3A_610] : memref<4x2x128xi32, #tpu.memory_space<vmem>> -> memref<1x2x128xi32, #tpu.memory_space<vmem>>
      %dma_wait3A_612 = tpu.memref_squeeze %dma_wait3A_611 : memref<1x2x128xi32, #tpu.memory_space<vmem>> -> memref<2x128xi32, #tpu.memory_space<vmem>>
      %dma_wait3A_613 = arith.constant 0 : i32
      %dma_wait3A_614 = arith.constant 0 : i32
      %dma_wait3A_615 = tpu.memref_slice %arg3[%add3A, %dma_wait3A_599, %dma_wait3A_613, %dma_wait3A_614] : memref<32x80x2x128xi32, #tpu.memory_space<hbm>> -> memref<1x1x2x128xi32, #tpu.memory_space<hbm>>
      %dma_wait3A_616 = tpu.memref_squeeze %dma_wait3A_615 : memref<1x1x2x128xi32, #tpu.memory_space<hbm>> -> memref<2x128xi32, #tpu.memory_space<hbm>>
      tpu.wait_dma2 semaphore(%arg11 : memref<!tpu.dma_semaphore, #tpu.memory_space<semaphore_mem>>) src(%dma_wait3A_616 : memref<2x128xi32, #tpu.memory_space<hbm>>) dst(%dma_wait3A_612 : memref<2x128xi32, #tpu.memory_space<vmem>>)
      %dma_wait3A_617 = arith.constant 0 : i32
      %dma_wait3A_618 = arith.constant 0 : i32
      %dma_wait3A_619 = tpu.memref_slice %arg2[%dma_wait3A_617, %dma_wait3A_618] : memref<10240x128xf32, #tpu.memory_space<hbm>> -> memref<128x128xf32, #tpu.memory_space<hbm>>
      %dma_wait3A_620 = arith.constant 0 : i32
      %dma_wait3A_621 = arith.constant 0 : i32
      %dma_wait3A_622 = tpu.memref_slice %arg2[%dma_wait3A_620, %dma_wait3A_621] : memref<10240x128xf32, #tpu.memory_space<hbm>> -> memref<128x128xf32, #tpu.memory_space<hbm>>
      tpu.wait_dma2 semaphore(%arg17 : memref<!tpu.dma_semaphore, #tpu.memory_space<semaphore_mem>>) src(%dma_wait3A_622 : memref<128x128xf32, #tpu.memory_space<hbm>>) dst(%arg8 : memref<128x128xf32, #tpu.memory_space<vmem>>)
      %dma_start3A_623 = arith.constant 1 : i32
      %dma_start3A_624 = arith.constant 0 : i32
      %dma_start3A_625 = arith.constant 0 : i32
      %dma_start3A_626 = tpu.memref_slice %arg6[%dma_start3A_623, %dma_start3A_624, %dma_start3A_625] : memref<4x2x128xi32, #tpu.memory_space<vmem>> -> memref<1x1x128xi32, #tpu.memory_space<vmem>>
      %dma_start3A_627 = tpu.memref_squeeze %dma_start3A_626 : memref<1x1x128xi32, #tpu.memory_space<vmem>> -> memref<128xi32, #tpu.memory_space<vmem>>
      %dma_start3A_628 = arith.constant 0 : i32
      %dma_start3A_629 = arith.constant 0 : i32
      %dma_start3A_630 = tpu.memref_slice %arg2[%dma_start3A_628, %dma_start3A_629] : memref<10240x128xf32, #tpu.memory_space<hbm>> -> memref<10240x128xf32, #tpu.memory_space<hbm>>
      tpu.enqueue_indirect_dma source(%dma_start3A_630 : memref<10240x128xf32, #tpu.memory_space<hbm>>) target(%arg8 : memref<128x128xf32, #tpu.memory_space<vmem>>) offsets(%dma_start3A_627 : memref<128xi32, #tpu.memory_space<vmem>>) semaphore(%arg15 : memref<!tpu.dma_semaphore, #tpu.memory_space<semaphore_mem>>)
      %add3A_631 = arith.constant 2 : i32
      %add3A_632 = arith.addi %add3A_598, %add3A_631 : i32
      %dma_start3A_633 = arith.constant 3 : i32
      %dma_start3A_634 = arith.constant 0 : i32
      %dma_start3A_635 = arith.constant 0 : i32
      %dma_start3A_636 = tpu.memref_slice %arg6[%dma_start3A_633, %dma_start3A_634, %dma_start3A_635] : memref<4x2x128xi32, #tpu.memory_space<vmem>> -> memref<1x2x128xi32, #tpu.memory_space<vmem>>
      %dma_start3A_637 = tpu.memref_squeeze %dma_start3A_636 : memref<1x2x128xi32, #tpu.memory_space<vmem>> -> memref<2x128xi32, #tpu.memory_space<vmem>>
      %dma_start3A_638 = arith.constant 0 : i32
      %dma_start3A_639 = arith.constant 0 : i32
      %dma_start3A_640 = tpu.memref_slice %arg3[%add3A, %add3A_632, %dma_start3A_638, %dma_start3A_639] : memref<32x80x2x128xi32, #tpu.memory_space<hbm>> -> memref<1x1x2x128xi32, #tpu.memory_space<hbm>>
      %dma_start3A_641 = tpu.memref_squeeze %dma_start3A_640 : memref<1x1x2x128xi32, #tpu.memory_space<hbm>> -> memref<2x128xi32, #tpu.memory_space<hbm>>
      %dma_start3A_642 = arith.constant 0 : i32
      %dma_start3A_643 = arith.constant 0 : i32
      %dma_start3A_644 = tpu.memref_slice %arg6[%dma_start3A_633, %dma_start3A_642, %dma_start3A_643] : memref<4x2x128xi32, #tpu.memory_space<vmem>> -> memref<1x2x128xi32, #tpu.memory_space<vmem>>
      %dma_start3A_645 = tpu.memref_squeeze %dma_start3A_644 : memref<1x2x128xi32, #tpu.memory_space<vmem>> -> memref<2x128xi32, #tpu.memory_space<vmem>>
      %dma_start3A_646 = arith.constant 0 : i32
      %dma_start3A_647 = arith.constant 0 : i32
      %dma_start3A_648 = tpu.memref_slice %arg3[%add3A, %add3A_632, %dma_start3A_646, %dma_start3A_647] : memref<32x80x2x128xi32, #tpu.memory_space<hbm>> -> memref<1x1x2x128xi32, #tpu.memory_space<hbm>>
      %dma_start3A_649 = tpu.memref_squeeze %dma_start3A_648 : memref<1x1x2x128xi32, #tpu.memory_space<hbm>> -> memref<2x128xi32, #tpu.memory_space<hbm>>
      tpu.enqueue_dma source(%dma_start3A_649 : memref<2x128xi32, #tpu.memory_space<hbm>>) target(%dma_start3A_645 : memref<2x128xi32, #tpu.memory_space<vmem>>) target_semaphore(%arg13 : memref<!tpu.dma_semaphore, #tpu.memory_space<semaphore_mem>>)
      %dma_wait3A_650 = arith.constant 0 : i32
      %dma_wait3A_651 = arith.constant 0 : i32
      %dma_wait3A_652 = tpu.memref_slice %arg2[%dma_wait3A_650, %dma_wait3A_651] : memref<10240x128xf32, #tpu.memory_space<hbm>> -> memref<128x128xf32, #tpu.memory_space<hbm>>
      %dma_wait3A_653 = arith.constant 0 : i32
      %dma_wait3A_654 = arith.constant 0 : i32
      %dma_wait3A_655 = tpu.memref_slice %arg2[%dma_wait3A_653, %dma_wait3A_654] : memref<10240x128xf32, #tpu.memory_space<hbm>> -> memref<128x128xf32, #tpu.memory_space<hbm>>
      tpu.wait_dma2 semaphore(%arg14 : memref<!tpu.dma_semaphore, #tpu.memory_space<semaphore_mem>>) src(%dma_wait3A_655 : memref<128x128xf32, #tpu.memory_space<hbm>>) dst(%arg7 : memref<128x128xf32, #tpu.memory_space<vmem>>)
      %dma_start3A_656 = arith.constant 0 : i32
      %dma_start3A_657 = arith.constant 1 : i32
      %dma_start3A_658 = arith.constant 0 : i32
      %dma_start3A_659 = tpu.memref_slice %arg6[%dma_start3A_656, %dma_start3A_657, %dma_start3A_658] : memref<4x2x128xi32, #tpu.memory_space<vmem>> -> memref<1x1x128xi32, #tpu.memory_space<vmem>>
      %dma_start3A_660 = tpu.memref_squeeze %dma_start3A_659 : memref<1x1x128xi32, #tpu.memory_space<vmem>> -> memref<128xi32, #tpu.memory_space<vmem>>
      %dma_start3A_661 = arith.constant 0 : i32
      %dma_start3A_662 = arith.constant 0 : i32
      %dma_start3A_663 = tpu.memref_slice %arg9[%dma_start3A_661, %dma_start3A_662] : memref<10240x128xf32, #tpu.memory_space<vmem_shared>> -> memref<10240x128xf32, #tpu.memory_space<vmem_shared>>
      tpu.enqueue_indirect_dma source(%arg7 : memref<128x128xf32, #tpu.memory_space<vmem>>) target(%dma_start3A_663 : memref<10240x128xf32, #tpu.memory_space<vmem_shared>>) offsets(%dma_start3A_660 : memref<128xi32, #tpu.memory_space<vmem>>) semaphore(%arg16 : memref<!tpu.dma_semaphore, #tpu.memory_space<semaphore_mem>>) {add = true}
      %add3A_664 = arith.constant 2 : i32
      %add3A_665 = arith.addi %add3A_529, %add3A_664 : i32
      %dma_wait3A_666 = arith.constant 0 : i32
      %dma_wait3A_667 = arith.constant 2 : i32
      %dma_wait3A_668 = arith.constant 0 : i32
      %dma_wait3A_669 = arith.constant 0 : i32
      %dma_wait3A_670 = tpu.memref_slice %arg6[%dma_wait3A_667, %dma_wait3A_668, %dma_wait3A_669] : memref<4x2x128xi32, #tpu.memory_space<vmem>> -> memref<1x2x128xi32, #tpu.memory_space<vmem>>
      %dma_wait3A_671 = tpu.memref_squeeze %dma_wait3A_670 : memref<1x2x128xi32, #tpu.memory_space<vmem>> -> memref<2x128xi32, #tpu.memory_space<vmem>>
      %dma_wait3A_672 = arith.constant 0 : i32
      %dma_wait3A_673 = arith.constant 0 : i32
      %dma_wait3A_674 = tpu.memref_slice %arg3[%add3A, %dma_wait3A_666, %dma_wait3A_672, %dma_wait3A_673] : memref<32x80x2x128xi32, #tpu.memory_space<hbm>> -> memref<1x1x2x128xi32, #tpu.memory_space<hbm>>
      %dma_wait3A_675 = tpu.memref_squeeze %dma_wait3A_674 : memref<1x1x2x128xi32, #tpu.memory_space<hbm>> -> memref<2x128xi32, #tpu.memory_space<hbm>>
      %dma_wait3A_676 = arith.constant 0 : i32
      %dma_wait3A_677 = arith.constant 0 : i32
      %dma_wait3A_678 = tpu.memref_slice %arg6[%dma_wait3A_667, %dma_wait3A_676, %dma_wait3A_677] : memref<4x2x128xi32, #tpu.memory_space<vmem>> -> memref<1x2x128xi32, #tpu.memory_space<vmem>>
      %dma_wait3A_679 = tpu.memref_squeeze %dma_wait3A_678 : memref<1x2x128xi32, #tpu.memory_space<vmem>> -> memref<2x128xi32, #tpu.memory_space<vmem>>
      %dma_wait3A_680 = arith.constant 0 : i32
      %dma_wait3A_681 = arith.constant 0 : i32
      %dma_wait3A_682 = tpu.memref_slice %arg3[%add3A, %dma_wait3A_666, %dma_wait3A_680, %dma_wait3A_681] : memref<32x80x2x128xi32, #tpu.memory_space<hbm>> -> memref<1x1x2x128xi32, #tpu.memory_space<hbm>>
      %dma_wait3A_683 = tpu.memref_squeeze %dma_wait3A_682 : memref<1x1x2x128xi32, #tpu.memory_space<hbm>> -> memref<2x128xi32, #tpu.memory_space<hbm>>
      tpu.wait_dma2 semaphore(%arg12 : memref<!tpu.dma_semaphore, #tpu.memory_space<semaphore_mem>>) src(%dma_wait3A_683 : memref<2x128xi32, #tpu.memory_space<hbm>>) dst(%dma_wait3A_679 : memref<2x128xi32, #tpu.memory_space<vmem>>)
      %dma_wait3A_684 = arith.constant 0 : i32
      %dma_wait3A_685 = arith.constant 0 : i32
      %dma_wait3A_686 = tpu.memref_slice %arg2[%dma_wait3A_684, %dma_wait3A_685] : memref<10240x128xf32, #tpu.memory_space<hbm>> -> memref<128x128xf32, #tpu.memory_space<hbm>>
      %dma_wait3A_687 = arith.constant 0 : i32
      %dma_wait3A_688 = arith.constant 0 : i32
      %dma_wait3A_689 = tpu.memref_slice %arg2[%dma_wait3A_687, %dma_wait3A_688] : memref<10240x128xf32, #tpu.memory_space<hbm>> -> memref<128x128xf32, #tpu.memory_space<hbm>>
      tpu.wait_dma2 semaphore(%arg16 : memref<!tpu.dma_semaphore, #tpu.memory_space<semaphore_mem>>) src(%dma_wait3A_689 : memref<128x128xf32, #tpu.memory_space<hbm>>) dst(%arg7 : memref<128x128xf32, #tpu.memory_space<vmem>>)
      %dma_start3A_690 = arith.constant 2 : i32
      %dma_start3A_691 = arith.constant 0 : i32
      %dma_start3A_692 = arith.constant 0 : i32
      %dma_start3A_693 = tpu.memref_slice %arg6[%dma_start3A_690, %dma_start3A_691, %dma_start3A_692] : memref<4x2x128xi32, #tpu.memory_space<vmem>> -> memref<1x1x128xi32, #tpu.memory_space<vmem>>
      %dma_start3A_694 = tpu.memref_squeeze %dma_start3A_693 : memref<1x1x128xi32, #tpu.memory_space<vmem>> -> memref<128xi32, #tpu.memory_space<vmem>>
      %dma_start3A_695 = arith.constant 0 : i32
      %dma_start3A_696 = arith.constant 0 : i32
      %dma_start3A_697 = tpu.memref_slice %arg2[%dma_start3A_695, %dma_start3A_696] : memref<10240x128xf32, #tpu.memory_space<hbm>> -> memref<10240x128xf32, #tpu.memory_space<hbm>>
      tpu.enqueue_indirect_dma source(%dma_start3A_697 : memref<10240x128xf32, #tpu.memory_space<hbm>>) target(%arg7 : memref<128x128xf32, #tpu.memory_space<vmem>>) offsets(%dma_start3A_694 : memref<128xi32, #tpu.memory_space<vmem>>) semaphore(%arg14 : memref<!tpu.dma_semaphore, #tpu.memory_space<semaphore_mem>>)
      %add3A_698 = arith.constant 2 : i32
      %add3A_699 = arith.addi %add3A_665, %add3A_698 : i32
      %dma_start3A_700 = arith.constant 0 : i32
      %dma_start3A_701 = arith.constant 0 : i32
      %dma_start3A_702 = arith.constant 0 : i32
      %dma_start3A_703 = tpu.memref_slice %arg6[%dma_start3A_700, %dma_start3A_701, %dma_start3A_702] : memref<4x2x128xi32, #tpu.memory_space<vmem>> -> memref<1x2x128xi32, #tpu.memory_space<vmem>>
      %dma_start3A_704 = tpu.memref_squeeze %dma_start3A_703 : memref<1x2x128xi32, #tpu.memory_space<vmem>> -> memref<2x128xi32, #tpu.memory_space<vmem>>
      %dma_start3A_705 = arith.constant 0 : i32
      %dma_start3A_706 = arith.constant 0 : i32
      %dma_start3A_707 = tpu.memref_slice %arg3[%add3A, %add3A_699, %dma_start3A_705, %dma_start3A_706] : memref<32x80x2x128xi32, #tpu.memory_space<hbm>> -> memref<1x1x2x128xi32, #tpu.memory_space<hbm>>
      %dma_start3A_708 = tpu.memref_squeeze %dma_start3A_707 : memref<1x1x2x128xi32, #tpu.memory_space<hbm>> -> memref<2x128xi32, #tpu.memory_space<hbm>>
      %dma_start3A_709 = arith.constant 0 : i32
      %dma_start3A_710 = arith.constant 0 : i32
      %dma_start3A_711 = tpu.memref_slice %arg6[%dma_start3A_700, %dma_start3A_709, %dma_start3A_710] : memref<4x2x128xi32, #tpu.memory_space<vmem>> -> memref<1x2x128xi32, #tpu.memory_space<vmem>>
      %dma_start3A_712 = tpu.memref_squeeze %dma_start3A_711 : memref<1x2x128xi32, #tpu.memory_space<vmem>> -> memref<2x128xi32, #tpu.memory_space<vmem>>
      %dma_start3A_713 = arith.constant 0 : i32
      %dma_start3A_714 = arith.constant 0 : i32
      %dma_start3A_715 = tpu.memref_slice %arg3[%add3A, %add3A_699, %dma_start3A_713, %dma_start3A_714] : memref<32x80x2x128xi32, #tpu.memory_space<hbm>> -> memref<1x1x2x128xi32, #tpu.memory_space<hbm>>
      %dma_start3A_716 = tpu.memref_squeeze %dma_start3A_715 : memref<1x1x2x128xi32, #tpu.memory_space<hbm>> -> memref<2x128xi32, #tpu.memory_space<hbm>>
      tpu.enqueue_dma source(%dma_start3A_716 : memref<2x128xi32, #tpu.memory_space<hbm>>) target(%dma_start3A_712 : memref<2x128xi32, #tpu.memory_space<vmem>>) target_semaphore(%arg10 : memref<!tpu.dma_semaphore, #tpu.memory_space<semaphore_mem>>)
      %dma_wait3A_717 = arith.constant 0 : i32
      %dma_wait3A_718 = arith.constant 0 : i32
      %dma_wait3A_719 = tpu.memref_slice %arg2[%dma_wait3A_717, %dma_wait3A_718] : memref<10240x128xf32, #tpu.memory_space<hbm>> -> memref<128x128xf32, #tpu.memory_space<hbm>>
      %dma_wait3A_720 = arith.constant 0 : i32
      %dma_wait3A_721 = arith.constant 0 : i32
      %dma_wait3A_722 = tpu.memref_slice %arg2[%dma_wait3A_720, %dma_wait3A_721] : memref<10240x128xf32, #tpu.memory_space<hbm>> -> memref<128x128xf32, #tpu.memory_space<hbm>>
      tpu.wait_dma2 semaphore(%arg15 : memref<!tpu.dma_semaphore, #tpu.memory_space<semaphore_mem>>) src(%dma_wait3A_722 : memref<128x128xf32, #tpu.memory_space<hbm>>) dst(%arg8 : memref<128x128xf32, #tpu.memory_space<vmem>>)
      %dma_start3A_723 = arith.constant 1 : i32
      %dma_start3A_724 = arith.constant 1 : i32
      %dma_start3A_725 = arith.constant 0 : i32
      %dma_start3A_726 = tpu.memref_slice %arg6[%dma_start3A_723, %dma_start3A_724, %dma_start3A_725] : memref<4x2x128xi32, #tpu.memory_space<vmem>> -> memref<1x1x128xi32, #tpu.memory_space<vmem>>
      %dma_start3A_727 = tpu.memref_squeeze %dma_start3A_726 : memref<1x1x128xi32, #tpu.memory_space<vmem>> -> memref<128xi32, #tpu.memory_space<vmem>>
      %dma_start3A_728 = arith.constant 0 : i32
      %dma_start3A_729 = arith.constant 0 : i32
      %dma_start3A_730 = tpu.memref_slice %arg9[%dma_start3A_728, %dma_start3A_729] : memref<10240x128xf32, #tpu.memory_space<vmem_shared>> -> memref<10240x128xf32, #tpu.memory_space<vmem_shared>>
      tpu.enqueue_indirect_dma source(%arg8 : memref<128x128xf32, #tpu.memory_space<vmem>>) target(%dma_start3A_730 : memref<10240x128xf32, #tpu.memory_space<vmem_shared>>) offsets(%dma_start3A_727 : memref<128xi32, #tpu.memory_space<vmem>>) semaphore(%arg17 : memref<!tpu.dma_semaphore, #tpu.memory_space<semaphore_mem>>) {add = true}
      %add3A_731 = arith.constant 3 : i32
      %add3A_732 = arith.addi %add3A_529, %add3A_731 : i32
      %dma_wait3A_733 = arith.constant 0 : i32
      %dma_wait3A_734 = arith.constant 3 : i32
      %dma_wait3A_735 = arith.constant 0 : i32
      %dma_wait3A_736 = arith.constant 0 : i32
      %dma_wait3A_737 = tpu.memref_slice %arg6[%dma_wait3A_734, %dma_wait3A_735, %dma_wait3A_736] : memref<4x2x128xi32, #tpu.memory_space<vmem>> -> memref<1x2x128xi32, #tpu.memory_space<vmem>>
      %dma_wait3A_738 = tpu.memref_squeeze %dma_wait3A_737 : memref<1x2x128xi32, #tpu.memory_space<vmem>> -> memref<2x128xi32, #tpu.memory_space<vmem>>
      %dma_wait3A_739 = arith.constant 0 : i32
      %dma_wait3A_740 = arith.constant 0 : i32
      %dma_wait3A_741 = tpu.memref_slice %arg3[%add3A, %dma_wait3A_733, %dma_wait3A_739, %dma_wait3A_740] : memref<32x80x2x128xi32, #tpu.memory_space<hbm>> -> memref<1x1x2x128xi32, #tpu.memory_space<hbm>>
      %dma_wait3A_742 = tpu.memref_squeeze %dma_wait3A_741 : memref<1x1x2x128xi32, #tpu.memory_space<hbm>> -> memref<2x128xi32, #tpu.memory_space<hbm>>
      %dma_wait3A_743 = arith.constant 0 : i32
      %dma_wait3A_744 = arith.constant 0 : i32
      %dma_wait3A_745 = tpu.memref_slice %arg6[%dma_wait3A_734, %dma_wait3A_743, %dma_wait3A_744] : memref<4x2x128xi32, #tpu.memory_space<vmem>> -> memref<1x2x128xi32, #tpu.memory_space<vmem>>
      %dma_wait3A_746 = tpu.memref_squeeze %dma_wait3A_745 : memref<1x2x128xi32, #tpu.memory_space<vmem>> -> memref<2x128xi32, #tpu.memory_space<vmem>>
      %dma_wait3A_747 = arith.constant 0 : i32
      %dma_wait3A_748 = arith.constant 0 : i32
      %dma_wait3A_749 = tpu.memref_slice %arg3[%add3A, %dma_wait3A_733, %dma_wait3A_747, %dma_wait3A_748] : memref<32x80x2x128xi32, #tpu.memory_space<hbm>> -> memref<1x1x2x128xi32, #tpu.memory_space<hbm>>
      %dma_wait3A_750 = tpu.memref_squeeze %dma_wait3A_749 : memref<1x1x2x128xi32, #tpu.memory_space<hbm>> -> memref<2x128xi32, #tpu.memory_space<hbm>>
      tpu.wait_dma2 semaphore(%arg13 : memref<!tpu.dma_semaphore, #tpu.memory_space<semaphore_mem>>) src(%dma_wait3A_750 : memref<2x128xi32, #tpu.memory_space<hbm>>) dst(%dma_wait3A_746 : memref<2x128xi32, #tpu.memory_space<vmem>>)
      %dma_wait3A_751 = arith.constant 0 : i32
      %dma_wait3A_752 = arith.constant 0 : i32
      %dma_wait3A_753 = tpu.memref_slice %arg2[%dma_wait3A_751, %dma_wait3A_752] : memref<10240x128xf32, #tpu.memory_space<hbm>> -> memref<128x128xf32, #tpu.memory_space<hbm>>
      %dma_wait3A_754 = arith.constant 0 : i32
      %dma_wait3A_755 = arith.constant 0 : i32
      %dma_wait3A_756 = tpu.memref_slice %arg2[%dma_wait3A_754, %dma_wait3A_755] : memref<10240x128xf32, #tpu.memory_space<hbm>> -> memref<128x128xf32, #tpu.memory_space<hbm>>
      tpu.wait_dma2 semaphore(%arg17 : memref<!tpu.dma_semaphore, #tpu.memory_space<semaphore_mem>>) src(%dma_wait3A_756 : memref<128x128xf32, #tpu.memory_space<hbm>>) dst(%arg8 : memref<128x128xf32, #tpu.memory_space<vmem>>)
      %dma_start3A_757 = arith.constant 3 : i32
      %dma_start3A_758 = arith.constant 0 : i32
      %dma_start3A_759 = arith.constant 0 : i32
      %dma_start3A_760 = tpu.memref_slice %arg6[%dma_start3A_757, %dma_start3A_758, %dma_start3A_759] : memref<4x2x128xi32, #tpu.memory_space<vmem>> -> memref<1x1x128xi32, #tpu.memory_space<vmem>>
      %dma_start3A_761 = tpu.memref_squeeze %dma_start3A_760 : memref<1x1x128xi32, #tpu.memory_space<vmem>> -> memref<128xi32, #tpu.memory_space<vmem>>
      %dma_start3A_762 = arith.constant 0 : i32
      %dma_start3A_763 = arith.constant 0 : i32
      %dma_start3A_764 = tpu.memref_slice %arg2[%dma_start3A_762, %dma_start3A_763] : memref<10240x128xf32, #tpu.memory_space<hbm>> -> memref<10240x128xf32, #tpu.memory_space<hbm>>
      tpu.enqueue_indirect_dma source(%dma_start3A_764 : memref<10240x128xf32, #tpu.memory_space<hbm>>) target(%arg8 : memref<128x128xf32, #tpu.memory_space<vmem>>) offsets(%dma_start3A_761 : memref<128xi32, #tpu.memory_space<vmem>>) semaphore(%arg15 : memref<!tpu.dma_semaphore, #tpu.memory_space<semaphore_mem>>)
      %add3A_765 = arith.constant 2 : i32
      %add3A_766 = arith.addi %add3A_732, %add3A_765 : i32
      %dma_start3A_767 = arith.constant 1 : i32
      %dma_start3A_768 = arith.constant 0 : i32
      %dma_start3A_769 = arith.constant 0 : i32
      %dma_start3A_770 = tpu.memref_slice %arg6[%dma_start3A_767, %dma_start3A_768, %dma_start3A_769] : memref<4x2x128xi32, #tpu.memory_space<vmem>> -> memref<1x2x128xi32, #tpu.memory_space<vmem>>
      %dma_start3A_771 = tpu.memref_squeeze %dma_start3A_770 : memref<1x2x128xi32, #tpu.memory_space<vmem>> -> memref<2x128xi32, #tpu.memory_space<vmem>>
      %dma_start3A_772 = arith.constant 0 : i32
      %dma_start3A_773 = arith.constant 0 : i32
      %dma_start3A_774 = tpu.memref_slice %arg3[%add3A, %add3A_766, %dma_start3A_772, %dma_start3A_773] : memref<32x80x2x128xi32, #tpu.memory_space<hbm>> -> memref<1x1x2x128xi32, #tpu.memory_space<hbm>>
      %dma_start3A_775 = tpu.memref_squeeze %dma_start3A_774 : memref<1x1x2x128xi32, #tpu.memory_space<hbm>> -> memref<2x128xi32, #tpu.memory_space<hbm>>
      %dma_start3A_776 = arith.constant 0 : i32
      %dma_start3A_777 = arith.constant 0 : i32
      %dma_start3A_778 = tpu.memref_slice %arg6[%dma_start3A_767, %dma_start3A_776, %dma_start3A_777] : memref<4x2x128xi32, #tpu.memory_space<vmem>> -> memref<1x2x128xi32, #tpu.memory_space<vmem>>
      %dma_start3A_779 = tpu.memref_squeeze %dma_start3A_778 : memref<1x2x128xi32, #tpu.memory_space<vmem>> -> memref<2x128xi32, #tpu.memory_space<vmem>>
      %dma_start3A_780 = arith.constant 0 : i32
      %dma_start3A_781 = arith.constant 0 : i32
      %dma_start3A_782 = tpu.memref_slice %arg3[%add3A, %add3A_766, %dma_start3A_780, %dma_start3A_781] : memref<32x80x2x128xi32, #tpu.memory_space<hbm>> -> memref<1x1x2x128xi32, #tpu.memory_space<hbm>>
      %dma_start3A_783 = tpu.memref_squeeze %dma_start3A_782 : memref<1x1x2x128xi32, #tpu.memory_space<hbm>> -> memref<2x128xi32, #tpu.memory_space<hbm>>
      tpu.enqueue_dma source(%dma_start3A_783 : memref<2x128xi32, #tpu.memory_space<hbm>>) target(%dma_start3A_779 : memref<2x128xi32, #tpu.memory_space<vmem>>) target_semaphore(%arg11 : memref<!tpu.dma_semaphore, #tpu.memory_space<semaphore_mem>>)
      %dma_wait3A_784 = arith.constant 0 : i32
      %dma_wait3A_785 = arith.constant 0 : i32
      %dma_wait3A_786 = tpu.memref_slice %arg2[%dma_wait3A_784, %dma_wait3A_785] : memref<10240x128xf32, #tpu.memory_space<hbm>> -> memref<128x128xf32, #tpu.memory_space<hbm>>
      %dma_wait3A_787 = arith.constant 0 : i32
      %dma_wait3A_788 = arith.constant 0 : i32
      %dma_wait3A_789 = tpu.memref_slice %arg2[%dma_wait3A_787, %dma_wait3A_788] : memref<10240x128xf32, #tpu.memory_space<hbm>> -> memref<128x128xf32, #tpu.memory_space<hbm>>
      tpu.wait_dma2 semaphore(%arg14 : memref<!tpu.dma_semaphore, #tpu.memory_space<semaphore_mem>>) src(%dma_wait3A_789 : memref<128x128xf32, #tpu.memory_space<hbm>>) dst(%arg7 : memref<128x128xf32, #tpu.memory_space<vmem>>)
      %dma_start3A_790 = arith.constant 2 : i32
      %dma_start3A_791 = arith.constant 1 : i32
      %dma_start3A_792 = arith.constant 0 : i32
      %dma_start3A_793 = tpu.memref_slice %arg6[%dma_start3A_790, %dma_start3A_791, %dma_start3A_792] : memref<4x2x128xi32, #tpu.memory_space<vmem>> -> memref<1x1x128xi32, #tpu.memory_space<vmem>>
      %dma_start3A_794 = tpu.memref_squeeze %dma_start3A_793 : memref<1x1x128xi32, #tpu.memory_space<vmem>> -> memref<128xi32, #tpu.memory_space<vmem>>
      %dma_start3A_795 = arith.constant 0 : i32
      %dma_start3A_796 = arith.constant 0 : i32
      %dma_start3A_797 = tpu.memref_slice %arg9[%dma_start3A_795, %dma_start3A_796] : memref<10240x128xf32, #tpu.memory_space<vmem_shared>> -> memref<10240x128xf32, #tpu.memory_space<vmem_shared>>
      tpu.enqueue_indirect_dma source(%arg7 : memref<128x128xf32, #tpu.memory_space<vmem>>) target(%dma_start3A_797 : memref<10240x128xf32, #tpu.memory_space<vmem_shared>>) offsets(%dma_start3A_794 : memref<128xi32, #tpu.memory_space<vmem>>) semaphore(%arg16 : memref<!tpu.dma_semaphore, #tpu.memory_space<semaphore_mem>>) {add = true}
    }
    %scan3A_277 = arith.constant 18 : i32
    %dma_wait3A_278 = arith.constant 0 : i32
    %dma_wait3A_279 = arith.constant 0 : i32
    %dma_wait3A_280 = arith.constant 0 : i32
    %dma_wait3A_281 = arith.constant 0 : i32
    %dma_wait3A_282 = tpu.memref_slice %arg6[%dma_wait3A_279, %dma_wait3A_280, %dma_wait3A_281] : memref<4x2x128xi32, #tpu.memory_space<vmem>> -> memref<1x2x128xi32, #tpu.memory_space<vmem>>
    %dma_wait3A_283 = tpu.memref_squeeze %dma_wait3A_282 : memref<1x2x128xi32, #tpu.memory_space<vmem>> -> memref<2x128xi32, #tpu.memory_space<vmem>>
    %dma_wait3A_284 = arith.constant 0 : i32
    %dma_wait3A_285 = arith.constant 0 : i32
    %dma_wait3A_286 = tpu.memref_slice %arg3[%add3A, %dma_wait3A_278, %dma_wait3A_284, %dma_wait3A_285] : memref<32x80x2x128xi32, #tpu.memory_space<hbm>> -> memref<1x1x2x128xi32, #tpu.memory_space<hbm>>
    %dma_wait3A_287 = tpu.memref_squeeze %dma_wait3A_286 : memref<1x1x2x128xi32, #tpu.memory_space<hbm>> -> memref<2x128xi32, #tpu.memory_space<hbm>>
    %dma_wait3A_288 = arith.constant 0 : i32
    %dma_wait3A_289 = arith.constant 0 : i32
    %dma_wait3A_290 = tpu.memref_slice %arg6[%dma_wait3A_279, %dma_wait3A_288, %dma_wait3A_289] : memref<4x2x128xi32, #tpu.memory_space<vmem>> -> memref<1x2x128xi32, #tpu.memory_space<vmem>>
    %dma_wait3A_291 = tpu.memref_squeeze %dma_wait3A_290 : memref<1x2x128xi32, #tpu.memory_space<vmem>> -> memref<2x128xi32, #tpu.memory_space<vmem>>
    %dma_wait3A_292 = arith.constant 0 : i32
    %dma_wait3A_293 = arith.constant 0 : i32
    %dma_wait3A_294 = tpu.memref_slice %arg3[%add3A, %dma_wait3A_278, %dma_wait3A_292, %dma_wait3A_293] : memref<32x80x2x128xi32, #tpu.memory_space<hbm>> -> memref<1x1x2x128xi32, #tpu.memory_space<hbm>>
    %dma_wait3A_295 = tpu.memref_squeeze %dma_wait3A_294 : memref<1x1x2x128xi32, #tpu.memory_space<hbm>> -> memref<2x128xi32, #tpu.memory_space<hbm>>
    tpu.wait_dma2 semaphore(%arg10 : memref<!tpu.dma_semaphore, #tpu.memory_space<semaphore_mem>>) src(%dma_wait3A_295 : memref<2x128xi32, #tpu.memory_space<hbm>>) dst(%dma_wait3A_291 : memref<2x128xi32, #tpu.memory_space<vmem>>)
    %dma_wait3A_296 = arith.constant 0 : i32
    %dma_wait3A_297 = arith.constant 0 : i32
    %dma_wait3A_298 = tpu.memref_slice %arg2[%dma_wait3A_296, %dma_wait3A_297] : memref<10240x128xf32, #tpu.memory_space<hbm>> -> memref<128x128xf32, #tpu.memory_space<hbm>>
    %dma_wait3A_299 = arith.constant 0 : i32
    %dma_wait3A_300 = arith.constant 0 : i32
    %dma_wait3A_301 = tpu.memref_slice %arg2[%dma_wait3A_299, %dma_wait3A_300] : memref<10240x128xf32, #tpu.memory_space<hbm>> -> memref<128x128xf32, #tpu.memory_space<hbm>>
    tpu.wait_dma2 semaphore(%arg16 : memref<!tpu.dma_semaphore, #tpu.memory_space<semaphore_mem>>) src(%dma_wait3A_301 : memref<128x128xf32, #tpu.memory_space<hbm>>) dst(%arg7 : memref<128x128xf32, #tpu.memory_space<vmem>>)
    %dma_start3A_302 = arith.constant 0 : i32
    %dma_start3A_303 = arith.constant 0 : i32
    %dma_start3A_304 = arith.constant 0 : i32
    %dma_start3A_305 = tpu.memref_slice %arg6[%dma_start3A_302, %dma_start3A_303, %dma_start3A_304] : memref<4x2x128xi32, #tpu.memory_space<vmem>> -> memref<1x1x128xi32, #tpu.memory_space<vmem>>
    %dma_start3A_306 = tpu.memref_squeeze %dma_start3A_305 : memref<1x1x128xi32, #tpu.memory_space<vmem>> -> memref<128xi32, #tpu.memory_space<vmem>>
    %dma_start3A_307 = arith.constant 0 : i32
    %dma_start3A_308 = arith.constant 0 : i32
    %dma_start3A_309 = tpu.memref_slice %arg2[%dma_start3A_307, %dma_start3A_308] : memref<10240x128xf32, #tpu.memory_space<hbm>> -> memref<10240x128xf32, #tpu.memory_space<hbm>>
    tpu.enqueue_indirect_dma source(%dma_start3A_309 : memref<10240x128xf32, #tpu.memory_space<hbm>>) target(%arg7 : memref<128x128xf32, #tpu.memory_space<vmem>>) offsets(%dma_start3A_306 : memref<128xi32, #tpu.memory_space<vmem>>) semaphore(%arg14 : memref<!tpu.dma_semaphore, #tpu.memory_space<semaphore_mem>>)
    %dma_start3A_310 = arith.constant 78 : i32
    %dma_start3A_311 = arith.constant 2 : i32
    %dma_start3A_312 = arith.constant 0 : i32
    %dma_start3A_313 = arith.constant 0 : i32
    %dma_start3A_314 = tpu.memref_slice %arg6[%dma_start3A_311, %dma_start3A_312, %dma_start3A_313] : memref<4x2x128xi32, #tpu.memory_space<vmem>> -> memref<1x2x128xi32, #tpu.memory_space<vmem>>
    %dma_start3A_315 = tpu.memref_squeeze %dma_start3A_314 : memref<1x2x128xi32, #tpu.memory_space<vmem>> -> memref<2x128xi32, #tpu.memory_space<vmem>>
    %dma_start3A_316 = arith.constant 0 : i32
    %dma_start3A_317 = arith.constant 0 : i32
    %dma_start3A_318 = tpu.memref_slice %arg3[%add3A, %dma_start3A_310, %dma_start3A_316, %dma_start3A_317] : memref<32x80x2x128xi32, #tpu.memory_space<hbm>> -> memref<1x1x2x128xi32, #tpu.memory_space<hbm>>
    %dma_start3A_319 = tpu.memref_squeeze %dma_start3A_318 : memref<1x1x2x128xi32, #tpu.memory_space<hbm>> -> memref<2x128xi32, #tpu.memory_space<hbm>>
    %dma_start3A_320 = arith.constant 0 : i32
    %dma_start3A_321 = arith.constant 0 : i32
    %dma_start3A_322 = tpu.memref_slice %arg6[%dma_start3A_311, %dma_start3A_320, %dma_start3A_321] : memref<4x2x128xi32, #tpu.memory_space<vmem>> -> memref<1x2x128xi32, #tpu.memory_space<vmem>>
    %dma_start3A_323 = tpu.memref_squeeze %dma_start3A_322 : memref<1x2x128xi32, #tpu.memory_space<vmem>> -> memref<2x128xi32, #tpu.memory_space<vmem>>
    %dma_start3A_324 = arith.constant 0 : i32
    %dma_start3A_325 = arith.constant 0 : i32
    %dma_start3A_326 = tpu.memref_slice %arg3[%add3A, %dma_start3A_310, %dma_start3A_324, %dma_start3A_325] : memref<32x80x2x128xi32, #tpu.memory_space<hbm>> -> memref<1x1x2x128xi32, #tpu.memory_space<hbm>>
    %dma_start3A_327 = tpu.memref_squeeze %dma_start3A_326 : memref<1x1x2x128xi32, #tpu.memory_space<hbm>> -> memref<2x128xi32, #tpu.memory_space<hbm>>
    tpu.enqueue_dma source(%dma_start3A_327 : memref<2x128xi32, #tpu.memory_space<hbm>>) target(%dma_start3A_323 : memref<2x128xi32, #tpu.memory_space<vmem>>) target_semaphore(%arg12 : memref<!tpu.dma_semaphore, #tpu.memory_space<semaphore_mem>>)
    %dma_wait3A_328 = arith.constant 0 : i32
    %dma_wait3A_329 = arith.constant 0 : i32
    %dma_wait3A_330 = tpu.memref_slice %arg2[%dma_wait3A_328, %dma_wait3A_329] : memref<10240x128xf32, #tpu.memory_space<hbm>> -> memref<128x128xf32, #tpu.memory_space<hbm>>
    %dma_wait3A_331 = arith.constant 0 : i32
    %dma_wait3A_332 = arith.constant 0 : i32
    %dma_wait3A_333 = tpu.memref_slice %arg2[%dma_wait3A_331, %dma_wait3A_332] : memref<10240x128xf32, #tpu.memory_space<hbm>> -> memref<128x128xf32, #tpu.memory_space<hbm>>
    tpu.wait_dma2 semaphore(%arg15 : memref<!tpu.dma_semaphore, #tpu.memory_space<semaphore_mem>>) src(%dma_wait3A_333 : memref<128x128xf32, #tpu.memory_space<hbm>>) dst(%arg8 : memref<128x128xf32, #tpu.memory_space<vmem>>)
    %dma_start3A_334 = arith.constant 3 : i32
    %dma_start3A_335 = arith.constant 1 : i32
    %dma_start3A_336 = arith.constant 0 : i32
    %dma_start3A_337 = tpu.memref_slice %arg6[%dma_start3A_334, %dma_start3A_335, %dma_start3A_336] : memref<4x2x128xi32, #tpu.memory_space<vmem>> -> memref<1x1x128xi32, #tpu.memory_space<vmem>>
    %dma_start3A_338 = tpu.memref_squeeze %dma_start3A_337 : memref<1x1x128xi32, #tpu.memory_space<vmem>> -> memref<128xi32, #tpu.memory_space<vmem>>
    %dma_start3A_339 = arith.constant 0 : i32
    %dma_start3A_340 = arith.constant 0 : i32
    %dma_start3A_341 = tpu.memref_slice %arg9[%dma_start3A_339, %dma_start3A_340] : memref<10240x128xf32, #tpu.memory_space<vmem_shared>> -> memref<10240x128xf32, #tpu.memory_space<vmem_shared>>
    tpu.enqueue_indirect_dma source(%arg8 : memref<128x128xf32, #tpu.memory_space<vmem>>) target(%dma_start3A_341 : memref<10240x128xf32, #tpu.memory_space<vmem_shared>>) offsets(%dma_start3A_338 : memref<128xi32, #tpu.memory_space<vmem>>) semaphore(%arg17 : memref<!tpu.dma_semaphore, #tpu.memory_space<semaphore_mem>>) {add = true}
    %dma_wait3A_342 = arith.constant 0 : i32
    %dma_wait3A_343 = arith.constant 1 : i32
    %dma_wait3A_344 = arith.constant 0 : i32
    %dma_wait3A_345 = arith.constant 0 : i32
    %dma_wait3A_346 = tpu.memref_slice %arg6[%dma_wait3A_343, %dma_wait3A_344, %dma_wait3A_345] : memref<4x2x128xi32, #tpu.memory_space<vmem>> -> memref<1x2x128xi32, #tpu.memory_space<vmem>>
    %dma_wait3A_347 = tpu.memref_squeeze %dma_wait3A_346 : memref<1x2x128xi32, #tpu.memory_space<vmem>> -> memref<2x128xi32, #tpu.memory_space<vmem>>
    %dma_wait3A_348 = arith.constant 0 : i32
    %dma_wait3A_349 = arith.constant 0 : i32
    %dma_wait3A_350 = tpu.memref_slice %arg3[%add3A, %dma_wait3A_342, %dma_wait3A_348, %dma_wait3A_349] : memref<32x80x2x128xi32, #tpu.memory_space<hbm>> -> memref<1x1x2x128xi32, #tpu.memory_space<hbm>>
    %dma_wait3A_351 = tpu.memref_squeeze %dma_wait3A_350 : memref<1x1x2x128xi32, #tpu.memory_space<hbm>> -> memref<2x128xi32, #tpu.memory_space<hbm>>
    %dma_wait3A_352 = arith.constant 0 : i32
    %dma_wait3A_353 = arith.constant 0 : i32
    %dma_wait3A_354 = tpu.memref_slice %arg6[%dma_wait3A_343, %dma_wait3A_352, %dma_wait3A_353] : memref<4x2x128xi32, #tpu.memory_space<vmem>> -> memref<1x2x128xi32, #tpu.memory_space<vmem>>
    %dma_wait3A_355 = tpu.memref_squeeze %dma_wait3A_354 : memref<1x2x128xi32, #tpu.memory_space<vmem>> -> memref<2x128xi32, #tpu.memory_space<vmem>>
    %dma_wait3A_356 = arith.constant 0 : i32
    %dma_wait3A_357 = arith.constant 0 : i32
    %dma_wait3A_358 = tpu.memref_slice %arg3[%add3A, %dma_wait3A_342, %dma_wait3A_356, %dma_wait3A_357] : memref<32x80x2x128xi32, #tpu.memory_space<hbm>> -> memref<1x1x2x128xi32, #tpu.memory_space<hbm>>
    %dma_wait3A_359 = tpu.memref_squeeze %dma_wait3A_358 : memref<1x1x2x128xi32, #tpu.memory_space<hbm>> -> memref<2x128xi32, #tpu.memory_space<hbm>>
    tpu.wait_dma2 semaphore(%arg11 : memref<!tpu.dma_semaphore, #tpu.memory_space<semaphore_mem>>) src(%dma_wait3A_359 : memref<2x128xi32, #tpu.memory_space<hbm>>) dst(%dma_wait3A_355 : memref<2x128xi32, #tpu.memory_space<vmem>>)
    %dma_wait3A_360 = arith.constant 0 : i32
    %dma_wait3A_361 = arith.constant 0 : i32
    %dma_wait3A_362 = tpu.memref_slice %arg2[%dma_wait3A_360, %dma_wait3A_361] : memref<10240x128xf32, #tpu.memory_space<hbm>> -> memref<128x128xf32, #tpu.memory_space<hbm>>
    %dma_wait3A_363 = arith.constant 0 : i32
    %dma_wait3A_364 = arith.constant 0 : i32
    %dma_wait3A_365 = tpu.memref_slice %arg2[%dma_wait3A_363, %dma_wait3A_364] : memref<10240x128xf32, #tpu.memory_space<hbm>> -> memref<128x128xf32, #tpu.memory_space<hbm>>
    tpu.wait_dma2 semaphore(%arg17 : memref<!tpu.dma_semaphore, #tpu.memory_space<semaphore_mem>>) src(%dma_wait3A_365 : memref<128x128xf32, #tpu.memory_space<hbm>>) dst(%arg8 : memref<128x128xf32, #tpu.memory_space<vmem>>)
    %dma_start3A_366 = arith.constant 1 : i32
    %dma_start3A_367 = arith.constant 0 : i32
    %dma_start3A_368 = arith.constant 0 : i32
    %dma_start3A_369 = tpu.memref_slice %arg6[%dma_start3A_366, %dma_start3A_367, %dma_start3A_368] : memref<4x2x128xi32, #tpu.memory_space<vmem>> -> memref<1x1x128xi32, #tpu.memory_space<vmem>>
    %dma_start3A_370 = tpu.memref_squeeze %dma_start3A_369 : memref<1x1x128xi32, #tpu.memory_space<vmem>> -> memref<128xi32, #tpu.memory_space<vmem>>
    %dma_start3A_371 = arith.constant 0 : i32
    %dma_start3A_372 = arith.constant 0 : i32
    %dma_start3A_373 = tpu.memref_slice %arg2[%dma_start3A_371, %dma_start3A_372] : memref<10240x128xf32, #tpu.memory_space<hbm>> -> memref<10240x128xf32, #tpu.memory_space<hbm>>
    tpu.enqueue_indirect_dma source(%dma_start3A_373 : memref<10240x128xf32, #tpu.memory_space<hbm>>) target(%arg8 : memref<128x128xf32, #tpu.memory_space<vmem>>) offsets(%dma_start3A_370 : memref<128xi32, #tpu.memory_space<vmem>>) semaphore(%arg15 : memref<!tpu.dma_semaphore, #tpu.memory_space<semaphore_mem>>)
    %dma_start3A_374 = arith.constant 79 : i32
    %dma_start3A_375 = arith.constant 3 : i32
    %dma_start3A_376 = arith.constant 0 : i32
    %dma_start3A_377 = arith.constant 0 : i32
    %dma_start3A_378 = tpu.memref_slice %arg6[%dma_start3A_375, %dma_start3A_376, %dma_start3A_377] : memref<4x2x128xi32, #tpu.memory_space<vmem>> -> memref<1x2x128xi32, #tpu.memory_space<vmem>>
    %dma_start3A_379 = tpu.memref_squeeze %dma_start3A_378 : memref<1x2x128xi32, #tpu.memory_space<vmem>> -> memref<2x128xi32, #tpu.memory_space<vmem>>
    %dma_start3A_380 = arith.constant 0 : i32
    %dma_start3A_381 = arith.constant 0 : i32
    %dma_start3A_382 = tpu.memref_slice %arg3[%add3A, %dma_start3A_374, %dma_start3A_380, %dma_start3A_381] : memref<32x80x2x128xi32, #tpu.memory_space<hbm>> -> memref<1x1x2x128xi32, #tpu.memory_space<hbm>>
    %dma_start3A_383 = tpu.memref_squeeze %dma_start3A_382 : memref<1x1x2x128xi32, #tpu.memory_space<hbm>> -> memref<2x128xi32, #tpu.memory_space<hbm>>
    %dma_start3A_384 = arith.constant 0 : i32
    %dma_start3A_385 = arith.constant 0 : i32
    %dma_start3A_386 = tpu.memref_slice %arg6[%dma_start3A_375, %dma_start3A_384, %dma_start3A_385] : memref<4x2x128xi32, #tpu.memory_space<vmem>> -> memref<1x2x128xi32, #tpu.memory_space<vmem>>
    %dma_start3A_387 = tpu.memref_squeeze %dma_start3A_386 : memref<1x2x128xi32, #tpu.memory_space<vmem>> -> memref<2x128xi32, #tpu.memory_space<vmem>>
    %dma_start3A_388 = arith.constant 0 : i32
    %dma_start3A_389 = arith.constant 0 : i32
    %dma_start3A_390 = tpu.memref_slice %arg3[%add3A, %dma_start3A_374, %dma_start3A_388, %dma_start3A_389] : memref<32x80x2x128xi32, #tpu.memory_space<hbm>> -> memref<1x1x2x128xi32, #tpu.memory_space<hbm>>
    %dma_start3A_391 = tpu.memref_squeeze %dma_start3A_390 : memref<1x1x2x128xi32, #tpu.memory_space<hbm>> -> memref<2x128xi32, #tpu.memory_space<hbm>>
    tpu.enqueue_dma source(%dma_start3A_391 : memref<2x128xi32, #tpu.memory_space<hbm>>) target(%dma_start3A_387 : memref<2x128xi32, #tpu.memory_space<vmem>>) target_semaphore(%arg13 : memref<!tpu.dma_semaphore, #tpu.memory_space<semaphore_mem>>)
    %dma_wait3A_392 = arith.constant 0 : i32
    %dma_wait3A_393 = arith.constant 0 : i32
    %dma_wait3A_394 = tpu.memref_slice %arg2[%dma_wait3A_392, %dma_wait3A_393] : memref<10240x128xf32, #tpu.memory_space<hbm>> -> memref<128x128xf32, #tpu.memory_space<hbm>>
    %dma_wait3A_395 = arith.constant 0 : i32
    %dma_wait3A_396 = arith.constant 0 : i32
    %dma_wait3A_397 = tpu.memref_slice %arg2[%dma_wait3A_395, %dma_wait3A_396] : memref<10240x128xf32, #tpu.memory_space<hbm>> -> memref<128x128xf32, #tpu.memory_space<hbm>>
    tpu.wait_dma2 semaphore(%arg14 : memref<!tpu.dma_semaphore, #tpu.memory_space<semaphore_mem>>) src(%dma_wait3A_397 : memref<128x128xf32, #tpu.memory_space<hbm>>) dst(%arg7 : memref<128x128xf32, #tpu.memory_space<vmem>>)
    %dma_start3A_398 = arith.constant 0 : i32
    %dma_start3A_399 = arith.constant 1 : i32
    %dma_start3A_400 = arith.constant 0 : i32
    %dma_start3A_401 = tpu.memref_slice %arg6[%dma_start3A_398, %dma_start3A_399, %dma_start3A_400] : memref<4x2x128xi32, #tpu.memory_space<vmem>> -> memref<1x1x128xi32, #tpu.memory_space<vmem>>
    %dma_start3A_402 = tpu.memref_squeeze %dma_start3A_401 : memref<1x1x128xi32, #tpu.memory_space<vmem>> -> memref<128xi32, #tpu.memory_space<vmem>>
    %dma_start3A_403 = arith.constant 0 : i32
    %dma_start3A_404 = arith.constant 0 : i32
    %dma_start3A_405 = tpu.memref_slice %arg9[%dma_start3A_403, %dma_start3A_404] : memref<10240x128xf32, #tpu.memory_space<vmem_shared>> -> memref<10240x128xf32, #tpu.memory_space<vmem_shared>>
    tpu.enqueue_indirect_dma source(%arg7 : memref<128x128xf32, #tpu.memory_space<vmem>>) target(%dma_start3A_405 : memref<10240x128xf32, #tpu.memory_space<vmem_shared>>) offsets(%dma_start3A_402 : memref<128xi32, #tpu.memory_space<vmem>>) semaphore(%arg16 : memref<!tpu.dma_semaphore, #tpu.memory_space<semaphore_mem>>) {add = true}
    %dma_wait3A_406 = arith.constant 0 : i32
    %dma_wait3A_407 = arith.constant 2 : i32
    %dma_wait3A_408 = arith.constant 0 : i32
    %dma_wait3A_409 = arith.constant 0 : i32
    %dma_wait3A_410 = tpu.memref_slice %arg6[%dma_wait3A_407, %dma_wait3A_408, %dma_wait3A_409] : memref<4x2x128xi32, #tpu.memory_space<vmem>> -> memref<1x2x128xi32, #tpu.memory_space<vmem>>
    %dma_wait3A_411 = tpu.memref_squeeze %dma_wait3A_410 : memref<1x2x128xi32, #tpu.memory_space<vmem>> -> memref<2x128xi32, #tpu.memory_space<vmem>>
    %dma_wait3A_412 = arith.constant 0 : i32
    %dma_wait3A_413 = arith.constant 0 : i32
    %dma_wait3A_414 = tpu.memref_slice %arg3[%add3A, %dma_wait3A_406, %dma_wait3A_412, %dma_wait3A_413] : memref<32x80x2x128xi32, #tpu.memory_space<hbm>> -> memref<1x1x2x128xi32, #tpu.memory_space<hbm>>
    %dma_wait3A_415 = tpu.memref_squeeze %dma_wait3A_414 : memref<1x1x2x128xi32, #tpu.memory_space<hbm>> -> memref<2x128xi32, #tpu.memory_space<hbm>>
    %dma_wait3A_416 = arith.constant 0 : i32
    %dma_wait3A_417 = arith.constant 0 : i32
    %dma_wait3A_418 = tpu.memref_slice %arg6[%dma_wait3A_407, %dma_wait3A_416, %dma_wait3A_417] : memref<4x2x128xi32, #tpu.memory_space<vmem>> -> memref<1x2x128xi32, #tpu.memory_space<vmem>>
    %dma_wait3A_419 = tpu.memref_squeeze %dma_wait3A_418 : memref<1x2x128xi32, #tpu.memory_space<vmem>> -> memref<2x128xi32, #tpu.memory_space<vmem>>
    %dma_wait3A_420 = arith.constant 0 : i32
    %dma_wait3A_421 = arith.constant 0 : i32
    %dma_wait3A_422 = tpu.memref_slice %arg3[%add3A, %dma_wait3A_406, %dma_wait3A_420, %dma_wait3A_421] : memref<32x80x2x128xi32, #tpu.memory_space<hbm>> -> memref<1x1x2x128xi32, #tpu.memory_space<hbm>>
    %dma_wait3A_423 = tpu.memref_squeeze %dma_wait3A_422 : memref<1x1x2x128xi32, #tpu.memory_space<hbm>> -> memref<2x128xi32, #tpu.memory_space<hbm>>
    tpu.wait_dma2 semaphore(%arg12 : memref<!tpu.dma_semaphore, #tpu.memory_space<semaphore_mem>>) src(%dma_wait3A_423 : memref<2x128xi32, #tpu.memory_space<hbm>>) dst(%dma_wait3A_419 : memref<2x128xi32, #tpu.memory_space<vmem>>)
    %dma_wait3A_424 = arith.constant 0 : i32
    %dma_wait3A_425 = arith.constant 0 : i32
    %dma_wait3A_426 = tpu.memref_slice %arg2[%dma_wait3A_424, %dma_wait3A_425] : memref<10240x128xf32, #tpu.memory_space<hbm>> -> memref<128x128xf32, #tpu.memory_space<hbm>>
    %dma_wait3A_427 = arith.constant 0 : i32
    %dma_wait3A_428 = arith.constant 0 : i32
    %dma_wait3A_429 = tpu.memref_slice %arg2[%dma_wait3A_427, %dma_wait3A_428] : memref<10240x128xf32, #tpu.memory_space<hbm>> -> memref<128x128xf32, #tpu.memory_space<hbm>>
    tpu.wait_dma2 semaphore(%arg16 : memref<!tpu.dma_semaphore, #tpu.memory_space<semaphore_mem>>) src(%dma_wait3A_429 : memref<128x128xf32, #tpu.memory_space<hbm>>) dst(%arg7 : memref<128x128xf32, #tpu.memory_space<vmem>>)
    %dma_start3A_430 = arith.constant 2 : i32
    %dma_start3A_431 = arith.constant 0 : i32
    %dma_start3A_432 = arith.constant 0 : i32
    %dma_start3A_433 = tpu.memref_slice %arg6[%dma_start3A_430, %dma_start3A_431, %dma_start3A_432] : memref<4x2x128xi32, #tpu.memory_space<vmem>> -> memref<1x1x128xi32, #tpu.memory_space<vmem>>
    %dma_start3A_434 = tpu.memref_squeeze %dma_start3A_433 : memref<1x1x128xi32, #tpu.memory_space<vmem>> -> memref<128xi32, #tpu.memory_space<vmem>>
    %dma_start3A_435 = arith.constant 0 : i32
    %dma_start3A_436 = arith.constant 0 : i32
    %dma_start3A_437 = tpu.memref_slice %arg2[%dma_start3A_435, %dma_start3A_436] : memref<10240x128xf32, #tpu.memory_space<hbm>> -> memref<10240x128xf32, #tpu.memory_space<hbm>>
    tpu.enqueue_indirect_dma source(%dma_start3A_437 : memref<10240x128xf32, #tpu.memory_space<hbm>>) target(%arg7 : memref<128x128xf32, #tpu.memory_space<vmem>>) offsets(%dma_start3A_434 : memref<128xi32, #tpu.memory_space<vmem>>) semaphore(%arg14 : memref<!tpu.dma_semaphore, #tpu.memory_space<semaphore_mem>>)
    %dma_wait3A_438 = arith.constant 0 : i32
    %dma_wait3A_439 = arith.constant 0 : i32
    %dma_wait3A_440 = tpu.memref_slice %arg2[%dma_wait3A_438, %dma_wait3A_439] : memref<10240x128xf32, #tpu.memory_space<hbm>> -> memref<128x128xf32, #tpu.memory_space<hbm>>
    %dma_wait3A_441 = arith.constant 0 : i32
    %dma_wait3A_442 = arith.constant 0 : i32
    %dma_wait3A_443 = tpu.memref_slice %arg2[%dma_wait3A_441, %dma_wait3A_442] : memref<10240x128xf32, #tpu.memory_space<hbm>> -> memref<128x128xf32, #tpu.memory_space<hbm>>
    tpu.wait_dma2 semaphore(%arg15 : memref<!tpu.dma_semaphore, #tpu.memory_space<semaphore_mem>>) src(%dma_wait3A_443 : memref<128x128xf32, #tpu.memory_space<hbm>>) dst(%arg8 : memref<128x128xf32, #tpu.memory_space<vmem>>)
    %dma_start3A_444 = arith.constant 1 : i32
    %dma_start3A_445 = arith.constant 1 : i32
    %dma_start3A_446 = arith.constant 0 : i32
    %dma_start3A_447 = tpu.memref_slice %arg6[%dma_start3A_444, %dma_start3A_445, %dma_start3A_446] : memref<4x2x128xi32, #tpu.memory_space<vmem>> -> memref<1x1x128xi32, #tpu.memory_space<vmem>>
    %dma_start3A_448 = tpu.memref_squeeze %dma_start3A_447 : memref<1x1x128xi32, #tpu.memory_space<vmem>> -> memref<128xi32, #tpu.memory_space<vmem>>
    %dma_start3A_449 = arith.constant 0 : i32
    %dma_start3A_450 = arith.constant 0 : i32
    %dma_start3A_451 = tpu.memref_slice %arg9[%dma_start3A_449, %dma_start3A_450] : memref<10240x128xf32, #tpu.memory_space<vmem_shared>> -> memref<10240x128xf32, #tpu.memory_space<vmem_shared>>
    tpu.enqueue_indirect_dma source(%arg8 : memref<128x128xf32, #tpu.memory_space<vmem>>) target(%dma_start3A_451 : memref<10240x128xf32, #tpu.memory_space<vmem_shared>>) offsets(%dma_start3A_448 : memref<128xi32, #tpu.memory_space<vmem>>) semaphore(%arg17 : memref<!tpu.dma_semaphore, #tpu.memory_space<semaphore_mem>>) {add = true}
    %dma_wait3A_452 = arith.constant 0 : i32
    %dma_wait3A_453 = arith.constant 3 : i32
    %dma_wait3A_454 = arith.constant 0 : i32
    %dma_wait3A_455 = arith.constant 0 : i32
    %dma_wait3A_456 = tpu.memref_slice %arg6[%dma_wait3A_453, %dma_wait3A_454, %dma_wait3A_455] : memref<4x2x128xi32, #tpu.memory_space<vmem>> -> memref<1x2x128xi32, #tpu.memory_space<vmem>>
    %dma_wait3A_457 = tpu.memref_squeeze %dma_wait3A_456 : memref<1x2x128xi32, #tpu.memory_space<vmem>> -> memref<2x128xi32, #tpu.memory_space<vmem>>
    %dma_wait3A_458 = arith.constant 0 : i32
    %dma_wait3A_459 = arith.constant 0 : i32
    %dma_wait3A_460 = tpu.memref_slice %arg3[%add3A, %dma_wait3A_452, %dma_wait3A_458, %dma_wait3A_459] : memref<32x80x2x128xi32, #tpu.memory_space<hbm>> -> memref<1x1x2x128xi32, #tpu.memory_space<hbm>>
    %dma_wait3A_461 = tpu.memref_squeeze %dma_wait3A_460 : memref<1x1x2x128xi32, #tpu.memory_space<hbm>> -> memref<2x128xi32, #tpu.memory_space<hbm>>
    %dma_wait3A_462 = arith.constant 0 : i32
    %dma_wait3A_463 = arith.constant 0 : i32
    %dma_wait3A_464 = tpu.memref_slice %arg6[%dma_wait3A_453, %dma_wait3A_462, %dma_wait3A_463] : memref<4x2x128xi32, #tpu.memory_space<vmem>> -> memref<1x2x128xi32, #tpu.memory_space<vmem>>
    %dma_wait3A_465 = tpu.memref_squeeze %dma_wait3A_464 : memref<1x2x128xi32, #tpu.memory_space<vmem>> -> memref<2x128xi32, #tpu.memory_space<vmem>>
    %dma_wait3A_466 = arith.constant 0 : i32
    %dma_wait3A_467 = arith.constant 0 : i32
    %dma_wait3A_468 = tpu.memref_slice %arg3[%add3A, %dma_wait3A_452, %dma_wait3A_466, %dma_wait3A_467] : memref<32x80x2x128xi32, #tpu.memory_space<hbm>> -> memref<1x1x2x128xi32, #tpu.memory_space<hbm>>
    %dma_wait3A_469 = tpu.memref_squeeze %dma_wait3A_468 : memref<1x1x2x128xi32, #tpu.memory_space<hbm>> -> memref<2x128xi32, #tpu.memory_space<hbm>>
    tpu.wait_dma2 semaphore(%arg13 : memref<!tpu.dma_semaphore, #tpu.memory_space<semaphore_mem>>) src(%dma_wait3A_469 : memref<2x128xi32, #tpu.memory_space<hbm>>) dst(%dma_wait3A_465 : memref<2x128xi32, #tpu.memory_space<vmem>>)
    %dma_wait3A_470 = arith.constant 0 : i32
    %dma_wait3A_471 = arith.constant 0 : i32
    %dma_wait3A_472 = tpu.memref_slice %arg2[%dma_wait3A_470, %dma_wait3A_471] : memref<10240x128xf32, #tpu.memory_space<hbm>> -> memref<128x128xf32, #tpu.memory_space<hbm>>
    %dma_wait3A_473 = arith.constant 0 : i32
    %dma_wait3A_474 = arith.constant 0 : i32
    %dma_wait3A_475 = tpu.memref_slice %arg2[%dma_wait3A_473, %dma_wait3A_474] : memref<10240x128xf32, #tpu.memory_space<hbm>> -> memref<128x128xf32, #tpu.memory_space<hbm>>
    tpu.wait_dma2 semaphore(%arg17 : memref<!tpu.dma_semaphore, #tpu.memory_space<semaphore_mem>>) src(%dma_wait3A_475 : memref<128x128xf32, #tpu.memory_space<hbm>>) dst(%arg8 : memref<128x128xf32, #tpu.memory_space<vmem>>)
    %dma_start3A_476 = arith.constant 3 : i32
    %dma_start3A_477 = arith.constant 0 : i32
    %dma_start3A_478 = arith.constant 0 : i32
    %dma_start3A_479 = tpu.memref_slice %arg6[%dma_start3A_476, %dma_start3A_477, %dma_start3A_478] : memref<4x2x128xi32, #tpu.memory_space<vmem>> -> memref<1x1x128xi32, #tpu.memory_space<vmem>>
    %dma_start3A_480 = tpu.memref_squeeze %dma_start3A_479 : memref<1x1x128xi32, #tpu.memory_space<vmem>> -> memref<128xi32, #tpu.memory_space<vmem>>
    %dma_start3A_481 = arith.constant 0 : i32
    %dma_start3A_482 = arith.constant 0 : i32
    %dma_start3A_483 = tpu.memref_slice %arg2[%dma_start3A_481, %dma_start3A_482] : memref<10240x128xf32, #tpu.memory_space<hbm>> -> memref<10240x128xf32, #tpu.memory_space<hbm>>
    tpu.enqueue_indirect_dma source(%dma_start3A_483 : memref<10240x128xf32, #tpu.memory_space<hbm>>) target(%arg8 : memref<128x128xf32, #tpu.memory_space<vmem>>) offsets(%dma_start3A_480 : memref<128xi32, #tpu.memory_space<vmem>>) semaphore(%arg15 : memref<!tpu.dma_semaphore, #tpu.memory_space<semaphore_mem>>)
    %dma_wait3A_484 = arith.constant 0 : i32
    %dma_wait3A_485 = arith.constant 0 : i32
    %dma_wait3A_486 = tpu.memref_slice %arg2[%dma_wait3A_484, %dma_wait3A_485] : memref<10240x128xf32, #tpu.memory_space<hbm>> -> memref<128x128xf32, #tpu.memory_space<hbm>>
    %dma_wait3A_487 = arith.constant 0 : i32
    %dma_wait3A_488 = arith.constant 0 : i32
    %dma_wait3A_489 = tpu.memref_slice %arg2[%dma_wait3A_487, %dma_wait3A_488] : memref<10240x128xf32, #tpu.memory_space<hbm>> -> memref<128x128xf32, #tpu.memory_space<hbm>>
    tpu.wait_dma2 semaphore(%arg14 : memref<!tpu.dma_semaphore, #tpu.memory_space<semaphore_mem>>) src(%dma_wait3A_489 : memref<128x128xf32, #tpu.memory_space<hbm>>) dst(%arg7 : memref<128x128xf32, #tpu.memory_space<vmem>>)
    %dma_start3A_490 = arith.constant 2 : i32
    %dma_start3A_491 = arith.constant 1 : i32
    %dma_start3A_492 = arith.constant 0 : i32
    %dma_start3A_493 = tpu.memref_slice %arg6[%dma_start3A_490, %dma_start3A_491, %dma_start3A_492] : memref<4x2x128xi32, #tpu.memory_space<vmem>> -> memref<1x1x128xi32, #tpu.memory_space<vmem>>
    %dma_start3A_494 = tpu.memref_squeeze %dma_start3A_493 : memref<1x1x128xi32, #tpu.memory_space<vmem>> -> memref<128xi32, #tpu.memory_space<vmem>>
    %dma_start3A_495 = arith.constant 0 : i32
    %dma_start3A_496 = arith.constant 0 : i32
    %dma_start3A_497 = tpu.memref_slice %arg9[%dma_start3A_495, %dma_start3A_496] : memref<10240x128xf32, #tpu.memory_space<vmem_shared>> -> memref<10240x128xf32, #tpu.memory_space<vmem_shared>>
    tpu.enqueue_indirect_dma source(%arg7 : memref<128x128xf32, #tpu.memory_space<vmem>>) target(%dma_start3A_497 : memref<10240x128xf32, #tpu.memory_space<vmem_shared>>) offsets(%dma_start3A_494 : memref<128xi32, #tpu.memory_space<vmem>>) semaphore(%arg16 : memref<!tpu.dma_semaphore, #tpu.memory_space<semaphore_mem>>) {add = true}
    %dma_wait3A_498 = arith.constant 0 : i32
    %dma_wait3A_499 = arith.constant 0 : i32
    %dma_wait3A_500 = tpu.memref_slice %arg2[%dma_wait3A_498, %dma_wait3A_499] : memref<10240x128xf32, #tpu.memory_space<hbm>> -> memref<128x128xf32, #tpu.memory_space<hbm>>
    %dma_wait3A_501 = arith.constant 0 : i32
    %dma_wait3A_502 = arith.constant 0 : i32
    %dma_wait3A_503 = tpu.memref_slice %arg2[%dma_wait3A_501, %dma_wait3A_502] : memref<10240x128xf32, #tpu.memory_space<hbm>> -> memref<128x128xf32, #tpu.memory_space<hbm>>
    tpu.wait_dma2 semaphore(%arg15 : memref<!tpu.dma_semaphore, #tpu.memory_space<semaphore_mem>>) src(%dma_wait3A_503 : memref<128x128xf32, #tpu.memory_space<hbm>>) dst(%arg8 : memref<128x128xf32, #tpu.memory_space<vmem>>)
    %dma_start3A_504 = arith.constant 3 : i32
    %dma_start3A_505 = arith.constant 1 : i32
    %dma_start3A_506 = arith.constant 0 : i32
    %dma_start3A_507 = tpu.memref_slice %arg6[%dma_start3A_504, %dma_start3A_505, %dma_start3A_506] : memref<4x2x128xi32, #tpu.memory_space<vmem>> -> memref<1x1x128xi32, #tpu.memory_space<vmem>>
    %dma_start3A_508 = tpu.memref_squeeze %dma_start3A_507 : memref<1x1x128xi32, #tpu.memory_space<vmem>> -> memref<128xi32, #tpu.memory_space<vmem>>
    %dma_start3A_509 = arith.constant 0 : i32
    %dma_start3A_510 = arith.constant 0 : i32
    %dma_start3A_511 = tpu.memref_slice %arg9[%dma_start3A_509, %dma_start3A_510] : memref<10240x128xf32, #tpu.memory_space<vmem_shared>> -> memref<10240x128xf32, #tpu.memory_space<vmem_shared>>
    tpu.enqueue_indirect_dma source(%arg8 : memref<128x128xf32, #tpu.memory_space<vmem>>) target(%dma_start3A_511 : memref<10240x128xf32, #tpu.memory_space<vmem_shared>>) offsets(%dma_start3A_508 : memref<128xi32, #tpu.memory_space<vmem>>) semaphore(%arg17 : memref<!tpu.dma_semaphore, #tpu.memory_space<semaphore_mem>>) {add = true}
    %dma_wait3A_512 = arith.constant 0 : i32
    %dma_wait3A_513 = arith.constant 0 : i32
    %dma_wait3A_514 = tpu.memref_slice %arg2[%dma_wait3A_512, %dma_wait3A_513] : memref<10240x128xf32, #tpu.memory_space<hbm>> -> memref<128x128xf32, #tpu.memory_space<hbm>>
    %dma_wait3A_515 = arith.constant 0 : i32
    %dma_wait3A_516 = arith.constant 0 : i32
    %dma_wait3A_517 = tpu.memref_slice %arg2[%dma_wait3A_515, %dma_wait3A_516] : memref<10240x128xf32, #tpu.memory_space<hbm>> -> memref<128x128xf32, #tpu.memory_space<hbm>>
    tpu.wait_dma2 semaphore(%arg16 : memref<!tpu.dma_semaphore, #tpu.memory_space<semaphore_mem>>) src(%dma_wait3A_517 : memref<128x128xf32, #tpu.memory_space<hbm>>) dst(%arg7 : memref<128x128xf32, #tpu.memory_space<vmem>>)
    %dma_wait3A_518 = arith.constant 0 : i32
    %dma_wait3A_519 = arith.constant 0 : i32
    %dma_wait3A_520 = tpu.memref_slice %arg2[%dma_wait3A_518, %dma_wait3A_519] : memref<10240x128xf32, #tpu.memory_space<hbm>> -> memref<128x128xf32, #tpu.memory_space<hbm>>
    %dma_wait3A_521 = arith.constant 0 : i32
    %dma_wait3A_522 = arith.constant 0 : i32
    %dma_wait3A_523 = tpu.memref_slice %arg2[%dma_wait3A_521, %dma_wait3A_522] : memref<10240x128xf32, #tpu.memory_space<hbm>> -> memref<128x128xf32, #tpu.memory_space<hbm>>
    tpu.wait_dma2 semaphore(%arg17 : memref<!tpu.dma_semaphore, #tpu.memory_space<semaphore_mem>>) src(%dma_wait3A_523 : memref<128x128xf32, #tpu.memory_space<hbm>>) dst(%arg8 : memref<128x128xf32, #tpu.memory_space<vmem>>)
    %barrier3A_524 = arith.constant 0 : index
    tpu.barrier barrier_id(%barrier3A_524)
    "tpu.region"() ({
      %run_scoped3A = tpu.sem_alloc : memref<!tpu.dma_semaphore, #tpu.memory_space<semaphore_mem>>
      %dma_start3A_525 = arith.constant 0 : i32
      %dma_start3A_526 = tpu.memref_slice %arg5[%arg0, %mul3A_2, %dma_start3A_525] : memref<2x10240x128xf32, #tpu.memory_space<hbm>> -> memref<1x640x128xf32, #tpu.memory_space<hbm>>
      %dma_start3A_527 = tpu.memref_squeeze %dma_start3A_526 : memref<1x640x128xf32, #tpu.memory_space<hbm>> -> memref<640x128xf32, #tpu.memory_space<hbm>>
      %dma_start3A_528 = arith.constant 0 : i32
      %dma_start3A_529 = tpu.memref_slice %arg9[%mul3A_2, %dma_start3A_528] : memref<10240x128xf32, #tpu.memory_space<vmem_shared>> -> memref<640x128xf32, #tpu.memory_space<vmem_shared>>
      tpu.enqueue_dma source(%dma_start3A_529 : memref<640x128xf32, #tpu.memory_space<vmem_shared>>) target(%dma_start3A_527 : memref<640x128xf32, #tpu.memory_space<hbm>>) target_semaphore(%run_scoped3A : memref<!tpu.dma_semaphore, #tpu.memory_space<semaphore_mem>>)
      %dma_wait3A_530 = arith.constant 0 : i32
      %dma_wait3A_531 = tpu.memref_slice %arg5[%arg0, %mul3A_2, %dma_wait3A_530] : memref<2x10240x128xf32, #tpu.memory_space<hbm>> -> memref<1x640x128xf32, #tpu.memory_space<hbm>>
      %dma_wait3A_532 = tpu.memref_squeeze %dma_wait3A_531 : memref<1x640x128xf32, #tpu.memory_space<hbm>> -> memref<640x128xf32, #tpu.memory_space<hbm>>
      %dma_wait3A_533 = arith.constant 0 : i32
      %dma_wait3A_534 = tpu.memref_slice %arg9[%mul3A_2, %dma_wait3A_533] : memref<10240x128xf32, #tpu.memory_space<vmem_shared>> -> memref<640x128xf32, #tpu.memory_space<vmem_shared>>
      tpu.wait_dma2 semaphore(%run_scoped3A : memref<!tpu.dma_semaphore, #tpu.memory_space<semaphore_mem>>) src(%dma_wait3A_534 : memref<640x128xf32, #tpu.memory_space<vmem_shared>>) dst(%dma_wait3A_532 : memref<640x128xf32, #tpu.memory_space<hbm>>)
      tpu.yield
    }) : () -> ()
    return
  }
}

#map = affine_map<(d0, d1) -> (0, 0)>
#map1 = affine_map<(d0, d1) -> (0, 0, 0, 0)>
#map2 = affine_map<(d0, d1) -> (0, 0, 0)>
module attributes {stable_mosaic.version = 14 : i64} {
  func.func @_sc_hop_body(%arg0: i32, %arg1: i32, %arg2: memref<10240x128xf32, #tpu.memory_space<hbm>>, %arg3: memref<32x80x2x128xi32, #tpu.memory_space<hbm>>, %arg4: memref<640x128xf32, #tpu.memory_space<hbm>>, %arg5: memref<2x10240x128xf32, #tpu.memory_space<hbm>>, %arg6: memref<4x2x128xi32, #tpu.memory_space<vmem>>, %arg7: memref<128x128xf32, #tpu.memory_space<vmem>>, %arg8: memref<128x128xf32, #tpu.memory_space<vmem>>, %arg9: memref<10240x128xf32, #tpu.memory_space<vmem_shared>>, %arg10: memref<!tpu.dma_semaphore, #tpu.memory_space<semaphore_mem>>, %arg11: memref<!tpu.dma_semaphore, #tpu.memory_space<semaphore_mem>>, %arg12: memref<!tpu.dma_semaphore, #tpu.memory_space<semaphore_mem>>, %arg13: memref<!tpu.dma_semaphore, #tpu.memory_space<semaphore_mem>>, %arg14: memref<!tpu.dma_semaphore, #tpu.memory_space<semaphore_mem>>, %arg15: memref<!tpu.dma_semaphore, #tpu.memory_space<semaphore_mem>>, %arg16: memref<!tpu.dma_semaphore, #tpu.memory_space<semaphore_mem>>, %arg17: memref<!tpu.dma_semaphore, #tpu.memory_space<semaphore_mem>>) attributes {dimension_semantics = [#tpu.dimension_semantics<core_parallel>, #tpu.dimension_semantics<subcore_parallel>], iteration_bounds = array<i64: 2, 16>, scalar_prefetch = 0 : i64, scratch_operands = 12 : i64, tpu.core_type = #tpu.core_type<sc_vector_subcore>, window_params = [{transform_indices = #map}, {transform_indices = #map1}, {transform_indices = #map}, {transform_indices = #map2}]} {
    %mul3A = arith.constant 16 : i32
    %mul3A_0 = arith.muli %arg0, %mul3A : i32
    %add3A = arith.addi %mul3A_0, %arg1 : i32
    %mul3A_1 = arith.constant 640 : i32
    %mul3A_2 = arith.muli %arg1, %mul3A_1 : i32
    %eq3A = arith.constant 0 : i32
    %eq3A_3 = arith.cmpi eq, %arg0, %eq3A : i32
    %convert_element_type3A = arith.extui %eq3A_3 : i1 to i32
    %cond3A = arith.constant 0 : i32
    %cond3A_4 = arith.cmpi ne, %convert_element_type3A, %cond3A : i32
    scf.if %cond3A_4 {
      "tpu.region"() ({
        %run_scoped3A = tpu.sem_alloc : memref<!tpu.dma_semaphore, #tpu.memory_space<semaphore_mem>>
        %dma_start3A_525 = arith.constant 0 : i32
        %dma_start3A_526 = tpu.memref_slice %arg9[%mul3A_2, %dma_start3A_525] : memref<10240x128xf32, #tpu.memory_space<vmem_shared>> -> memref<640x128xf32, #tpu.memory_space<vmem_shared>>
        %dma_start3A_527 = arith.constant 0 : i32
        %dma_start3A_528 = tpu.memref_slice %arg2[%mul3A_2, %dma_start3A_527] : memref<10240x128xf32, #tpu.memory_space<hbm>> -> memref<640x128xf32, #tpu.memory_space<hbm>>
        tpu.enqueue_dma source(%dma_start3A_528 : memref<640x128xf32, #tpu.memory_space<hbm>>) target(%dma_start3A_526 : memref<640x128xf32, #tpu.memory_space<vmem_shared>>) target_semaphore(%run_scoped3A : memref<!tpu.dma_semaphore, #tpu.memory_space<semaphore_mem>>)
        %dma_wait3A_529 = arith.constant 0 : i32
        %dma_wait3A_530 = tpu.memref_slice %arg9[%mul3A_2, %dma_wait3A_529] : memref<10240x128xf32, #tpu.memory_space<vmem_shared>> -> memref<640x128xf32, #tpu.memory_space<vmem_shared>>
        %dma_wait3A_531 = arith.constant 0 : i32
        %dma_wait3A_532 = tpu.memref_slice %arg2[%mul3A_2, %dma_wait3A_531] : memref<10240x128xf32, #tpu.memory_space<hbm>> -> memref<640x128xf32, #tpu.memory_space<hbm>>
        tpu.wait_dma2 semaphore(%run_scoped3A : memref<!tpu.dma_semaphore, #tpu.memory_space<semaphore_mem>>) src(%dma_wait3A_532 : memref<640x128xf32, #tpu.memory_space<hbm>>) dst(%dma_wait3A_530 : memref<640x128xf32, #tpu.memory_space<vmem_shared>>)
        tpu.yield
      }) : () -> ()
    } else {
    }
    %ne3A = arith.constant 0 : i32
    %ne3A_5 = arith.cmpi ne, %arg0, %ne3A : i32
    %convert_element_type3A_6 = arith.extui %ne3A_5 : i1 to i32
    %cond3A_7 = arith.constant 0 : i32
    %cond3A_8 = arith.cmpi ne, %convert_element_type3A_6, %cond3A_7 : i32
    scf.if %cond3A_8 {
      "tpu.region"() ({
        %run_scoped3A = tpu.sem_alloc : memref<!tpu.dma_semaphore, #tpu.memory_space<semaphore_mem>>
        %dma_start3A_525 = arith.constant 0 : i32
        %dma_start3A_526 = tpu.memref_slice %arg9[%mul3A_2, %dma_start3A_525] : memref<10240x128xf32, #tpu.memory_space<vmem_shared>> -> memref<640x128xf32, #tpu.memory_space<vmem_shared>>
        tpu.enqueue_dma source(%arg4 : memref<640x128xf32, #tpu.memory_space<hbm>>) target(%dma_start3A_526 : memref<640x128xf32, #tpu.memory_space<vmem_shared>>) target_semaphore(%run_scoped3A : memref<!tpu.dma_semaphore, #tpu.memory_space<semaphore_mem>>)
        %dma_wait3A_527 = arith.constant 0 : i32
        %dma_wait3A_528 = tpu.memref_slice %arg9[%mul3A_2, %dma_wait3A_527] : memref<10240x128xf32, #tpu.memory_space<vmem_shared>> -> memref<640x128xf32, #tpu.memory_space<vmem_shared>>
        tpu.wait_dma2 semaphore(%run_scoped3A : memref<!tpu.dma_semaphore, #tpu.memory_space<semaphore_mem>>) src(%arg4 : memref<640x128xf32, #tpu.memory_space<hbm>>) dst(%dma_wait3A_528 : memref<640x128xf32, #tpu.memory_space<vmem_shared>>)
        tpu.yield
      }) : () -> ()
    } else {
    }
    %barrier3A = arith.constant 0 : index
    tpu.barrier barrier_id(%barrier3A)
    %dma_start3A = arith.constant 0 : i32
    %dma_start3A_9 = arith.constant 0 : i32
    %dma_start3A_10 = arith.constant 0 : i32
    %dma_start3A_11 = arith.constant 0 : i32
    %dma_start3A_12 = tpu.memref_slice %arg6[%dma_start3A_9, %dma_start3A_10, %dma_start3A_11] : memref<4x2x128xi32, #tpu.memory_space<vmem>> -> memref<1x2x128xi32, #tpu.memory_space<vmem>>
    %dma_start3A_13 = tpu.memref_squeeze %dma_start3A_12 : memref<1x2x128xi32, #tpu.memory_space<vmem>> -> memref<2x128xi32, #tpu.memory_space<vmem>>
    %dma_start3A_14 = arith.constant 0 : i32
    %dma_start3A_15 = arith.constant 0 : i32
    %dma_start3A_16 = tpu.memref_slice %arg3[%add3A, %dma_start3A, %dma_start3A_14, %dma_start3A_15] : memref<32x80x2x128xi32, #tpu.memory_space<hbm>> -> memref<1x1x2x128xi32, #tpu.memory_space<hbm>>
    %dma_start3A_17 = tpu.memref_squeeze %dma_start3A_16 : memref<1x1x2x128xi32, #tpu.memory_space<hbm>> -> memref<2x128xi32, #tpu.memory_space<hbm>>
    %dma_start3A_18 = arith.constant 0 : i32
    %dma_start3A_19 = arith.constant 0 : i32
    %dma_start3A_20 = tpu.memref_slice %arg6[%dma_start3A_9, %dma_start3A_18, %dma_start3A_19] : memref<4x2x128xi32, #tpu.memory_space<vmem>> -> memref<1x2x128xi32, #tpu.memory_space<vmem>>
    %dma_start3A_21 = tpu.memref_squeeze %dma_start3A_20 : memref<1x2x128xi32, #tpu.memory_space<vmem>> -> memref<2x128xi32, #tpu.memory_space<vmem>>
    %dma_start3A_22 = arith.constant 0 : i32
    %dma_start3A_23 = arith.constant 0 : i32
    %dma_start3A_24 = tpu.memref_slice %arg3[%add3A, %dma_start3A, %dma_start3A_22, %dma_start3A_23] : memref<32x80x2x128xi32, #tpu.memory_space<hbm>> -> memref<1x1x2x128xi32, #tpu.memory_space<hbm>>
    %dma_start3A_25 = tpu.memref_squeeze %dma_start3A_24 : memref<1x1x2x128xi32, #tpu.memory_space<hbm>> -> memref<2x128xi32, #tpu.memory_space<hbm>>
    tpu.enqueue_dma source(%dma_start3A_25 : memref<2x128xi32, #tpu.memory_space<hbm>>) target(%dma_start3A_21 : memref<2x128xi32, #tpu.memory_space<vmem>>) target_semaphore(%arg10 : memref<!tpu.dma_semaphore, #tpu.memory_space<semaphore_mem>>)
    %dma_start3A_26 = arith.constant 1 : i32
    %dma_start3A_27 = arith.constant 1 : i32
    %dma_start3A_28 = arith.constant 0 : i32
    %dma_start3A_29 = arith.constant 0 : i32
    %dma_start3A_30 = tpu.memref_slice %arg6[%dma_start3A_27, %dma_start3A_28, %dma_start3A_29] : memref<4x2x128xi32, #tpu.memory_space<vmem>> -> memref<1x2x128xi32, #tpu.memory_space<vmem>>
    %dma_start3A_31 = tpu.memref_squeeze %dma_start3A_30 : memref<1x2x128xi32, #tpu.memory_space<vmem>> -> memref<2x128xi32, #tpu.memory_space<vmem>>
    %dma_start3A_32 = arith.constant 0 : i32
    %dma_start3A_33 = arith.constant 0 : i32
    %dma_start3A_34 = tpu.memref_slice %arg3[%add3A, %dma_start3A_26, %dma_start3A_32, %dma_start3A_33] : memref<32x80x2x128xi32, #tpu.memory_space<hbm>> -> memref<1x1x2x128xi32, #tpu.memory_space<hbm>>
    %dma_start3A_35 = tpu.memref_squeeze %dma_start3A_34 : memref<1x1x2x128xi32, #tpu.memory_space<hbm>> -> memref<2x128xi32, #tpu.memory_space<hbm>>
    %dma_start3A_36 = arith.constant 0 : i32
    %dma_start3A_37 = arith.constant 0 : i32
    %dma_start3A_38 = tpu.memref_slice %arg6[%dma_start3A_27, %dma_start3A_36, %dma_start3A_37] : memref<4x2x128xi32, #tpu.memory_space<vmem>> -> memref<1x2x128xi32, #tpu.memory_space<vmem>>
    %dma_start3A_39 = tpu.memref_squeeze %dma_start3A_38 : memref<1x2x128xi32, #tpu.memory_space<vmem>> -> memref<2x128xi32, #tpu.memory_space<vmem>>
    %dma_start3A_40 = arith.constant 0 : i32
    %dma_start3A_41 = arith.constant 0 : i32
    %dma_start3A_42 = tpu.memref_slice %arg3[%add3A, %dma_start3A_26, %dma_start3A_40, %dma_start3A_41] : memref<32x80x2x128xi32, #tpu.memory_space<hbm>> -> memref<1x1x2x128xi32, #tpu.memory_space<hbm>>
    %dma_start3A_43 = tpu.memref_squeeze %dma_start3A_42 : memref<1x1x2x128xi32, #tpu.memory_space<hbm>> -> memref<2x128xi32, #tpu.memory_space<hbm>>
    tpu.enqueue_dma source(%dma_start3A_43 : memref<2x128xi32, #tpu.memory_space<hbm>>) target(%dma_start3A_39 : memref<2x128xi32, #tpu.memory_space<vmem>>) target_semaphore(%arg11 : memref<!tpu.dma_semaphore, #tpu.memory_space<semaphore_mem>>)
    %dma_wait3A = arith.constant 0 : i32
    %dma_wait3A_44 = arith.constant 0 : i32
    %dma_wait3A_45 = arith.constant 0 : i32
    %dma_wait3A_46 = arith.constant 0 : i32
    %dma_wait3A_47 = tpu.memref_slice %arg6[%dma_wait3A_44, %dma_wait3A_45, %dma_wait3A_46] : memref<4x2x128xi32, #tpu.memory_space<vmem>> -> memref<1x2x128xi32, #tpu.memory_space<vmem>>
    %dma_wait3A_48 = tpu.memref_squeeze %dma_wait3A_47 : memref<1x2x128xi32, #tpu.memory_space<vmem>> -> memref<2x128xi32, #tpu.memory_space<vmem>>
    %dma_wait3A_49 = arith.constant 0 : i32
    %dma_wait3A_50 = arith.constant 0 : i32
    %dma_wait3A_51 = tpu.memref_slice %arg3[%add3A, %dma_wait3A, %dma_wait3A_49, %dma_wait3A_50] : memref<32x80x2x128xi32, #tpu.memory_space<hbm>> -> memref<1x1x2x128xi32, #tpu.memory_space<hbm>>
    %dma_wait3A_52 = tpu.memref_squeeze %dma_wait3A_51 : memref<1x1x2x128xi32, #tpu.memory_space<hbm>> -> memref<2x128xi32, #tpu.memory_space<hbm>>
    %dma_wait3A_53 = arith.constant 0 : i32
    %dma_wait3A_54 = arith.constant 0 : i32
    %dma_wait3A_55 = tpu.memref_slice %arg6[%dma_wait3A_44, %dma_wait3A_53, %dma_wait3A_54] : memref<4x2x128xi32, #tpu.memory_space<vmem>> -> memref<1x2x128xi32, #tpu.memory_space<vmem>>
    %dma_wait3A_56 = tpu.memref_squeeze %dma_wait3A_55 : memref<1x2x128xi32, #tpu.memory_space<vmem>> -> memref<2x128xi32, #tpu.memory_space<vmem>>
    %dma_wait3A_57 = arith.constant 0 : i32
    %dma_wait3A_58 = arith.constant 0 : i32
    %dma_wait3A_59 = tpu.memref_slice %arg3[%add3A, %dma_wait3A, %dma_wait3A_57, %dma_wait3A_58] : memref<32x80x2x128xi32, #tpu.memory_space<hbm>> -> memref<1x1x2x128xi32, #tpu.memory_space<hbm>>
    %dma_wait3A_60 = tpu.memref_squeeze %dma_wait3A_59 : memref<1x1x2x128xi32, #tpu.memory_space<hbm>> -> memref<2x128xi32, #tpu.memory_space<hbm>>
    tpu.wait_dma2 semaphore(%arg10 : memref<!tpu.dma_semaphore, #tpu.memory_space<semaphore_mem>>) src(%dma_wait3A_60 : memref<2x128xi32, #tpu.memory_space<hbm>>) dst(%dma_wait3A_56 : memref<2x128xi32, #tpu.memory_space<vmem>>)
    %dma_start3A_61 = arith.constant 0 : i32
    %dma_start3A_62 = arith.constant 0 : i32
    %dma_start3A_63 = arith.constant 0 : i32
    %dma_start3A_64 = tpu.memref_slice %arg6[%dma_start3A_61, %dma_start3A_62, %dma_start3A_63] : memref<4x2x128xi32, #tpu.memory_space<vmem>> -> memref<1x1x128xi32, #tpu.memory_space<vmem>>
    %dma_start3A_65 = tpu.memref_squeeze %dma_start3A_64 : memref<1x1x128xi32, #tpu.memory_space<vmem>> -> memref<128xi32, #tpu.memory_space<vmem>>
    %dma_start3A_66 = arith.constant 0 : i32
    %dma_start3A_67 = arith.constant 0 : i32
    %dma_start3A_68 = tpu.memref_slice %arg2[%dma_start3A_66, %dma_start3A_67] : memref<10240x128xf32, #tpu.memory_space<hbm>> -> memref<10240x128xf32, #tpu.memory_space<hbm>>
    tpu.enqueue_indirect_dma source(%dma_start3A_68 : memref<10240x128xf32, #tpu.memory_space<hbm>>) target(%arg7 : memref<128x128xf32, #tpu.memory_space<vmem>>) offsets(%dma_start3A_65 : memref<128xi32, #tpu.memory_space<vmem>>) semaphore(%arg14 : memref<!tpu.dma_semaphore, #tpu.memory_space<semaphore_mem>>)
    %dma_start3A_69 = arith.constant 2 : i32
    %dma_start3A_70 = arith.constant 2 : i32
    %dma_start3A_71 = arith.constant 0 : i32
    %dma_start3A_72 = arith.constant 0 : i32
    %dma_start3A_73 = tpu.memref_slice %arg6[%dma_start3A_70, %dma_start3A_71, %dma_start3A_72] : memref<4x2x128xi32, #tpu.memory_space<vmem>> -> memref<1x2x128xi32, #tpu.memory_space<vmem>>
    %dma_start3A_74 = tpu.memref_squeeze %dma_start3A_73 : memref<1x2x128xi32, #tpu.memory_space<vmem>> -> memref<2x128xi32, #tpu.memory_space<vmem>>
    %dma_start3A_75 = arith.constant 0 : i32
    %dma_start3A_76 = arith.constant 0 : i32
    %dma_start3A_77 = tpu.memref_slice %arg3[%add3A, %dma_start3A_69, %dma_start3A_75, %dma_start3A_76] : memref<32x80x2x128xi32, #tpu.memory_space<hbm>> -> memref<1x1x2x128xi32, #tpu.memory_space<hbm>>
    %dma_start3A_78 = tpu.memref_squeeze %dma_start3A_77 : memref<1x1x2x128xi32, #tpu.memory_space<hbm>> -> memref<2x128xi32, #tpu.memory_space<hbm>>
    %dma_start3A_79 = arith.constant 0 : i32
    %dma_start3A_80 = arith.constant 0 : i32
    %dma_start3A_81 = tpu.memref_slice %arg6[%dma_start3A_70, %dma_start3A_79, %dma_start3A_80] : memref<4x2x128xi32, #tpu.memory_space<vmem>> -> memref<1x2x128xi32, #tpu.memory_space<vmem>>
    %dma_start3A_82 = tpu.memref_squeeze %dma_start3A_81 : memref<1x2x128xi32, #tpu.memory_space<vmem>> -> memref<2x128xi32, #tpu.memory_space<vmem>>
    %dma_start3A_83 = arith.constant 0 : i32
    %dma_start3A_84 = arith.constant 0 : i32
    %dma_start3A_85 = tpu.memref_slice %arg3[%add3A, %dma_start3A_69, %dma_start3A_83, %dma_start3A_84] : memref<32x80x2x128xi32, #tpu.memory_space<hbm>> -> memref<1x1x2x128xi32, #tpu.memory_space<hbm>>
    %dma_start3A_86 = tpu.memref_squeeze %dma_start3A_85 : memref<1x1x2x128xi32, #tpu.memory_space<hbm>> -> memref<2x128xi32, #tpu.memory_space<hbm>>
    tpu.enqueue_dma source(%dma_start3A_86 : memref<2x128xi32, #tpu.memory_space<hbm>>) target(%dma_start3A_82 : memref<2x128xi32, #tpu.memory_space<vmem>>) target_semaphore(%arg12 : memref<!tpu.dma_semaphore, #tpu.memory_space<semaphore_mem>>)
    %dma_wait3A_87 = arith.constant 0 : i32
    %dma_wait3A_88 = arith.constant 1 : i32
    %dma_wait3A_89 = arith.constant 0 : i32
    %dma_wait3A_90 = arith.constant 0 : i32
    %dma_wait3A_91 = tpu.memref_slice %arg6[%dma_wait3A_88, %dma_wait3A_89, %dma_wait3A_90] : memref<4x2x128xi32, #tpu.memory_space<vmem>> -> memref<1x2x128xi32, #tpu.memory_space<vmem>>
    %dma_wait3A_92 = tpu.memref_squeeze %dma_wait3A_91 : memref<1x2x128xi32, #tpu.memory_space<vmem>> -> memref<2x128xi32, #tpu.memory_space<vmem>>
    %dma_wait3A_93 = arith.constant 0 : i32
    %dma_wait3A_94 = arith.constant 0 : i32
    %dma_wait3A_95 = tpu.memref_slice %arg3[%add3A, %dma_wait3A_87, %dma_wait3A_93, %dma_wait3A_94] : memref<32x80x2x128xi32, #tpu.memory_space<hbm>> -> memref<1x1x2x128xi32, #tpu.memory_space<hbm>>
    %dma_wait3A_96 = tpu.memref_squeeze %dma_wait3A_95 : memref<1x1x2x128xi32, #tpu.memory_space<hbm>> -> memref<2x128xi32, #tpu.memory_space<hbm>>
    %dma_wait3A_97 = arith.constant 0 : i32
    %dma_wait3A_98 = arith.constant 0 : i32
    %dma_wait3A_99 = tpu.memref_slice %arg6[%dma_wait3A_88, %dma_wait3A_97, %dma_wait3A_98] : memref<4x2x128xi32, #tpu.memory_space<vmem>> -> memref<1x2x128xi32, #tpu.memory_space<vmem>>
    %dma_wait3A_100 = tpu.memref_squeeze %dma_wait3A_99 : memref<1x2x128xi32, #tpu.memory_space<vmem>> -> memref<2x128xi32, #tpu.memory_space<vmem>>
    %dma_wait3A_101 = arith.constant 0 : i32
    %dma_wait3A_102 = arith.constant 0 : i32
    %dma_wait3A_103 = tpu.memref_slice %arg3[%add3A, %dma_wait3A_87, %dma_wait3A_101, %dma_wait3A_102] : memref<32x80x2x128xi32, #tpu.memory_space<hbm>> -> memref<1x1x2x128xi32, #tpu.memory_space<hbm>>
    %dma_wait3A_104 = tpu.memref_squeeze %dma_wait3A_103 : memref<1x1x2x128xi32, #tpu.memory_space<hbm>> -> memref<2x128xi32, #tpu.memory_space<hbm>>
    tpu.wait_dma2 semaphore(%arg11 : memref<!tpu.dma_semaphore, #tpu.memory_space<semaphore_mem>>) src(%dma_wait3A_104 : memref<2x128xi32, #tpu.memory_space<hbm>>) dst(%dma_wait3A_100 : memref<2x128xi32, #tpu.memory_space<vmem>>)
    %dma_start3A_105 = arith.constant 1 : i32
    %dma_start3A_106 = arith.constant 0 : i32
    %dma_start3A_107 = arith.constant 0 : i32
    %dma_start3A_108 = tpu.memref_slice %arg6[%dma_start3A_105, %dma_start3A_106, %dma_start3A_107] : memref<4x2x128xi32, #tpu.memory_space<vmem>> -> memref<1x1x128xi32, #tpu.memory_space<vmem>>
    %dma_start3A_109 = tpu.memref_squeeze %dma_start3A_108 : memref<1x1x128xi32, #tpu.memory_space<vmem>> -> memref<128xi32, #tpu.memory_space<vmem>>
    %dma_start3A_110 = arith.constant 0 : i32
    %dma_start3A_111 = arith.constant 0 : i32
    %dma_start3A_112 = tpu.memref_slice %arg2[%dma_start3A_110, %dma_start3A_111] : memref<10240x128xf32, #tpu.memory_space<hbm>> -> memref<10240x128xf32, #tpu.memory_space<hbm>>
    tpu.enqueue_indirect_dma source(%dma_start3A_112 : memref<10240x128xf32, #tpu.memory_space<hbm>>) target(%arg8 : memref<128x128xf32, #tpu.memory_space<vmem>>) offsets(%dma_start3A_109 : memref<128xi32, #tpu.memory_space<vmem>>) semaphore(%arg15 : memref<!tpu.dma_semaphore, #tpu.memory_space<semaphore_mem>>)
    %dma_start3A_113 = arith.constant 3 : i32
    %dma_start3A_114 = arith.constant 3 : i32
    %dma_start3A_115 = arith.constant 0 : i32
    %dma_start3A_116 = arith.constant 0 : i32
    %dma_start3A_117 = tpu.memref_slice %arg6[%dma_start3A_114, %dma_start3A_115, %dma_start3A_116] : memref<4x2x128xi32, #tpu.memory_space<vmem>> -> memref<1x2x128xi32, #tpu.memory_space<vmem>>
    %dma_start3A_118 = tpu.memref_squeeze %dma_start3A_117 : memref<1x2x128xi32, #tpu.memory_space<vmem>> -> memref<2x128xi32, #tpu.memory_space<vmem>>
    %dma_start3A_119 = arith.constant 0 : i32
    %dma_start3A_120 = arith.constant 0 : i32
    %dma_start3A_121 = tpu.memref_slice %arg3[%add3A, %dma_start3A_113, %dma_start3A_119, %dma_start3A_120] : memref<32x80x2x128xi32, #tpu.memory_space<hbm>> -> memref<1x1x2x128xi32, #tpu.memory_space<hbm>>
    %dma_start3A_122 = tpu.memref_squeeze %dma_start3A_121 : memref<1x1x2x128xi32, #tpu.memory_space<hbm>> -> memref<2x128xi32, #tpu.memory_space<hbm>>
    %dma_start3A_123 = arith.constant 0 : i32
    %dma_start3A_124 = arith.constant 0 : i32
    %dma_start3A_125 = tpu.memref_slice %arg6[%dma_start3A_114, %dma_start3A_123, %dma_start3A_124] : memref<4x2x128xi32, #tpu.memory_space<vmem>> -> memref<1x2x128xi32, #tpu.memory_space<vmem>>
    %dma_start3A_126 = tpu.memref_squeeze %dma_start3A_125 : memref<1x2x128xi32, #tpu.memory_space<vmem>> -> memref<2x128xi32, #tpu.memory_space<vmem>>
    %dma_start3A_127 = arith.constant 0 : i32
    %dma_start3A_128 = arith.constant 0 : i32
    %dma_start3A_129 = tpu.memref_slice %arg3[%add3A, %dma_start3A_113, %dma_start3A_127, %dma_start3A_128] : memref<32x80x2x128xi32, #tpu.memory_space<hbm>> -> memref<1x1x2x128xi32, #tpu.memory_space<hbm>>
    %dma_start3A_130 = tpu.memref_squeeze %dma_start3A_129 : memref<1x1x2x128xi32, #tpu.memory_space<hbm>> -> memref<2x128xi32, #tpu.memory_space<hbm>>
    tpu.enqueue_dma source(%dma_start3A_130 : memref<2x128xi32, #tpu.memory_space<hbm>>) target(%dma_start3A_126 : memref<2x128xi32, #tpu.memory_space<vmem>>) target_semaphore(%arg13 : memref<!tpu.dma_semaphore, #tpu.memory_space<semaphore_mem>>)
    %dma_wait3A_131 = arith.constant 0 : i32
    %dma_wait3A_132 = arith.constant 0 : i32
    %dma_wait3A_133 = tpu.memref_slice %arg2[%dma_wait3A_131, %dma_wait3A_132] : memref<10240x128xf32, #tpu.memory_space<hbm>> -> memref<128x128xf32, #tpu.memory_space<hbm>>
    %dma_wait3A_134 = arith.constant 0 : i32
    %dma_wait3A_135 = arith.constant 0 : i32
    %dma_wait3A_136 = tpu.memref_slice %arg2[%dma_wait3A_134, %dma_wait3A_135] : memref<10240x128xf32, #tpu.memory_space<hbm>> -> memref<128x128xf32, #tpu.memory_space<hbm>>
    tpu.wait_dma2 semaphore(%arg14 : memref<!tpu.dma_semaphore, #tpu.memory_space<semaphore_mem>>) src(%dma_wait3A_136 : memref<128x128xf32, #tpu.memory_space<hbm>>) dst(%arg7 : memref<128x128xf32, #tpu.memory_space<vmem>>)
    %dma_start3A_137 = arith.constant 0 : i32
    %dma_start3A_138 = arith.constant 1 : i32
    %dma_start3A_139 = arith.constant 0 : i32
    %dma_start3A_140 = tpu.memref_slice %arg6[%dma_start3A_137, %dma_start3A_138, %dma_start3A_139] : memref<4x2x128xi32, #tpu.memory_space<vmem>> -> memref<1x1x128xi32, #tpu.memory_space<vmem>>
    %dma_start3A_141 = tpu.memref_squeeze %dma_start3A_140 : memref<1x1x128xi32, #tpu.memory_space<vmem>> -> memref<128xi32, #tpu.memory_space<vmem>>
    %dma_start3A_142 = arith.constant 0 : i32
    %dma_start3A_143 = arith.constant 0 : i32
    %dma_start3A_144 = tpu.memref_slice %arg9[%dma_start3A_142, %dma_start3A_143] : memref<10240x128xf32, #tpu.memory_space<vmem_shared>> -> memref<10240x128xf32, #tpu.memory_space<vmem_shared>>
    tpu.enqueue_indirect_dma source(%arg7 : memref<128x128xf32, #tpu.memory_space<vmem>>) target(%dma_start3A_144 : memref<10240x128xf32, #tpu.memory_space<vmem_shared>>) offsets(%dma_start3A_141 : memref<128xi32, #tpu.memory_space<vmem>>) semaphore(%arg16 : memref<!tpu.dma_semaphore, #tpu.memory_space<semaphore_mem>>) {add = true}
    %dma_wait3A_145 = arith.constant 0 : i32
    %dma_wait3A_146 = arith.constant 2 : i32
    %dma_wait3A_147 = arith.constant 0 : i32
    %dma_wait3A_148 = arith.constant 0 : i32
    %dma_wait3A_149 = tpu.memref_slice %arg6[%dma_wait3A_146, %dma_wait3A_147, %dma_wait3A_148] : memref<4x2x128xi32, #tpu.memory_space<vmem>> -> memref<1x2x128xi32, #tpu.memory_space<vmem>>
    %dma_wait3A_150 = tpu.memref_squeeze %dma_wait3A_149 : memref<1x2x128xi32, #tpu.memory_space<vmem>> -> memref<2x128xi32, #tpu.memory_space<vmem>>
    %dma_wait3A_151 = arith.constant 0 : i32
    %dma_wait3A_152 = arith.constant 0 : i32
    %dma_wait3A_153 = tpu.memref_slice %arg3[%add3A, %dma_wait3A_145, %dma_wait3A_151, %dma_wait3A_152] : memref<32x80x2x128xi32, #tpu.memory_space<hbm>> -> memref<1x1x2x128xi32, #tpu.memory_space<hbm>>
    %dma_wait3A_154 = tpu.memref_squeeze %dma_wait3A_153 : memref<1x1x2x128xi32, #tpu.memory_space<hbm>> -> memref<2x128xi32, #tpu.memory_space<hbm>>
    %dma_wait3A_155 = arith.constant 0 : i32
    %dma_wait3A_156 = arith.constant 0 : i32
    %dma_wait3A_157 = tpu.memref_slice %arg6[%dma_wait3A_146, %dma_wait3A_155, %dma_wait3A_156] : memref<4x2x128xi32, #tpu.memory_space<vmem>> -> memref<1x2x128xi32, #tpu.memory_space<vmem>>
    %dma_wait3A_158 = tpu.memref_squeeze %dma_wait3A_157 : memref<1x2x128xi32, #tpu.memory_space<vmem>> -> memref<2x128xi32, #tpu.memory_space<vmem>>
    %dma_wait3A_159 = arith.constant 0 : i32
    %dma_wait3A_160 = arith.constant 0 : i32
    %dma_wait3A_161 = tpu.memref_slice %arg3[%add3A, %dma_wait3A_145, %dma_wait3A_159, %dma_wait3A_160] : memref<32x80x2x128xi32, #tpu.memory_space<hbm>> -> memref<1x1x2x128xi32, #tpu.memory_space<hbm>>
    %dma_wait3A_162 = tpu.memref_squeeze %dma_wait3A_161 : memref<1x1x2x128xi32, #tpu.memory_space<hbm>> -> memref<2x128xi32, #tpu.memory_space<hbm>>
    tpu.wait_dma2 semaphore(%arg12 : memref<!tpu.dma_semaphore, #tpu.memory_space<semaphore_mem>>) src(%dma_wait3A_162 : memref<2x128xi32, #tpu.memory_space<hbm>>) dst(%dma_wait3A_158 : memref<2x128xi32, #tpu.memory_space<vmem>>)
    %dma_wait3A_163 = arith.constant 0 : i32
    %dma_wait3A_164 = arith.constant 0 : i32
    %dma_wait3A_165 = tpu.memref_slice %arg2[%dma_wait3A_163, %dma_wait3A_164] : memref<10240x128xf32, #tpu.memory_space<hbm>> -> memref<128x128xf32, #tpu.memory_space<hbm>>
    %dma_wait3A_166 = arith.constant 0 : i32
    %dma_wait3A_167 = arith.constant 0 : i32
    %dma_wait3A_168 = tpu.memref_slice %arg2[%dma_wait3A_166, %dma_wait3A_167] : memref<10240x128xf32, #tpu.memory_space<hbm>> -> memref<128x128xf32, #tpu.memory_space<hbm>>
    tpu.wait_dma2 semaphore(%arg16 : memref<!tpu.dma_semaphore, #tpu.memory_space<semaphore_mem>>) src(%dma_wait3A_168 : memref<128x128xf32, #tpu.memory_space<hbm>>) dst(%arg7 : memref<128x128xf32, #tpu.memory_space<vmem>>)
    %dma_start3A_169 = arith.constant 2 : i32
    %dma_start3A_170 = arith.constant 0 : i32
    %dma_start3A_171 = arith.constant 0 : i32
    %dma_start3A_172 = tpu.memref_slice %arg6[%dma_start3A_169, %dma_start3A_170, %dma_start3A_171] : memref<4x2x128xi32, #tpu.memory_space<vmem>> -> memref<1x1x128xi32, #tpu.memory_space<vmem>>
    %dma_start3A_173 = tpu.memref_squeeze %dma_start3A_172 : memref<1x1x128xi32, #tpu.memory_space<vmem>> -> memref<128xi32, #tpu.memory_space<vmem>>
    %dma_start3A_174 = arith.constant 0 : i32
    %dma_start3A_175 = arith.constant 0 : i32
    %dma_start3A_176 = tpu.memref_slice %arg2[%dma_start3A_174, %dma_start3A_175] : memref<10240x128xf32, #tpu.memory_space<hbm>> -> memref<10240x128xf32, #tpu.memory_space<hbm>>
    tpu.enqueue_indirect_dma source(%dma_start3A_176 : memref<10240x128xf32, #tpu.memory_space<hbm>>) target(%arg7 : memref<128x128xf32, #tpu.memory_space<vmem>>) offsets(%dma_start3A_173 : memref<128xi32, #tpu.memory_space<vmem>>) semaphore(%arg14 : memref<!tpu.dma_semaphore, #tpu.memory_space<semaphore_mem>>)
    %dma_start3A_177 = arith.constant 4 : i32
    %dma_start3A_178 = arith.constant 0 : i32
    %dma_start3A_179 = arith.constant 0 : i32
    %dma_start3A_180 = arith.constant 0 : i32
    %dma_start3A_181 = tpu.memref_slice %arg6[%dma_start3A_178, %dma_start3A_179, %dma_start3A_180] : memref<4x2x128xi32, #tpu.memory_space<vmem>> -> memref<1x2x128xi32, #tpu.memory_space<vmem>>
    %dma_start3A_182 = tpu.memref_squeeze %dma_start3A_181 : memref<1x2x128xi32, #tpu.memory_space<vmem>> -> memref<2x128xi32, #tpu.memory_space<vmem>>
    %dma_start3A_183 = arith.constant 0 : i32
    %dma_start3A_184 = arith.constant 0 : i32
    %dma_start3A_185 = tpu.memref_slice %arg3[%add3A, %dma_start3A_177, %dma_start3A_183, %dma_start3A_184] : memref<32x80x2x128xi32, #tpu.memory_space<hbm>> -> memref<1x1x2x128xi32, #tpu.memory_space<hbm>>
    %dma_start3A_186 = tpu.memref_squeeze %dma_start3A_185 : memref<1x1x2x128xi32, #tpu.memory_space<hbm>> -> memref<2x128xi32, #tpu.memory_space<hbm>>
    %dma_start3A_187 = arith.constant 0 : i32
    %dma_start3A_188 = arith.constant 0 : i32
    %dma_start3A_189 = tpu.memref_slice %arg6[%dma_start3A_178, %dma_start3A_187, %dma_start3A_188] : memref<4x2x128xi32, #tpu.memory_space<vmem>> -> memref<1x2x128xi32, #tpu.memory_space<vmem>>
    %dma_start3A_190 = tpu.memref_squeeze %dma_start3A_189 : memref<1x2x128xi32, #tpu.memory_space<vmem>> -> memref<2x128xi32, #tpu.memory_space<vmem>>
    %dma_start3A_191 = arith.constant 0 : i32
    %dma_start3A_192 = arith.constant 0 : i32
    %dma_start3A_193 = tpu.memref_slice %arg3[%add3A, %dma_start3A_177, %dma_start3A_191, %dma_start3A_192] : memref<32x80x2x128xi32, #tpu.memory_space<hbm>> -> memref<1x1x2x128xi32, #tpu.memory_space<hbm>>
    %dma_start3A_194 = tpu.memref_squeeze %dma_start3A_193 : memref<1x1x2x128xi32, #tpu.memory_space<hbm>> -> memref<2x128xi32, #tpu.memory_space<hbm>>
    tpu.enqueue_dma source(%dma_start3A_194 : memref<2x128xi32, #tpu.memory_space<hbm>>) target(%dma_start3A_190 : memref<2x128xi32, #tpu.memory_space<vmem>>) target_semaphore(%arg10 : memref<!tpu.dma_semaphore, #tpu.memory_space<semaphore_mem>>)
    %dma_wait3A_195 = arith.constant 0 : i32
    %dma_wait3A_196 = arith.constant 0 : i32
    %dma_wait3A_197 = tpu.memref_slice %arg2[%dma_wait3A_195, %dma_wait3A_196] : memref<10240x128xf32, #tpu.memory_space<hbm>> -> memref<128x128xf32, #tpu.memory_space<hbm>>
    %dma_wait3A_198 = arith.constant 0 : i32
    %dma_wait3A_199 = arith.constant 0 : i32
    %dma_wait3A_200 = tpu.memref_slice %arg2[%dma_wait3A_198, %dma_wait3A_199] : memref<10240x128xf32, #tpu.memory_space<hbm>> -> memref<128x128xf32, #tpu.memory_space<hbm>>
    tpu.wait_dma2 semaphore(%arg15 : memref<!tpu.dma_semaphore, #tpu.memory_space<semaphore_mem>>) src(%dma_wait3A_200 : memref<128x128xf32, #tpu.memory_space<hbm>>) dst(%arg8 : memref<128x128xf32, #tpu.memory_space<vmem>>)
    %dma_start3A_201 = arith.constant 1 : i32
    %dma_start3A_202 = arith.constant 1 : i32
    %dma_start3A_203 = arith.constant 0 : i32
    %dma_start3A_204 = tpu.memref_slice %arg6[%dma_start3A_201, %dma_start3A_202, %dma_start3A_203] : memref<4x2x128xi32, #tpu.memory_space<vmem>> -> memref<1x1x128xi32, #tpu.memory_space<vmem>>
    %dma_start3A_205 = tpu.memref_squeeze %dma_start3A_204 : memref<1x1x128xi32, #tpu.memory_space<vmem>> -> memref<128xi32, #tpu.memory_space<vmem>>
    %dma_start3A_206 = arith.constant 0 : i32
    %dma_start3A_207 = arith.constant 0 : i32
    %dma_start3A_208 = tpu.memref_slice %arg9[%dma_start3A_206, %dma_start3A_207] : memref<10240x128xf32, #tpu.memory_space<vmem_shared>> -> memref<10240x128xf32, #tpu.memory_space<vmem_shared>>
    tpu.enqueue_indirect_dma source(%arg8 : memref<128x128xf32, #tpu.memory_space<vmem>>) target(%dma_start3A_208 : memref<10240x128xf32, #tpu.memory_space<vmem_shared>>) offsets(%dma_start3A_205 : memref<128xi32, #tpu.memory_space<vmem>>) semaphore(%arg17 : memref<!tpu.dma_semaphore, #tpu.memory_space<semaphore_mem>>) {add = true}
    %dma_wait3A_209 = arith.constant 0 : i32
    %dma_wait3A_210 = arith.constant 3 : i32
    %dma_wait3A_211 = arith.constant 0 : i32
    %dma_wait3A_212 = arith.constant 0 : i32
    %dma_wait3A_213 = tpu.memref_slice %arg6[%dma_wait3A_210, %dma_wait3A_211, %dma_wait3A_212] : memref<4x2x128xi32, #tpu.memory_space<vmem>> -> memref<1x2x128xi32, #tpu.memory_space<vmem>>
    %dma_wait3A_214 = tpu.memref_squeeze %dma_wait3A_213 : memref<1x2x128xi32, #tpu.memory_space<vmem>> -> memref<2x128xi32, #tpu.memory_space<vmem>>
    %dma_wait3A_215 = arith.constant 0 : i32
    %dma_wait3A_216 = arith.constant 0 : i32
    %dma_wait3A_217 = tpu.memref_slice %arg3[%add3A, %dma_wait3A_209, %dma_wait3A_215, %dma_wait3A_216] : memref<32x80x2x128xi32, #tpu.memory_space<hbm>> -> memref<1x1x2x128xi32, #tpu.memory_space<hbm>>
    %dma_wait3A_218 = tpu.memref_squeeze %dma_wait3A_217 : memref<1x1x2x128xi32, #tpu.memory_space<hbm>> -> memref<2x128xi32, #tpu.memory_space<hbm>>
    %dma_wait3A_219 = arith.constant 0 : i32
    %dma_wait3A_220 = arith.constant 0 : i32
    %dma_wait3A_221 = tpu.memref_slice %arg6[%dma_wait3A_210, %dma_wait3A_219, %dma_wait3A_220] : memref<4x2x128xi32, #tpu.memory_space<vmem>> -> memref<1x2x128xi32, #tpu.memory_space<vmem>>
    %dma_wait3A_222 = tpu.memref_squeeze %dma_wait3A_221 : memref<1x2x128xi32, #tpu.memory_space<vmem>> -> memref<2x128xi32, #tpu.memory_space<vmem>>
    %dma_wait3A_223 = arith.constant 0 : i32
    %dma_wait3A_224 = arith.constant 0 : i32
    %dma_wait3A_225 = tpu.memref_slice %arg3[%add3A, %dma_wait3A_209, %dma_wait3A_223, %dma_wait3A_224] : memref<32x80x2x128xi32, #tpu.memory_space<hbm>> -> memref<1x1x2x128xi32, #tpu.memory_space<hbm>>
    %dma_wait3A_226 = tpu.memref_squeeze %dma_wait3A_225 : memref<1x1x2x128xi32, #tpu.memory_space<hbm>> -> memref<2x128xi32, #tpu.memory_space<hbm>>
    tpu.wait_dma2 semaphore(%arg13 : memref<!tpu.dma_semaphore, #tpu.memory_space<semaphore_mem>>) src(%dma_wait3A_226 : memref<2x128xi32, #tpu.memory_space<hbm>>) dst(%dma_wait3A_222 : memref<2x128xi32, #tpu.memory_space<vmem>>)
    %dma_wait3A_227 = arith.constant 0 : i32
    %dma_wait3A_228 = arith.constant 0 : i32
    %dma_wait3A_229 = tpu.memref_slice %arg2[%dma_wait3A_227, %dma_wait3A_228] : memref<10240x128xf32, #tpu.memory_space<hbm>> -> memref<128x128xf32, #tpu.memory_space<hbm>>
    %dma_wait3A_230 = arith.constant 0 : i32
    %dma_wait3A_231 = arith.constant 0 : i32
    %dma_wait3A_232 = tpu.memref_slice %arg2[%dma_wait3A_230, %dma_wait3A_231] : memref<10240x128xf32, #tpu.memory_space<hbm>> -> memref<128x128xf32, #tpu.memory_space<hbm>>
    tpu.wait_dma2 semaphore(%arg17 : memref<!tpu.dma_semaphore, #tpu.memory_space<semaphore_mem>>) src(%dma_wait3A_232 : memref<128x128xf32, #tpu.memory_space<hbm>>) dst(%arg8 : memref<128x128xf32, #tpu.memory_space<vmem>>)
    %dma_start3A_233 = arith.constant 3 : i32
    %dma_start3A_234 = arith.constant 0 : i32
    %dma_start3A_235 = arith.constant 0 : i32
    %dma_start3A_236 = tpu.memref_slice %arg6[%dma_start3A_233, %dma_start3A_234, %dma_start3A_235] : memref<4x2x128xi32, #tpu.memory_space<vmem>> -> memref<1x1x128xi32, #tpu.memory_space<vmem>>
    %dma_start3A_237 = tpu.memref_squeeze %dma_start3A_236 : memref<1x1x128xi32, #tpu.memory_space<vmem>> -> memref<128xi32, #tpu.memory_space<vmem>>
    %dma_start3A_238 = arith.constant 0 : i32
    %dma_start3A_239 = arith.constant 0 : i32
    %dma_start3A_240 = tpu.memref_slice %arg2[%dma_start3A_238, %dma_start3A_239] : memref<10240x128xf32, #tpu.memory_space<hbm>> -> memref<10240x128xf32, #tpu.memory_space<hbm>>
    tpu.enqueue_indirect_dma source(%dma_start3A_240 : memref<10240x128xf32, #tpu.memory_space<hbm>>) target(%arg8 : memref<128x128xf32, #tpu.memory_space<vmem>>) offsets(%dma_start3A_237 : memref<128xi32, #tpu.memory_space<vmem>>) semaphore(%arg15 : memref<!tpu.dma_semaphore, #tpu.memory_space<semaphore_mem>>)
    %dma_start3A_241 = arith.constant 5 : i32
    %dma_start3A_242 = arith.constant 1 : i32
    %dma_start3A_243 = arith.constant 0 : i32
    %dma_start3A_244 = arith.constant 0 : i32
    %dma_start3A_245 = tpu.memref_slice %arg6[%dma_start3A_242, %dma_start3A_243, %dma_start3A_244] : memref<4x2x128xi32, #tpu.memory_space<vmem>> -> memref<1x2x128xi32, #tpu.memory_space<vmem>>
    %dma_start3A_246 = tpu.memref_squeeze %dma_start3A_245 : memref<1x2x128xi32, #tpu.memory_space<vmem>> -> memref<2x128xi32, #tpu.memory_space<vmem>>
    %dma_start3A_247 = arith.constant 0 : i32
    %dma_start3A_248 = arith.constant 0 : i32
    %dma_start3A_249 = tpu.memref_slice %arg3[%add3A, %dma_start3A_241, %dma_start3A_247, %dma_start3A_248] : memref<32x80x2x128xi32, #tpu.memory_space<hbm>> -> memref<1x1x2x128xi32, #tpu.memory_space<hbm>>
    %dma_start3A_250 = tpu.memref_squeeze %dma_start3A_249 : memref<1x1x2x128xi32, #tpu.memory_space<hbm>> -> memref<2x128xi32, #tpu.memory_space<hbm>>
    %dma_start3A_251 = arith.constant 0 : i32
    %dma_start3A_252 = arith.constant 0 : i32
    %dma_start3A_253 = tpu.memref_slice %arg6[%dma_start3A_242, %dma_start3A_251, %dma_start3A_252] : memref<4x2x128xi32, #tpu.memory_space<vmem>> -> memref<1x2x128xi32, #tpu.memory_space<vmem>>
    %dma_start3A_254 = tpu.memref_squeeze %dma_start3A_253 : memref<1x2x128xi32, #tpu.memory_space<vmem>> -> memref<2x128xi32, #tpu.memory_space<vmem>>
    %dma_start3A_255 = arith.constant 0 : i32
    %dma_start3A_256 = arith.constant 0 : i32
    %dma_start3A_257 = tpu.memref_slice %arg3[%add3A, %dma_start3A_241, %dma_start3A_255, %dma_start3A_256] : memref<32x80x2x128xi32, #tpu.memory_space<hbm>> -> memref<1x1x2x128xi32, #tpu.memory_space<hbm>>
    %dma_start3A_258 = tpu.memref_squeeze %dma_start3A_257 : memref<1x1x2x128xi32, #tpu.memory_space<hbm>> -> memref<2x128xi32, #tpu.memory_space<hbm>>
    tpu.enqueue_dma source(%dma_start3A_258 : memref<2x128xi32, #tpu.memory_space<hbm>>) target(%dma_start3A_254 : memref<2x128xi32, #tpu.memory_space<vmem>>) target_semaphore(%arg11 : memref<!tpu.dma_semaphore, #tpu.memory_space<semaphore_mem>>)
    %dma_wait3A_259 = arith.constant 0 : i32
    %dma_wait3A_260 = arith.constant 0 : i32
    %dma_wait3A_261 = tpu.memref_slice %arg2[%dma_wait3A_259, %dma_wait3A_260] : memref<10240x128xf32, #tpu.memory_space<hbm>> -> memref<128x128xf32, #tpu.memory_space<hbm>>
    %dma_wait3A_262 = arith.constant 0 : i32
    %dma_wait3A_263 = arith.constant 0 : i32
    %dma_wait3A_264 = tpu.memref_slice %arg2[%dma_wait3A_262, %dma_wait3A_263] : memref<10240x128xf32, #tpu.memory_space<hbm>> -> memref<128x128xf32, #tpu.memory_space<hbm>>
    tpu.wait_dma2 semaphore(%arg14 : memref<!tpu.dma_semaphore, #tpu.memory_space<semaphore_mem>>) src(%dma_wait3A_264 : memref<128x128xf32, #tpu.memory_space<hbm>>) dst(%arg7 : memref<128x128xf32, #tpu.memory_space<vmem>>)
    %dma_start3A_265 = arith.constant 2 : i32
    %dma_start3A_266 = arith.constant 1 : i32
    %dma_start3A_267 = arith.constant 0 : i32
    %dma_start3A_268 = tpu.memref_slice %arg6[%dma_start3A_265, %dma_start3A_266, %dma_start3A_267] : memref<4x2x128xi32, #tpu.memory_space<vmem>> -> memref<1x1x128xi32, #tpu.memory_space<vmem>>
    %dma_start3A_269 = tpu.memref_squeeze %dma_start3A_268 : memref<1x1x128xi32, #tpu.memory_space<vmem>> -> memref<128xi32, #tpu.memory_space<vmem>>
    %dma_start3A_270 = arith.constant 0 : i32
    %dma_start3A_271 = arith.constant 0 : i32
    %dma_start3A_272 = tpu.memref_slice %arg9[%dma_start3A_270, %dma_start3A_271] : memref<10240x128xf32, #tpu.memory_space<vmem_shared>> -> memref<10240x128xf32, #tpu.memory_space<vmem_shared>>
    tpu.enqueue_indirect_dma source(%arg7 : memref<128x128xf32, #tpu.memory_space<vmem>>) target(%dma_start3A_272 : memref<10240x128xf32, #tpu.memory_space<vmem_shared>>) offsets(%dma_start3A_269 : memref<128xi32, #tpu.memory_space<vmem>>) semaphore(%arg16 : memref<!tpu.dma_semaphore, #tpu.memory_space<semaphore_mem>>) {add = true}
    %scan3A = arith.constant 0 : i32
    %scan3A_273 = arith.constant 0 : i32
    %scan3A_274 = arith.constant 18 : i32
    %scan3A_275 = arith.addi %scan3A_273, %scan3A_274 : i32
    %scan3A_276 = arith.constant 1 : i32
    scf.for %scan3A_525 = %scan3A_273 to %scan3A_275 step %scan3A_276  : i32 {
      %mul3A_526 = arith.constant 4 : i32
      %mul3A_527 = arith.muli %mul3A_526, %scan3A_525 : i32
      %add3A_528 = arith.constant 4 : i32
      %add3A_529 = arith.addi %mul3A_527, %add3A_528 : i32
      %add3A_530 = arith.constant 0 : i32
      %add3A_531 = arith.addi %add3A_529, %add3A_530 : i32
      %dma_wait3A_532 = arith.constant 0 : i32
      %dma_wait3A_533 = arith.constant 0 : i32
      %dma_wait3A_534 = arith.constant 0 : i32
      %dma_wait3A_535 = arith.constant 0 : i32
      %dma_wait3A_536 = tpu.memref_slice %arg6[%dma_wait3A_533, %dma_wait3A_534, %dma_wait3A_535] : memref<4x2x128xi32, #tpu.memory_space<vmem>> -> memref<1x2x128xi32, #tpu.memory_space<vmem>>
      %dma_wait3A_537 = tpu.memref_squeeze %dma_wait3A_536 : memref<1x2x128xi32, #tpu.memory_space<vmem>> -> memref<2x128xi32, #tpu.memory_space<vmem>>
      %dma_wait3A_538 = arith.constant 0 : i32
      %dma_wait3A_539 = arith.constant 0 : i32
      %dma_wait3A_540 = tpu.memref_slice %arg3[%add3A, %dma_wait3A_532, %dma_wait3A_538, %dma_wait3A_539] : memref<32x80x2x128xi32, #tpu.memory_space<hbm>> -> memref<1x1x2x128xi32, #tpu.memory_space<hbm>>
      %dma_wait3A_541 = tpu.memref_squeeze %dma_wait3A_540 : memref<1x1x2x128xi32, #tpu.memory_space<hbm>> -> memref<2x128xi32, #tpu.memory_space<hbm>>
      %dma_wait3A_542 = arith.constant 0 : i32
      %dma_wait3A_543 = arith.constant 0 : i32
      %dma_wait3A_544 = tpu.memref_slice %arg6[%dma_wait3A_533, %dma_wait3A_542, %dma_wait3A_543] : memref<4x2x128xi32, #tpu.memory_space<vmem>> -> memref<1x2x128xi32, #tpu.memory_space<vmem>>
      %dma_wait3A_545 = tpu.memref_squeeze %dma_wait3A_544 : memref<1x2x128xi32, #tpu.memory_space<vmem>> -> memref<2x128xi32, #tpu.memory_space<vmem>>
      %dma_wait3A_546 = arith.constant 0 : i32
      %dma_wait3A_547 = arith.constant 0 : i32
      %dma_wait3A_548 = tpu.memref_slice %arg3[%add3A, %dma_wait3A_532, %dma_wait3A_546, %dma_wait3A_547] : memref<32x80x2x128xi32, #tpu.memory_space<hbm>> -> memref<1x1x2x128xi32, #tpu.memory_space<hbm>>
      %dma_wait3A_549 = tpu.memref_squeeze %dma_wait3A_548 : memref<1x1x2x128xi32, #tpu.memory_space<hbm>> -> memref<2x128xi32, #tpu.memory_space<hbm>>
      tpu.wait_dma2 semaphore(%arg10 : memref<!tpu.dma_semaphore, #tpu.memory_space<semaphore_mem>>) src(%dma_wait3A_549 : memref<2x128xi32, #tpu.memory_space<hbm>>) dst(%dma_wait3A_545 : memref<2x128xi32, #tpu.memory_space<vmem>>)
      %dma_wait3A_550 = arith.constant 0 : i32
      %dma_wait3A_551 = arith.constant 0 : i32
      %dma_wait3A_552 = tpu.memref_slice %arg2[%dma_wait3A_550, %dma_wait3A_551] : memref<10240x128xf32, #tpu.memory_space<hbm>> -> memref<128x128xf32, #tpu.memory_space<hbm>>
      %dma_wait3A_553 = arith.constant 0 : i32
      %dma_wait3A_554 = arith.constant 0 : i32
      %dma_wait3A_555 = tpu.memref_slice %arg2[%dma_wait3A_553, %dma_wait3A_554] : memref<10240x128xf32, #tpu.memory_space<hbm>> -> memref<128x128xf32, #tpu.memory_space<hbm>>
      tpu.wait_dma2 semaphore(%arg16 : memref<!tpu.dma_semaphore, #tpu.memory_space<semaphore_mem>>) src(%dma_wait3A_555 : memref<128x128xf32, #tpu.memory_space<hbm>>) dst(%arg7 : memref<128x128xf32, #tpu.memory_space<vmem>>)
      %dma_start3A_556 = arith.constant 0 : i32
      %dma_start3A_557 = arith.constant 0 : i32
      %dma_start3A_558 = arith.constant 0 : i32
      %dma_start3A_559 = tpu.memref_slice %arg6[%dma_start3A_556, %dma_start3A_557, %dma_start3A_558] : memref<4x2x128xi32, #tpu.memory_space<vmem>> -> memref<1x1x128xi32, #tpu.memory_space<vmem>>
      %dma_start3A_560 = tpu.memref_squeeze %dma_start3A_559 : memref<1x1x128xi32, #tpu.memory_space<vmem>> -> memref<128xi32, #tpu.memory_space<vmem>>
      %dma_start3A_561 = arith.constant 0 : i32
      %dma_start3A_562 = arith.constant 0 : i32
      %dma_start3A_563 = tpu.memref_slice %arg2[%dma_start3A_561, %dma_start3A_562] : memref<10240x128xf32, #tpu.memory_space<hbm>> -> memref<10240x128xf32, #tpu.memory_space<hbm>>
      tpu.enqueue_indirect_dma source(%dma_start3A_563 : memref<10240x128xf32, #tpu.memory_space<hbm>>) target(%arg7 : memref<128x128xf32, #tpu.memory_space<vmem>>) offsets(%dma_start3A_560 : memref<128xi32, #tpu.memory_space<vmem>>) semaphore(%arg14 : memref<!tpu.dma_semaphore, #tpu.memory_space<semaphore_mem>>)
      %add3A_564 = arith.constant 2 : i32
      %add3A_565 = arith.addi %add3A_531, %add3A_564 : i32
      %dma_start3A_566 = arith.constant 2 : i32
      %dma_start3A_567 = arith.constant 0 : i32
      %dma_start3A_568 = arith.constant 0 : i32
      %dma_start3A_569 = tpu.memref_slice %arg6[%dma_start3A_566, %dma_start3A_567, %dma_start3A_568] : memref<4x2x128xi32, #tpu.memory_space<vmem>> -> memref<1x2x128xi32, #tpu.memory_space<vmem>>
      %dma_start3A_570 = tpu.memref_squeeze %dma_start3A_569 : memref<1x2x128xi32, #tpu.memory_space<vmem>> -> memref<2x128xi32, #tpu.memory_space<vmem>>
      %dma_start3A_571 = arith.constant 0 : i32
      %dma_start3A_572 = arith.constant 0 : i32
      %dma_start3A_573 = tpu.memref_slice %arg3[%add3A, %add3A_565, %dma_start3A_571, %dma_start3A_572] : memref<32x80x2x128xi32, #tpu.memory_space<hbm>> -> memref<1x1x2x128xi32, #tpu.memory_space<hbm>>
      %dma_start3A_574 = tpu.memref_squeeze %dma_start3A_573 : memref<1x1x2x128xi32, #tpu.memory_space<hbm>> -> memref<2x128xi32, #tpu.memory_space<hbm>>
      %dma_start3A_575 = arith.constant 0 : i32
      %dma_start3A_576 = arith.constant 0 : i32
      %dma_start3A_577 = tpu.memref_slice %arg6[%dma_start3A_566, %dma_start3A_575, %dma_start3A_576] : memref<4x2x128xi32, #tpu.memory_space<vmem>> -> memref<1x2x128xi32, #tpu.memory_space<vmem>>
      %dma_start3A_578 = tpu.memref_squeeze %dma_start3A_577 : memref<1x2x128xi32, #tpu.memory_space<vmem>> -> memref<2x128xi32, #tpu.memory_space<vmem>>
      %dma_start3A_579 = arith.constant 0 : i32
      %dma_start3A_580 = arith.constant 0 : i32
      %dma_start3A_581 = tpu.memref_slice %arg3[%add3A, %add3A_565, %dma_start3A_579, %dma_start3A_580] : memref<32x80x2x128xi32, #tpu.memory_space<hbm>> -> memref<1x1x2x128xi32, #tpu.memory_space<hbm>>
      %dma_start3A_582 = tpu.memref_squeeze %dma_start3A_581 : memref<1x1x2x128xi32, #tpu.memory_space<hbm>> -> memref<2x128xi32, #tpu.memory_space<hbm>>
      tpu.enqueue_dma source(%dma_start3A_582 : memref<2x128xi32, #tpu.memory_space<hbm>>) target(%dma_start3A_578 : memref<2x128xi32, #tpu.memory_space<vmem>>) target_semaphore(%arg12 : memref<!tpu.dma_semaphore, #tpu.memory_space<semaphore_mem>>)
      %dma_wait3A_583 = arith.constant 0 : i32
      %dma_wait3A_584 = arith.constant 0 : i32
      %dma_wait3A_585 = tpu.memref_slice %arg2[%dma_wait3A_583, %dma_wait3A_584] : memref<10240x128xf32, #tpu.memory_space<hbm>> -> memref<128x128xf32, #tpu.memory_space<hbm>>
      %dma_wait3A_586 = arith.constant 0 : i32
      %dma_wait3A_587 = arith.constant 0 : i32
      %dma_wait3A_588 = tpu.memref_slice %arg2[%dma_wait3A_586, %dma_wait3A_587] : memref<10240x128xf32, #tpu.memory_space<hbm>> -> memref<128x128xf32, #tpu.memory_space<hbm>>
      tpu.wait_dma2 semaphore(%arg15 : memref<!tpu.dma_semaphore, #tpu.memory_space<semaphore_mem>>) src(%dma_wait3A_588 : memref<128x128xf32, #tpu.memory_space<hbm>>) dst(%arg8 : memref<128x128xf32, #tpu.memory_space<vmem>>)
      %dma_start3A_589 = arith.constant 3 : i32
      %dma_start3A_590 = arith.constant 1 : i32
      %dma_start3A_591 = arith.constant 0 : i32
      %dma_start3A_592 = tpu.memref_slice %arg6[%dma_start3A_589, %dma_start3A_590, %dma_start3A_591] : memref<4x2x128xi32, #tpu.memory_space<vmem>> -> memref<1x1x128xi32, #tpu.memory_space<vmem>>
      %dma_start3A_593 = tpu.memref_squeeze %dma_start3A_592 : memref<1x1x128xi32, #tpu.memory_space<vmem>> -> memref<128xi32, #tpu.memory_space<vmem>>
      %dma_start3A_594 = arith.constant 0 : i32
      %dma_start3A_595 = arith.constant 0 : i32
      %dma_start3A_596 = tpu.memref_slice %arg9[%dma_start3A_594, %dma_start3A_595] : memref<10240x128xf32, #tpu.memory_space<vmem_shared>> -> memref<10240x128xf32, #tpu.memory_space<vmem_shared>>
      tpu.enqueue_indirect_dma source(%arg8 : memref<128x128xf32, #tpu.memory_space<vmem>>) target(%dma_start3A_596 : memref<10240x128xf32, #tpu.memory_space<vmem_shared>>) offsets(%dma_start3A_593 : memref<128xi32, #tpu.memory_space<vmem>>) semaphore(%arg17 : memref<!tpu.dma_semaphore, #tpu.memory_space<semaphore_mem>>) {add = true}
      %add3A_597 = arith.constant 1 : i32
      %add3A_598 = arith.addi %add3A_529, %add3A_597 : i32
      %dma_wait3A_599 = arith.constant 0 : i32
      %dma_wait3A_600 = arith.constant 1 : i32
      %dma_wait3A_601 = arith.constant 0 : i32
      %dma_wait3A_602 = arith.constant 0 : i32
      %dma_wait3A_603 = tpu.memref_slice %arg6[%dma_wait3A_600, %dma_wait3A_601, %dma_wait3A_602] : memref<4x2x128xi32, #tpu.memory_space<vmem>> -> memref<1x2x128xi32, #tpu.memory_space<vmem>>
      %dma_wait3A_604 = tpu.memref_squeeze %dma_wait3A_603 : memref<1x2x128xi32, #tpu.memory_space<vmem>> -> memref<2x128xi32, #tpu.memory_space<vmem>>
      %dma_wait3A_605 = arith.constant 0 : i32
      %dma_wait3A_606 = arith.constant 0 : i32
      %dma_wait3A_607 = tpu.memref_slice %arg3[%add3A, %dma_wait3A_599, %dma_wait3A_605, %dma_wait3A_606] : memref<32x80x2x128xi32, #tpu.memory_space<hbm>> -> memref<1x1x2x128xi32, #tpu.memory_space<hbm>>
      %dma_wait3A_608 = tpu.memref_squeeze %dma_wait3A_607 : memref<1x1x2x128xi32, #tpu.memory_space<hbm>> -> memref<2x128xi32, #tpu.memory_space<hbm>>
      %dma_wait3A_609 = arith.constant 0 : i32
      %dma_wait3A_610 = arith.constant 0 : i32
      %dma_wait3A_611 = tpu.memref_slice %arg6[%dma_wait3A_600, %dma_wait3A_609, %dma_wait3A_610] : memref<4x2x128xi32, #tpu.memory_space<vmem>> -> memref<1x2x128xi32, #tpu.memory_space<vmem>>
      %dma_wait3A_612 = tpu.memref_squeeze %dma_wait3A_611 : memref<1x2x128xi32, #tpu.memory_space<vmem>> -> memref<2x128xi32, #tpu.memory_space<vmem>>
      %dma_wait3A_613 = arith.constant 0 : i32
      %dma_wait3A_614 = arith.constant 0 : i32
      %dma_wait3A_615 = tpu.memref_slice %arg3[%add3A, %dma_wait3A_599, %dma_wait3A_613, %dma_wait3A_614] : memref<32x80x2x128xi32, #tpu.memory_space<hbm>> -> memref<1x1x2x128xi32, #tpu.memory_space<hbm>>
      %dma_wait3A_616 = tpu.memref_squeeze %dma_wait3A_615 : memref<1x1x2x128xi32, #tpu.memory_space<hbm>> -> memref<2x128xi32, #tpu.memory_space<hbm>>
      tpu.wait_dma2 semaphore(%arg11 : memref<!tpu.dma_semaphore, #tpu.memory_space<semaphore_mem>>) src(%dma_wait3A_616 : memref<2x128xi32, #tpu.memory_space<hbm>>) dst(%dma_wait3A_612 : memref<2x128xi32, #tpu.memory_space<vmem>>)
      %dma_wait3A_617 = arith.constant 0 : i32
      %dma_wait3A_618 = arith.constant 0 : i32
      %dma_wait3A_619 = tpu.memref_slice %arg2[%dma_wait3A_617, %dma_wait3A_618] : memref<10240x128xf32, #tpu.memory_space<hbm>> -> memref<128x128xf32, #tpu.memory_space<hbm>>
      %dma_wait3A_620 = arith.constant 0 : i32
      %dma_wait3A_621 = arith.constant 0 : i32
      %dma_wait3A_622 = tpu.memref_slice %arg2[%dma_wait3A_620, %dma_wait3A_621] : memref<10240x128xf32, #tpu.memory_space<hbm>> -> memref<128x128xf32, #tpu.memory_space<hbm>>
      tpu.wait_dma2 semaphore(%arg17 : memref<!tpu.dma_semaphore, #tpu.memory_space<semaphore_mem>>) src(%dma_wait3A_622 : memref<128x128xf32, #tpu.memory_space<hbm>>) dst(%arg8 : memref<128x128xf32, #tpu.memory_space<vmem>>)
      %dma_start3A_623 = arith.constant 1 : i32
      %dma_start3A_624 = arith.constant 0 : i32
      %dma_start3A_625 = arith.constant 0 : i32
      %dma_start3A_626 = tpu.memref_slice %arg6[%dma_start3A_623, %dma_start3A_624, %dma_start3A_625] : memref<4x2x128xi32, #tpu.memory_space<vmem>> -> memref<1x1x128xi32, #tpu.memory_space<vmem>>
      %dma_start3A_627 = tpu.memref_squeeze %dma_start3A_626 : memref<1x1x128xi32, #tpu.memory_space<vmem>> -> memref<128xi32, #tpu.memory_space<vmem>>
      %dma_start3A_628 = arith.constant 0 : i32
      %dma_start3A_629 = arith.constant 0 : i32
      %dma_start3A_630 = tpu.memref_slice %arg2[%dma_start3A_628, %dma_start3A_629] : memref<10240x128xf32, #tpu.memory_space<hbm>> -> memref<10240x128xf32, #tpu.memory_space<hbm>>
      tpu.enqueue_indirect_dma source(%dma_start3A_630 : memref<10240x128xf32, #tpu.memory_space<hbm>>) target(%arg8 : memref<128x128xf32, #tpu.memory_space<vmem>>) offsets(%dma_start3A_627 : memref<128xi32, #tpu.memory_space<vmem>>) semaphore(%arg15 : memref<!tpu.dma_semaphore, #tpu.memory_space<semaphore_mem>>)
      %add3A_631 = arith.constant 2 : i32
      %add3A_632 = arith.addi %add3A_598, %add3A_631 : i32
      %dma_start3A_633 = arith.constant 3 : i32
      %dma_start3A_634 = arith.constant 0 : i32
      %dma_start3A_635 = arith.constant 0 : i32
      %dma_start3A_636 = tpu.memref_slice %arg6[%dma_start3A_633, %dma_start3A_634, %dma_start3A_635] : memref<4x2x128xi32, #tpu.memory_space<vmem>> -> memref<1x2x128xi32, #tpu.memory_space<vmem>>
      %dma_start3A_637 = tpu.memref_squeeze %dma_start3A_636 : memref<1x2x128xi32, #tpu.memory_space<vmem>> -> memref<2x128xi32, #tpu.memory_space<vmem>>
      %dma_start3A_638 = arith.constant 0 : i32
      %dma_start3A_639 = arith.constant 0 : i32
      %dma_start3A_640 = tpu.memref_slice %arg3[%add3A, %add3A_632, %dma_start3A_638, %dma_start3A_639] : memref<32x80x2x128xi32, #tpu.memory_space<hbm>> -> memref<1x1x2x128xi32, #tpu.memory_space<hbm>>
      %dma_start3A_641 = tpu.memref_squeeze %dma_start3A_640 : memref<1x1x2x128xi32, #tpu.memory_space<hbm>> -> memref<2x128xi32, #tpu.memory_space<hbm>>
      %dma_start3A_642 = arith.constant 0 : i32
      %dma_start3A_643 = arith.constant 0 : i32
      %dma_start3A_644 = tpu.memref_slice %arg6[%dma_start3A_633, %dma_start3A_642, %dma_start3A_643] : memref<4x2x128xi32, #tpu.memory_space<vmem>> -> memref<1x2x128xi32, #tpu.memory_space<vmem>>
      %dma_start3A_645 = tpu.memref_squeeze %dma_start3A_644 : memref<1x2x128xi32, #tpu.memory_space<vmem>> -> memref<2x128xi32, #tpu.memory_space<vmem>>
      %dma_start3A_646 = arith.constant 0 : i32
      %dma_start3A_647 = arith.constant 0 : i32
      %dma_start3A_648 = tpu.memref_slice %arg3[%add3A, %add3A_632, %dma_start3A_646, %dma_start3A_647] : memref<32x80x2x128xi32, #tpu.memory_space<hbm>> -> memref<1x1x2x128xi32, #tpu.memory_space<hbm>>
      %dma_start3A_649 = tpu.memref_squeeze %dma_start3A_648 : memref<1x1x2x128xi32, #tpu.memory_space<hbm>> -> memref<2x128xi32, #tpu.memory_space<hbm>>
      tpu.enqueue_dma source(%dma_start3A_649 : memref<2x128xi32, #tpu.memory_space<hbm>>) target(%dma_start3A_645 : memref<2x128xi32, #tpu.memory_space<vmem>>) target_semaphore(%arg13 : memref<!tpu.dma_semaphore, #tpu.memory_space<semaphore_mem>>)
      %dma_wait3A_650 = arith.constant 0 : i32
      %dma_wait3A_651 = arith.constant 0 : i32
      %dma_wait3A_652 = tpu.memref_slice %arg2[%dma_wait3A_650, %dma_wait3A_651] : memref<10240x128xf32, #tpu.memory_space<hbm>> -> memref<128x128xf32, #tpu.memory_space<hbm>>
      %dma_wait3A_653 = arith.constant 0 : i32
      %dma_wait3A_654 = arith.constant 0 : i32
      %dma_wait3A_655 = tpu.memref_slice %arg2[%dma_wait3A_653, %dma_wait3A_654] : memref<10240x128xf32, #tpu.memory_space<hbm>> -> memref<128x128xf32, #tpu.memory_space<hbm>>
      tpu.wait_dma2 semaphore(%arg14 : memref<!tpu.dma_semaphore, #tpu.memory_space<semaphore_mem>>) src(%dma_wait3A_655 : memref<128x128xf32, #tpu.memory_space<hbm>>) dst(%arg7 : memref<128x128xf32, #tpu.memory_space<vmem>>)
      %dma_start3A_656 = arith.constant 0 : i32
      %dma_start3A_657 = arith.constant 1 : i32
      %dma_start3A_658 = arith.constant 0 : i32
      %dma_start3A_659 = tpu.memref_slice %arg6[%dma_start3A_656, %dma_start3A_657, %dma_start3A_658] : memref<4x2x128xi32, #tpu.memory_space<vmem>> -> memref<1x1x128xi32, #tpu.memory_space<vmem>>
      %dma_start3A_660 = tpu.memref_squeeze %dma_start3A_659 : memref<1x1x128xi32, #tpu.memory_space<vmem>> -> memref<128xi32, #tpu.memory_space<vmem>>
      %dma_start3A_661 = arith.constant 0 : i32
      %dma_start3A_662 = arith.constant 0 : i32
      %dma_start3A_663 = tpu.memref_slice %arg9[%dma_start3A_661, %dma_start3A_662] : memref<10240x128xf32, #tpu.memory_space<vmem_shared>> -> memref<10240x128xf32, #tpu.memory_space<vmem_shared>>
      tpu.enqueue_indirect_dma source(%arg7 : memref<128x128xf32, #tpu.memory_space<vmem>>) target(%dma_start3A_663 : memref<10240x128xf32, #tpu.memory_space<vmem_shared>>) offsets(%dma_start3A_660 : memref<128xi32, #tpu.memory_space<vmem>>) semaphore(%arg16 : memref<!tpu.dma_semaphore, #tpu.memory_space<semaphore_mem>>) {add = true}
      %add3A_664 = arith.constant 2 : i32
      %add3A_665 = arith.addi %add3A_529, %add3A_664 : i32
      %dma_wait3A_666 = arith.constant 0 : i32
      %dma_wait3A_667 = arith.constant 2 : i32
      %dma_wait3A_668 = arith.constant 0 : i32
      %dma_wait3A_669 = arith.constant 0 : i32
      %dma_wait3A_670 = tpu.memref_slice %arg6[%dma_wait3A_667, %dma_wait3A_668, %dma_wait3A_669] : memref<4x2x128xi32, #tpu.memory_space<vmem>> -> memref<1x2x128xi32, #tpu.memory_space<vmem>>
      %dma_wait3A_671 = tpu.memref_squeeze %dma_wait3A_670 : memref<1x2x128xi32, #tpu.memory_space<vmem>> -> memref<2x128xi32, #tpu.memory_space<vmem>>
      %dma_wait3A_672 = arith.constant 0 : i32
      %dma_wait3A_673 = arith.constant 0 : i32
      %dma_wait3A_674 = tpu.memref_slice %arg3[%add3A, %dma_wait3A_666, %dma_wait3A_672, %dma_wait3A_673] : memref<32x80x2x128xi32, #tpu.memory_space<hbm>> -> memref<1x1x2x128xi32, #tpu.memory_space<hbm>>
      %dma_wait3A_675 = tpu.memref_squeeze %dma_wait3A_674 : memref<1x1x2x128xi32, #tpu.memory_space<hbm>> -> memref<2x128xi32, #tpu.memory_space<hbm>>
      %dma_wait3A_676 = arith.constant 0 : i32
      %dma_wait3A_677 = arith.constant 0 : i32
      %dma_wait3A_678 = tpu.memref_slice %arg6[%dma_wait3A_667, %dma_wait3A_676, %dma_wait3A_677] : memref<4x2x128xi32, #tpu.memory_space<vmem>> -> memref<1x2x128xi32, #tpu.memory_space<vmem>>
      %dma_wait3A_679 = tpu.memref_squeeze %dma_wait3A_678 : memref<1x2x128xi32, #tpu.memory_space<vmem>> -> memref<2x128xi32, #tpu.memory_space<vmem>>
      %dma_wait3A_680 = arith.constant 0 : i32
      %dma_wait3A_681 = arith.constant 0 : i32
      %dma_wait3A_682 = tpu.memref_slice %arg3[%add3A, %dma_wait3A_666, %dma_wait3A_680, %dma_wait3A_681] : memref<32x80x2x128xi32, #tpu.memory_space<hbm>> -> memref<1x1x2x128xi32, #tpu.memory_space<hbm>>
      %dma_wait3A_683 = tpu.memref_squeeze %dma_wait3A_682 : memref<1x1x2x128xi32, #tpu.memory_space<hbm>> -> memref<2x128xi32, #tpu.memory_space<hbm>>
      tpu.wait_dma2 semaphore(%arg12 : memref<!tpu.dma_semaphore, #tpu.memory_space<semaphore_mem>>) src(%dma_wait3A_683 : memref<2x128xi32, #tpu.memory_space<hbm>>) dst(%dma_wait3A_679 : memref<2x128xi32, #tpu.memory_space<vmem>>)
      %dma_wait3A_684 = arith.constant 0 : i32
      %dma_wait3A_685 = arith.constant 0 : i32
      %dma_wait3A_686 = tpu.memref_slice %arg2[%dma_wait3A_684, %dma_wait3A_685] : memref<10240x128xf32, #tpu.memory_space<hbm>> -> memref<128x128xf32, #tpu.memory_space<hbm>>
      %dma_wait3A_687 = arith.constant 0 : i32
      %dma_wait3A_688 = arith.constant 0 : i32
      %dma_wait3A_689 = tpu.memref_slice %arg2[%dma_wait3A_687, %dma_wait3A_688] : memref<10240x128xf32, #tpu.memory_space<hbm>> -> memref<128x128xf32, #tpu.memory_space<hbm>>
      tpu.wait_dma2 semaphore(%arg16 : memref<!tpu.dma_semaphore, #tpu.memory_space<semaphore_mem>>) src(%dma_wait3A_689 : memref<128x128xf32, #tpu.memory_space<hbm>>) dst(%arg7 : memref<128x128xf32, #tpu.memory_space<vmem>>)
      %dma_start3A_690 = arith.constant 2 : i32
      %dma_start3A_691 = arith.constant 0 : i32
      %dma_start3A_692 = arith.constant 0 : i32
      %dma_start3A_693 = tpu.memref_slice %arg6[%dma_start3A_690, %dma_start3A_691, %dma_start3A_692] : memref<4x2x128xi32, #tpu.memory_space<vmem>> -> memref<1x1x128xi32, #tpu.memory_space<vmem>>
      %dma_start3A_694 = tpu.memref_squeeze %dma_start3A_693 : memref<1x1x128xi32, #tpu.memory_space<vmem>> -> memref<128xi32, #tpu.memory_space<vmem>>
      %dma_start3A_695 = arith.constant 0 : i32
      %dma_start3A_696 = arith.constant 0 : i32
      %dma_start3A_697 = tpu.memref_slice %arg2[%dma_start3A_695, %dma_start3A_696] : memref<10240x128xf32, #tpu.memory_space<hbm>> -> memref<10240x128xf32, #tpu.memory_space<hbm>>
      tpu.enqueue_indirect_dma source(%dma_start3A_697 : memref<10240x128xf32, #tpu.memory_space<hbm>>) target(%arg7 : memref<128x128xf32, #tpu.memory_space<vmem>>) offsets(%dma_start3A_694 : memref<128xi32, #tpu.memory_space<vmem>>) semaphore(%arg14 : memref<!tpu.dma_semaphore, #tpu.memory_space<semaphore_mem>>)
      %add3A_698 = arith.constant 2 : i32
      %add3A_699 = arith.addi %add3A_665, %add3A_698 : i32
      %dma_start3A_700 = arith.constant 0 : i32
      %dma_start3A_701 = arith.constant 0 : i32
      %dma_start3A_702 = arith.constant 0 : i32
      %dma_start3A_703 = tpu.memref_slice %arg6[%dma_start3A_700, %dma_start3A_701, %dma_start3A_702] : memref<4x2x128xi32, #tpu.memory_space<vmem>> -> memref<1x2x128xi32, #tpu.memory_space<vmem>>
      %dma_start3A_704 = tpu.memref_squeeze %dma_start3A_703 : memref<1x2x128xi32, #tpu.memory_space<vmem>> -> memref<2x128xi32, #tpu.memory_space<vmem>>
      %dma_start3A_705 = arith.constant 0 : i32
      %dma_start3A_706 = arith.constant 0 : i32
      %dma_start3A_707 = tpu.memref_slice %arg3[%add3A, %add3A_699, %dma_start3A_705, %dma_start3A_706] : memref<32x80x2x128xi32, #tpu.memory_space<hbm>> -> memref<1x1x2x128xi32, #tpu.memory_space<hbm>>
      %dma_start3A_708 = tpu.memref_squeeze %dma_start3A_707 : memref<1x1x2x128xi32, #tpu.memory_space<hbm>> -> memref<2x128xi32, #tpu.memory_space<hbm>>
      %dma_start3A_709 = arith.constant 0 : i32
      %dma_start3A_710 = arith.constant 0 : i32
      %dma_start3A_711 = tpu.memref_slice %arg6[%dma_start3A_700, %dma_start3A_709, %dma_start3A_710] : memref<4x2x128xi32, #tpu.memory_space<vmem>> -> memref<1x2x128xi32, #tpu.memory_space<vmem>>
      %dma_start3A_712 = tpu.memref_squeeze %dma_start3A_711 : memref<1x2x128xi32, #tpu.memory_space<vmem>> -> memref<2x128xi32, #tpu.memory_space<vmem>>
      %dma_start3A_713 = arith.constant 0 : i32
      %dma_start3A_714 = arith.constant 0 : i32
      %dma_start3A_715 = tpu.memref_slice %arg3[%add3A, %add3A_699, %dma_start3A_713, %dma_start3A_714] : memref<32x80x2x128xi32, #tpu.memory_space<hbm>> -> memref<1x1x2x128xi32, #tpu.memory_space<hbm>>
      %dma_start3A_716 = tpu.memref_squeeze %dma_start3A_715 : memref<1x1x2x128xi32, #tpu.memory_space<hbm>> -> memref<2x128xi32, #tpu.memory_space<hbm>>
      tpu.enqueue_dma source(%dma_start3A_716 : memref<2x128xi32, #tpu.memory_space<hbm>>) target(%dma_start3A_712 : memref<2x128xi32, #tpu.memory_space<vmem>>) target_semaphore(%arg10 : memref<!tpu.dma_semaphore, #tpu.memory_space<semaphore_mem>>)
      %dma_wait3A_717 = arith.constant 0 : i32
      %dma_wait3A_718 = arith.constant 0 : i32
      %dma_wait3A_719 = tpu.memref_slice %arg2[%dma_wait3A_717, %dma_wait3A_718] : memref<10240x128xf32, #tpu.memory_space<hbm>> -> memref<128x128xf32, #tpu.memory_space<hbm>>
      %dma_wait3A_720 = arith.constant 0 : i32
      %dma_wait3A_721 = arith.constant 0 : i32
      %dma_wait3A_722 = tpu.memref_slice %arg2[%dma_wait3A_720, %dma_wait3A_721] : memref<10240x128xf32, #tpu.memory_space<hbm>> -> memref<128x128xf32, #tpu.memory_space<hbm>>
      tpu.wait_dma2 semaphore(%arg15 : memref<!tpu.dma_semaphore, #tpu.memory_space<semaphore_mem>>) src(%dma_wait3A_722 : memref<128x128xf32, #tpu.memory_space<hbm>>) dst(%arg8 : memref<128x128xf32, #tpu.memory_space<vmem>>)
      %dma_start3A_723 = arith.constant 1 : i32
      %dma_start3A_724 = arith.constant 1 : i32
      %dma_start3A_725 = arith.constant 0 : i32
      %dma_start3A_726 = tpu.memref_slice %arg6[%dma_start3A_723, %dma_start3A_724, %dma_start3A_725] : memref<4x2x128xi32, #tpu.memory_space<vmem>> -> memref<1x1x128xi32, #tpu.memory_space<vmem>>
      %dma_start3A_727 = tpu.memref_squeeze %dma_start3A_726 : memref<1x1x128xi32, #tpu.memory_space<vmem>> -> memref<128xi32, #tpu.memory_space<vmem>>
      %dma_start3A_728 = arith.constant 0 : i32
      %dma_start3A_729 = arith.constant 0 : i32
      %dma_start3A_730 = tpu.memref_slice %arg9[%dma_start3A_728, %dma_start3A_729] : memref<10240x128xf32, #tpu.memory_space<vmem_shared>> -> memref<10240x128xf32, #tpu.memory_space<vmem_shared>>
      tpu.enqueue_indirect_dma source(%arg8 : memref<128x128xf32, #tpu.memory_space<vmem>>) target(%dma_start3A_730 : memref<10240x128xf32, #tpu.memory_space<vmem_shared>>) offsets(%dma_start3A_727 : memref<128xi32, #tpu.memory_space<vmem>>) semaphore(%arg17 : memref<!tpu.dma_semaphore, #tpu.memory_space<semaphore_mem>>) {add = true}
      %add3A_731 = arith.constant 3 : i32
      %add3A_732 = arith.addi %add3A_529, %add3A_731 : i32
      %dma_wait3A_733 = arith.constant 0 : i32
      %dma_wait3A_734 = arith.constant 3 : i32
      %dma_wait3A_735 = arith.constant 0 : i32
      %dma_wait3A_736 = arith.constant 0 : i32
      %dma_wait3A_737 = tpu.memref_slice %arg6[%dma_wait3A_734, %dma_wait3A_735, %dma_wait3A_736] : memref<4x2x128xi32, #tpu.memory_space<vmem>> -> memref<1x2x128xi32, #tpu.memory_space<vmem>>
      %dma_wait3A_738 = tpu.memref_squeeze %dma_wait3A_737 : memref<1x2x128xi32, #tpu.memory_space<vmem>> -> memref<2x128xi32, #tpu.memory_space<vmem>>
      %dma_wait3A_739 = arith.constant 0 : i32
      %dma_wait3A_740 = arith.constant 0 : i32
      %dma_wait3A_741 = tpu.memref_slice %arg3[%add3A, %dma_wait3A_733, %dma_wait3A_739, %dma_wait3A_740] : memref<32x80x2x128xi32, #tpu.memory_space<hbm>> -> memref<1x1x2x128xi32, #tpu.memory_space<hbm>>
      %dma_wait3A_742 = tpu.memref_squeeze %dma_wait3A_741 : memref<1x1x2x128xi32, #tpu.memory_space<hbm>> -> memref<2x128xi32, #tpu.memory_space<hbm>>
      %dma_wait3A_743 = arith.constant 0 : i32
      %dma_wait3A_744 = arith.constant 0 : i32
      %dma_wait3A_745 = tpu.memref_slice %arg6[%dma_wait3A_734, %dma_wait3A_743, %dma_wait3A_744] : memref<4x2x128xi32, #tpu.memory_space<vmem>> -> memref<1x2x128xi32, #tpu.memory_space<vmem>>
      %dma_wait3A_746 = tpu.memref_squeeze %dma_wait3A_745 : memref<1x2x128xi32, #tpu.memory_space<vmem>> -> memref<2x128xi32, #tpu.memory_space<vmem>>
      %dma_wait3A_747 = arith.constant 0 : i32
      %dma_wait3A_748 = arith.constant 0 : i32
      %dma_wait3A_749 = tpu.memref_slice %arg3[%add3A, %dma_wait3A_733, %dma_wait3A_747, %dma_wait3A_748] : memref<32x80x2x128xi32, #tpu.memory_space<hbm>> -> memref<1x1x2x128xi32, #tpu.memory_space<hbm>>
      %dma_wait3A_750 = tpu.memref_squeeze %dma_wait3A_749 : memref<1x1x2x128xi32, #tpu.memory_space<hbm>> -> memref<2x128xi32, #tpu.memory_space<hbm>>
      tpu.wait_dma2 semaphore(%arg13 : memref<!tpu.dma_semaphore, #tpu.memory_space<semaphore_mem>>) src(%dma_wait3A_750 : memref<2x128xi32, #tpu.memory_space<hbm>>) dst(%dma_wait3A_746 : memref<2x128xi32, #tpu.memory_space<vmem>>)
      %dma_wait3A_751 = arith.constant 0 : i32
      %dma_wait3A_752 = arith.constant 0 : i32
      %dma_wait3A_753 = tpu.memref_slice %arg2[%dma_wait3A_751, %dma_wait3A_752] : memref<10240x128xf32, #tpu.memory_space<hbm>> -> memref<128x128xf32, #tpu.memory_space<hbm>>
      %dma_wait3A_754 = arith.constant 0 : i32
      %dma_wait3A_755 = arith.constant 0 : i32
      %dma_wait3A_756 = tpu.memref_slice %arg2[%dma_wait3A_754, %dma_wait3A_755] : memref<10240x128xf32, #tpu.memory_space<hbm>> -> memref<128x128xf32, #tpu.memory_space<hbm>>
      tpu.wait_dma2 semaphore(%arg17 : memref<!tpu.dma_semaphore, #tpu.memory_space<semaphore_mem>>) src(%dma_wait3A_756 : memref<128x128xf32, #tpu.memory_space<hbm>>) dst(%arg8 : memref<128x128xf32, #tpu.memory_space<vmem>>)
      %dma_start3A_757 = arith.constant 3 : i32
      %dma_start3A_758 = arith.constant 0 : i32
      %dma_start3A_759 = arith.constant 0 : i32
      %dma_start3A_760 = tpu.memref_slice %arg6[%dma_start3A_757, %dma_start3A_758, %dma_start3A_759] : memref<4x2x128xi32, #tpu.memory_space<vmem>> -> memref<1x1x128xi32, #tpu.memory_space<vmem>>
      %dma_start3A_761 = tpu.memref_squeeze %dma_start3A_760 : memref<1x1x128xi32, #tpu.memory_space<vmem>> -> memref<128xi32, #tpu.memory_space<vmem>>
      %dma_start3A_762 = arith.constant 0 : i32
      %dma_start3A_763 = arith.constant 0 : i32
      %dma_start3A_764 = tpu.memref_slice %arg2[%dma_start3A_762, %dma_start3A_763] : memref<10240x128xf32, #tpu.memory_space<hbm>> -> memref<10240x128xf32, #tpu.memory_space<hbm>>
      tpu.enqueue_indirect_dma source(%dma_start3A_764 : memref<10240x128xf32, #tpu.memory_space<hbm>>) target(%arg8 : memref<128x128xf32, #tpu.memory_space<vmem>>) offsets(%dma_start3A_761 : memref<128xi32, #tpu.memory_space<vmem>>) semaphore(%arg15 : memref<!tpu.dma_semaphore, #tpu.memory_space<semaphore_mem>>)
      %add3A_765 = arith.constant 2 : i32
      %add3A_766 = arith.addi %add3A_732, %add3A_765 : i32
      %dma_start3A_767 = arith.constant 1 : i32
      %dma_start3A_768 = arith.constant 0 : i32
      %dma_start3A_769 = arith.constant 0 : i32
      %dma_start3A_770 = tpu.memref_slice %arg6[%dma_start3A_767, %dma_start3A_768, %dma_start3A_769] : memref<4x2x128xi32, #tpu.memory_space<vmem>> -> memref<1x2x128xi32, #tpu.memory_space<vmem>>
      %dma_start3A_771 = tpu.memref_squeeze %dma_start3A_770 : memref<1x2x128xi32, #tpu.memory_space<vmem>> -> memref<2x128xi32, #tpu.memory_space<vmem>>
      %dma_start3A_772 = arith.constant 0 : i32
      %dma_start3A_773 = arith.constant 0 : i32
      %dma_start3A_774 = tpu.memref_slice %arg3[%add3A, %add3A_766, %dma_start3A_772, %dma_start3A_773] : memref<32x80x2x128xi32, #tpu.memory_space<hbm>> -> memref<1x1x2x128xi32, #tpu.memory_space<hbm>>
      %dma_start3A_775 = tpu.memref_squeeze %dma_start3A_774 : memref<1x1x2x128xi32, #tpu.memory_space<hbm>> -> memref<2x128xi32, #tpu.memory_space<hbm>>
      %dma_start3A_776 = arith.constant 0 : i32
      %dma_start3A_777 = arith.constant 0 : i32
      %dma_start3A_778 = tpu.memref_slice %arg6[%dma_start3A_767, %dma_start3A_776, %dma_start3A_777] : memref<4x2x128xi32, #tpu.memory_space<vmem>> -> memref<1x2x128xi32, #tpu.memory_space<vmem>>
      %dma_start3A_779 = tpu.memref_squeeze %dma_start3A_778 : memref<1x2x128xi32, #tpu.memory_space<vmem>> -> memref<2x128xi32, #tpu.memory_space<vmem>>
      %dma_start3A_780 = arith.constant 0 : i32
      %dma_start3A_781 = arith.constant 0 : i32
      %dma_start3A_782 = tpu.memref_slice %arg3[%add3A, %add3A_766, %dma_start3A_780, %dma_start3A_781] : memref<32x80x2x128xi32, #tpu.memory_space<hbm>> -> memref<1x1x2x128xi32, #tpu.memory_space<hbm>>
      %dma_start3A_783 = tpu.memref_squeeze %dma_start3A_782 : memref<1x1x2x128xi32, #tpu.memory_space<hbm>> -> memref<2x128xi32, #tpu.memory_space<hbm>>
      tpu.enqueue_dma source(%dma_start3A_783 : memref<2x128xi32, #tpu.memory_space<hbm>>) target(%dma_start3A_779 : memref<2x128xi32, #tpu.memory_space<vmem>>) target_semaphore(%arg11 : memref<!tpu.dma_semaphore, #tpu.memory_space<semaphore_mem>>)
      %dma_wait3A_784 = arith.constant 0 : i32
      %dma_wait3A_785 = arith.constant 0 : i32
      %dma_wait3A_786 = tpu.memref_slice %arg2[%dma_wait3A_784, %dma_wait3A_785] : memref<10240x128xf32, #tpu.memory_space<hbm>> -> memref<128x128xf32, #tpu.memory_space<hbm>>
      %dma_wait3A_787 = arith.constant 0 : i32
      %dma_wait3A_788 = arith.constant 0 : i32
      %dma_wait3A_789 = tpu.memref_slice %arg2[%dma_wait3A_787, %dma_wait3A_788] : memref<10240x128xf32, #tpu.memory_space<hbm>> -> memref<128x128xf32, #tpu.memory_space<hbm>>
      tpu.wait_dma2 semaphore(%arg14 : memref<!tpu.dma_semaphore, #tpu.memory_space<semaphore_mem>>) src(%dma_wait3A_789 : memref<128x128xf32, #tpu.memory_space<hbm>>) dst(%arg7 : memref<128x128xf32, #tpu.memory_space<vmem>>)
      %dma_start3A_790 = arith.constant 2 : i32
      %dma_start3A_791 = arith.constant 1 : i32
      %dma_start3A_792 = arith.constant 0 : i32
      %dma_start3A_793 = tpu.memref_slice %arg6[%dma_start3A_790, %dma_start3A_791, %dma_start3A_792] : memref<4x2x128xi32, #tpu.memory_space<vmem>> -> memref<1x1x128xi32, #tpu.memory_space<vmem>>
      %dma_start3A_794 = tpu.memref_squeeze %dma_start3A_793 : memref<1x1x128xi32, #tpu.memory_space<vmem>> -> memref<128xi32, #tpu.memory_space<vmem>>
      %dma_start3A_795 = arith.constant 0 : i32
      %dma_start3A_796 = arith.constant 0 : i32
      %dma_start3A_797 = tpu.memref_slice %arg9[%dma_start3A_795, %dma_start3A_796] : memref<10240x128xf32, #tpu.memory_space<vmem_shared>> -> memref<10240x128xf32, #tpu.memory_space<vmem_shared>>
      tpu.enqueue_indirect_dma source(%arg7 : memref<128x128xf32, #tpu.memory_space<vmem>>) target(%dma_start3A_797 : memref<10240x128xf32, #tpu.memory_space<vmem_shared>>) offsets(%dma_start3A_794 : memref<128xi32, #tpu.memory_space<vmem>>) semaphore(%arg16 : memref<!tpu.dma_semaphore, #tpu.memory_space<semaphore_mem>>) {add = true}
    }
    %scan3A_277 = arith.constant 18 : i32
    %dma_wait3A_278 = arith.constant 0 : i32
    %dma_wait3A_279 = arith.constant 0 : i32
    %dma_wait3A_280 = arith.constant 0 : i32
    %dma_wait3A_281 = arith.constant 0 : i32
    %dma_wait3A_282 = tpu.memref_slice %arg6[%dma_wait3A_279, %dma_wait3A_280, %dma_wait3A_281] : memref<4x2x128xi32, #tpu.memory_space<vmem>> -> memref<1x2x128xi32, #tpu.memory_space<vmem>>
    %dma_wait3A_283 = tpu.memref_squeeze %dma_wait3A_282 : memref<1x2x128xi32, #tpu.memory_space<vmem>> -> memref<2x128xi32, #tpu.memory_space<vmem>>
    %dma_wait3A_284 = arith.constant 0 : i32
    %dma_wait3A_285 = arith.constant 0 : i32
    %dma_wait3A_286 = tpu.memref_slice %arg3[%add3A, %dma_wait3A_278, %dma_wait3A_284, %dma_wait3A_285] : memref<32x80x2x128xi32, #tpu.memory_space<hbm>> -> memref<1x1x2x128xi32, #tpu.memory_space<hbm>>
    %dma_wait3A_287 = tpu.memref_squeeze %dma_wait3A_286 : memref<1x1x2x128xi32, #tpu.memory_space<hbm>> -> memref<2x128xi32, #tpu.memory_space<hbm>>
    %dma_wait3A_288 = arith.constant 0 : i32
    %dma_wait3A_289 = arith.constant 0 : i32
    %dma_wait3A_290 = tpu.memref_slice %arg6[%dma_wait3A_279, %dma_wait3A_288, %dma_wait3A_289] : memref<4x2x128xi32, #tpu.memory_space<vmem>> -> memref<1x2x128xi32, #tpu.memory_space<vmem>>
    %dma_wait3A_291 = tpu.memref_squeeze %dma_wait3A_290 : memref<1x2x128xi32, #tpu.memory_space<vmem>> -> memref<2x128xi32, #tpu.memory_space<vmem>>
    %dma_wait3A_292 = arith.constant 0 : i32
    %dma_wait3A_293 = arith.constant 0 : i32
    %dma_wait3A_294 = tpu.memref_slice %arg3[%add3A, %dma_wait3A_278, %dma_wait3A_292, %dma_wait3A_293] : memref<32x80x2x128xi32, #tpu.memory_space<hbm>> -> memref<1x1x2x128xi32, #tpu.memory_space<hbm>>
    %dma_wait3A_295 = tpu.memref_squeeze %dma_wait3A_294 : memref<1x1x2x128xi32, #tpu.memory_space<hbm>> -> memref<2x128xi32, #tpu.memory_space<hbm>>
    tpu.wait_dma2 semaphore(%arg10 : memref<!tpu.dma_semaphore, #tpu.memory_space<semaphore_mem>>) src(%dma_wait3A_295 : memref<2x128xi32, #tpu.memory_space<hbm>>) dst(%dma_wait3A_291 : memref<2x128xi32, #tpu.memory_space<vmem>>)
    %dma_wait3A_296 = arith.constant 0 : i32
    %dma_wait3A_297 = arith.constant 0 : i32
    %dma_wait3A_298 = tpu.memref_slice %arg2[%dma_wait3A_296, %dma_wait3A_297] : memref<10240x128xf32, #tpu.memory_space<hbm>> -> memref<128x128xf32, #tpu.memory_space<hbm>>
    %dma_wait3A_299 = arith.constant 0 : i32
    %dma_wait3A_300 = arith.constant 0 : i32
    %dma_wait3A_301 = tpu.memref_slice %arg2[%dma_wait3A_299, %dma_wait3A_300] : memref<10240x128xf32, #tpu.memory_space<hbm>> -> memref<128x128xf32, #tpu.memory_space<hbm>>
    tpu.wait_dma2 semaphore(%arg16 : memref<!tpu.dma_semaphore, #tpu.memory_space<semaphore_mem>>) src(%dma_wait3A_301 : memref<128x128xf32, #tpu.memory_space<hbm>>) dst(%arg7 : memref<128x128xf32, #tpu.memory_space<vmem>>)
    %dma_start3A_302 = arith.constant 0 : i32
    %dma_start3A_303 = arith.constant 0 : i32
    %dma_start3A_304 = arith.constant 0 : i32
    %dma_start3A_305 = tpu.memref_slice %arg6[%dma_start3A_302, %dma_start3A_303, %dma_start3A_304] : memref<4x2x128xi32, #tpu.memory_space<vmem>> -> memref<1x1x128xi32, #tpu.memory_space<vmem>>
    %dma_start3A_306 = tpu.memref_squeeze %dma_start3A_305 : memref<1x1x128xi32, #tpu.memory_space<vmem>> -> memref<128xi32, #tpu.memory_space<vmem>>
    %dma_start3A_307 = arith.constant 0 : i32
    %dma_start3A_308 = arith.constant 0 : i32
    %dma_start3A_309 = tpu.memref_slice %arg2[%dma_start3A_307, %dma_start3A_308] : memref<10240x128xf32, #tpu.memory_space<hbm>> -> memref<10240x128xf32, #tpu.memory_space<hbm>>
    tpu.enqueue_indirect_dma source(%dma_start3A_309 : memref<10240x128xf32, #tpu.memory_space<hbm>>) target(%arg7 : memref<128x128xf32, #tpu.memory_space<vmem>>) offsets(%dma_start3A_306 : memref<128xi32, #tpu.memory_space<vmem>>) semaphore(%arg14 : memref<!tpu.dma_semaphore, #tpu.memory_space<semaphore_mem>>)
    %dma_start3A_310 = arith.constant 78 : i32
    %dma_start3A_311 = arith.constant 2 : i32
    %dma_start3A_312 = arith.constant 0 : i32
    %dma_start3A_313 = arith.constant 0 : i32
    %dma_start3A_314 = tpu.memref_slice %arg6[%dma_start3A_311, %dma_start3A_312, %dma_start3A_313] : memref<4x2x128xi32, #tpu.memory_space<vmem>> -> memref<1x2x128xi32, #tpu.memory_space<vmem>>
    %dma_start3A_315 = tpu.memref_squeeze %dma_start3A_314 : memref<1x2x128xi32, #tpu.memory_space<vmem>> -> memref<2x128xi32, #tpu.memory_space<vmem>>
    %dma_start3A_316 = arith.constant 0 : i32
    %dma_start3A_317 = arith.constant 0 : i32
    %dma_start3A_318 = tpu.memref_slice %arg3[%add3A, %dma_start3A_310, %dma_start3A_316, %dma_start3A_317] : memref<32x80x2x128xi32, #tpu.memory_space<hbm>> -> memref<1x1x2x128xi32, #tpu.memory_space<hbm>>
    %dma_start3A_319 = tpu.memref_squeeze %dma_start3A_318 : memref<1x1x2x128xi32, #tpu.memory_space<hbm>> -> memref<2x128xi32, #tpu.memory_space<hbm>>
    %dma_start3A_320 = arith.constant 0 : i32
    %dma_start3A_321 = arith.constant 0 : i32
    %dma_start3A_322 = tpu.memref_slice %arg6[%dma_start3A_311, %dma_start3A_320, %dma_start3A_321] : memref<4x2x128xi32, #tpu.memory_space<vmem>> -> memref<1x2x128xi32, #tpu.memory_space<vmem>>
    %dma_start3A_323 = tpu.memref_squeeze %dma_start3A_322 : memref<1x2x128xi32, #tpu.memory_space<vmem>> -> memref<2x128xi32, #tpu.memory_space<vmem>>
    %dma_start3A_324 = arith.constant 0 : i32
    %dma_start3A_325 = arith.constant 0 : i32
    %dma_start3A_326 = tpu.memref_slice %arg3[%add3A, %dma_start3A_310, %dma_start3A_324, %dma_start3A_325] : memref<32x80x2x128xi32, #tpu.memory_space<hbm>> -> memref<1x1x2x128xi32, #tpu.memory_space<hbm>>
    %dma_start3A_327 = tpu.memref_squeeze %dma_start3A_326 : memref<1x1x2x128xi32, #tpu.memory_space<hbm>> -> memref<2x128xi32, #tpu.memory_space<hbm>>
    tpu.enqueue_dma source(%dma_start3A_327 : memref<2x128xi32, #tpu.memory_space<hbm>>) target(%dma_start3A_323 : memref<2x128xi32, #tpu.memory_space<vmem>>) target_semaphore(%arg12 : memref<!tpu.dma_semaphore, #tpu.memory_space<semaphore_mem>>)
    %dma_wait3A_328 = arith.constant 0 : i32
    %dma_wait3A_329 = arith.constant 0 : i32
    %dma_wait3A_330 = tpu.memref_slice %arg2[%dma_wait3A_328, %dma_wait3A_329] : memref<10240x128xf32, #tpu.memory_space<hbm>> -> memref<128x128xf32, #tpu.memory_space<hbm>>
    %dma_wait3A_331 = arith.constant 0 : i32
    %dma_wait3A_332 = arith.constant 0 : i32
    %dma_wait3A_333 = tpu.memref_slice %arg2[%dma_wait3A_331, %dma_wait3A_332] : memref<10240x128xf32, #tpu.memory_space<hbm>> -> memref<128x128xf32, #tpu.memory_space<hbm>>
    tpu.wait_dma2 semaphore(%arg15 : memref<!tpu.dma_semaphore, #tpu.memory_space<semaphore_mem>>) src(%dma_wait3A_333 : memref<128x128xf32, #tpu.memory_space<hbm>>) dst(%arg8 : memref<128x128xf32, #tpu.memory_space<vmem>>)
    %dma_start3A_334 = arith.constant 3 : i32
    %dma_start3A_335 = arith.constant 1 : i32
    %dma_start3A_336 = arith.constant 0 : i32
    %dma_start3A_337 = tpu.memref_slice %arg6[%dma_start3A_334, %dma_start3A_335, %dma_start3A_336] : memref<4x2x128xi32, #tpu.memory_space<vmem>> -> memref<1x1x128xi32, #tpu.memory_space<vmem>>
    %dma_start3A_338 = tpu.memref_squeeze %dma_start3A_337 : memref<1x1x128xi32, #tpu.memory_space<vmem>> -> memref<128xi32, #tpu.memory_space<vmem>>
    %dma_start3A_339 = arith.constant 0 : i32
    %dma_start3A_340 = arith.constant 0 : i32
    %dma_start3A_341 = tpu.memref_slice %arg9[%dma_start3A_339, %dma_start3A_340] : memref<10240x128xf32, #tpu.memory_space<vmem_shared>> -> memref<10240x128xf32, #tpu.memory_space<vmem_shared>>
    tpu.enqueue_indirect_dma source(%arg8 : memref<128x128xf32, #tpu.memory_space<vmem>>) target(%dma_start3A_341 : memref<10240x128xf32, #tpu.memory_space<vmem_shared>>) offsets(%dma_start3A_338 : memref<128xi32, #tpu.memory_space<vmem>>) semaphore(%arg17 : memref<!tpu.dma_semaphore, #tpu.memory_space<semaphore_mem>>) {add = true}
    %dma_wait3A_342 = arith.constant 0 : i32
    %dma_wait3A_343 = arith.constant 1 : i32
    %dma_wait3A_344 = arith.constant 0 : i32
    %dma_wait3A_345 = arith.constant 0 : i32
    %dma_wait3A_346 = tpu.memref_slice %arg6[%dma_wait3A_343, %dma_wait3A_344, %dma_wait3A_345] : memref<4x2x128xi32, #tpu.memory_space<vmem>> -> memref<1x2x128xi32, #tpu.memory_space<vmem>>
    %dma_wait3A_347 = tpu.memref_squeeze %dma_wait3A_346 : memref<1x2x128xi32, #tpu.memory_space<vmem>> -> memref<2x128xi32, #tpu.memory_space<vmem>>
    %dma_wait3A_348 = arith.constant 0 : i32
    %dma_wait3A_349 = arith.constant 0 : i32
    %dma_wait3A_350 = tpu.memref_slice %arg3[%add3A, %dma_wait3A_342, %dma_wait3A_348, %dma_wait3A_349] : memref<32x80x2x128xi32, #tpu.memory_space<hbm>> -> memref<1x1x2x128xi32, #tpu.memory_space<hbm>>
    %dma_wait3A_351 = tpu.memref_squeeze %dma_wait3A_350 : memref<1x1x2x128xi32, #tpu.memory_space<hbm>> -> memref<2x128xi32, #tpu.memory_space<hbm>>
    %dma_wait3A_352 = arith.constant 0 : i32
    %dma_wait3A_353 = arith.constant 0 : i32
    %dma_wait3A_354 = tpu.memref_slice %arg6[%dma_wait3A_343, %dma_wait3A_352, %dma_wait3A_353] : memref<4x2x128xi32, #tpu.memory_space<vmem>> -> memref<1x2x128xi32, #tpu.memory_space<vmem>>
    %dma_wait3A_355 = tpu.memref_squeeze %dma_wait3A_354 : memref<1x2x128xi32, #tpu.memory_space<vmem>> -> memref<2x128xi32, #tpu.memory_space<vmem>>
    %dma_wait3A_356 = arith.constant 0 : i32
    %dma_wait3A_357 = arith.constant 0 : i32
    %dma_wait3A_358 = tpu.memref_slice %arg3[%add3A, %dma_wait3A_342, %dma_wait3A_356, %dma_wait3A_357] : memref<32x80x2x128xi32, #tpu.memory_space<hbm>> -> memref<1x1x2x128xi32, #tpu.memory_space<hbm>>
    %dma_wait3A_359 = tpu.memref_squeeze %dma_wait3A_358 : memref<1x1x2x128xi32, #tpu.memory_space<hbm>> -> memref<2x128xi32, #tpu.memory_space<hbm>>
    tpu.wait_dma2 semaphore(%arg11 : memref<!tpu.dma_semaphore, #tpu.memory_space<semaphore_mem>>) src(%dma_wait3A_359 : memref<2x128xi32, #tpu.memory_space<hbm>>) dst(%dma_wait3A_355 : memref<2x128xi32, #tpu.memory_space<vmem>>)
    %dma_wait3A_360 = arith.constant 0 : i32
    %dma_wait3A_361 = arith.constant 0 : i32
    %dma_wait3A_362 = tpu.memref_slice %arg2[%dma_wait3A_360, %dma_wait3A_361] : memref<10240x128xf32, #tpu.memory_space<hbm>> -> memref<128x128xf32, #tpu.memory_space<hbm>>
    %dma_wait3A_363 = arith.constant 0 : i32
    %dma_wait3A_364 = arith.constant 0 : i32
    %dma_wait3A_365 = tpu.memref_slice %arg2[%dma_wait3A_363, %dma_wait3A_364] : memref<10240x128xf32, #tpu.memory_space<hbm>> -> memref<128x128xf32, #tpu.memory_space<hbm>>
    tpu.wait_dma2 semaphore(%arg17 : memref<!tpu.dma_semaphore, #tpu.memory_space<semaphore_mem>>) src(%dma_wait3A_365 : memref<128x128xf32, #tpu.memory_space<hbm>>) dst(%arg8 : memref<128x128xf32, #tpu.memory_space<vmem>>)
    %dma_start3A_366 = arith.constant 1 : i32
    %dma_start3A_367 = arith.constant 0 : i32
    %dma_start3A_368 = arith.constant 0 : i32
    %dma_start3A_369 = tpu.memref_slice %arg6[%dma_start3A_366, %dma_start3A_367, %dma_start3A_368] : memref<4x2x128xi32, #tpu.memory_space<vmem>> -> memref<1x1x128xi32, #tpu.memory_space<vmem>>
    %dma_start3A_370 = tpu.memref_squeeze %dma_start3A_369 : memref<1x1x128xi32, #tpu.memory_space<vmem>> -> memref<128xi32, #tpu.memory_space<vmem>>
    %dma_start3A_371 = arith.constant 0 : i32
    %dma_start3A_372 = arith.constant 0 : i32
    %dma_start3A_373 = tpu.memref_slice %arg2[%dma_start3A_371, %dma_start3A_372] : memref<10240x128xf32, #tpu.memory_space<hbm>> -> memref<10240x128xf32, #tpu.memory_space<hbm>>
    tpu.enqueue_indirect_dma source(%dma_start3A_373 : memref<10240x128xf32, #tpu.memory_space<hbm>>) target(%arg8 : memref<128x128xf32, #tpu.memory_space<vmem>>) offsets(%dma_start3A_370 : memref<128xi32, #tpu.memory_space<vmem>>) semaphore(%arg15 : memref<!tpu.dma_semaphore, #tpu.memory_space<semaphore_mem>>)
    %dma_start3A_374 = arith.constant 79 : i32
    %dma_start3A_375 = arith.constant 3 : i32
    %dma_start3A_376 = arith.constant 0 : i32
    %dma_start3A_377 = arith.constant 0 : i32
    %dma_start3A_378 = tpu.memref_slice %arg6[%dma_start3A_375, %dma_start3A_376, %dma_start3A_377] : memref<4x2x128xi32, #tpu.memory_space<vmem>> -> memref<1x2x128xi32, #tpu.memory_space<vmem>>
    %dma_start3A_379 = tpu.memref_squeeze %dma_start3A_378 : memref<1x2x128xi32, #tpu.memory_space<vmem>> -> memref<2x128xi32, #tpu.memory_space<vmem>>
    %dma_start3A_380 = arith.constant 0 : i32
    %dma_start3A_381 = arith.constant 0 : i32
    %dma_start3A_382 = tpu.memref_slice %arg3[%add3A, %dma_start3A_374, %dma_start3A_380, %dma_start3A_381] : memref<32x80x2x128xi32, #tpu.memory_space<hbm>> -> memref<1x1x2x128xi32, #tpu.memory_space<hbm>>
    %dma_start3A_383 = tpu.memref_squeeze %dma_start3A_382 : memref<1x1x2x128xi32, #tpu.memory_space<hbm>> -> memref<2x128xi32, #tpu.memory_space<hbm>>
    %dma_start3A_384 = arith.constant 0 : i32
    %dma_start3A_385 = arith.constant 0 : i32
    %dma_start3A_386 = tpu.memref_slice %arg6[%dma_start3A_375, %dma_start3A_384, %dma_start3A_385] : memref<4x2x128xi32, #tpu.memory_space<vmem>> -> memref<1x2x128xi32, #tpu.memory_space<vmem>>
    %dma_start3A_387 = tpu.memref_squeeze %dma_start3A_386 : memref<1x2x128xi32, #tpu.memory_space<vmem>> -> memref<2x128xi32, #tpu.memory_space<vmem>>
    %dma_start3A_388 = arith.constant 0 : i32
    %dma_start3A_389 = arith.constant 0 : i32
    %dma_start3A_390 = tpu.memref_slice %arg3[%add3A, %dma_start3A_374, %dma_start3A_388, %dma_start3A_389] : memref<32x80x2x128xi32, #tpu.memory_space<hbm>> -> memref<1x1x2x128xi32, #tpu.memory_space<hbm>>
    %dma_start3A_391 = tpu.memref_squeeze %dma_start3A_390 : memref<1x1x2x128xi32, #tpu.memory_space<hbm>> -> memref<2x128xi32, #tpu.memory_space<hbm>>
    tpu.enqueue_dma source(%dma_start3A_391 : memref<2x128xi32, #tpu.memory_space<hbm>>) target(%dma_start3A_387 : memref<2x128xi32, #tpu.memory_space<vmem>>) target_semaphore(%arg13 : memref<!tpu.dma_semaphore, #tpu.memory_space<semaphore_mem>>)
    %dma_wait3A_392 = arith.constant 0 : i32
    %dma_wait3A_393 = arith.constant 0 : i32
    %dma_wait3A_394 = tpu.memref_slice %arg2[%dma_wait3A_392, %dma_wait3A_393] : memref<10240x128xf32, #tpu.memory_space<hbm>> -> memref<128x128xf32, #tpu.memory_space<hbm>>
    %dma_wait3A_395 = arith.constant 0 : i32
    %dma_wait3A_396 = arith.constant 0 : i32
    %dma_wait3A_397 = tpu.memref_slice %arg2[%dma_wait3A_395, %dma_wait3A_396] : memref<10240x128xf32, #tpu.memory_space<hbm>> -> memref<128x128xf32, #tpu.memory_space<hbm>>
    tpu.wait_dma2 semaphore(%arg14 : memref<!tpu.dma_semaphore, #tpu.memory_space<semaphore_mem>>) src(%dma_wait3A_397 : memref<128x128xf32, #tpu.memory_space<hbm>>) dst(%arg7 : memref<128x128xf32, #tpu.memory_space<vmem>>)
    %dma_start3A_398 = arith.constant 0 : i32
    %dma_start3A_399 = arith.constant 1 : i32
    %dma_start3A_400 = arith.constant 0 : i32
    %dma_start3A_401 = tpu.memref_slice %arg6[%dma_start3A_398, %dma_start3A_399, %dma_start3A_400] : memref<4x2x128xi32, #tpu.memory_space<vmem>> -> memref<1x1x128xi32, #tpu.memory_space<vmem>>
    %dma_start3A_402 = tpu.memref_squeeze %dma_start3A_401 : memref<1x1x128xi32, #tpu.memory_space<vmem>> -> memref<128xi32, #tpu.memory_space<vmem>>
    %dma_start3A_403 = arith.constant 0 : i32
    %dma_start3A_404 = arith.constant 0 : i32
    %dma_start3A_405 = tpu.memref_slice %arg9[%dma_start3A_403, %dma_start3A_404] : memref<10240x128xf32, #tpu.memory_space<vmem_shared>> -> memref<10240x128xf32, #tpu.memory_space<vmem_shared>>
    tpu.enqueue_indirect_dma source(%arg7 : memref<128x128xf32, #tpu.memory_space<vmem>>) target(%dma_start3A_405 : memref<10240x128xf32, #tpu.memory_space<vmem_shared>>) offsets(%dma_start3A_402 : memref<128xi32, #tpu.memory_space<vmem>>) semaphore(%arg16 : memref<!tpu.dma_semaphore, #tpu.memory_space<semaphore_mem>>) {add = true}
    %dma_wait3A_406 = arith.constant 0 : i32
    %dma_wait3A_407 = arith.constant 2 : i32
    %dma_wait3A_408 = arith.constant 0 : i32
    %dma_wait3A_409 = arith.constant 0 : i32
    %dma_wait3A_410 = tpu.memref_slice %arg6[%dma_wait3A_407, %dma_wait3A_408, %dma_wait3A_409] : memref<4x2x128xi32, #tpu.memory_space<vmem>> -> memref<1x2x128xi32, #tpu.memory_space<vmem>>
    %dma_wait3A_411 = tpu.memref_squeeze %dma_wait3A_410 : memref<1x2x128xi32, #tpu.memory_space<vmem>> -> memref<2x128xi32, #tpu.memory_space<vmem>>
    %dma_wait3A_412 = arith.constant 0 : i32
    %dma_wait3A_413 = arith.constant 0 : i32
    %dma_wait3A_414 = tpu.memref_slice %arg3[%add3A, %dma_wait3A_406, %dma_wait3A_412, %dma_wait3A_413] : memref<32x80x2x128xi32, #tpu.memory_space<hbm>> -> memref<1x1x2x128xi32, #tpu.memory_space<hbm>>
    %dma_wait3A_415 = tpu.memref_squeeze %dma_wait3A_414 : memref<1x1x2x128xi32, #tpu.memory_space<hbm>> -> memref<2x128xi32, #tpu.memory_space<hbm>>
    %dma_wait3A_416 = arith.constant 0 : i32
    %dma_wait3A_417 = arith.constant 0 : i32
    %dma_wait3A_418 = tpu.memref_slice %arg6[%dma_wait3A_407, %dma_wait3A_416, %dma_wait3A_417] : memref<4x2x128xi32, #tpu.memory_space<vmem>> -> memref<1x2x128xi32, #tpu.memory_space<vmem>>
    %dma_wait3A_419 = tpu.memref_squeeze %dma_wait3A_418 : memref<1x2x128xi32, #tpu.memory_space<vmem>> -> memref<2x128xi32, #tpu.memory_space<vmem>>
    %dma_wait3A_420 = arith.constant 0 : i32
    %dma_wait3A_421 = arith.constant 0 : i32
    %dma_wait3A_422 = tpu.memref_slice %arg3[%add3A, %dma_wait3A_406, %dma_wait3A_420, %dma_wait3A_421] : memref<32x80x2x128xi32, #tpu.memory_space<hbm>> -> memref<1x1x2x128xi32, #tpu.memory_space<hbm>>
    %dma_wait3A_423 = tpu.memref_squeeze %dma_wait3A_422 : memref<1x1x2x128xi32, #tpu.memory_space<hbm>> -> memref<2x128xi32, #tpu.memory_space<hbm>>
    tpu.wait_dma2 semaphore(%arg12 : memref<!tpu.dma_semaphore, #tpu.memory_space<semaphore_mem>>) src(%dma_wait3A_423 : memref<2x128xi32, #tpu.memory_space<hbm>>) dst(%dma_wait3A_419 : memref<2x128xi32, #tpu.memory_space<vmem>>)
    %dma_wait3A_424 = arith.constant 0 : i32
    %dma_wait3A_425 = arith.constant 0 : i32
    %dma_wait3A_426 = tpu.memref_slice %arg2[%dma_wait3A_424, %dma_wait3A_425] : memref<10240x128xf32, #tpu.memory_space<hbm>> -> memref<128x128xf32, #tpu.memory_space<hbm>>
    %dma_wait3A_427 = arith.constant 0 : i32
    %dma_wait3A_428 = arith.constant 0 : i32
    %dma_wait3A_429 = tpu.memref_slice %arg2[%dma_wait3A_427, %dma_wait3A_428] : memref<10240x128xf32, #tpu.memory_space<hbm>> -> memref<128x128xf32, #tpu.memory_space<hbm>>
    tpu.wait_dma2 semaphore(%arg16 : memref<!tpu.dma_semaphore, #tpu.memory_space<semaphore_mem>>) src(%dma_wait3A_429 : memref<128x128xf32, #tpu.memory_space<hbm>>) dst(%arg7 : memref<128x128xf32, #tpu.memory_space<vmem>>)
    %dma_start3A_430 = arith.constant 2 : i32
    %dma_start3A_431 = arith.constant 0 : i32
    %dma_start3A_432 = arith.constant 0 : i32
    %dma_start3A_433 = tpu.memref_slice %arg6[%dma_start3A_430, %dma_start3A_431, %dma_start3A_432] : memref<4x2x128xi32, #tpu.memory_space<vmem>> -> memref<1x1x128xi32, #tpu.memory_space<vmem>>
    %dma_start3A_434 = tpu.memref_squeeze %dma_start3A_433 : memref<1x1x128xi32, #tpu.memory_space<vmem>> -> memref<128xi32, #tpu.memory_space<vmem>>
    %dma_start3A_435 = arith.constant 0 : i32
    %dma_start3A_436 = arith.constant 0 : i32
    %dma_start3A_437 = tpu.memref_slice %arg2[%dma_start3A_435, %dma_start3A_436] : memref<10240x128xf32, #tpu.memory_space<hbm>> -> memref<10240x128xf32, #tpu.memory_space<hbm>>
    tpu.enqueue_indirect_dma source(%dma_start3A_437 : memref<10240x128xf32, #tpu.memory_space<hbm>>) target(%arg7 : memref<128x128xf32, #tpu.memory_space<vmem>>) offsets(%dma_start3A_434 : memref<128xi32, #tpu.memory_space<vmem>>) semaphore(%arg14 : memref<!tpu.dma_semaphore, #tpu.memory_space<semaphore_mem>>)
    %dma_wait3A_438 = arith.constant 0 : i32
    %dma_wait3A_439 = arith.constant 0 : i32
    %dma_wait3A_440 = tpu.memref_slice %arg2[%dma_wait3A_438, %dma_wait3A_439] : memref<10240x128xf32, #tpu.memory_space<hbm>> -> memref<128x128xf32, #tpu.memory_space<hbm>>
    %dma_wait3A_441 = arith.constant 0 : i32
    %dma_wait3A_442 = arith.constant 0 : i32
    %dma_wait3A_443 = tpu.memref_slice %arg2[%dma_wait3A_441, %dma_wait3A_442] : memref<10240x128xf32, #tpu.memory_space<hbm>> -> memref<128x128xf32, #tpu.memory_space<hbm>>
    tpu.wait_dma2 semaphore(%arg15 : memref<!tpu.dma_semaphore, #tpu.memory_space<semaphore_mem>>) src(%dma_wait3A_443 : memref<128x128xf32, #tpu.memory_space<hbm>>) dst(%arg8 : memref<128x128xf32, #tpu.memory_space<vmem>>)
    %dma_start3A_444 = arith.constant 1 : i32
    %dma_start3A_445 = arith.constant 1 : i32
    %dma_start3A_446 = arith.constant 0 : i32
    %dma_start3A_447 = tpu.memref_slice %arg6[%dma_start3A_444, %dma_start3A_445, %dma_start3A_446] : memref<4x2x128xi32, #tpu.memory_space<vmem>> -> memref<1x1x128xi32, #tpu.memory_space<vmem>>
    %dma_start3A_448 = tpu.memref_squeeze %dma_start3A_447 : memref<1x1x128xi32, #tpu.memory_space<vmem>> -> memref<128xi32, #tpu.memory_space<vmem>>
    %dma_start3A_449 = arith.constant 0 : i32
    %dma_start3A_450 = arith.constant 0 : i32
    %dma_start3A_451 = tpu.memref_slice %arg9[%dma_start3A_449, %dma_start3A_450] : memref<10240x128xf32, #tpu.memory_space<vmem_shared>> -> memref<10240x128xf32, #tpu.memory_space<vmem_shared>>
    tpu.enqueue_indirect_dma source(%arg8 : memref<128x128xf32, #tpu.memory_space<vmem>>) target(%dma_start3A_451 : memref<10240x128xf32, #tpu.memory_space<vmem_shared>>) offsets(%dma_start3A_448 : memref<128xi32, #tpu.memory_space<vmem>>) semaphore(%arg17 : memref<!tpu.dma_semaphore, #tpu.memory_space<semaphore_mem>>) {add = true}
    %dma_wait3A_452 = arith.constant 0 : i32
    %dma_wait3A_453 = arith.constant 3 : i32
    %dma_wait3A_454 = arith.constant 0 : i32
    %dma_wait3A_455 = arith.constant 0 : i32
    %dma_wait3A_456 = tpu.memref_slice %arg6[%dma_wait3A_453, %dma_wait3A_454, %dma_wait3A_455] : memref<4x2x128xi32, #tpu.memory_space<vmem>> -> memref<1x2x128xi32, #tpu.memory_space<vmem>>
    %dma_wait3A_457 = tpu.memref_squeeze %dma_wait3A_456 : memref<1x2x128xi32, #tpu.memory_space<vmem>> -> memref<2x128xi32, #tpu.memory_space<vmem>>
    %dma_wait3A_458 = arith.constant 0 : i32
    %dma_wait3A_459 = arith.constant 0 : i32
    %dma_wait3A_460 = tpu.memref_slice %arg3[%add3A, %dma_wait3A_452, %dma_wait3A_458, %dma_wait3A_459] : memref<32x80x2x128xi32, #tpu.memory_space<hbm>> -> memref<1x1x2x128xi32, #tpu.memory_space<hbm>>
    %dma_wait3A_461 = tpu.memref_squeeze %dma_wait3A_460 : memref<1x1x2x128xi32, #tpu.memory_space<hbm>> -> memref<2x128xi32, #tpu.memory_space<hbm>>
    %dma_wait3A_462 = arith.constant 0 : i32
    %dma_wait3A_463 = arith.constant 0 : i32
    %dma_wait3A_464 = tpu.memref_slice %arg6[%dma_wait3A_453, %dma_wait3A_462, %dma_wait3A_463] : memref<4x2x128xi32, #tpu.memory_space<vmem>> -> memref<1x2x128xi32, #tpu.memory_space<vmem>>
    %dma_wait3A_465 = tpu.memref_squeeze %dma_wait3A_464 : memref<1x2x128xi32, #tpu.memory_space<vmem>> -> memref<2x128xi32, #tpu.memory_space<vmem>>
    %dma_wait3A_466 = arith.constant 0 : i32
    %dma_wait3A_467 = arith.constant 0 : i32
    %dma_wait3A_468 = tpu.memref_slice %arg3[%add3A, %dma_wait3A_452, %dma_wait3A_466, %dma_wait3A_467] : memref<32x80x2x128xi32, #tpu.memory_space<hbm>> -> memref<1x1x2x128xi32, #tpu.memory_space<hbm>>
    %dma_wait3A_469 = tpu.memref_squeeze %dma_wait3A_468 : memref<1x1x2x128xi32, #tpu.memory_space<hbm>> -> memref<2x128xi32, #tpu.memory_space<hbm>>
    tpu.wait_dma2 semaphore(%arg13 : memref<!tpu.dma_semaphore, #tpu.memory_space<semaphore_mem>>) src(%dma_wait3A_469 : memref<2x128xi32, #tpu.memory_space<hbm>>) dst(%dma_wait3A_465 : memref<2x128xi32, #tpu.memory_space<vmem>>)
    %dma_wait3A_470 = arith.constant 0 : i32
    %dma_wait3A_471 = arith.constant 0 : i32
    %dma_wait3A_472 = tpu.memref_slice %arg2[%dma_wait3A_470, %dma_wait3A_471] : memref<10240x128xf32, #tpu.memory_space<hbm>> -> memref<128x128xf32, #tpu.memory_space<hbm>>
    %dma_wait3A_473 = arith.constant 0 : i32
    %dma_wait3A_474 = arith.constant 0 : i32
    %dma_wait3A_475 = tpu.memref_slice %arg2[%dma_wait3A_473, %dma_wait3A_474] : memref<10240x128xf32, #tpu.memory_space<hbm>> -> memref<128x128xf32, #tpu.memory_space<hbm>>
    tpu.wait_dma2 semaphore(%arg17 : memref<!tpu.dma_semaphore, #tpu.memory_space<semaphore_mem>>) src(%dma_wait3A_475 : memref<128x128xf32, #tpu.memory_space<hbm>>) dst(%arg8 : memref<128x128xf32, #tpu.memory_space<vmem>>)
    %dma_start3A_476 = arith.constant 3 : i32
    %dma_start3A_477 = arith.constant 0 : i32
    %dma_start3A_478 = arith.constant 0 : i32
    %dma_start3A_479 = tpu.memref_slice %arg6[%dma_start3A_476, %dma_start3A_477, %dma_start3A_478] : memref<4x2x128xi32, #tpu.memory_space<vmem>> -> memref<1x1x128xi32, #tpu.memory_space<vmem>>
    %dma_start3A_480 = tpu.memref_squeeze %dma_start3A_479 : memref<1x1x128xi32, #tpu.memory_space<vmem>> -> memref<128xi32, #tpu.memory_space<vmem>>
    %dma_start3A_481 = arith.constant 0 : i32
    %dma_start3A_482 = arith.constant 0 : i32
    %dma_start3A_483 = tpu.memref_slice %arg2[%dma_start3A_481, %dma_start3A_482] : memref<10240x128xf32, #tpu.memory_space<hbm>> -> memref<10240x128xf32, #tpu.memory_space<hbm>>
    tpu.enqueue_indirect_dma source(%dma_start3A_483 : memref<10240x128xf32, #tpu.memory_space<hbm>>) target(%arg8 : memref<128x128xf32, #tpu.memory_space<vmem>>) offsets(%dma_start3A_480 : memref<128xi32, #tpu.memory_space<vmem>>) semaphore(%arg15 : memref<!tpu.dma_semaphore, #tpu.memory_space<semaphore_mem>>)
    %dma_wait3A_484 = arith.constant 0 : i32
    %dma_wait3A_485 = arith.constant 0 : i32
    %dma_wait3A_486 = tpu.memref_slice %arg2[%dma_wait3A_484, %dma_wait3A_485] : memref<10240x128xf32, #tpu.memory_space<hbm>> -> memref<128x128xf32, #tpu.memory_space<hbm>>
    %dma_wait3A_487 = arith.constant 0 : i32
    %dma_wait3A_488 = arith.constant 0 : i32
    %dma_wait3A_489 = tpu.memref_slice %arg2[%dma_wait3A_487, %dma_wait3A_488] : memref<10240x128xf32, #tpu.memory_space<hbm>> -> memref<128x128xf32, #tpu.memory_space<hbm>>
    tpu.wait_dma2 semaphore(%arg14 : memref<!tpu.dma_semaphore, #tpu.memory_space<semaphore_mem>>) src(%dma_wait3A_489 : memref<128x128xf32, #tpu.memory_space<hbm>>) dst(%arg7 : memref<128x128xf32, #tpu.memory_space<vmem>>)
    %dma_start3A_490 = arith.constant 2 : i32
    %dma_start3A_491 = arith.constant 1 : i32
    %dma_start3A_492 = arith.constant 0 : i32
    %dma_start3A_493 = tpu.memref_slice %arg6[%dma_start3A_490, %dma_start3A_491, %dma_start3A_492] : memref<4x2x128xi32, #tpu.memory_space<vmem>> -> memref<1x1x128xi32, #tpu.memory_space<vmem>>
    %dma_start3A_494 = tpu.memref_squeeze %dma_start3A_493 : memref<1x1x128xi32, #tpu.memory_space<vmem>> -> memref<128xi32, #tpu.memory_space<vmem>>
    %dma_start3A_495 = arith.constant 0 : i32
    %dma_start3A_496 = arith.constant 0 : i32
    %dma_start3A_497 = tpu.memref_slice %arg9[%dma_start3A_495, %dma_start3A_496] : memref<10240x128xf32, #tpu.memory_space<vmem_shared>> -> memref<10240x128xf32, #tpu.memory_space<vmem_shared>>
    tpu.enqueue_indirect_dma source(%arg7 : memref<128x128xf32, #tpu.memory_space<vmem>>) target(%dma_start3A_497 : memref<10240x128xf32, #tpu.memory_space<vmem_shared>>) offsets(%dma_start3A_494 : memref<128xi32, #tpu.memory_space<vmem>>) semaphore(%arg16 : memref<!tpu.dma_semaphore, #tpu.memory_space<semaphore_mem>>) {add = true}
    %dma_wait3A_498 = arith.constant 0 : i32
    %dma_wait3A_499 = arith.constant 0 : i32
    %dma_wait3A_500 = tpu.memref_slice %arg2[%dma_wait3A_498, %dma_wait3A_499] : memref<10240x128xf32, #tpu.memory_space<hbm>> -> memref<128x128xf32, #tpu.memory_space<hbm>>
    %dma_wait3A_501 = arith.constant 0 : i32
    %dma_wait3A_502 = arith.constant 0 : i32
    %dma_wait3A_503 = tpu.memref_slice %arg2[%dma_wait3A_501, %dma_wait3A_502] : memref<10240x128xf32, #tpu.memory_space<hbm>> -> memref<128x128xf32, #tpu.memory_space<hbm>>
    tpu.wait_dma2 semaphore(%arg15 : memref<!tpu.dma_semaphore, #tpu.memory_space<semaphore_mem>>) src(%dma_wait3A_503 : memref<128x128xf32, #tpu.memory_space<hbm>>) dst(%arg8 : memref<128x128xf32, #tpu.memory_space<vmem>>)
    %dma_start3A_504 = arith.constant 3 : i32
    %dma_start3A_505 = arith.constant 1 : i32
    %dma_start3A_506 = arith.constant 0 : i32
    %dma_start3A_507 = tpu.memref_slice %arg6[%dma_start3A_504, %dma_start3A_505, %dma_start3A_506] : memref<4x2x128xi32, #tpu.memory_space<vmem>> -> memref<1x1x128xi32, #tpu.memory_space<vmem>>
    %dma_start3A_508 = tpu.memref_squeeze %dma_start3A_507 : memref<1x1x128xi32, #tpu.memory_space<vmem>> -> memref<128xi32, #tpu.memory_space<vmem>>
    %dma_start3A_509 = arith.constant 0 : i32
    %dma_start3A_510 = arith.constant 0 : i32
    %dma_start3A_511 = tpu.memref_slice %arg9[%dma_start3A_509, %dma_start3A_510] : memref<10240x128xf32, #tpu.memory_space<vmem_shared>> -> memref<10240x128xf32, #tpu.memory_space<vmem_shared>>
    tpu.enqueue_indirect_dma source(%arg8 : memref<128x128xf32, #tpu.memory_space<vmem>>) target(%dma_start3A_511 : memref<10240x128xf32, #tpu.memory_space<vmem_shared>>) offsets(%dma_start3A_508 : memref<128xi32, #tpu.memory_space<vmem>>) semaphore(%arg17 : memref<!tpu.dma_semaphore, #tpu.memory_space<semaphore_mem>>) {add = true}
    %dma_wait3A_512 = arith.constant 0 : i32
    %dma_wait3A_513 = arith.constant 0 : i32
    %dma_wait3A_514 = tpu.memref_slice %arg2[%dma_wait3A_512, %dma_wait3A_513] : memref<10240x128xf32, #tpu.memory_space<hbm>> -> memref<128x128xf32, #tpu.memory_space<hbm>>
    %dma_wait3A_515 = arith.constant 0 : i32
    %dma_wait3A_516 = arith.constant 0 : i32
    %dma_wait3A_517 = tpu.memref_slice %arg2[%dma_wait3A_515, %dma_wait3A_516] : memref<10240x128xf32, #tpu.memory_space<hbm>> -> memref<128x128xf32, #tpu.memory_space<hbm>>
    tpu.wait_dma2 semaphore(%arg16 : memref<!tpu.dma_semaphore, #tpu.memory_space<semaphore_mem>>) src(%dma_wait3A_517 : memref<128x128xf32, #tpu.memory_space<hbm>>) dst(%arg7 : memref<128x128xf32, #tpu.memory_space<vmem>>)
    %dma_wait3A_518 = arith.constant 0 : i32
    %dma_wait3A_519 = arith.constant 0 : i32
    %dma_wait3A_520 = tpu.memref_slice %arg2[%dma_wait3A_518, %dma_wait3A_519] : memref<10240x128xf32, #tpu.memory_space<hbm>> -> memref<128x128xf32, #tpu.memory_space<hbm>>
    %dma_wait3A_521 = arith.constant 0 : i32
    %dma_wait3A_522 = arith.constant 0 : i32
    %dma_wait3A_523 = tpu.memref_slice %arg2[%dma_wait3A_521, %dma_wait3A_522] : memref<10240x128xf32, #tpu.memory_space<hbm>> -> memref<128x128xf32, #tpu.memory_space<hbm>>
    tpu.wait_dma2 semaphore(%arg17 : memref<!tpu.dma_semaphore, #tpu.memory_space<semaphore_mem>>) src(%dma_wait3A_523 : memref<128x128xf32, #tpu.memory_space<hbm>>) dst(%arg8 : memref<128x128xf32, #tpu.memory_space<vmem>>)
    %barrier3A_524 = arith.constant 0 : index
    tpu.barrier barrier_id(%barrier3A_524)
    "tpu.region"() ({
      %run_scoped3A = tpu.sem_alloc : memref<!tpu.dma_semaphore, #tpu.memory_space<semaphore_mem>>
      %dma_start3A_525 = arith.constant 0 : i32
      %dma_start3A_526 = tpu.memref_slice %arg5[%arg0, %mul3A_2, %dma_start3A_525] : memref<2x10240x128xf32, #tpu.memory_space<hbm>> -> memref<1x640x128xf32, #tpu.memory_space<hbm>>
      %dma_start3A_527 = tpu.memref_squeeze %dma_start3A_526 : memref<1x640x128xf32, #tpu.memory_space<hbm>> -> memref<640x128xf32, #tpu.memory_space<hbm>>
      %dma_start3A_528 = arith.constant 0 : i32
      %dma_start3A_529 = tpu.memref_slice %arg9[%mul3A_2, %dma_start3A_528] : memref<10240x128xf32, #tpu.memory_space<vmem_shared>> -> memref<640x128xf32, #tpu.memory_space<vmem_shared>>
      tpu.enqueue_dma source(%dma_start3A_529 : memref<640x128xf32, #tpu.memory_space<vmem_shared>>) target(%dma_start3A_527 : memref<640x128xf32, #tpu.memory_space<hbm>>) target_semaphore(%run_scoped3A : memref<!tpu.dma_semaphore, #tpu.memory_space<semaphore_mem>>)
      %dma_wait3A_530 = arith.constant 0 : i32
      %dma_wait3A_531 = tpu.memref_slice %arg5[%arg0, %mul3A_2, %dma_wait3A_530] : memref<2x10240x128xf32, #tpu.memory_space<hbm>> -> memref<1x640x128xf32, #tpu.memory_space<hbm>>
      %dma_wait3A_532 = tpu.memref_squeeze %dma_wait3A_531 : memref<1x640x128xf32, #tpu.memory_space<hbm>> -> memref<640x128xf32, #tpu.memory_space<hbm>>
      %dma_wait3A_533 = arith.constant 0 : i32
      %dma_wait3A_534 = tpu.memref_slice %arg9[%mul3A_2, %dma_wait3A_533] : memref<10240x128xf32, #tpu.memory_space<vmem_shared>> -> memref<640x128xf32, #tpu.memory_space<vmem_shared>>
      tpu.wait_dma2 semaphore(%run_scoped3A : memref<!tpu.dma_semaphore, #tpu.memory_space<semaphore_mem>>) src(%dma_wait3A_534 : memref<640x128xf32, #tpu.memory_space<vmem_shared>>) dst(%dma_wait3A_532 : memref<640x128xf32, #tpu.memory_space<hbm>>)
      tpu.yield
    }) : () -> ()
    return
  }
}

#map = affine_map<(d0, d1) -> (0, 0)>
#map1 = affine_map<(d0, d1) -> (0, 0, 0)>
module attributes {stable_mosaic.version = 14 : i64} {
  func.func @_sc_dec_body(%arg0: i32, %arg1: i32, %arg2: memref<10240x128xf32, #tpu.memory_space<hbm>>, %arg3: memref<32x50x64xi32, #tpu.memory_space<hbm>>, %arg4: memref<32x50x64xi32, #tpu.memory_space<hbm>>, %arg5: memref<102400x128xf32, #tpu.memory_space<hbm>>, %arg6: memref<10240x128xf32, #tpu.memory_space<vmem_shared>>, %arg7: memref<50x64xi32, #tpu.memory_space<vmem>>, %arg8: memref<50x64xi32, #tpu.memory_space<vmem>>, %arg9: memref<64x128xf32, #tpu.memory_space<vmem>>, %arg10: memref<64x128xf32, #tpu.memory_space<vmem>>, %arg11: memref<64x128xf32, #tpu.memory_space<vmem>>, %arg12: memref<64x128xf32, #tpu.memory_space<vmem>>, %arg13: memref<!tpu.dma_semaphore, #tpu.memory_space<semaphore_mem>>, %arg14: memref<!tpu.dma_semaphore, #tpu.memory_space<semaphore_mem>>, %arg15: memref<!tpu.dma_semaphore, #tpu.memory_space<semaphore_mem>>, %arg16: memref<!tpu.dma_semaphore, #tpu.memory_space<semaphore_mem>>, %arg17: memref<!tpu.dma_semaphore, #tpu.memory_space<semaphore_mem>>, %arg18: memref<!tpu.dma_semaphore, #tpu.memory_space<semaphore_mem>>) attributes {dimension_semantics = [#tpu.dimension_semantics<core_parallel>, #tpu.dimension_semantics<subcore_parallel>], iteration_bounds = array<i64: 2, 16>, scalar_prefetch = 0 : i64, scratch_operands = 13 : i64, tpu.core_type = #tpu.core_type<sc_vector_subcore>, window_params = [{transform_indices = #map}, {transform_indices = #map1}, {transform_indices = #map1}, {transform_indices = #map}]} {
    %mul3A = arith.constant 16 : i32
    %mul3A_0 = arith.muli %arg0, %mul3A : i32
    %add3A = arith.addi %mul3A_0, %arg1 : i32
    %mul3A_1 = arith.constant 3200 : i32
    %mul3A_2 = arith.muli %add3A, %mul3A_1 : i32
    %mul3A_3 = arith.constant 640 : i32
    %mul3A_4 = arith.muli %arg1, %mul3A_3 : i32
    "tpu.region"() ({
      %run_scoped3A = tpu.sem_alloc : memref<!tpu.dma_semaphore, #tpu.memory_space<semaphore_mem>>
      %dma_start3A = arith.constant 0 : i32
      %dma_start3A_10 = tpu.memref_slice %arg6[%mul3A_4, %dma_start3A] : memref<10240x128xf32, #tpu.memory_space<vmem_shared>> -> memref<640x128xf32, #tpu.memory_space<vmem_shared>>
      %dma_start3A_11 = arith.constant 0 : i32
      %dma_start3A_12 = tpu.memref_slice %arg2[%mul3A_4, %dma_start3A_11] : memref<10240x128xf32, #tpu.memory_space<hbm>> -> memref<640x128xf32, #tpu.memory_space<hbm>>
      tpu.enqueue_dma source(%dma_start3A_12 : memref<640x128xf32, #tpu.memory_space<hbm>>) target(%dma_start3A_10 : memref<640x128xf32, #tpu.memory_space<vmem_shared>>) target_semaphore(%run_scoped3A : memref<!tpu.dma_semaphore, #tpu.memory_space<semaphore_mem>>)
      %dma_wait3A = arith.constant 0 : i32
      %dma_wait3A_13 = tpu.memref_slice %arg6[%mul3A_4, %dma_wait3A] : memref<10240x128xf32, #tpu.memory_space<vmem_shared>> -> memref<640x128xf32, #tpu.memory_space<vmem_shared>>
      %dma_wait3A_14 = arith.constant 0 : i32
      %dma_wait3A_15 = tpu.memref_slice %arg2[%mul3A_4, %dma_wait3A_14] : memref<10240x128xf32, #tpu.memory_space<hbm>> -> memref<640x128xf32, #tpu.memory_space<hbm>>
      tpu.wait_dma2 semaphore(%run_scoped3A : memref<!tpu.dma_semaphore, #tpu.memory_space<semaphore_mem>>) src(%dma_wait3A_15 : memref<640x128xf32, #tpu.memory_space<hbm>>) dst(%dma_wait3A_13 : memref<640x128xf32, #tpu.memory_space<vmem_shared>>)
      tpu.yield
    }) : () -> ()
    "tpu.region"() ({
      %run_scoped3A = tpu.sem_alloc : memref<!tpu.dma_semaphore, #tpu.memory_space<semaphore_mem>>
      %dma_start3A = arith.constant 0 : i32
      %dma_start3A_10 = arith.constant 0 : i32
      %dma_start3A_11 = tpu.memref_slice %arg3[%add3A, %dma_start3A, %dma_start3A_10] : memref<32x50x64xi32, #tpu.memory_space<hbm>> -> memref<1x50x64xi32, #tpu.memory_space<hbm>>
      %dma_start3A_12 = tpu.memref_squeeze %dma_start3A_11 : memref<1x50x64xi32, #tpu.memory_space<hbm>> -> memref<50x64xi32, #tpu.memory_space<hbm>>
      %dma_start3A_13 = arith.constant 0 : i32
      %dma_start3A_14 = arith.constant 0 : i32
      %dma_start3A_15 = tpu.memref_slice %arg3[%add3A, %dma_start3A_13, %dma_start3A_14] : memref<32x50x64xi32, #tpu.memory_space<hbm>> -> memref<1x50x64xi32, #tpu.memory_space<hbm>>
      %dma_start3A_16 = tpu.memref_squeeze %dma_start3A_15 : memref<1x50x64xi32, #tpu.memory_space<hbm>> -> memref<50x64xi32, #tpu.memory_space<hbm>>
      tpu.enqueue_dma source(%dma_start3A_16 : memref<50x64xi32, #tpu.memory_space<hbm>>) target(%arg7 : memref<50x64xi32, #tpu.memory_space<vmem>>) target_semaphore(%run_scoped3A : memref<!tpu.dma_semaphore, #tpu.memory_space<semaphore_mem>>)
      %dma_wait3A = arith.constant 0 : i32
      %dma_wait3A_17 = arith.constant 0 : i32
      %dma_wait3A_18 = tpu.memref_slice %arg3[%add3A, %dma_wait3A, %dma_wait3A_17] : memref<32x50x64xi32, #tpu.memory_space<hbm>> -> memref<1x50x64xi32, #tpu.memory_space<hbm>>
      %dma_wait3A_19 = tpu.memref_squeeze %dma_wait3A_18 : memref<1x50x64xi32, #tpu.memory_space<hbm>> -> memref<50x64xi32, #tpu.memory_space<hbm>>
      %dma_wait3A_20 = arith.constant 0 : i32
      %dma_wait3A_21 = arith.constant 0 : i32
      %dma_wait3A_22 = tpu.memref_slice %arg3[%add3A, %dma_wait3A_20, %dma_wait3A_21] : memref<32x50x64xi32, #tpu.memory_space<hbm>> -> memref<1x50x64xi32, #tpu.memory_space<hbm>>
      %dma_wait3A_23 = tpu.memref_squeeze %dma_wait3A_22 : memref<1x50x64xi32, #tpu.memory_space<hbm>> -> memref<50x64xi32, #tpu.memory_space<hbm>>
      tpu.wait_dma2 semaphore(%run_scoped3A : memref<!tpu.dma_semaphore, #tpu.memory_space<semaphore_mem>>) src(%dma_wait3A_23 : memref<50x64xi32, #tpu.memory_space<hbm>>) dst(%arg7 : memref<50x64xi32, #tpu.memory_space<vmem>>)
      tpu.yield
    }) : () -> ()
    "tpu.region"() ({
      %run_scoped3A = tpu.sem_alloc : memref<!tpu.dma_semaphore, #tpu.memory_space<semaphore_mem>>
      %dma_start3A = arith.constant 0 : i32
      %dma_start3A_10 = arith.constant 0 : i32
      %dma_start3A_11 = tpu.memref_slice %arg4[%add3A, %dma_start3A, %dma_start3A_10] : memref<32x50x64xi32, #tpu.memory_space<hbm>> -> memref<1x50x64xi32, #tpu.memory_space<hbm>>
      %dma_start3A_12 = tpu.memref_squeeze %dma_start3A_11 : memref<1x50x64xi32, #tpu.memory_space<hbm>> -> memref<50x64xi32, #tpu.memory_space<hbm>>
      %dma_start3A_13 = arith.constant 0 : i32
      %dma_start3A_14 = arith.constant 0 : i32
      %dma_start3A_15 = tpu.memref_slice %arg4[%add3A, %dma_start3A_13, %dma_start3A_14] : memref<32x50x64xi32, #tpu.memory_space<hbm>> -> memref<1x50x64xi32, #tpu.memory_space<hbm>>
      %dma_start3A_16 = tpu.memref_squeeze %dma_start3A_15 : memref<1x50x64xi32, #tpu.memory_space<hbm>> -> memref<50x64xi32, #tpu.memory_space<hbm>>
      tpu.enqueue_dma source(%dma_start3A_16 : memref<50x64xi32, #tpu.memory_space<hbm>>) target(%arg8 : memref<50x64xi32, #tpu.memory_space<vmem>>) target_semaphore(%run_scoped3A : memref<!tpu.dma_semaphore, #tpu.memory_space<semaphore_mem>>)
      %dma_wait3A = arith.constant 0 : i32
      %dma_wait3A_17 = arith.constant 0 : i32
      %dma_wait3A_18 = tpu.memref_slice %arg4[%add3A, %dma_wait3A, %dma_wait3A_17] : memref<32x50x64xi32, #tpu.memory_space<hbm>> -> memref<1x50x64xi32, #tpu.memory_space<hbm>>
      %dma_wait3A_19 = tpu.memref_squeeze %dma_wait3A_18 : memref<1x50x64xi32, #tpu.memory_space<hbm>> -> memref<50x64xi32, #tpu.memory_space<hbm>>
      %dma_wait3A_20 = arith.constant 0 : i32
      %dma_wait3A_21 = arith.constant 0 : i32
      %dma_wait3A_22 = tpu.memref_slice %arg4[%add3A, %dma_wait3A_20, %dma_wait3A_21] : memref<32x50x64xi32, #tpu.memory_space<hbm>> -> memref<1x50x64xi32, #tpu.memory_space<hbm>>
      %dma_wait3A_23 = tpu.memref_squeeze %dma_wait3A_22 : memref<1x50x64xi32, #tpu.memory_space<hbm>> -> memref<50x64xi32, #tpu.memory_space<hbm>>
      tpu.wait_dma2 semaphore(%run_scoped3A : memref<!tpu.dma_semaphore, #tpu.memory_space<semaphore_mem>>) src(%dma_wait3A_23 : memref<50x64xi32, #tpu.memory_space<hbm>>) dst(%arg8 : memref<50x64xi32, #tpu.memory_space<vmem>>)
      tpu.yield
    }) : () -> ()
    %barrier3A = arith.constant 0 : index
    tpu.barrier barrier_id(%barrier3A)
    %scan3A = arith.constant 0 : i32
    %scan3A_5 = arith.constant 0 : i32
    %scan3A_6 = arith.constant 25 : i32
    %scan3A_7 = arith.addi %scan3A_5, %scan3A_6 : i32
    %scan3A_8 = arith.constant 1 : i32
    scf.for %scan3A_10 = %scan3A_5 to %scan3A_7 step %scan3A_8  : i32 {
      %mul3A_11 = arith.constant 2 : i32
      %mul3A_12 = arith.muli %mul3A_11, %scan3A_10 : i32
      %add3A_13 = arith.constant 0 : i32
      %add3A_14 = arith.addi %mul3A_12, %add3A_13 : i32
      %dma_start3A = arith.constant 0 : i32
      %dma_start3A_15 = tpu.memref_slice %arg7[%add3A_14, %dma_start3A] : memref<50x64xi32, #tpu.memory_space<vmem>> -> memref<1x64xi32, #tpu.memory_space<vmem>>
      %dma_start3A_16 = tpu.memref_squeeze %dma_start3A_15 : memref<1x64xi32, #tpu.memory_space<vmem>> -> memref<64xi32, #tpu.memory_space<vmem>>
      %dma_start3A_17 = arith.constant 0 : i32
      %dma_start3A_18 = arith.constant 0 : i32
      %dma_start3A_19 = tpu.memref_slice %arg6[%dma_start3A_17, %dma_start3A_18] : memref<10240x128xf32, #tpu.memory_space<vmem_shared>> -> memref<10240x128xf32, #tpu.memory_space<vmem_shared>>
      tpu.enqueue_indirect_dma source(%dma_start3A_19 : memref<10240x128xf32, #tpu.memory_space<vmem_shared>>) target(%arg9 : memref<64x128xf32, #tpu.memory_space<vmem>>) offsets(%dma_start3A_16 : memref<64xi32, #tpu.memory_space<vmem>>) semaphore(%arg13 : memref<!tpu.dma_semaphore, #tpu.memory_space<semaphore_mem>>)
      %add3A_20 = arith.constant 0 : i32
      %add3A_21 = arith.addi %mul3A_12, %add3A_20 : i32
      %dma_start3A_22 = arith.constant 0 : i32
      %dma_start3A_23 = tpu.memref_slice %arg8[%add3A_21, %dma_start3A_22] : memref<50x64xi32, #tpu.memory_space<vmem>> -> memref<1x64xi32, #tpu.memory_space<vmem>>
      %dma_start3A_24 = tpu.memref_squeeze %dma_start3A_23 : memref<1x64xi32, #tpu.memory_space<vmem>> -> memref<64xi32, #tpu.memory_space<vmem>>
      %dma_start3A_25 = arith.constant 0 : i32
      %dma_start3A_26 = arith.constant 0 : i32
      %dma_start3A_27 = tpu.memref_slice %arg6[%dma_start3A_25, %dma_start3A_26] : memref<10240x128xf32, #tpu.memory_space<vmem_shared>> -> memref<10240x128xf32, #tpu.memory_space<vmem_shared>>
      tpu.enqueue_indirect_dma source(%dma_start3A_27 : memref<10240x128xf32, #tpu.memory_space<vmem_shared>>) target(%arg10 : memref<64x128xf32, #tpu.memory_space<vmem>>) offsets(%dma_start3A_24 : memref<64xi32, #tpu.memory_space<vmem>>) semaphore(%arg14 : memref<!tpu.dma_semaphore, #tpu.memory_space<semaphore_mem>>)
      %add3A_28 = arith.constant 1 : i32
      %add3A_29 = arith.addi %mul3A_12, %add3A_28 : i32
      %dma_start3A_30 = arith.constant 0 : i32
      %dma_start3A_31 = tpu.memref_slice %arg7[%add3A_29, %dma_start3A_30] : memref<50x64xi32, #tpu.memory_space<vmem>> -> memref<1x64xi32, #tpu.memory_space<vmem>>
      %dma_start3A_32 = tpu.memref_squeeze %dma_start3A_31 : memref<1x64xi32, #tpu.memory_space<vmem>> -> memref<64xi32, #tpu.memory_space<vmem>>
      %dma_start3A_33 = arith.constant 0 : i32
      %dma_start3A_34 = arith.constant 0 : i32
      %dma_start3A_35 = tpu.memref_slice %arg6[%dma_start3A_33, %dma_start3A_34] : memref<10240x128xf32, #tpu.memory_space<vmem_shared>> -> memref<10240x128xf32, #tpu.memory_space<vmem_shared>>
      tpu.enqueue_indirect_dma source(%dma_start3A_35 : memref<10240x128xf32, #tpu.memory_space<vmem_shared>>) target(%arg11 : memref<64x128xf32, #tpu.memory_space<vmem>>) offsets(%dma_start3A_32 : memref<64xi32, #tpu.memory_space<vmem>>) semaphore(%arg15 : memref<!tpu.dma_semaphore, #tpu.memory_space<semaphore_mem>>)
      %add3A_36 = arith.constant 1 : i32
      %add3A_37 = arith.addi %mul3A_12, %add3A_36 : i32
      %dma_start3A_38 = arith.constant 0 : i32
      %dma_start3A_39 = tpu.memref_slice %arg8[%add3A_37, %dma_start3A_38] : memref<50x64xi32, #tpu.memory_space<vmem>> -> memref<1x64xi32, #tpu.memory_space<vmem>>
      %dma_start3A_40 = tpu.memref_squeeze %dma_start3A_39 : memref<1x64xi32, #tpu.memory_space<vmem>> -> memref<64xi32, #tpu.memory_space<vmem>>
      %dma_start3A_41 = arith.constant 0 : i32
      %dma_start3A_42 = arith.constant 0 : i32
      %dma_start3A_43 = tpu.memref_slice %arg6[%dma_start3A_41, %dma_start3A_42] : memref<10240x128xf32, #tpu.memory_space<vmem_shared>> -> memref<10240x128xf32, #tpu.memory_space<vmem_shared>>
      tpu.enqueue_indirect_dma source(%dma_start3A_43 : memref<10240x128xf32, #tpu.memory_space<vmem_shared>>) target(%arg12 : memref<64x128xf32, #tpu.memory_space<vmem>>) offsets(%dma_start3A_40 : memref<64xi32, #tpu.memory_space<vmem>>) semaphore(%arg16 : memref<!tpu.dma_semaphore, #tpu.memory_space<semaphore_mem>>)
      %dma_wait3A = arith.constant 0 : i32
      %dma_wait3A_44 = tpu.memref_slice %arg7[%add3A_14, %dma_wait3A] : memref<50x64xi32, #tpu.memory_space<vmem>> -> memref<1x64xi32, #tpu.memory_space<vmem>>
      %dma_wait3A_45 = tpu.memref_squeeze %dma_wait3A_44 : memref<1x64xi32, #tpu.memory_space<vmem>> -> memref<64xi32, #tpu.memory_space<vmem>>
      %dma_wait3A_46 = arith.constant 0 : i32
      %dma_wait3A_47 = arith.constant 0 : i32
      %dma_wait3A_48 = tpu.memref_slice %arg6[%dma_wait3A_46, %dma_wait3A_47] : memref<10240x128xf32, #tpu.memory_space<vmem_shared>> -> memref<10240x128xf32, #tpu.memory_space<vmem_shared>>
      tpu.wait_indirect_dma semaphore(%arg13 : memref<!tpu.dma_semaphore, #tpu.memory_space<semaphore_mem>>) src(%dma_wait3A_48 : memref<10240x128xf32, #tpu.memory_space<vmem_shared>>) dst(%arg9 : memref<64x128xf32, #tpu.memory_space<vmem>>)
      %dma_wait3A_49 = arith.constant 0 : i32
      %dma_wait3A_50 = tpu.memref_slice %arg8[%add3A_21, %dma_wait3A_49] : memref<50x64xi32, #tpu.memory_space<vmem>> -> memref<1x64xi32, #tpu.memory_space<vmem>>
      %dma_wait3A_51 = tpu.memref_squeeze %dma_wait3A_50 : memref<1x64xi32, #tpu.memory_space<vmem>> -> memref<64xi32, #tpu.memory_space<vmem>>
      %dma_wait3A_52 = arith.constant 0 : i32
      %dma_wait3A_53 = arith.constant 0 : i32
      %dma_wait3A_54 = tpu.memref_slice %arg6[%dma_wait3A_52, %dma_wait3A_53] : memref<10240x128xf32, #tpu.memory_space<vmem_shared>> -> memref<10240x128xf32, #tpu.memory_space<vmem_shared>>
      tpu.wait_indirect_dma semaphore(%arg14 : memref<!tpu.dma_semaphore, #tpu.memory_space<semaphore_mem>>) src(%dma_wait3A_54 : memref<10240x128xf32, #tpu.memory_space<vmem_shared>>) dst(%arg10 : memref<64x128xf32, #tpu.memory_space<vmem>>)
      %scan3A_55 = arith.constant 0 : i32
      %scan3A_56 = arith.constant 0 : i32
      %scan3A_57 = arith.constant 64 : i32
      %scan3A_58 = arith.addi %scan3A_56, %scan3A_57 : i32
      %scan3A_59 = arith.constant 1 : i32
      scf.for %scan3A_105 = %scan3A_56 to %scan3A_58 step %scan3A_59  : i32 {
        %get3A = arith.index_cast %scan3A_105 : i32 to index
        %get3A_106 = arith.constant 0 : index
        %get3A_107 = tpu.vector_load %arg9[%get3A, %get3A_106] {strides = array<i32>} : memref<64x128xf32, #tpu.memory_space<vmem>>, vector<1x16xf32>,
        %get3A_108 = vector.shape_cast %get3A_107 : vector<1x16xf32> to vector<16xf32>
        %get3A_109 = arith.index_cast %scan3A_105 : i32 to index
        %get3A_110 = arith.constant 0 : index
        %get3A_111 = tpu.vector_load %arg10[%get3A_109, %get3A_110] {strides = array<i32>} : memref<64x128xf32, #tpu.memory_space<vmem>>, vector<1x16xf32>,
        %get3A_112 = vector.shape_cast %get3A_111 : vector<1x16xf32> to vector<16xf32>
        %mul3A_113 = arith.mulf %get3A_108, %get3A_112 : vector<16xf32>
        %swap3A = arith.index_cast %scan3A_105 : i32 to index
        %swap3A_114 = arith.constant 0 : index
        %swap3A_115 = tpu.vector_load %arg9[%swap3A, %swap3A_114] {strides = array<i32>} : memref<64x128xf32, #tpu.memory_space<vmem>>, vector<1x16xf32>,
        %swap3A_116 = vector.shape_cast %swap3A_115 : vector<1x16xf32> to vector<16xf32>
        %swap3A_117 = vector.shape_cast %mul3A_113 : vector<16xf32> to vector<1x16xf32>
        tpu.vector_store %arg9[%swap3A, %swap3A_114], %swap3A_117 {strides = array<i32>} : memref<64x128xf32, #tpu.memory_space<vmem>>, vector<1x16xf32>,
        %get3A_118 = arith.index_cast %scan3A_105 : i32 to index
        %get3A_119 = arith.constant 16 : index
        %get3A_120 = tpu.vector_load %arg9[%get3A_118, %get3A_119] {strides = array<i32>} : memref<64x128xf32, #tpu.memory_space<vmem>>, vector<1x16xf32>,
        %get3A_121 = vector.shape_cast %get3A_120 : vector<1x16xf32> to vector<16xf32>
        %get3A_122 = arith.index_cast %scan3A_105 : i32 to index
        %get3A_123 = arith.constant 16 : index
        %get3A_124 = tpu.vector_load %arg10[%get3A_122, %get3A_123] {strides = array<i32>} : memref<64x128xf32, #tpu.memory_space<vmem>>, vector<1x16xf32>,
        %get3A_125 = vector.shape_cast %get3A_124 : vector<1x16xf32> to vector<16xf32>
        %mul3A_126 = arith.mulf %get3A_121, %get3A_125 : vector<16xf32>
        %swap3A_127 = arith.index_cast %scan3A_105 : i32 to index
        %swap3A_128 = arith.constant 16 : index
        %swap3A_129 = tpu.vector_load %arg9[%swap3A_127, %swap3A_128] {strides = array<i32>} : memref<64x128xf32, #tpu.memory_space<vmem>>, vector<1x16xf32>,
        %swap3A_130 = vector.shape_cast %swap3A_129 : vector<1x16xf32> to vector<16xf32>
        %swap3A_131 = vector.shape_cast %mul3A_126 : vector<16xf32> to vector<1x16xf32>
        tpu.vector_store %arg9[%swap3A_127, %swap3A_128], %swap3A_131 {strides = array<i32>} : memref<64x128xf32, #tpu.memory_space<vmem>>, vector<1x16xf32>,
        %get3A_132 = arith.index_cast %scan3A_105 : i32 to index
        %get3A_133 = arith.constant 32 : index
        %get3A_134 = tpu.vector_load %arg9[%get3A_132, %get3A_133] {strides = array<i32>} : memref<64x128xf32, #tpu.memory_space<vmem>>, vector<1x16xf32>,
        %get3A_135 = vector.shape_cast %get3A_134 : vector<1x16xf32> to vector<16xf32>
        %get3A_136 = arith.index_cast %scan3A_105 : i32 to index
        %get3A_137 = arith.constant 32 : index
        %get3A_138 = tpu.vector_load %arg10[%get3A_136, %get3A_137] {strides = array<i32>} : memref<64x128xf32, #tpu.memory_space<vmem>>, vector<1x16xf32>,
        %get3A_139 = vector.shape_cast %get3A_138 : vector<1x16xf32> to vector<16xf32>
        %mul3A_140 = arith.mulf %get3A_135, %get3A_139 : vector<16xf32>
        %swap3A_141 = arith.index_cast %scan3A_105 : i32 to index
        %swap3A_142 = arith.constant 32 : index
        %swap3A_143 = tpu.vector_load %arg9[%swap3A_141, %swap3A_142] {strides = array<i32>} : memref<64x128xf32, #tpu.memory_space<vmem>>, vector<1x16xf32>,
        %swap3A_144 = vector.shape_cast %swap3A_143 : vector<1x16xf32> to vector<16xf32>
        %swap3A_145 = vector.shape_cast %mul3A_140 : vector<16xf32> to vector<1x16xf32>
        tpu.vector_store %arg9[%swap3A_141, %swap3A_142], %swap3A_145 {strides = array<i32>} : memref<64x128xf32, #tpu.memory_space<vmem>>, vector<1x16xf32>,
        %get3A_146 = arith.index_cast %scan3A_105 : i32 to index
        %get3A_147 = arith.constant 48 : index
        %get3A_148 = tpu.vector_load %arg9[%get3A_146, %get3A_147] {strides = array<i32>} : memref<64x128xf32, #tpu.memory_space<vmem>>, vector<1x16xf32>,
        %get3A_149 = vector.shape_cast %get3A_148 : vector<1x16xf32> to vector<16xf32>
        %get3A_150 = arith.index_cast %scan3A_105 : i32 to index
        %get3A_151 = arith.constant 48 : index
        %get3A_152 = tpu.vector_load %arg10[%get3A_150, %get3A_151] {strides = array<i32>} : memref<64x128xf32, #tpu.memory_space<vmem>>, vector<1x16xf32>,
        %get3A_153 = vector.shape_cast %get3A_152 : vector<1x16xf32> to vector<16xf32>
        %mul3A_154 = arith.mulf %get3A_149, %get3A_153 : vector<16xf32>
        %swap3A_155 = arith.index_cast %scan3A_105 : i32 to index
        %swap3A_156 = arith.constant 48 : index
        %swap3A_157 = tpu.vector_load %arg9[%swap3A_155, %swap3A_156] {strides = array<i32>} : memref<64x128xf32, #tpu.memory_space<vmem>>, vector<1x16xf32>,
        %swap3A_158 = vector.shape_cast %swap3A_157 : vector<1x16xf32> to vector<16xf32>
        %swap3A_159 = vector.shape_cast %mul3A_154 : vector<16xf32> to vector<1x16xf32>
        tpu.vector_store %arg9[%swap3A_155, %swap3A_156], %swap3A_159 {strides = array<i32>} : memref<64x128xf32, #tpu.memory_space<vmem>>, vector<1x16xf32>,
        %get3A_160 = arith.index_cast %scan3A_105 : i32 to index
        %get3A_161 = arith.constant 64 : index
        %get3A_162 = tpu.vector_load %arg9[%get3A_160, %get3A_161] {strides = array<i32>} : memref<64x128xf32, #tpu.memory_space<vmem>>, vector<1x16xf32>,
        %get3A_163 = vector.shape_cast %get3A_162 : vector<1x16xf32> to vector<16xf32>
        %get3A_164 = arith.index_cast %scan3A_105 : i32 to index
        %get3A_165 = arith.constant 64 : index
        %get3A_166 = tpu.vector_load %arg10[%get3A_164, %get3A_165] {strides = array<i32>} : memref<64x128xf32, #tpu.memory_space<vmem>>, vector<1x16xf32>,
        %get3A_167 = vector.shape_cast %get3A_166 : vector<1x16xf32> to vector<16xf32>
        %mul3A_168 = arith.mulf %get3A_163, %get3A_167 : vector<16xf32>
        %swap3A_169 = arith.index_cast %scan3A_105 : i32 to index
        %swap3A_170 = arith.constant 64 : index
        %swap3A_171 = tpu.vector_load %arg9[%swap3A_169, %swap3A_170] {strides = array<i32>} : memref<64x128xf32, #tpu.memory_space<vmem>>, vector<1x16xf32>,
        %swap3A_172 = vector.shape_cast %swap3A_171 : vector<1x16xf32> to vector<16xf32>
        %swap3A_173 = vector.shape_cast %mul3A_168 : vector<16xf32> to vector<1x16xf32>
        tpu.vector_store %arg9[%swap3A_169, %swap3A_170], %swap3A_173 {strides = array<i32>} : memref<64x128xf32, #tpu.memory_space<vmem>>, vector<1x16xf32>,
        %get3A_174 = arith.index_cast %scan3A_105 : i32 to index
        %get3A_175 = arith.constant 80 : index
        %get3A_176 = tpu.vector_load %arg9[%get3A_174, %get3A_175] {strides = array<i32>} : memref<64x128xf32, #tpu.memory_space<vmem>>, vector<1x16xf32>,
        %get3A_177 = vector.shape_cast %get3A_176 : vector<1x16xf32> to vector<16xf32>
        %get3A_178 = arith.index_cast %scan3A_105 : i32 to index
        %get3A_179 = arith.constant 80 : index
        %get3A_180 = tpu.vector_load %arg10[%get3A_178, %get3A_179] {strides = array<i32>} : memref<64x128xf32, #tpu.memory_space<vmem>>, vector<1x16xf32>,
        %get3A_181 = vector.shape_cast %get3A_180 : vector<1x16xf32> to vector<16xf32>
        %mul3A_182 = arith.mulf %get3A_177, %get3A_181 : vector<16xf32>
        %swap3A_183 = arith.index_cast %scan3A_105 : i32 to index
        %swap3A_184 = arith.constant 80 : index
        %swap3A_185 = tpu.vector_load %arg9[%swap3A_183, %swap3A_184] {strides = array<i32>} : memref<64x128xf32, #tpu.memory_space<vmem>>, vector<1x16xf32>,
        %swap3A_186 = vector.shape_cast %swap3A_185 : vector<1x16xf32> to vector<16xf32>
        %swap3A_187 = vector.shape_cast %mul3A_182 : vector<16xf32> to vector<1x16xf32>
        tpu.vector_store %arg9[%swap3A_183, %swap3A_184], %swap3A_187 {strides = array<i32>} : memref<64x128xf32, #tpu.memory_space<vmem>>, vector<1x16xf32>,
        %get3A_188 = arith.index_cast %scan3A_105 : i32 to index
        %get3A_189 = arith.constant 96 : index
        %get3A_190 = tpu.vector_load %arg9[%get3A_188, %get3A_189] {strides = array<i32>} : memref<64x128xf32, #tpu.memory_space<vmem>>, vector<1x16xf32>,
        %get3A_191 = vector.shape_cast %get3A_190 : vector<1x16xf32> to vector<16xf32>
        %get3A_192 = arith.index_cast %scan3A_105 : i32 to index
        %get3A_193 = arith.constant 96 : index
        %get3A_194 = tpu.vector_load %arg10[%get3A_192, %get3A_193] {strides = array<i32>} : memref<64x128xf32, #tpu.memory_space<vmem>>, vector<1x16xf32>,
        %get3A_195 = vector.shape_cast %get3A_194 : vector<1x16xf32> to vector<16xf32>
        %mul3A_196 = arith.mulf %get3A_191, %get3A_195 : vector<16xf32>
        %swap3A_197 = arith.index_cast %scan3A_105 : i32 to index
        %swap3A_198 = arith.constant 96 : index
        %swap3A_199 = tpu.vector_load %arg9[%swap3A_197, %swap3A_198] {strides = array<i32>} : memref<64x128xf32, #tpu.memory_space<vmem>>, vector<1x16xf32>,
        %swap3A_200 = vector.shape_cast %swap3A_199 : vector<1x16xf32> to vector<16xf32>
        %swap3A_201 = vector.shape_cast %mul3A_196 : vector<16xf32> to vector<1x16xf32>
        tpu.vector_store %arg9[%swap3A_197, %swap3A_198], %swap3A_201 {strides = array<i32>} : memref<64x128xf32, #tpu.memory_space<vmem>>, vector<1x16xf32>,
        %get3A_202 = arith.index_cast %scan3A_105 : i32 to index
        %get3A_203 = arith.constant 112 : index
        %get3A_204 = tpu.vector_load %arg9[%get3A_202, %get3A_203] {strides = array<i32>} : memref<64x128xf32, #tpu.memory_space<vmem>>, vector<1x16xf32>,
        %get3A_205 = vector.shape_cast %get3A_204 : vector<1x16xf32> to vector<16xf32>
        %get3A_206 = arith.index_cast %scan3A_105 : i32 to index
        %get3A_207 = arith.constant 112 : index
        %get3A_208 = tpu.vector_load %arg10[%get3A_206, %get3A_207] {strides = array<i32>} : memref<64x128xf32, #tpu.memory_space<vmem>>, vector<1x16xf32>,
        %get3A_209 = vector.shape_cast %get3A_208 : vector<1x16xf32> to vector<16xf32>
        %mul3A_210 = arith.mulf %get3A_205, %get3A_209 : vector<16xf32>
        %swap3A_211 = arith.index_cast %scan3A_105 : i32 to index
        %swap3A_212 = arith.constant 112 : index
        %swap3A_213 = tpu.vector_load %arg9[%swap3A_211, %swap3A_212] {strides = array<i32>} : memref<64x128xf32, #tpu.memory_space<vmem>>, vector<1x16xf32>,
        %swap3A_214 = vector.shape_cast %swap3A_213 : vector<1x16xf32> to vector<16xf32>
        %swap3A_215 = vector.shape_cast %mul3A_210 : vector<16xf32> to vector<1x16xf32>
        tpu.vector_store %arg9[%swap3A_211, %swap3A_212], %swap3A_215 {strides = array<i32>} : memref<64x128xf32, #tpu.memory_space<vmem>>, vector<1x16xf32>,
      }
      %scan3A_60 = arith.constant 64 : i32
      %add3A_61 = arith.constant 0 : i32
      %add3A_62 = arith.addi %mul3A_12, %add3A_61 : i32
      %mul3A_63 = arith.constant 64 : i32
      %mul3A_64 = arith.muli %add3A_62, %mul3A_63 : i32
      %add3A_65 = arith.addi %mul3A_2, %mul3A_64 : i32
      %dma_start3A_66 = arith.constant 0 : i32
      %dma_start3A_67 = tpu.memref_slice %arg5[%add3A_65, %dma_start3A_66] : memref<102400x128xf32, #tpu.memory_space<hbm>> -> memref<64x128xf32, #tpu.memory_space<hbm>>
      %dma_start3A_68 = arith.constant 0 : i32
      %dma_start3A_69 = tpu.memref_slice %arg5[%add3A_65, %dma_start3A_68] : memref<102400x128xf32, #tpu.memory_space<hbm>> -> memref<64x128xf32, #tpu.memory_space<hbm>>
      tpu.enqueue_dma source(%arg9 : memref<64x128xf32, #tpu.memory_space<vmem>>) target(%dma_start3A_69 : memref<64x128xf32, #tpu.memory_space<hbm>>) target_semaphore(%arg17 : memref<!tpu.dma_semaphore, #tpu.memory_space<semaphore_mem>>)
      %dma_wait3A_70 = arith.constant 0 : i32
      %dma_wait3A_71 = tpu.memref_slice %arg7[%add3A_29, %dma_wait3A_70] : memref<50x64xi32, #tpu.memory_space<vmem>> -> memref<1x64xi32, #tpu.memory_space<vmem>>
      %dma_wait3A_72 = tpu.memref_squeeze %dma_wait3A_71 : memref<1x64xi32, #tpu.memory_space<vmem>> -> memref<64xi32, #tpu.memory_space<vmem>>
      %dma_wait3A_73 = arith.constant 0 : i32
      %dma_wait3A_74 = arith.constant 0 : i32
      %dma_wait3A_75 = tpu.memref_slice %arg6[%dma_wait3A_73, %dma_wait3A_74] : memref<10240x128xf32, #tpu.memory_space<vmem_shared>> -> memref<10240x128xf32, #tpu.memory_space<vmem_shared>>
      tpu.wait_indirect_dma semaphore(%arg15 : memref<!tpu.dma_semaphore, #tpu.memory_space<semaphore_mem>>) src(%dma_wait3A_75 : memref<10240x128xf32, #tpu.memory_space<vmem_shared>>) dst(%arg11 : memref<64x128xf32, #tpu.memory_space<vmem>>)
      %dma_wait3A_76 = arith.constant 0 : i32
      %dma_wait3A_77 = tpu.memref_slice %arg8[%add3A_37, %dma_wait3A_76] : memref<50x64xi32, #tpu.memory_space<vmem>> -> memref<1x64xi32, #tpu.memory_space<vmem>>
      %dma_wait3A_78 = tpu.memref_squeeze %dma_wait3A_77 : memref<1x64xi32, #tpu.memory_space<vmem>> -> memref<64xi32, #tpu.memory_space<vmem>>
      %dma_wait3A_79 = arith.constant 0 : i32
      %dma_wait3A_80 = arith.constant 0 : i32
      %dma_wait3A_81 = tpu.memref_slice %arg6[%dma_wait3A_79, %dma_wait3A_80] : memref<10240x128xf32, #tpu.memory_space<vmem_shared>> -> memref<10240x128xf32, #tpu.memory_space<vmem_shared>>
      tpu.wait_indirect_dma semaphore(%arg16 : memref<!tpu.dma_semaphore, #tpu.memory_space<semaphore_mem>>) src(%dma_wait3A_81 : memref<10240x128xf32, #tpu.memory_space<vmem_shared>>) dst(%arg12 : memref<64x128xf32, #tpu.memory_space<vmem>>)
      %scan3A_82 = arith.constant 0 : i32
      %scan3A_83 = arith.constant 0 : i32
      %scan3A_84 = arith.constant 64 : i32
      %scan3A_85 = arith.addi %scan3A_83, %scan3A_84 : i32
      %scan3A_86 = arith.constant 1 : i32
      scf.for %scan3A_105 = %scan3A_83 to %scan3A_85 step %scan3A_86  : i32 {
        %get3A = arith.index_cast %scan3A_105 : i32 to index
        %get3A_106 = arith.constant 0 : index
        %get3A_107 = tpu.vector_load %arg11[%get3A, %get3A_106] {strides = array<i32>} : memref<64x128xf32, #tpu.memory_space<vmem>>, vector<1x16xf32>,
        %get3A_108 = vector.shape_cast %get3A_107 : vector<1x16xf32> to vector<16xf32>
        %get3A_109 = arith.index_cast %scan3A_105 : i32 to index
        %get3A_110 = arith.constant 0 : index
        %get3A_111 = tpu.vector_load %arg12[%get3A_109, %get3A_110] {strides = array<i32>} : memref<64x128xf32, #tpu.memory_space<vmem>>, vector<1x16xf32>,
        %get3A_112 = vector.shape_cast %get3A_111 : vector<1x16xf32> to vector<16xf32>
        %mul3A_113 = arith.mulf %get3A_108, %get3A_112 : vector<16xf32>
        %swap3A = arith.index_cast %scan3A_105 : i32 to index
        %swap3A_114 = arith.constant 0 : index
        %swap3A_115 = tpu.vector_load %arg11[%swap3A, %swap3A_114] {strides = array<i32>} : memref<64x128xf32, #tpu.memory_space<vmem>>, vector<1x16xf32>,
        %swap3A_116 = vector.shape_cast %swap3A_115 : vector<1x16xf32> to vector<16xf32>
        %swap3A_117 = vector.shape_cast %mul3A_113 : vector<16xf32> to vector<1x16xf32>
        tpu.vector_store %arg11[%swap3A, %swap3A_114], %swap3A_117 {strides = array<i32>} : memref<64x128xf32, #tpu.memory_space<vmem>>, vector<1x16xf32>,
        %get3A_118 = arith.index_cast %scan3A_105 : i32 to index
        %get3A_119 = arith.constant 16 : index
        %get3A_120 = tpu.vector_load %arg11[%get3A_118, %get3A_119] {strides = array<i32>} : memref<64x128xf32, #tpu.memory_space<vmem>>, vector<1x16xf32>,
        %get3A_121 = vector.shape_cast %get3A_120 : vector<1x16xf32> to vector<16xf32>
        %get3A_122 = arith.index_cast %scan3A_105 : i32 to index
        %get3A_123 = arith.constant 16 : index
        %get3A_124 = tpu.vector_load %arg12[%get3A_122, %get3A_123] {strides = array<i32>} : memref<64x128xf32, #tpu.memory_space<vmem>>, vector<1x16xf32>,
        %get3A_125 = vector.shape_cast %get3A_124 : vector<1x16xf32> to vector<16xf32>
        %mul3A_126 = arith.mulf %get3A_121, %get3A_125 : vector<16xf32>
        %swap3A_127 = arith.index_cast %scan3A_105 : i32 to index
        %swap3A_128 = arith.constant 16 : index
        %swap3A_129 = tpu.vector_load %arg11[%swap3A_127, %swap3A_128] {strides = array<i32>} : memref<64x128xf32, #tpu.memory_space<vmem>>, vector<1x16xf32>,
        %swap3A_130 = vector.shape_cast %swap3A_129 : vector<1x16xf32> to vector<16xf32>
        %swap3A_131 = vector.shape_cast %mul3A_126 : vector<16xf32> to vector<1x16xf32>
        tpu.vector_store %arg11[%swap3A_127, %swap3A_128], %swap3A_131 {strides = array<i32>} : memref<64x128xf32, #tpu.memory_space<vmem>>, vector<1x16xf32>,
        %get3A_132 = arith.index_cast %scan3A_105 : i32 to index
        %get3A_133 = arith.constant 32 : index
        %get3A_134 = tpu.vector_load %arg11[%get3A_132, %get3A_133] {strides = array<i32>} : memref<64x128xf32, #tpu.memory_space<vmem>>, vector<1x16xf32>,
        %get3A_135 = vector.shape_cast %get3A_134 : vector<1x16xf32> to vector<16xf32>
        %get3A_136 = arith.index_cast %scan3A_105 : i32 to index
        %get3A_137 = arith.constant 32 : index
        %get3A_138 = tpu.vector_load %arg12[%get3A_136, %get3A_137] {strides = array<i32>} : memref<64x128xf32, #tpu.memory_space<vmem>>, vector<1x16xf32>,
        %get3A_139 = vector.shape_cast %get3A_138 : vector<1x16xf32> to vector<16xf32>
        %mul3A_140 = arith.mulf %get3A_135, %get3A_139 : vector<16xf32>
        %swap3A_141 = arith.index_cast %scan3A_105 : i32 to index
        %swap3A_142 = arith.constant 32 : index
        %swap3A_143 = tpu.vector_load %arg11[%swap3A_141, %swap3A_142] {strides = array<i32>} : memref<64x128xf32, #tpu.memory_space<vmem>>, vector<1x16xf32>,
        %swap3A_144 = vector.shape_cast %swap3A_143 : vector<1x16xf32> to vector<16xf32>
        %swap3A_145 = vector.shape_cast %mul3A_140 : vector<16xf32> to vector<1x16xf32>
        tpu.vector_store %arg11[%swap3A_141, %swap3A_142], %swap3A_145 {strides = array<i32>} : memref<64x128xf32, #tpu.memory_space<vmem>>, vector<1x16xf32>,
        %get3A_146 = arith.index_cast %scan3A_105 : i32 to index
        %get3A_147 = arith.constant 48 : index
        %get3A_148 = tpu.vector_load %arg11[%get3A_146, %get3A_147] {strides = array<i32>} : memref<64x128xf32, #tpu.memory_space<vmem>>, vector<1x16xf32>,
        %get3A_149 = vector.shape_cast %get3A_148 : vector<1x16xf32> to vector<16xf32>
        %get3A_150 = arith.index_cast %scan3A_105 : i32 to index
        %get3A_151 = arith.constant 48 : index
        %get3A_152 = tpu.vector_load %arg12[%get3A_150, %get3A_151] {strides = array<i32>} : memref<64x128xf32, #tpu.memory_space<vmem>>, vector<1x16xf32>,
        %get3A_153 = vector.shape_cast %get3A_152 : vector<1x16xf32> to vector<16xf32>
        %mul3A_154 = arith.mulf %get3A_149, %get3A_153 : vector<16xf32>
        %swap3A_155 = arith.index_cast %scan3A_105 : i32 to index
        %swap3A_156 = arith.constant 48 : index
        %swap3A_157 = tpu.vector_load %arg11[%swap3A_155, %swap3A_156] {strides = array<i32>} : memref<64x128xf32, #tpu.memory_space<vmem>>, vector<1x16xf32>,
        %swap3A_158 = vector.shape_cast %swap3A_157 : vector<1x16xf32> to vector<16xf32>
        %swap3A_159 = vector.shape_cast %mul3A_154 : vector<16xf32> to vector<1x16xf32>
        tpu.vector_store %arg11[%swap3A_155, %swap3A_156], %swap3A_159 {strides = array<i32>} : memref<64x128xf32, #tpu.memory_space<vmem>>, vector<1x16xf32>,
        %get3A_160 = arith.index_cast %scan3A_105 : i32 to index
        %get3A_161 = arith.constant 64 : index
        %get3A_162 = tpu.vector_load %arg11[%get3A_160, %get3A_161] {strides = array<i32>} : memref<64x128xf32, #tpu.memory_space<vmem>>, vector<1x16xf32>,
        %get3A_163 = vector.shape_cast %get3A_162 : vector<1x16xf32> to vector<16xf32>
        %get3A_164 = arith.index_cast %scan3A_105 : i32 to index
        %get3A_165 = arith.constant 64 : index
        %get3A_166 = tpu.vector_load %arg12[%get3A_164, %get3A_165] {strides = array<i32>} : memref<64x128xf32, #tpu.memory_space<vmem>>, vector<1x16xf32>,
        %get3A_167 = vector.shape_cast %get3A_166 : vector<1x16xf32> to vector<16xf32>
        %mul3A_168 = arith.mulf %get3A_163, %get3A_167 : vector<16xf32>
        %swap3A_169 = arith.index_cast %scan3A_105 : i32 to index
        %swap3A_170 = arith.constant 64 : index
        %swap3A_171 = tpu.vector_load %arg11[%swap3A_169, %swap3A_170] {strides = array<i32>} : memref<64x128xf32, #tpu.memory_space<vmem>>, vector<1x16xf32>,
        %swap3A_172 = vector.shape_cast %swap3A_171 : vector<1x16xf32> to vector<16xf32>
        %swap3A_173 = vector.shape_cast %mul3A_168 : vector<16xf32> to vector<1x16xf32>
        tpu.vector_store %arg11[%swap3A_169, %swap3A_170], %swap3A_173 {strides = array<i32>} : memref<64x128xf32, #tpu.memory_space<vmem>>, vector<1x16xf32>,
        %get3A_174 = arith.index_cast %scan3A_105 : i32 to index
        %get3A_175 = arith.constant 80 : index
        %get3A_176 = tpu.vector_load %arg11[%get3A_174, %get3A_175] {strides = array<i32>} : memref<64x128xf32, #tpu.memory_space<vmem>>, vector<1x16xf32>,
        %get3A_177 = vector.shape_cast %get3A_176 : vector<1x16xf32> to vector<16xf32>
        %get3A_178 = arith.index_cast %scan3A_105 : i32 to index
        %get3A_179 = arith.constant 80 : index
        %get3A_180 = tpu.vector_load %arg12[%get3A_178, %get3A_179] {strides = array<i32>} : memref<64x128xf32, #tpu.memory_space<vmem>>, vector<1x16xf32>,
        %get3A_181 = vector.shape_cast %get3A_180 : vector<1x16xf32> to vector<16xf32>
        %mul3A_182 = arith.mulf %get3A_177, %get3A_181 : vector<16xf32>
        %swap3A_183 = arith.index_cast %scan3A_105 : i32 to index
        %swap3A_184 = arith.constant 80 : index
        %swap3A_185 = tpu.vector_load %arg11[%swap3A_183, %swap3A_184] {strides = array<i32>} : memref<64x128xf32, #tpu.memory_space<vmem>>, vector<1x16xf32>,
        %swap3A_186 = vector.shape_cast %swap3A_185 : vector<1x16xf32> to vector<16xf32>
        %swap3A_187 = vector.shape_cast %mul3A_182 : vector<16xf32> to vector<1x16xf32>
        tpu.vector_store %arg11[%swap3A_183, %swap3A_184], %swap3A_187 {strides = array<i32>} : memref<64x128xf32, #tpu.memory_space<vmem>>, vector<1x16xf32>,
        %get3A_188 = arith.index_cast %scan3A_105 : i32 to index
        %get3A_189 = arith.constant 96 : index
        %get3A_190 = tpu.vector_load %arg11[%get3A_188, %get3A_189] {strides = array<i32>} : memref<64x128xf32, #tpu.memory_space<vmem>>, vector<1x16xf32>,
        %get3A_191 = vector.shape_cast %get3A_190 : vector<1x16xf32> to vector<16xf32>
        %get3A_192 = arith.index_cast %scan3A_105 : i32 to index
        %get3A_193 = arith.constant 96 : index
        %get3A_194 = tpu.vector_load %arg12[%get3A_192, %get3A_193] {strides = array<i32>} : memref<64x128xf32, #tpu.memory_space<vmem>>, vector<1x16xf32>,
        %get3A_195 = vector.shape_cast %get3A_194 : vector<1x16xf32> to vector<16xf32>
        %mul3A_196 = arith.mulf %get3A_191, %get3A_195 : vector<16xf32>
        %swap3A_197 = arith.index_cast %scan3A_105 : i32 to index
        %swap3A_198 = arith.constant 96 : index
        %swap3A_199 = tpu.vector_load %arg11[%swap3A_197, %swap3A_198] {strides = array<i32>} : memref<64x128xf32, #tpu.memory_space<vmem>>, vector<1x16xf32>,
        %swap3A_200 = vector.shape_cast %swap3A_199 : vector<1x16xf32> to vector<16xf32>
        %swap3A_201 = vector.shape_cast %mul3A_196 : vector<16xf32> to vector<1x16xf32>
        tpu.vector_store %arg11[%swap3A_197, %swap3A_198], %swap3A_201 {strides = array<i32>} : memref<64x128xf32, #tpu.memory_space<vmem>>, vector<1x16xf32>,
        %get3A_202 = arith.index_cast %scan3A_105 : i32 to index
        %get3A_203 = arith.constant 112 : index
        %get3A_204 = tpu.vector_load %arg11[%get3A_202, %get3A_203] {strides = array<i32>} : memref<64x128xf32, #tpu.memory_space<vmem>>, vector<1x16xf32>,
        %get3A_205 = vector.shape_cast %get3A_204 : vector<1x16xf32> to vector<16xf32>
        %get3A_206 = arith.index_cast %scan3A_105 : i32 to index
        %get3A_207 = arith.constant 112 : index
        %get3A_208 = tpu.vector_load %arg12[%get3A_206, %get3A_207] {strides = array<i32>} : memref<64x128xf32, #tpu.memory_space<vmem>>, vector<1x16xf32>,
        %get3A_209 = vector.shape_cast %get3A_208 : vector<1x16xf32> to vector<16xf32>
        %mul3A_210 = arith.mulf %get3A_205, %get3A_209 : vector<16xf32>
        %swap3A_211 = arith.index_cast %scan3A_105 : i32 to index
        %swap3A_212 = arith.constant 112 : index
        %swap3A_213 = tpu.vector_load %arg11[%swap3A_211, %swap3A_212] {strides = array<i32>} : memref<64x128xf32, #tpu.memory_space<vmem>>, vector<1x16xf32>,
        %swap3A_214 = vector.shape_cast %swap3A_213 : vector<1x16xf32> to vector<16xf32>
        %swap3A_215 = vector.shape_cast %mul3A_210 : vector<16xf32> to vector<1x16xf32>
        tpu.vector_store %arg11[%swap3A_211, %swap3A_212], %swap3A_215 {strides = array<i32>} : memref<64x128xf32, #tpu.memory_space<vmem>>, vector<1x16xf32>,
      }
      %scan3A_87 = arith.constant 64 : i32
      %add3A_88 = arith.constant 1 : i32
      %add3A_89 = arith.addi %mul3A_12, %add3A_88 : i32
      %mul3A_90 = arith.constant 64 : i32
      %mul3A_91 = arith.muli %add3A_89, %mul3A_90 : i32
      %add3A_92 = arith.addi %mul3A_2, %mul3A_91 : i32
      %dma_start3A_93 = arith.constant 0 : i32
      %dma_start3A_94 = tpu.memref_slice %arg5[%add3A_92, %dma_start3A_93] : memref<102400x128xf32, #tpu.memory_space<hbm>> -> memref<64x128xf32, #tpu.memory_space<hbm>>
      %dma_start3A_95 = arith.constant 0 : i32
      %dma_start3A_96 = tpu.memref_slice %arg5[%add3A_92, %dma_start3A_95] : memref<102400x128xf32, #tpu.memory_space<hbm>> -> memref<64x128xf32, #tpu.memory_space<hbm>>
      tpu.enqueue_dma source(%arg11 : memref<64x128xf32, #tpu.memory_space<vmem>>) target(%dma_start3A_96 : memref<64x128xf32, #tpu.memory_space<hbm>>) target_semaphore(%arg18 : memref<!tpu.dma_semaphore, #tpu.memory_space<semaphore_mem>>)
      %dma_wait3A_97 = arith.constant 0 : i32
      %dma_wait3A_98 = tpu.memref_slice %arg5[%add3A_65, %dma_wait3A_97] : memref<102400x128xf32, #tpu.memory_space<hbm>> -> memref<64x128xf32, #tpu.memory_space<hbm>>
      %dma_wait3A_99 = arith.constant 0 : i32
      %dma_wait3A_100 = tpu.memref_slice %arg5[%add3A_65, %dma_wait3A_99] : memref<102400x128xf32, #tpu.memory_space<hbm>> -> memref<64x128xf32, #tpu.memory_space<hbm>>
      tpu.wait_dma2 semaphore(%arg17 : memref<!tpu.dma_semaphore, #tpu.memory_space<semaphore_mem>>) src(%arg9 : memref<64x128xf32, #tpu.memory_space<vmem>>) dst(%dma_wait3A_100 : memref<64x128xf32, #tpu.memory_space<hbm>>)
      %dma_wait3A_101 = arith.constant 0 : i32
      %dma_wait3A_102 = tpu.memref_slice %arg5[%add3A_92, %dma_wait3A_101] : memref<102400x128xf32, #tpu.memory_space<hbm>> -> memref<64x128xf32, #tpu.memory_space<hbm>>
      %dma_wait3A_103 = arith.constant 0 : i32
      %dma_wait3A_104 = tpu.memref_slice %arg5[%add3A_92, %dma_wait3A_103] : memref<102400x128xf32, #tpu.memory_space<hbm>> -> memref<64x128xf32, #tpu.memory_space<hbm>>
      tpu.wait_dma2 semaphore(%arg18 : memref<!tpu.dma_semaphore, #tpu.memory_space<semaphore_mem>>) src(%arg11 : memref<64x128xf32, #tpu.memory_space<vmem>>) dst(%dma_wait3A_104 : memref<64x128xf32, #tpu.memory_space<hbm>>)
    }
    %scan3A_9 = arith.constant 25 : i32
    return
  }
}

module attributes {stable_mosaic.version = 14 : i64} {
  func.func @_tc_scale_x_body(%arg0: i32, %arg1: memref<2x2048xf32, #tpu.memory_space<vmem>>, %arg2: memref<2048x128xf32, #tpu.memory_space<vmem>>, %arg3: memref<2048x128xf32, #tpu.memory_space<vmem>>) attributes {dimension_semantics = [#tpu.dimension_semantics<arbitrary>], iteration_bounds = array<i64: 5>, scalar_prefetch = 0 : i64, scratch_operands = 0 : i64, tpu.core_type = #tpu.core_type<tc>, window_params = [{transform_indices = @transform_0, window_bounds = array<i64: 2, 2048>}, {transform_indices = @transform_1, window_bounds = array<i64: 2048, 128>}, {transform_indices = @transform_2, window_bounds = array<i64: 2048, 128>}]} {
    %get3A = arith.constant 0 : index
    %get3A_0 = arith.constant 0 : index
    %get3A_1 = vector.load %arg1[%get3A, %get3A_0] : memref<2x2048xf32, #tpu.memory_space<vmem>>, vector<1x2048xf32>
    %get3A_2 = vector.shape_cast %get3A_1 : vector<1x2048xf32> to vector<2048xf32>
    %get3A_3 = arith.constant 1 : index
    %get3A_4 = arith.constant 0 : index
    %get3A_5 = vector.load %arg1[%get3A_3, %get3A_4] : memref<2x2048xf32, #tpu.memory_space<vmem>>, vector<1x2048xf32>
    %get3A_6 = vector.shape_cast %get3A_5 : vector<1x2048xf32> to vector<2048xf32>
    %add3A = arith.addf %get3A_2, %get3A_6 : vector<2048xf32>
    %add3A_7 = arith.constant 1.000000e+00 : f32
    %add3A_8 = vector.broadcast %add3A_7 : f32 to vector<2048xf32>
    %add3A_9 = arith.addf %add3A, %add3A_8 : vector<2048xf32>
    %rsqrt3A = math.rsqrt %add3A_9 : vector<2048xf32>
    %get3A_10 = arith.constant 0 : index
    %get3A_11 = arith.constant 0 : index
    %get3A_12 = vector.load %arg2[%get3A_10, %get3A_11] : memref<2048x128xf32, #tpu.memory_space<vmem>>, vector<2048x128xf32>
    %broadcast_in_dim3A = vector.shape_cast %rsqrt3A : vector<2048xf32> to vector<2048x1xf32>
    %mul3A = vector.broadcast %broadcast_in_dim3A : vector<2048x1xf32> to vector<2048x128xf32>
    %mul3A_13 = arith.mulf %get3A_12, %mul3A : vector<2048x128xf32>
    %swap3A = arith.constant 0 : index
    %swap3A_14 = arith.constant 0 : index
    %swap3A_15 = vector.load %arg3[%swap3A, %swap3A_14] : memref<2048x128xf32, #tpu.memory_space<vmem>>, vector<2048x128xf32>
    tpu.vector_store %arg3[%swap3A, %swap3A_14], %mul3A_13 {strides = array<i32>} : memref<2048x128xf32, #tpu.memory_space<vmem>>, vector<2048x128xf32>,
    return
  }
  func.func @transform_0(%arg0: i32) -> (i32, i32) {
    %c0_i32 = arith.constant 0 : i32
    %c0_i32_0 = arith.constant 0 : i32
    return %c0_i32, %arg0 : i32, i32
  }
  func.func @transform_1(%arg0: i32) -> (i32, i32) {
    %c0_i32 = arith.constant 0 : i32
    %c0_i32_0 = arith.constant 0 : i32
    return %arg0, %c0_i32 : i32, i32
  }
  func.func @transform_2(%arg0: i32) -> (i32, i32) {
    %c0_i32 = arith.constant 0 : i32
    %c0_i32_0 = arith.constant 0 : i32
    return %arg0, %c0_i32 : i32, i32
  }
}

module attributes {stable_mosaic.version = 14 : i64} {
  func.func @_tc_mid_body(%arg0: i32, %arg1: memref<2x2048xf32, #tpu.memory_space<vmem>>, %arg2: memref<2x2048x128xf32, #tpu.memory_space<vmem>>, %arg3: memref<2048x128xf32, #tpu.memory_space<vmem>>) attributes {dimension_semantics = [#tpu.dimension_semantics<arbitrary>], iteration_bounds = array<i64: 5>, scalar_prefetch = 0 : i64, scratch_operands = 0 : i64, tpu.core_type = #tpu.core_type<tc>, window_params = [{transform_indices = @transform_0, window_bounds = array<i64: 2, 2048>}, {transform_indices = @transform_1, window_bounds = array<i64: 2, 2048, 128>}, {transform_indices = @transform_2, window_bounds = array<i64: 2048, 128>}]} {
    %get3A = arith.constant 0 : index
    %get3A_0 = arith.constant 0 : index
    %get3A_1 = vector.load %arg1[%get3A, %get3A_0] : memref<2x2048xf32, #tpu.memory_space<vmem>>, vector<1x2048xf32>
    %get3A_2 = vector.shape_cast %get3A_1 : vector<1x2048xf32> to vector<2048xf32>
    %get3A_3 = arith.constant 1 : index
    %get3A_4 = arith.constant 0 : index
    %get3A_5 = vector.load %arg1[%get3A_3, %get3A_4] : memref<2x2048xf32, #tpu.memory_space<vmem>>, vector<1x2048xf32>
    %get3A_6 = vector.shape_cast %get3A_5 : vector<1x2048xf32> to vector<2048xf32>
    %add3A = arith.addf %get3A_2, %get3A_6 : vector<2048xf32>
    %add3A_7 = arith.constant 1.000000e+00 : f32
    %add3A_8 = vector.broadcast %add3A_7 : f32 to vector<2048xf32>
    %add3A_9 = arith.addf %add3A, %add3A_8 : vector<2048xf32>
    %get3A_10 = arith.constant 0 : index
    %get3A_11 = arith.constant 0 : index
    %get3A_12 = arith.constant 0 : index
    %get3A_13 = vector.load %arg2[%get3A_10, %get3A_11, %get3A_12] : memref<2x2048x128xf32, #tpu.memory_space<vmem>>, vector<1x2048x128xf32>
    %get3A_14 = vector.shape_cast %get3A_13 : vector<1x2048x128xf32> to vector<2048x128xf32>
    %get3A_15 = arith.constant 1 : index
    %get3A_16 = arith.constant 0 : index
    %get3A_17 = arith.constant 0 : index
    %get3A_18 = vector.load %arg2[%get3A_15, %get3A_16, %get3A_17] : memref<2x2048x128xf32, #tpu.memory_space<vmem>>, vector<1x2048x128xf32>
    %get3A_19 = vector.shape_cast %get3A_18 : vector<1x2048x128xf32> to vector<2048x128xf32>
    %add3A_20 = arith.addf %get3A_14, %get3A_19 : vector<2048x128xf32>
    %broadcast_in_dim3A = vector.shape_cast %add3A_9 : vector<2048xf32> to vector<2048x1xf32>
    %div3A = vector.broadcast %broadcast_in_dim3A : vector<2048x1xf32> to vector<2048x128xf32>
    %div3A_21 = arith.divf %add3A_20, %div3A : vector<2048x128xf32>
    %swap3A = arith.constant 0 : index
    %swap3A_22 = arith.constant 0 : index
    %swap3A_23 = vector.load %arg3[%swap3A, %swap3A_22] : memref<2048x128xf32, #tpu.memory_space<vmem>>, vector<2048x128xf32>
    tpu.vector_store %arg3[%swap3A, %swap3A_22], %div3A_21 {strides = array<i32>} : memref<2048x128xf32, #tpu.memory_space<vmem>>, vector<2048x128xf32>,
    return
  }
  func.func @transform_0(%arg0: i32) -> (i32, i32) {
    %c0_i32 = arith.constant 0 : i32
    %c0_i32_0 = arith.constant 0 : i32
    return %c0_i32, %arg0 : i32, i32
  }
  func.func @transform_1(%arg0: i32) -> (i32, i32, i32) {
    %c0_i32 = arith.constant 0 : i32
    %c0_i32_0 = arith.constant 0 : i32
    %c0_i32_1 = arith.constant 0 : i32
    return %c0_i32, %arg0, %c0_i32_0 : i32, i32, i32
  }
  func.func @transform_2(%arg0: i32) -> (i32, i32) {
    %c0_i32 = arith.constant 0 : i32
    %c0_i32_0 = arith.constant 0 : i32
    return %arg0, %c0_i32 : i32, i32
  }
}

module attributes {stable_mosaic.version = 14 : i64} {
  func.func @_tc_z_body(%arg0: i32, %arg1: memref<2x2048xf32, #tpu.memory_space<vmem>>, %arg2: memref<2x2048x128xf32, #tpu.memory_space<vmem>>, %arg3: memref<128x128xf32, #tpu.memory_space<vmem>>, %arg4: memref<1x128xf32, #tpu.memory_space<vmem>>, %arg5: memref<2048x128xf32, #tpu.memory_space<vmem>>) attributes {dimension_semantics = [#tpu.dimension_semantics<arbitrary>], iteration_bounds = array<i64: 5>, scalar_prefetch = 0 : i64, scratch_operands = 0 : i64, tpu.core_type = #tpu.core_type<tc>, window_params = [{transform_indices = @transform_0, window_bounds = array<i64: 2, 2048>}, {transform_indices = @transform_1, window_bounds = array<i64: 2, 2048, 128>}, {pipeline_mode = #tpu.pipeline_mode<synchronous>, transform_indices = @transform_2, window_bounds = array<i64: 128, 128>}, {pipeline_mode = #tpu.pipeline_mode<synchronous>, transform_indices = @transform_3, window_bounds = array<i64: 1, 128>}, {transform_indices = @transform_4, window_bounds = array<i64: 2048, 128>}]} {
    %get3A = arith.constant 0 : index
    %get3A_0 = arith.constant 0 : index
    %get3A_1 = vector.load %arg1[%get3A, %get3A_0] : memref<2x2048xf32, #tpu.memory_space<vmem>>, vector<1x2048xf32>
    %get3A_2 = vector.shape_cast %get3A_1 : vector<1x2048xf32> to vector<2048xf32>
    %get3A_3 = arith.constant 1 : index
    %get3A_4 = arith.constant 0 : index
    %get3A_5 = vector.load %arg1[%get3A_3, %get3A_4] : memref<2x2048xf32, #tpu.memory_space<vmem>>, vector<1x2048xf32>
    %get3A_6 = vector.shape_cast %get3A_5 : vector<1x2048xf32> to vector<2048xf32>
    %add3A = arith.addf %get3A_2, %get3A_6 : vector<2048xf32>
    %add3A_7 = arith.constant 1.000000e+00 : f32
    %add3A_8 = vector.broadcast %add3A_7 : f32 to vector<2048xf32>
    %add3A_9 = arith.addf %add3A, %add3A_8 : vector<2048xf32>
    %rsqrt3A = math.rsqrt %add3A_9 : vector<2048xf32>
    %get3A_10 = arith.constant 0 : index
    %get3A_11 = arith.constant 0 : index
    %get3A_12 = arith.constant 0 : index
    %get3A_13 = vector.load %arg2[%get3A_10, %get3A_11, %get3A_12] : memref<2x2048x128xf32, #tpu.memory_space<vmem>>, vector<1x2048x128xf32>
    %get3A_14 = vector.shape_cast %get3A_13 : vector<1x2048x128xf32> to vector<2048x128xf32>
    %get3A_15 = arith.constant 1 : index
    %get3A_16 = arith.constant 0 : index
    %get3A_17 = arith.constant 0 : index
    %get3A_18 = vector.load %arg2[%get3A_15, %get3A_16, %get3A_17] : memref<2x2048x128xf32, #tpu.memory_space<vmem>>, vector<1x2048x128xf32>
    %get3A_19 = vector.shape_cast %get3A_18 : vector<1x2048x128xf32> to vector<2048x128xf32>
    %add3A_20 = arith.addf %get3A_14, %get3A_19 : vector<2048x128xf32>
    %broadcast_in_dim3A = vector.shape_cast %rsqrt3A : vector<2048xf32> to vector<2048x1xf32>
    %mul3A = vector.broadcast %broadcast_in_dim3A : vector<2048x1xf32> to vector<2048x128xf32>
    %mul3A_21 = arith.mulf %add3A_20, %mul3A : vector<2048x128xf32>
    %get3A_22 = arith.constant 0 : index
    %get3A_23 = arith.constant 0 : index
    %get3A_24 = vector.load %arg3[%get3A_22, %get3A_23] : memref<128x128xf32, #tpu.memory_space<vmem>>, vector<128x128xf32>
    %dot_general3A = arith.constant dense<0.000000e+00> : vector<2048x128xf32>
    %dot_general3A_25 = tpu.matmul %mul3A_21, %get3A_24, %dot_general3A {dimension_numbers = #tpu.dot_dimension_numbers<[1], [0], [0], [1], [0, 0, 1, 1], [], []>, transpose_lhs_hint = false} : vector<2048x128xf32>, vector<128x128xf32>, vector<2048x128xf32> -> vector<2048x128xf32>
    %get3A_26 = arith.constant 0 : index
    %get3A_27 = arith.constant 0 : index
    %get3A_28 = vector.load %arg4[%get3A_26, %get3A_27] : memref<1x128xf32, #tpu.memory_space<vmem>>, vector<1x128xf32>
    %add3A_29 = vector.broadcast %get3A_28 : vector<1x128xf32> to vector<2048x128xf32>
    %add3A_30 = arith.addf %dot_general3A_25, %add3A_29 : vector<2048x128xf32>
    %swap3A = arith.constant 0 : index
    %swap3A_31 = arith.constant 0 : index
    %swap3A_32 = vector.load %arg5[%swap3A, %swap3A_31] : memref<2048x128xf32, #tpu.memory_space<vmem>>, vector<2048x128xf32>
    tpu.vector_store %arg5[%swap3A, %swap3A_31], %add3A_30 {strides = array<i32>} : memref<2048x128xf32, #tpu.memory_space<vmem>>, vector<2048x128xf32>,
    return
  }
  func.func @transform_0(%arg0: i32) -> (i32, i32) {
    %c0_i32 = arith.constant 0 : i32
    %c0_i32_0 = arith.constant 0 : i32
    return %c0_i32, %arg0 : i32, i32
  }
  func.func @transform_1(%arg0: i32) -> (i32, i32, i32) {
    %c0_i32 = arith.constant 0 : i32
    %c0_i32_0 = arith.constant 0 : i32
    %c0_i32_1 = arith.constant 0 : i32
    return %c0_i32, %arg0, %c0_i32_0 : i32, i32, i32
  }
  func.func @transform_2(%arg0: i32) -> (i32, i32) {
    %c0_i32 = arith.constant 0 : i32
    %c0_i32_0 = arith.constant 0 : i32
    %c0_i32_1 = arith.constant 0 : i32
    return %c0_i32, %c0_i32_0 : i32, i32
  }
  func.func @transform_3(%arg0: i32) -> (i32, i32) {
    %c0_i32 = arith.constant 0 : i32
    %c0_i32_0 = arith.constant 0 : i32
    %c0_i32_1 = arith.constant 0 : i32
    return %c0_i32, %c0_i32_0 : i32, i32
  }
  func.func @transform_4(%arg0: i32) -> (i32, i32) {
    %c0_i32 = arith.constant 0 : i32
    %c0_i32_0 = arith.constant 0 : i32
    return %arg0, %c0_i32 : i32, i32
  }
}

module attributes {stable_mosaic.version = 14 : i64} {
  func.func @_tc_mlp_body(%arg0: i32, %arg1: memref<4096x128xf32, #tpu.memory_space<vmem>>, %arg2: memref<128x64xf32, #tpu.memory_space<vmem>>, %arg3: memref<1x64xf32, #tpu.memory_space<vmem>>, %arg4: memref<1x64xf32, #tpu.memory_space<vmem>>, %arg5: memref<1x1xf32, #tpu.memory_space<vmem>>, %arg6: memref<4096xf32, #tpu.memory_space<vmem>>) attributes {dimension_semantics = [#tpu.dimension_semantics<arbitrary>], iteration_bounds = array<i64: 25>, scalar_prefetch = 0 : i64, scratch_operands = 0 : i64, tpu.core_type = #tpu.core_type<tc>, window_params = [{transform_indices = @transform_0, window_bounds = array<i64: 4096, 128>}, {pipeline_mode = #tpu.pipeline_mode<synchronous>, transform_indices = @transform_1, window_bounds = array<i64: 128, 64>}, {pipeline_mode = #tpu.pipeline_mode<synchronous>, transform_indices = @transform_2, window_bounds = array<i64: 1, 64>}, {pipeline_mode = #tpu.pipeline_mode<synchronous>, transform_indices = @transform_3, window_bounds = array<i64: 1, 64>}, {pipeline_mode = #tpu.pipeline_mode<synchronous>, transform_indices = @transform_4, window_bounds = array<i64: 1, 1>}, {transform_indices = @transform_5, window_bounds = array<i64: 4096>}]} {
    %get3A = arith.constant 0 : index
    %get3A_0 = arith.constant 0 : index
    %get3A_1 = vector.load %arg1[%get3A, %get3A_0] : memref<4096x128xf32, #tpu.memory_space<vmem>>, vector<4096x128xf32>
    %get3A_2 = arith.constant 0 : index
    %get3A_3 = arith.constant 0 : index
    %get3A_4 = vector.load %arg2[%get3A_2, %get3A_3] : memref<128x64xf32, #tpu.memory_space<vmem>>, vector<128x64xf32>
    %dot_general3A = arith.constant dense<0.000000e+00> : vector<4096x64xf32>
    %dot_general3A_5 = tpu.matmul %get3A_1, %get3A_4, %dot_general3A {dimension_numbers = #tpu.dot_dimension_numbers<[1], [0], [0], [1], [0, 0, 1, 1], [], []>, transpose_lhs_hint = false} : vector<4096x128xf32>, vector<128x64xf32>, vector<4096x64xf32> -> vector<4096x64xf32>
    %get3A_6 = arith.constant 0 : index
    %get3A_7 = arith.constant 0 : index
    %get3A_8 = vector.load %arg3[%get3A_6, %get3A_7] : memref<1x64xf32, #tpu.memory_space<vmem>>, vector<1x64xf32>
    %add3A = vector.broadcast %get3A_8 : vector<1x64xf32> to vector<4096x64xf32>
    %add3A_9 = arith.addf %dot_general3A_5, %add3A : vector<4096x64xf32>
    %max3A = arith.constant 0.000000e+00 : f32
    %max3A_10 = vector.broadcast %max3A : f32 to vector<4096x64xf32>
    %max3A_11 = arith.maximumf %add3A_9, %max3A_10 : vector<4096x64xf32>
    %get3A_12 = arith.constant 0 : index
    %get3A_13 = arith.constant 0 : index
    %get3A_14 = vector.load %arg4[%get3A_12, %get3A_13] : memref<1x64xf32, #tpu.memory_space<vmem>>, vector<1x64xf32>
    %dot_general3A_15 = arith.constant dense<0.000000e+00> : vector<1x4096xf32>
    %dot_general3A_16 = tpu.matmul %get3A_14, %max3A_11, %dot_general3A_15 {dimension_numbers = #tpu.dot_dimension_numbers<[1], [1], [0], [0], [0, 0, 1, 0], [], []>, transpose_lhs_hint = false} : vector<1x64xf32>, vector<4096x64xf32>, vector<1x4096xf32> -> vector<1x4096xf32>
    %squeeze3A = vector.shape_cast %dot_general3A_16 : vector<1x4096xf32> to vector<4096xf32>
    %get3A_17 = arith.constant 0 : index
    %get3A_18 = arith.constant 0 : index
    %get3A_19 = vector.load %arg5[%get3A_17, %get3A_18] : memref<1x1xf32, #tpu.memory_space<vmem>>, vector<1x1xf32>
    %get3A_20 = vector.extract %get3A_19[0, 0] : f32 from vector<1x1xf32>
    %add3A_21 = vector.broadcast %get3A_20 : f32 to vector<4096xf32>
    %add3A_22 = arith.addf %squeeze3A, %add3A_21 : vector<4096xf32>
    %swap3A = arith.constant 0 : index
    %swap3A_23 = vector.load %arg6[%swap3A] : memref<4096xf32, #tpu.memory_space<vmem>>, vector<4096xf32>
    tpu.vector_store %arg6[%swap3A], %add3A_22 {strides = array<i32>} : memref<4096xf32, #tpu.memory_space<vmem>>, vector<4096xf32>,
    return
  }
  func.func @transform_0(%arg0: i32) -> (i32, i32) {
    %c0_i32 = arith.constant 0 : i32
    %c0_i32_0 = arith.constant 0 : i32
    return %arg0, %c0_i32 : i32, i32
  }
  func.func @transform_1(%arg0: i32) -> (i32, i32) {
    %c0_i32 = arith.constant 0 : i32
    %c0_i32_0 = arith.constant 0 : i32
    %c0_i32_1 = arith.constant 0 : i32
    return %c0_i32, %c0_i32_0 : i32, i32
  }
  func.func @transform_2(%arg0: i32) -> (i32, i32) {
    %c0_i32 = arith.constant 0 : i32
    %c0_i32_0 = arith.constant 0 : i32
    %c0_i32_1 = arith.constant 0 : i32
    return %c0_i32, %c0_i32_0 : i32, i32
  }
  func.func @transform_3(%arg0: i32) -> (i32, i32) {
    %c0_i32 = arith.constant 0 : i32
    %c0_i32_0 = arith.constant 0 : i32
    %c0_i32_1 = arith.constant 0 : i32
    return %c0_i32, %c0_i32_0 : i32, i32
  }
  func.func @transform_4(%arg0: i32) -> (i32, i32) {
    %c0_i32 = arith.constant 0 : i32
    %c0_i32_0 = arith.constant 0 : i32
    %c0_i32_1 = arith.constant 0 : i32
    return %c0_i32, %c0_i32_0 : i32, i32
  }
  func.func @transform_5(%arg0: i32) -> i32 {
    %c0_i32 = arith.constant 0 : i32
    return %arg0 : i32
  }
}

</mosaic_0001>

<sc_bundles>
// kernel: kernel.10.cloned.1.call-start
scs
__scs_entry_jumppad:
0x0: {  	(pc) =	sbr.rel $0x88, $3  }
0x1: {  	(tag) =	ssettag $0x0;
	lr =	simm.s32 $0x1  }
0x2: {  	[smem:$0x3F98] =	sst lr;
	_ =	strace $0xD0000000  }
0x3: {  	_ = 	snop  }
0x4: {  	_ = 	snop  }
0x5: {  	_ = 	snop  }
0x6: {  	_ = 	snop  }
0x7: {  	_ = 	snop  }
__scs_overlays_trampoline_lowered:
0x8: {  	[smem:$0x3FA7] =	sst s0  }
0x9: {  	[smem:$0x3FA8] =	sst s1  }
0xa: {  	[smem:$0x3FA9] =	sst s2  }
0xb: {  	[smem:$0x3FAA] =	sst s3  }
0xc: {  	[smem:$0x3FAB] =	sst s4  }
0xd: {  	[smem:$0x3FAC] =	sst s5  }
0xe: {  	[smem:$0x3FAD] =	sst s6  }
0xf: {  	[smem:$0x3FAE] =	sst s7  }
0x10: {  	[smem:$0x3FAF] =	sst s8  }
0x11: {  	[smem:$0x3FB0] =	sst s9;
	s0 =	simm.s32 @!p0 $0x0  }
0x12: {  	s1 =	sld [smem:$0x3F96];
	s0 =	simm.s32 @p0 $0x1  }
0x13: {  	[smem:$0x3FB1] =	sst s0;
	s0 =	simm.s32 @!p1 $0x0  }
0x14: {  	s2 =	sld [smem:$0x3F95];
	s0 =	simm.s32 @p1 $0x1  }
0x15: {  	[smem:$0x3FB2] =	sst s0;
	s0 =	simm.s32 @!p2 $0x0  }
0x16: {  	s3 =	sld [smem:$0x3FDB];
	s0 =	simm.s32 @p2 $0x1  }
0x17: {  	s4 =	simm.s32 $0x1BF5;
	[smem:$0x3FB4] =	sst s0  }
0x18: {  	s0 =	sld [smem:$0x3F97];
	_ =	swait.ge [sflag:s4], $0x0  }
0x19: {  	s7 =	sld [smem:$0x3F98]  }
0x1a: {  	s8 =	sadd.s32 $0xFFFFE003, lr  }
0x1b: {  	s9 =	sadd.s32 $0xFFFFFEF7, lr;
	s5 =	simm.s32 $0xFFFFFFFF;
	p2 =	slt.u32 s8, $0xFFFFF086  }
0x1c: {  	p1 =	slt.u32 s9, $0xF7A;
	s5 =	simm.s32 @!p2 $0x0  }
0x1d: {  	s5 =	simm.s32 @p1 $0x1;
	p0 =	seq.s32 s7, s2  }
0x1e: {  	s7 =	smul.u32 @!p0 $0xF7A, s2;
	p2 =	seq.s32 @!p0 s5, $0x0  }
0x1f: {  	s9 =	smul.u32 $0xF7A, s1;
	s8 =	simm.s32 @!p0 $0x1BF5;
	p2 =	por !p2, p0  }
0x20: {  	[sflag:s8] =	ssyncset.s32 @!p0 $0xFFFFF086;
	s6 =	sadd.s32 @!p0 s3, s7;
	s7 =	simm.s32 @!p0 $0x108  }
0x21: {  	s3 =	sadd.s32 s3, s9;
	s6 =	sadd.s32 @!p0 $0x88, s6;
	s7 =	simm.s32 @p2 $0x1082  }
0x22: {  	[simem:s7], [sflag:s8] =	dma.local @!p0 [hbm:s6], $0xF7A  }
0x23: {  	s9 =	sor.u32 $0xD0000000, s2;
	s6 =	simm.s32 $0x108;
	_ =	swait.ge @!p0 [sflag:s8], $0x0  }
0x24: {  	s3 =	sadd.s32 $0x88, s3;
	s6 =	simm.s32 @!p1 $0x1082;
	[sflag:s4] =	ssyncset.s32 $0xFFFFF086  }
0x25: {  	[simem:s6], [sflag:s4] =	dma.local [hbm:s3], $0xF7A  }
0x26: {  	[smem:$0x3F98] =	sst s1;
	(tag) =	ssettag s2;
	_ =	strace s9  }
0x27: {  	s1 =	sld [smem:$0x3FA8]  }
0x28: {  	s2 =	sld [smem:$0x3FA9]  }
0x29: {  	s4 =	sld [smem:$0x3FAB]  }
0x2a: {  	p0 =	seq.s32 s5, $0x0;
	s5 =	sld [smem:$0x3FAC]  }
0x2b: {  	s6 =	sld [smem:$0x3FAD]  }
0x2c: {  	s7 =	sld [smem:$0x3FAE]  }
0x2d: {  	s3 =	simm.s32 $0x108;
	s8 =	sld [smem:$0x3FAF]  }
0x2e: {  	s3 =	simm.s32 @!p0 $0x1082;
	s9 =	sld [smem:$0x3FB0]  }
0x2f: {  	lr =	sadd.s32 s0, s3;
	s0 =	sld [smem:$0x3FA7]  }
0x30: {  	s3 =	sld [smem:$0x3FAA]  }
0x31: {  	[smem:$0x3FB3] =	sst s10  }
0x32: {  	s10 =	sld [smem:$0x3FB1];
	_ =	sdelay $0x3  }
0x33: {  	p0 =	seq.s32 s10, $0x1;
	s10 =	sld [smem:$0x3FB3];
	_ =	sdelay $0x3  }
0x34: {  	[smem:$0x3FB3] =	sst s10  }
0x35: {  	s10 =	sld [smem:$0x3FB2];
	_ =	sdelay $0x3  }
0x36: {  	p1 =	seq.s32 s10, $0x1;
	s10 =	sld [smem:$0x3FB3];
	_ =	sdelay $0x3  }
0x37: {  	[smem:$0x3FB3] =	sst s10  }
0x38: {  	s10 =	sld [smem:$0x3FB4]  }
0x39: {  	_ = 	snop;
	(pc) =	sbr.ind lr, $3  }
0x3a: {  	_ = 	snop  }
0x3b: {  	_ = 	snop  }
0x3c: {  	p2 =	seq.s32 s10, $0x1;
	s10 =	sld [smem:$0x3FB3]  }
0x3d: {  	_ =	shalt  }
0x3e: {  	_ =	shalt  }
0x3f: {  	_ =	shalt  }
0x40: {  	_ =	shalt  }
0x41: {  	_ =	shalt  }
0x42: {  	_ =	shalt  }
0x43: {  	_ =	shalt  }
0x44: {  	_ =	shalt  }
0x45: {  	_ =	shalt  }
0x46: {  	_ =	shalt  }
0x47: {  	_ =	shalt  }
0x48: {  	_ =	shalt  }
0x49: {  	_ =	shalt  }
0x4a: {  	_ =	shalt  }
0x4b: {  	_ =	shalt  }
0x4c: {  	_ =	shalt  }
0x4d: {  	_ =	shalt  }
0x4e: {  	_ =	shalt  }
0x4f: {  	_ =	shalt  }
0x50: {  	_ =	shalt  }
0x51: {  	_ =	shalt  }
0x52: {  	_ =	shalt  }
0x53: {  	_ =	shalt  }
0x54: {  	_ =	shalt  }
0x55: {  	_ =	shalt  }
0x56: {  	_ =	shalt  }
0x57: {  	_ =	shalt  }
0x58: {  	_ =	shalt  }
0x59: {  	_ =	shalt  }
0x5a: {  	_ =	shalt  }
0x5b: {  	_ =	shalt  }
0x5c: {  	_ =	shalt  }
0x5d: {  	_ =	shalt  }
0x5e: {  	_ =	shalt  }
0x5f: {  	_ =	shalt  }
0x60: {  	_ =	shalt  }
0x61: {  	_ =	shalt  }
0x62: {  	_ =	shalt  }
0x63: {  	_ =	shalt  }
0x64: {  	_ =	shalt  }
0x65: {  	_ =	shalt  }
0x66: {  	_ =	shalt  }
0x67: {  	_ =	shalt  }
0x68: {  	_ =	shalt  }
0x69: {  	_ =	shalt  }
0x6a: {  	_ =	shalt  }
0x6b: {  	_ =	shalt  }
0x6c: {  	_ =	shalt  }
0x6d: {  	_ =	shalt  }
0x6e: {  	_ =	shalt  }
0x6f: {  	_ =	shalt  }
0x70: {  	_ =	shalt  }
0x71: {  	_ =	shalt  }
0x72: {  	_ =	shalt  }
0x73: {  	_ =	shalt  }
0x74: {  	_ =	shalt  }
0x75: {  	_ =	shalt  }
0x76: {  	_ =	shalt  }
0x77: {  	_ =	shalt  }
0x78: {  	_ =	shalt  }
0x79: {  	_ =	shalt  }
0x7a: {  	_ =	shalt  }
0x7b: {  	_ =	shalt  }
0x7c: {  	_ =	shalt  }
0x7d: {  	_ =	shalt  }
0x7e: {  	_ =	shalt  }
0x7f: {  	_ =	shalt  }
0x80: {  	_ =	shalt  }
0x81: {  	_ =	shalt  }
0x82: {  	_ =	shalt  }
0x83: {  	_ =	shalt  }
0x84: {  	_ =	shalt  }
0x85: {  	_ =	shalt  }
0x86: {  	_ =	shalt  }
0x87: {  	_ =	shalt  }
.Lfunc_end0:
.L_simem_size_0:
called_computation_lowered:
.L_overlay_start_0:
0x88: {  	s2 =	sld [smem:$0x3FD9]  }
0x89: {  	s3 =	sld [smem:$0x3FFE];
	_ =	sdelay $0x1  }
0x8a: {  	s1 =	srdreg.scid  }
0x8b: {  	s0 =	sand.u32 $0x1, s1  }
0x8c: {  	s17 =	sshll.u32 s0, $0xA;
	s2 =	sadd.s32 s3, s2  }
0x8d: {  	s2 =	sadd.s32 s2, s17  }
0x8e: {  	[smem:$0x3FBF] =	sst s2  }
0x8f: {  	_ = 	snop  }
0x90: {  	s2 =	sld [smem:$0x3FD0];
	(tm) =	ssettm $0x1  }
0x91: {  	s18 =	sld [smem:$0x3FFB];
	_ =	sdelay $0x3  }
0x92: {  	_ =	strace s18  }
0x93: {  	s3 =	sld [smem:$0x3FFC];
	_ =	sdelay $0x3  }
0x94: {  	_ =	strace s3  }
0x95: {  	s3 =	sld [smem:$0x3FFD];
	_ =	sdelay $0x3  }
0x96: {  	_ =	strace s3  }
0x97: {  	_ =	strace $0x8FFFFFFF  }
0x98: {  	s19 =	sld [smem:$0x3FDB];
	_ =	sdelay $0x1  }
0x99: {  	s4 =	simm.s32 $_scs_section_size  }
0x9a: {  	s5 =	simm.s32 $_size__tile_overlayer_lowered;
	s6 =	simm.s32 $_tile_overlayer_lowered  }
0x9b: {  	s22 =	simm.s32 $0x1BFF;
	s21 =	sshll.u32 s6, $0x1;
	s3 =	sadd.s32 s4, s19  }
0x9c: {  	s7 =	simm.s32 $0x0;
	s20 =	sshll.u32 s5, $0x1;
	s5 =	sadd.s32 s21, s3  }
0x9d: {  	[timem:s7], [sflag:s22] =	dma.local [hbm:s5], s20  }
0x9e: {  	_ =	swait.ge [sflag:s22], s20  }
0x9f: {  	s4 =	ssub.s32 $0x0, s20;
	[sflag:s22] =	ssyncset.done $0x0  }
0xa0: {  	[sflag:s22] =	ssyncadd.s32 s4;
	_ =	sdelay $0x1  }
0xa1: {  	s23 =	simm.s32 $0x1B8B  }
0xa2: {  	_ =	swait.ge [sflag:s23], $0x1  }
0xa3: {  	[sflag:s23] =	ssyncset.done $0x0  }
0xa4: {  	s25 =	simm.s32 $0x1B8E;
	s24 =	sld [smem:$0x3FFE];
	[sflag:s23] =	ssyncadd.s32 $0xFFFFFFFF  }
0xa5: {  	s26 =	simm.s32 $execute0_lowered;
	[smem:$0x3FD2] =	sst s25  }
0xa6: {  	s5 =	sshll.u32 s26, $0x1;
	_ =	strace $0x80000046;
	[dreg:$0x1] =	wrdreg $0xFFFFFFFF  }
0xa7: {  	s28 =	simm.s32 $_size_execute0_lowered;
	s3 =	sadd.s32 s3, s5;
	[dreg:$0x0] =	wrdreg $0x0  }
0xa8: {  	s5 =	sshll.u32 s28, $0x1;
	[dreg:$0x2] =	wrdreg s3  }
0xa9: {  	[dreg:$0x3] =	wrdreg s5  }
0xaa: {  	[dreg:$0x4] =	wrdreg $0xC0  }
0xab: {  	_ =	task [dreg:s7], $0x5FFFF  }
0xac: {  	[dreg:$0x1] =	wrdreg $0xFFFFFFFF  }
0xad: {  	[dreg:$0x0] =	wrdreg $0x60  }
0xae: {  	[dreg:$0x2] =	wrdreg s24  }
0xaf: {  	[dreg:$0x3] =	wrdreg s2  }
0xb0: {  	[dreg:$0x4] =	wrdreg $0x28800  }
0xb1: {  	[dreg:$0x5] =	wrdreg $0x9  }
0xb2: {  	_ =	task.clear_ibuf [dreg:s7], $0x6FFFF;
	_ =	strace $0x90000046  }
0xb3: {  	s29 =	simm.s32 $0x9;
	_ =	strace $0x80000048  }
0xb4: {  	_ =	swait.ge [sflag:s29], $0x1  }
0xb5: {  	[sflag:s29] =	ssyncadd.s32 $0xFFFFFFFF  }
0xb6: {  	_ =	strace $0x90000048  }
0xb7: {  	_ =	sfence  }
0xb8: {  	s30 =	sld [smem:$0x0];
	_ =	sdelay $0x2  }
0xb9: {  	s31 =	sshll.u32 s1, $0xD;
	s1 =	sshrl.u32 s1, $0x2  }
0xba: {  	s3 =	sand.u32 $0x4000, s31;
	s1 =	sadd.s32 s1, s30  }
0xbb: {  	s0 =	sor.u32 s3, s0;
	s1 =	sshll.u32 s1, $0x11  }
0xbc: {  	s0 =	sor.u32 s1, s0  }
0xbd: {  	s0 =	sadd.s32 $0x8F2B, s0  }
0xbe: {  	[sflag:s0] =	ssyncadd.remote.s32 $0x1  }
0xbf: {  	_ =	sfence.sel $0xFFFF  }
0xc0: {  	[dreg:$0x0] =	wrdreg $0xFFFFFFFF;
	(pc) =	sbr.abs _section_cstart, $3  }
0xc1: {  	[dreg:$0x1] =	wrdreg $0xFFFFFFFF  }
0xc2: {  	_ =	task.clear_ibuf [dreg:s7], $0x2FFFF;
	_ =	strace $0x9FFFFFFF  }
0xc3: {  	(tm) =	ssettm $0x7FFFFFFF  }
tec
execute0_lowered:
.L_overlay_start_1:
0x0: {  	(tag) =	ssettag $0x1  }
0x1: {  	s4 =	rddreg [dreg:$0x0]  }
0x2: {  	s0 =	srdreg.scid;
	s6 =	rddreg [dreg:$0x1]  }
0x3: {  	s2 =	rddreg [dreg:$0x2];
	s1 =	stileid.u32  }
0x4: {  	s3 =	simm.s32 $0x0;
	s12 =	simm.s32 $0x2800;
	s13 =	simm.s32 $0x1  }
0x5: {  	s14 =	simm.s32 $0x20;
	s15 =	simm.s32 $0x10;
	s16 =	simm.s32 $0x0  }
0x6: {  	s5 =	sand.u32 $0x1, s0;
	s0 =	rddreg [dreg:$0x3];
	s8 =	smul.u32 $0xA00, s1  }
0x7: {  	[smem:$0x7FF] =	sst s3;
	s10 =	smul.u32 $0x500, s1;
	s31 =	sshll.u32 s1, $0x6  }
0x8: {  	s7 =	sshll.u32 s5, $0x4;
	_ =	strace $0x80000047;
	s9 =	ssub.s32 $0x2, s5  }
0x9: {  	s5 =	sshll.u32 s5, $0x7;
	s7 =	sor.u32 s1, s7;
	s11 =	sshrl.u32 s9, $0x1  }
0xa: {  	s8 =	sshrl.u32 s8, $0x2;
	s10 =	sor.u32 s5, s10;
	s7 =	smul.u32 $0x500, s7  }
0xb: {  	s9 =	ssub.s32 s9, s11;
	s29 =	sadd.s32 s8, s2;
	s30 =	sshrl.u32 s10, $0x3  }
0xc: {  	s8 =	simm.s32 $0x2;
	s11 =	simm.s32 $0x80;
	s6 =	sadd.s32 s6, s30  }
0xd: {  	s10 =	sshrl.u32 s29, $0x3;
	s7 =	sadd.s32 s7, s4;
	s4 =	sadd.s32 $0xC600, s4  }
0xe: {  	v0 =	vimm.f32 $1.000000000e+00;
	s5 =	sadd.s32 $0x2600, s7;
	s7 =	smax.u32 s9, $0x1;
	s9 =	sor.u32 $0x1C02, s31  }
.LBB2_1:
0xf: {  	[tilespmem:$0x2800] =	vst v0  }
0x10: {  	[tilespmem:$0x2810] =	vst v0  }
0x11: {  	[tilespmem:$0x2820] =	vst v0  }
0x12: {  	[tilespmem:$0x2830] =	vst v0  }
0x13: {  	[tilespmem:$0x2840] =	vst v0  }
0x14: {  	[tilespmem:$0x2850] =	vst v0  }
0x15: {  	[tilespmem:$0x2860] =	vst v0  }
0x16: {  	[tilespmem:$0x2870] =	vst v0  }
0x17: {  	[tilespmem:s3], [sflag:$0x2] =	stream.linear.gather [hbm4b:s5+s3], $0x2800, $0x38;
	[tilespmem:$0x2B00] =	vst v63  }
0x18: {  	_ =	swait.ge [sflag:s8], $0x2800  }
0x19: {  	[sflag:s8] =	ssyncset.done $0x0  }
0x1a: {  	[sflag:s8] =	ssyncadd.s32 $0xFFFFD800  }
0x1b: {  	[spmem:s10], [sflag:s9] =	dma.local [hbm:s4], $0x50  }
0x1c: {  	_ =	swait.ge [sflag:s8], $0x50  }
0x1d: {  	[sflag:s8] =	ssyncset.done $0x0  }
0x1e: {  	[sflag:s8] =	ssyncadd.s32 $0xFFFFFFB0  }
0x1f: {  	s17 =	simm.s32 $0x0;
	[bflag:$0x0] =	sbarrier.arrive $0xFFFF  }
0x20: {  	[spmem:s2] =	stream.indirect.scatter.add.f32 [tilespmem:s12], [sflag:$0x1], $0x1, s17, s11, $0xb8;
	[tilespmem:$0x2B00] =	vst v63  }
0x21: {  	s24 =	simm.s32 $0x80  }
0x22: {  	[spmem:s2] =	stream.indirect.scatter.add.f32 [tilespmem:s12], [sflag:$0x1], $0x1, s24, s11, $0xb8;
	[tilespmem:$0x2B00] =	vst v63  }
0x23: {  	s25 =	simm.s32 $0x100  }
0x24: {  	[spmem:s2] =	stream.indirect.scatter.add.f32 [tilespmem:s12], [sflag:$0x1], $0x1, s25, s11, $0xb8;
	[tilespmem:$0x2B00] =	vst v63  }
0x25: {  	s26 =	simm.s32 $0x180  }
0x26: {  	[spmem:s2] =	stream.indirect.scatter.add.f32 [tilespmem:s12], [sflag:$0x1], $0x1, s26, s11, $0xb8;
	[tilespmem:$0x2B00] =	vst v63  }
0x27: {  	s28 =	simm.s32 $0x200  }
0x28: {  	[spmem:s2] =	stream.indirect.scatter.add.f32 [tilespmem:s12], [sflag:$0x1], $0x1, s28, s11, $0xb8;
	[tilespmem:$0x2B00] =	vst v63  }
0x29: {  	s29 =	simm.s32 $0x280  }
0x2a: {  	[spmem:s2] =	stream.indirect.scatter.add.f32 [tilespmem:s12], [sflag:$0x1], $0x1, s29, s11, $0xb8;
	[tilespmem:$0x2B00] =	vst v63  }
0x2b: {  	s30 =	simm.s32 $0x300  }
0x2c: {  	[spmem:s2] =	stream.indirect.scatter.add.f32 [tilespmem:s12], [sflag:$0x1], $0x1, s30, s11, $0xb8;
	[tilespmem:$0x2B00] =	vst v63  }
0x2d: {  	s31 =	simm.s32 $0x380  }
0x2e: {  	[spmem:s2] =	stream.indirect.scatter.add.f32 [tilespmem:s12], [sflag:$0x1], $0x1, s31, s11, $0xb8;
	[tilespmem:$0x2B00] =	vst v63  }
0x2f: {  	_ =	swait.ge [sflag:s13], $0x80  }
0x30: {  	[sflag:s13] =	ssyncset.done $0x0  }
0x31: {  	[sflag:s13] =	ssyncadd.s32 $0xFFFFFF80  }
0x32: {  	_ =	swait.ge [sflag:s13], $0x80  }
0x33: {  	[sflag:s13] =	ssyncset.done $0x0  }
0x34: {  	[sflag:s13] =	ssyncadd.s32 $0xFFFFFF80  }
0x35: {  	_ =	swait.ge [sflag:s13], $0x80  }
0x36: {  	[sflag:s13] =	ssyncset.done $0x0  }
0x37: {  	[sflag:s13] =	ssyncadd.s32 $0xFFFFFF80  }
0x38: {  	_ =	swait.ge [sflag:s13], $0x80  }
0x39: {  	[sflag:s13] =	ssyncset.done $0x0  }
0x3a: {  	[sflag:s13] =	ssyncadd.s32 $0xFFFFFF80  }
0x3b: {  	_ =	swait.ge [sflag:s13], $0x80  }
0x3c: {  	[sflag:s13] =	ssyncset.done $0x0  }
0x3d: {  	[sflag:s13] =	ssyncadd.s32 $0xFFFFFF80  }
0x3e: {  	_ =	swait.ge [sflag:s13], $0x80  }
0x3f: {  	[sflag:s13] =	ssyncset.done $0x0  }
0x40: {  	[sflag:s13] =	ssyncadd.s32 $0xFFFFFF80  }
0x41: {  	_ =	swait.ge [sflag:s13], $0x80  }
0x42: {  	[sflag:s13] =	ssyncset.done $0x0  }
0x43: {  	[sflag:s13] =	ssyncadd.s32 $0xFFFFFF80  }
0x44: {  	_ =	swait.ge [sflag:s13], $0x80  }
0x45: {  	s19 =	simm.s32 $0x2000;
	s17 =	simm.s32 $0x1000;
	[sflag:s13] =	ssyncset.done $0x0  }
.LBB2_2:
0x46: {  	s20 =	sshra.s32 s17, $0x2  }
0x47: {  	[sflag:s13] =	ssyncadd.s32 $0xFFFFFF80;
	s17 =	smov.u32 s19;
	s18 =	sadd.s32 $0x1000, s19  }
0x48: {  	[spmem:s2] =	stream.indirect.scatter.add.f32 [tilespmem:s12], [sflag:$0x1], $0x1, s20, s11, $0xb8;
	[tilespmem:$0x2B00] =	vst v63  }
0x49: {  	p0 =	sne.s32 s19, $0x9000;
	s19 =	sadd.s32 $0x80, s20  }
0x4a: {  	[spmem:s2] =	stream.indirect.scatter.add.f32 [tilespmem:s12], [sflag:$0x1], $0x1, s19, s11, $0xb8;
	[tilespmem:$0x2B00] =	vst v63  }
0x4b: {  	s19 =	sadd.s32 $0x100, s20  }
0x4c: {  	[spmem:s2] =	stream.indirect.scatter.add.f32 [tilespmem:s12], [sflag:$0x1], $0x1, s19, s11, $0xb8;
	[tilespmem:$0x2B00] =	vst v63  }
0x4d: {  	s19 =	sadd.s32 $0x180, s20  }
0x4e: {  	[spmem:s2] =	stream.indirect.scatter.add.f32 [tilespmem:s12], [sflag:$0x1], $0x1, s19, s11, $0xb8;
	[tilespmem:$0x2B00] =	vst v63  }
0x4f: {  	s19 =	sadd.s32 $0x200, s20  }
0x50: {  	[spmem:s2] =	stream.indirect.scatter.add.f32 [tilespmem:s12], [sflag:$0x1], $0x1, s19, s11, $0xb8;
	[tilespmem:$0x2B00] =	vst v63  }
0x51: {  	s19 =	sadd.s32 $0x280, s20  }
0x52: {  	[spmem:s2] =	stream.indirect.scatter.add.f32 [tilespmem:s12], [sflag:$0x1], $0x1, s19, s11, $0xb8;
	[tilespmem:$0x2B00] =	vst v63  }
0x53: {  	s19 =	sadd.s32 $0x300, s20  }
0x54: {  	[spmem:s2] =	stream.indirect.scatter.add.f32 [tilespmem:s12], [sflag:$0x1], $0x1, s19, s11, $0xb8;
	[tilespmem:$0x2B00] =	vst v63  }
0x55: {  	s19 =	sadd.s32 $0x380, s20  }
0x56: {  	[spmem:s2] =	stream.indirect.scatter.add.f32 [tilespmem:s12], [sflag:$0x1], $0x1, s19, s11, $0xb8;
	[tilespmem:$0x2B00] =	vst v63  }
0x57: {  	_ =	swait.ge [sflag:s13], $0x80  }
0x58: {  	[sflag:s13] =	ssyncset.done $0x0  }
0x59: {  	[sflag:s13] =	ssyncadd.s32 $0xFFFFFF80  }
0x5a: {  	_ =	swait.ge [sflag:s13], $0x80  }
0x5b: {  	[sflag:s13] =	ssyncset.done $0x0  }
0x5c: {  	[sflag:s13] =	ssyncadd.s32 $0xFFFFFF80  }
0x5d: {  	_ =	swait.ge [sflag:s13], $0x80  }
0x5e: {  	[sflag:s13] =	ssyncset.done $0x0  }
0x5f: {  	[sflag:s13] =	ssyncadd.s32 $0xFFFFFF80  }
0x60: {  	_ =	swait.ge [sflag:s13], $0x80  }
0x61: {  	[sflag:s13] =	ssyncset.done $0x0  }
0x62: {  	[sflag:s13] =	ssyncadd.s32 $0xFFFFFF80  }
0x63: {  	_ =	swait.ge [sflag:s13], $0x80  }
0x64: {  	[sflag:s13] =	ssyncset.done $0x0  }
0x65: {  	[sflag:s13] =	ssyncadd.s32 $0xFFFFFF80  }
0x66: {  	_ =	swait.ge [sflag:s13], $0x80  }
0x67: {  	[sflag:s13] =	ssyncset.done $0x0  }
0x68: {  	[sflag:s13] =	ssyncadd.s32 $0xFFFFFF80  }
.Ltmp0:
0x69: {  	_ =	swait.ge [sflag:s13], $0x80;
	(pc) =	sbr.rel @p0 .LBB2_2-.Ltmp0, $4  }
0x6a: {  	[sflag:s13] =	ssyncset.done $0x0  }
0x6b: {  	[sflag:s13] =	ssyncadd.s32 $0xFFFFFF80  }
0x6c: {  	_ =	swait.ge [sflag:s13], $0x80  }
0x6d: {  	s19 =	smov.u32 s18;
	[sflag:s13] =	ssyncset.done $0x0  }
0x6e: {  	s17 =	sshra.s32 s17, $0x2;
	[sflag:s13] =	ssyncadd.s32 $0xFFFFFF80  }
0x6f: {  	[spmem:s2] =	stream.indirect.scatter.add.f32 [tilespmem:s12], [sflag:$0x1], $0x1, s17, s11, $0xb8;
	[tilespmem:$0x2B00] =	vst v63  }
0x70: {  	s18 =	sadd.s32 $0x80, s17  }
0x71: {  	[spmem:s2] =	stream.indirect.scatter.add.f32 [tilespmem:s12], [sflag:$0x1], $0x1, s18, s11, $0xb8;
	[tilespmem:$0x2B00] =	vst v63  }
0x72: {  	s26 =	sadd.s32 $0x100, s17  }
0x73: {  	[spmem:s2] =	stream.indirect.scatter.add.f32 [tilespmem:s12], [sflag:$0x1], $0x1, s26, s11, $0xb8;
	[tilespmem:$0x2B00] =	vst v63  }
0x74: {  	s28 =	sadd.s32 $0x180, s17  }
0x75: {  	[spmem:s2] =	stream.indirect.scatter.add.f32 [tilespmem:s12], [sflag:$0x1], $0x1, s28, s11, $0xb8;
	[tilespmem:$0x2B00] =	vst v63  }
0x76: {  	s29 =	sadd.s32 $0x200, s17  }
0x77: {  	[spmem:s2] =	stream.indirect.scatter.add.f32 [tilespmem:s12], [sflag:$0x1], $0x1, s29, s11, $0xb8;
	[tilespmem:$0x2B00] =	vst v63  }
0x78: {  	s30 =	sadd.s32 $0x280, s17  }
0x79: {  	[spmem:s2] =	stream.indirect.scatter.add.f32 [tilespmem:s12], [sflag:$0x1], $0x1, s30, s11, $0xb8;
	[tilespmem:$0x2B00] =	vst v63  }
0x7a: {  	s31 =	sadd.s32 $0x300, s17  }
0x7b: {  	[spmem:s2] =	stream.indirect.scatter.add.f32 [tilespmem:s12], [sflag:$0x1], $0x1, s31, s11, $0xb8;
	[tilespmem:$0x2B00] =	vst v63  }
0x7c: {  	s17 =	sadd.s32 $0x380, s17  }
0x7d: {  	[spmem:s2] =	stream.indirect.scatter.add.f32 [tilespmem:s12], [sflag:$0x1], $0x1, s17, s11, $0xb8;
	[tilespmem:$0x2B00] =	vst v63  }
0x7e: {  	_ =	swait.ge [sflag:s13], $0x80  }
0x7f: {  	[sflag:s13] =	ssyncset.done $0x0  }
0x80: {  	[sflag:s13] =	ssyncadd.s32 $0xFFFFFF80  }
0x81: {  	_ =	swait.ge [sflag:s13], $0x80  }
0x82: {  	[sflag:s13] =	ssyncset.done $0x0  }
0x83: {  	[sflag:s13] =	ssyncadd.s32 $0xFFFFFF80  }
0x84: {  	_ =	swait.ge [sflag:s13], $0x80  }
0x85: {  	[sflag:s13] =	ssyncset.done $0x0  }
0x86: {  	[sflag:s13] =	ssyncadd.s32 $0xFFFFFF80  }
0x87: {  	_ =	swait.ge [sflag:s13], $0x80  }
0x88: {  	[sflag:s13] =	ssyncset.done $0x0  }
0x89: {  	[sflag:s13] =	ssyncadd.s32 $0xFFFFFF80  }
0x8a: {  	_ =	swait.ge [sflag:s13], $0x80  }
0x8b: {  	[sflag:s13] =	ssyncset.done $0x0  }
0x8c: {  	[sflag:s13] =	ssyncadd.s32 $0xFFFFFF80  }
0x8d: {  	_ =	swait.ge [sflag:s13], $0x80  }
0x8e: {  	[sflag:s13] =	ssyncset.done $0x0  }
0x8f: {  	[sflag:s13] =	ssyncadd.s32 $0xFFFFFF80  }
0x90: {  	_ =	swait.ge [sflag:s13], $0x80  }
0x91: {  	[sflag:s13] =	ssyncset.done $0x0  }
0x92: {  	[sflag:s13] =	ssyncadd.s32 $0xFFFFFF80  }
0x93: {  	_ =	swait.ge [sflag:s13], $0x80  }
0x94: {  	s16 =	sadd.s32 $0x1, s16;
	[sflag:s13] =	ssyncset.done $0x0  }
0x95: {  	p0 =	sne.s32 s16, s7;
	[sflag:s13] =	ssyncadd.s32 $0xFFFFFF80  }
.Ltmp1:
0x96: {  	[bflag:$0x0] =	sbarrier.arrive $0xFFFF;
	(pc) =	sbr.rel @p0 .LBB2_1-.Ltmp1, $4  }
0x97: {  	[hbm:s6@s14], [sflag:s9] =	dma.strided [spmem:s10@s15], $0x50, s13, $0x10   }
0x98: {  	_ =	swait.ge [sflag:s8], $0x50  }
0x99: {  	[sflag:s8] =	ssyncset.done $0x0  }
0x9a: {  	[sflag:s8] =	ssyncadd.s32 $0xFFFFFFB0  }
0x9b: {  	_ =	sfence.sel $0x180000  }
0x9c: {  	[bflag:$0x0] =	sbarrier.arrive $0xFFFF  }
0x9d: {  	p0 =	sne.s32 s1, $0x0;
	_ =	strace $0x90000047  }
0x9e: {  	s0 =	sadd.s32 @!p0 $0x100000, s0;
	[bflag:$0x2] =	sbarrier.arrive $0xFFFF  }
0x9f: {  	[sflag:s0] =	ssyncadd.tile.s32 @!p0 $0x1;
	_ =	shalt  }
.Lfunc_end2:
_tile_overlayer_lowered:
.L_overlay_start_2:
0xa0: {  	(tag) =	ssettag $0x2  }
0xa1: {  	s0 =	rddreg [dreg:$0x0];
	s2 =	stileid.u32  }
0xa2: {  	s1 =	rddreg [dreg:$0x1];
	p0 =	sne.s32 s2, $0x0  }
0xa3: {  	s3 =	rddreg [dreg:$0x2];
	[bflag:$0x3] =	sbarrier.arrive $0xFFFF;
	s2 =	simm.s32 @!p0 $0x1C02  }
0xa4: {  	[timem:s3], [sflag:s2] =	dma.local @!p0 [hbm:s0], s1  }
0xa5: {  	s0 =	simm.s32 @!p0 $0x2  }
0xa6: {  	_ =	swait.ge @!p0 [sflag:s0], s1  }
0xa7: {  	s1 =	ssub.s32 @!p0 $0x0, s1;
	[sflag:s0] =	ssyncset.done @!p0 $0x0  }
0xa8: {  	[sflag:s0] =	ssyncadd.s32 @!p0 s1  }
0xa9: {  	[bflag:$0x3] =	sbarrier.arrive $0xFFFF  }
0xaa: {  	_ =	shalt  }

// kernel: kernel.13.cloned.1.call-start
scs
__scs_entry_jumppad:
0x0: {  	(pc) =	sbr.rel $0x88, $3  }
0x1: {  	(tag) =	ssettag $0x0;
	lr =	simm.s32 $0x1  }
0x2: {  	[smem:$0x3F98] =	sst lr;
	_ =	strace $0xD0000000  }
0x3: {  	_ = 	snop  }
0x4: {  	_ = 	snop  }
0x5: {  	_ = 	snop  }
0x6: {  	_ = 	snop  }
0x7: {  	_ = 	snop  }
__scs_overlays_trampoline_lowered:
0x8: {  	[smem:$0x3FA7] =	sst s0  }
0x9: {  	[smem:$0x3FA8] =	sst s1  }
0xa: {  	[smem:$0x3FA9] =	sst s2  }
0xb: {  	[smem:$0x3FAA] =	sst s3  }
0xc: {  	[smem:$0x3FAB] =	sst s4  }
0xd: {  	[smem:$0x3FAC] =	sst s5  }
0xe: {  	[smem:$0x3FAD] =	sst s6  }
0xf: {  	[smem:$0x3FAE] =	sst s7  }
0x10: {  	[smem:$0x3FAF] =	sst s8  }
0x11: {  	[smem:$0x3FB0] =	sst s9;
	s0 =	simm.s32 @!p0 $0x0  }
0x12: {  	s1 =	sld [smem:$0x3F96];
	s0 =	simm.s32 @p0 $0x1  }
0x13: {  	[smem:$0x3FB1] =	sst s0;
	s0 =	simm.s32 @!p1 $0x0  }
0x14: {  	s2 =	sld [smem:$0x3F95];
	s0 =	simm.s32 @p1 $0x1  }
0x15: {  	[smem:$0x3FB2] =	sst s0;
	s0 =	simm.s32 @!p2 $0x0  }
0x16: {  	s3 =	sld [smem:$0x3FDB];
	s0 =	simm.s32 @p2 $0x1  }
0x17: {  	s4 =	simm.s32 $0x1BF5;
	[smem:$0x3FB4] =	sst s0  }
0x18: {  	s0 =	sld [smem:$0x3F97];
	_ =	swait.ge [sflag:s4], $0x0  }
0x19: {  	s7 =	sld [smem:$0x3F98]  }
0x1a: {  	s8 =	sadd.s32 $0xFFFFE003, lr  }
0x1b: {  	s9 =	sadd.s32 $0xFFFFFEF7, lr;
	s5 =	simm.s32 $0xFFFFFFFF;
	p2 =	slt.u32 s8, $0xFFFFF086  }
0x1c: {  	p1 =	slt.u32 s9, $0xF7A;
	s5 =	simm.s32 @!p2 $0x0  }
0x1d: {  	s5 =	simm.s32 @p1 $0x1;
	p0 =	seq.s32 s7, s2  }
0x1e: {  	s7 =	smul.u32 @!p0 $0xF7A, s2;
	p2 =	seq.s32 @!p0 s5, $0x0  }
0x1f: {  	s9 =	smul.u32 $0xF7A, s1;
	s8 =	simm.s32 @!p0 $0x1BF5;
	p2 =	por !p2, p0  }
0x20: {  	[sflag:s8] =	ssyncset.s32 @!p0 $0xFFFFF086;
	s6 =	sadd.s32 @!p0 s3, s7;
	s7 =	simm.s32 @!p0 $0x108  }
0x21: {  	s3 =	sadd.s32 s3, s9;
	s6 =	sadd.s32 @!p0 $0x88, s6;
	s7 =	simm.s32 @p2 $0x1082  }
0x22: {  	[simem:s7], [sflag:s8] =	dma.local @!p0 [hbm:s6], $0xF7A  }
0x23: {  	s9 =	sor.u32 $0xD0000000, s2;
	s6 =	simm.s32 $0x108;
	_ =	swait.ge @!p0 [sflag:s8], $0x0  }
0x24: {  	s3 =	sadd.s32 $0x88, s3;
	s6 =	simm.s32 @!p1 $0x1082;
	[sflag:s4] =	ssyncset.s32 $0xFFFFF086  }
0x25: {  	[simem:s6], [sflag:s4] =	dma.local [hbm:s3], $0xF7A  }
0x26: {  	[smem:$0x3F98] =	sst s1;
	(tag) =	ssettag s2;
	_ =	strace s9  }
0x27: {  	s1 =	sld [smem:$0x3FA8]  }
0x28: {  	s2 =	sld [smem:$0x3FA9]  }
0x29: {  	s4 =	sld [smem:$0x3FAB]  }
0x2a: {  	p0 =	seq.s32 s5, $0x0;
	s5 =	sld [smem:$0x3FAC]  }
0x2b: {  	s6 =	sld [smem:$0x3FAD]  }
0x2c: {  	s7 =	sld [smem:$0x3FAE]  }
0x2d: {  	s3 =	simm.s32 $0x108;
	s8 =	sld [smem:$0x3FAF]  }
0x2e: {  	s3 =	simm.s32 @!p0 $0x1082;
	s9 =	sld [smem:$0x3FB0]  }
0x2f: {  	lr =	sadd.s32 s0, s3;
	s0 =	sld [smem:$0x3FA7]  }
0x30: {  	s3 =	sld [smem:$0x3FAA]  }
0x31: {  	[smem:$0x3FB3] =	sst s10  }
0x32: {  	s10 =	sld [smem:$0x3FB1];
	_ =	sdelay $0x3  }
0x33: {  	p0 =	seq.s32 s10, $0x1;
	s10 =	sld [smem:$0x3FB3];
	_ =	sdelay $0x3  }
0x34: {  	[smem:$0x3FB3] =	sst s10  }
0x35: {  	s10 =	sld [smem:$0x3FB2];
	_ =	sdelay $0x3  }
0x36: {  	p1 =	seq.s32 s10, $0x1;
	s10 =	sld [smem:$0x3FB3];
	_ =	sdelay $0x3  }
0x37: {  	[smem:$0x3FB3] =	sst s10  }
0x38: {  	s10 =	sld [smem:$0x3FB4]  }
0x39: {  	_ = 	snop;
	(pc) =	sbr.ind lr, $3  }
0x3a: {  	_ = 	snop  }
0x3b: {  	_ = 	snop  }
0x3c: {  	p2 =	seq.s32 s10, $0x1;
	s10 =	sld [smem:$0x3FB3]  }
0x3d: {  	_ =	shalt  }
0x3e: {  	_ =	shalt  }
0x3f: {  	_ =	shalt  }
0x40: {  	_ =	shalt  }
0x41: {  	_ =	shalt  }
0x42: {  	_ =	shalt  }
0x43: {  	_ =	shalt  }
0x44: {  	_ =	shalt  }
0x45: {  	_ =	shalt  }
0x46: {  	_ =	shalt  }
0x47: {  	_ =	shalt  }
0x48: {  	_ =	shalt  }
0x49: {  	_ =	shalt  }
0x4a: {  	_ =	shalt  }
0x4b: {  	_ =	shalt  }
0x4c: {  	_ =	shalt  }
0x4d: {  	_ =	shalt  }
0x4e: {  	_ =	shalt  }
0x4f: {  	_ =	shalt  }
0x50: {  	_ =	shalt  }
0x51: {  	_ =	shalt  }
0x52: {  	_ =	shalt  }
0x53: {  	_ =	shalt  }
0x54: {  	_ =	shalt  }
0x55: {  	_ =	shalt  }
0x56: {  	_ =	shalt  }
0x57: {  	_ =	shalt  }
0x58: {  	_ =	shalt  }
0x59: {  	_ =	shalt  }
0x5a: {  	_ =	shalt  }
0x5b: {  	_ =	shalt  }
0x5c: {  	_ =	shalt  }
0x5d: {  	_ =	shalt  }
0x5e: {  	_ =	shalt  }
0x5f: {  	_ =	shalt  }
0x60: {  	_ =	shalt  }
0x61: {  	_ =	shalt  }
0x62: {  	_ =	shalt  }
0x63: {  	_ =	shalt  }
0x64: {  	_ =	shalt  }
0x65: {  	_ =	shalt  }
0x66: {  	_ =	shalt  }
0x67: {  	_ =	shalt  }
0x68: {  	_ =	shalt  }
0x69: {  	_ =	shalt  }
0x6a: {  	_ =	shalt  }
0x6b: {  	_ =	shalt  }
0x6c: {  	_ =	shalt  }
0x6d: {  	_ =	shalt  }
0x6e: {  	_ =	shalt  }
0x6f: {  	_ =	shalt  }
0x70: {  	_ =	shalt  }
0x71: {  	_ =	shalt  }
0x72: {  	_ =	shalt  }
0x73: {  	_ =	shalt  }
0x74: {  	_ =	shalt  }
0x75: {  	_ =	shalt  }
0x76: {  	_ =	shalt  }
0x77: {  	_ =	shalt  }
0x78: {  	_ =	shalt  }
0x79: {  	_ =	shalt  }
0x7a: {  	_ =	shalt  }
0x7b: {  	_ =	shalt  }
0x7c: {  	_ =	shalt  }
0x7d: {  	_ =	shalt  }
0x7e: {  	_ =	shalt  }
0x7f: {  	_ =	shalt  }
0x80: {  	_ =	shalt  }
0x81: {  	_ =	shalt  }
0x82: {  	_ =	shalt  }
0x83: {  	_ =	shalt  }
0x84: {  	_ =	shalt  }
0x85: {  	_ =	shalt  }
0x86: {  	_ =	shalt  }
0x87: {  	_ =	shalt  }
.Lfunc_end0:
.L_simem_size_0:
called_computation.1_lowered:
.L_overlay_start_0:
0x88: {  	s2 =	sld [smem:$0x3FD9]  }
0x89: {  	s3 =	sld [smem:$0x3FFE];
	_ =	sdelay $0x1  }
0x8a: {  	s1 =	srdreg.scid  }
0x8b: {  	s0 =	sand.u32 $0x1, s1  }
0x8c: {  	s17 =	sshll.u32 s0, $0xA;
	s2 =	sadd.s32 s3, s2  }
0x8d: {  	s2 =	sadd.s32 s2, s17  }
0x8e: {  	[smem:$0x3FBF] =	sst s2  }
0x8f: {  	_ = 	snop  }
0x90: {  	s2 =	sld [smem:$0x3FD0];
	(tm) =	ssettm $0x1  }
0x91: {  	s18 =	sld [smem:$0x3FFB];
	_ =	sdelay $0x3  }
0x92: {  	_ =	strace s18  }
0x93: {  	s3 =	sld [smem:$0x3FFC];
	_ =	sdelay $0x3  }
0x94: {  	_ =	strace s3  }
0x95: {  	s3 =	sld [smem:$0x3FFD];
	_ =	sdelay $0x3  }
0x96: {  	_ =	strace s3  }
0x97: {  	_ =	strace $0x8FFFFFFF  }
0x98: {  	s19 =	sld [smem:$0x3FDB];
	_ =	sdelay $0x1  }
0x99: {  	s4 =	simm.s32 $_scs_section_size  }
0x9a: {  	s5 =	simm.s32 $_size__tile_overlayer_lowered;
	s6 =	simm.s32 $_tile_overlayer_lowered  }
0x9b: {  	s22 =	simm.s32 $0x1BFF;
	s21 =	sshll.u32 s6, $0x1;
	s3 =	sadd.s32 s4, s19  }
0x9c: {  	s7 =	simm.s32 $0x0;
	s20 =	sshll.u32 s5, $0x1;
	s5 =	sadd.s32 s21, s3  }
0x9d: {  	[timem:s7], [sflag:s22] =	dma.local [hbm:s5], s20  }
0x9e: {  	_ =	swait.ge [sflag:s22], s20  }
0x9f: {  	s4 =	ssub.s32 $0x0, s20;
	[sflag:s22] =	ssyncset.done $0x0  }
0xa0: {  	[sflag:s22] =	ssyncadd.s32 s4;
	_ =	sdelay $0x1  }
0xa1: {  	s23 =	simm.s32 $0x1B8B  }
0xa2: {  	_ =	swait.ge [sflag:s23], $0x1  }
0xa3: {  	[sflag:s23] =	ssyncset.done $0x0  }
0xa4: {  	s25 =	simm.s32 $0x1B8E;
	s24 =	sld [smem:$0x3FFE];
	[sflag:s23] =	ssyncadd.s32 $0xFFFFFFFF  }
0xa5: {  	s26 =	simm.s32 $execute0_lowered;
	[smem:$0x3FD2] =	sst s25  }
0xa6: {  	s5 =	sshll.u32 s26, $0x1;
	_ =	strace $0x80000049;
	[dreg:$0x1] =	wrdreg $0xFFFFFFFF  }
0xa7: {  	s28 =	simm.s32 $_size_execute0_lowered;
	s3 =	sadd.s32 s3, s5;
	[dreg:$0x0] =	wrdreg $0x0  }
0xa8: {  	s5 =	sshll.u32 s28, $0x1;
	[dreg:$0x2] =	wrdreg s3  }
0xa9: {  	[dreg:$0x3] =	wrdreg s5  }
0xaa: {  	[dreg:$0x4] =	wrdreg $0xC0  }
0xab: {  	_ =	task [dreg:s7], $0x5FFFF  }
0xac: {  	[dreg:$0x1] =	wrdreg $0xFFFFFFFF  }
0xad: {  	[dreg:$0x0] =	wrdreg $0x60  }
0xae: {  	[dreg:$0x2] =	wrdreg s24  }
0xaf: {  	[dreg:$0x3] =	wrdreg s2  }
0xb0: {  	[dreg:$0x4] =	wrdreg $0x84000  }
0xb1: {  	[dreg:$0x5] =	wrdreg $0x9  }
0xb2: {  	_ =	task.clear_ibuf [dreg:s7], $0x6FFFF;
	_ =	strace $0x90000049  }
0xb3: {  	s29 =	simm.s32 $0x9;
	_ =	strace $0x8000004B  }
0xb4: {  	_ =	swait.ge [sflag:s29], $0x1  }
0xb5: {  	[sflag:s29] =	ssyncadd.s32 $0xFFFFFFFF  }
0xb6: {  	_ =	strace $0x9000004B  }
0xb7: {  	_ =	sfence  }
0xb8: {  	s30 =	sld [smem:$0x0];
	_ =	sdelay $0x2  }
0xb9: {  	s31 =	sshll.u32 s1, $0xD;
	s1 =	sshrl.u32 s1, $0x2  }
0xba: {  	s3 =	sand.u32 $0x4000, s31;
	s1 =	sadd.s32 s1, s30  }
0xbb: {  	s0 =	sor.u32 s3, s0;
	s1 =	sshll.u32 s1, $0x11  }
0xbc: {  	s0 =	sor.u32 s1, s0  }
0xbd: {  	s0 =	sadd.s32 $0x8F2B, s0  }
0xbe: {  	[sflag:s0] =	ssyncadd.remote.s32 $0x1  }
0xbf: {  	_ =	sfence.sel $0xFFFF  }
0xc0: {  	[dreg:$0x0] =	wrdreg $0xFFFFFFFF;
	(pc) =	sbr.abs _section_cstart, $3  }
0xc1: {  	[dreg:$0x1] =	wrdreg $0xFFFFFFFF  }
0xc2: {  	_ =	task.clear_ibuf [dreg:s7], $0x2FFFF;
	_ =	strace $0x9FFFFFFF  }
0xc3: {  	(tm) =	ssettm $0x7FFFFFFF  }
tec
execute0_lowered:
.L_overlay_start_1:
0x0: {  	(tag) =	ssettag $0x1  }
0x1: {  	s0 =	rddreg [dreg:$0x0]  }
0x2: {  	s2 =	rddreg [dreg:$0x1]  }
0x3: {  	s1 =	rddreg [dreg:$0x2];
	s12 =	stileid.u32  }
0x4: {  	s3 =	srdreg.scid;
	s28 =	simm.s32 $0x200;
	s7 =	smul.u32 $0x14000, s12  }
0x5: {  	s29 =	simm.s32 $0x2;
	s30 =	simm.s32 $0x4400;
	s9 =	smul.u32 $0x50000, s12  }
0x6: {  	s31 =	simm.s32 $0x300;
	s6 =	sand.u32 $0x1, s3;
	s22 =	smul.u32 $0x2800, s12  }
0x7: {  	s3 =	simm.s32 $0x0;
	s4 =	sadd.s32 $0x20800, s0;
	s26 =	smul.u32 $0x5000, s12  }
0x8: {  	s11 =	sadd.s32 $0xC800, s0;
	s5 =	smul.u32 $0x140000, s6;
	[smem:$0x7FF] =	sst s3  }
0x9: {  	s20 =	sshll.u32 s6, $0x4;
	s8 =	ssub.s32 $0x2, s6;
	s24 =	smul.u32 $0x50000, s6  }
0xa: {  	p0 =	sne.s32 s6, $0x0;
	_ =	strace $0x8000004A;
	s10 =	sshrl.u32 s8, $0x1  }
0xb: {  	s21 =	sshrl.u32 s9, $0x2;
	s13 =	sadd.s32 s4, s22;
	s9 =	simm.s32 $0x180  }
0xc: {  	s5 =	sadd.s32 s7, s5;
	s7 =	sor.u32 s12, s20;
	s8 =	ssub.s32 s8, s10  }
0xd: {  	s10 =	sadd.s32 s21, s1;
	s13 =	smov.u32 @p0 s2;
	s2 =	simm.s32 $0x3  }
0xe: {  	s5 =	sshrl.u32 s5, $0x3;
	s7 =	smul.u32 $0x5000, s7;
	s20 =	smax.u32 s8, $0x1  }
0xf: {  	[dreg:$0x5] =	wrdreg s13;
	s8 =	simm.s32 $0x6;
	s0 =	sadd.s32 s5, s0  }
0x10: {  	[dreg:$0xe] =	wrdreg s20;
	s7 =	sshrl.u32 s7, $0x3;
	s0 =	sadd.s32 $0x48800, s0  }
0x11: {  	s13 =	simm.s32 $0x380;
	s23 =	sadd.s32 s11, s7;
	[dreg:$0xd] =	wrdreg s0  }
0x12: {  	s7 =	sadd.s32 s26, s24;
	s25 =	sadd.s32 $0x20, s23;
	[dreg:$0x4] =	wrdreg s23  }
0x13: {  	s26 =	sshll.u32 s12, $0x6;
	s14 =	sadd.s32 $0x40, s23;
	[dreg:$0x6] =	wrdreg s25  }
0x14: {  	s12 =	simm.s32 $0x280;
	s15 =	sadd.s32 $0x60, s23;
	[dreg:$0x7] =	wrdreg s14  }
0x15: {  	s16 =	sadd.s32 $0x80, s23;
	s17 =	sadd.s32 $0xA0, s23;
	[dreg:$0x8] =	wrdreg s15  }
0x16: {  	s18 =	sadd.s32 $0x9C0, s23;
	s5 =	sadd.s32 $0x9E0, s23;
	[dreg:$0x9] =	wrdreg s16  }
0x17: {  	s19 =	sor.u32 $0x900, s7;
	s21 =	sor.u32 $0x800, s7;
	[dreg:$0xa] =	wrdreg s17  }
0x18: {  	s23 =	sor.u32 $0x700, s7;
	s7 =	sor.u32 $0x600, s7;
	[dreg:$0xb] =	wrdreg s18  }
0x19: {  	s20 =	sor.u32 $0x1C09, s26;
	s26 =	simm.s32 $0x400;
	[dreg:$0xc] =	wrdreg s5  }
0x1a: {  	s0 =	sshrl.u32 s19, $0x3;
	s22 =	sshrl.u32 s21, $0x3;
	s24 =	sshrl.u32 s23, $0x3  }
0x1b: {  	s25 =	sshrl.u32 s7, $0x3;
	s21 =	sshrl.u32 s10, $0x3;
	s23 =	simm.s32 $0x100  }
0x1c: {  	s7 =	simm.s32 $0x7;
	s10 =	simm.s32 $0x4;
	s14 =	simm.s32 $0x0  }
0x1d: {  	s16 =	sadd.s32 s0, s11;
	s17 =	sadd.s32 s22, s11;
	s18 =	sadd.s32 s24, s11  }
0x1e: {  	s19 =	sadd.s32 s25, s11;
	s22 =	simm.s32 $0x9;
	s24 =	simm.s32 $0x1  }
0x1f: {  	s25 =	simm.s32 $0x80;
	s0 =	simm.s32 $0x5;
	s11 =	simm.s32 $0x8  }
.LBB2_1:
0x20: {  	s5 =	rddreg [dreg:$0x5]  }
0x21: {  	[spmem:s21], [sflag:s20] =	dma.local [hbm:s5], $0x2800  }
0x22: {  	_ =	swait.ge [sflag:s22], $0x2800  }
0x23: {  	[sflag:s22] =	ssyncset.done $0x0  }
0x24: {  	[sflag:s22] =	ssyncadd.s32 $0xFFFFD800  }
0x25: {  	[bflag:$0x0] =	sbarrier.arrive $0xFFFF  }
0x26: {  	s15 =	rddreg [dreg:$0x4]  }
0x27: {  	[tilespmem:s3], [sflag:$0x1] =	stream.linear.gather [hbm4b:s15+s3], $0x100, $0x38;
	[tilespmem:$0x1C400] =	vst v63  }
0x28: {  	s6 =	rddreg [dreg:$0x6]  }
0x29: {  	[tilespmem:s23], [sflag:$0x2] =	stream.linear.gather [hbm4b:s6+s3], $0x100, $0x38;
	[tilespmem:$0x1C400] =	vst v63  }
0x2a: {  	_ =	swait.ge [sflag:s24], $0x100  }
0x2b: {  	[sflag:s24] =	ssyncset.done $0x0  }
0x2c: {  	[sflag:s24] =	ssyncadd.s32 $0xFFFFFF00  }
0x2d: {  	[tilespmem:s26], [sflag:$0x5] =	stream.indirect.gather [hbm4b:s4+s25], $0x80, s3, s25, $0xb8;
	[tilespmem:$0x1C400] =	vst v63  }
0x2e: {  	s15 =	rddreg [dreg:$0x7]  }
0x2f: {  	[tilespmem:s28], [sflag:$0x3] =	stream.linear.gather [hbm4b:s15+s3], $0x100, $0x38;
	[tilespmem:$0x1C400] =	vst v63  }
0x30: {  	_ =	swait.ge [sflag:s29], $0x100  }
0x31: {  	[sflag:s29] =	ssyncset.done $0x0  }
0x32: {  	[sflag:s29] =	ssyncadd.s32 $0xFFFFFF00  }
0x33: {  	[tilespmem:s30], [sflag:$0x6] =	stream.indirect.gather [hbm4b:s4+s25], $0x80, s23, s25, $0xb8;
	[tilespmem:$0x1C400] =	vst v63  }
0x34: {  	s6 =	rddreg [dreg:$0x8]  }
0x35: {  	[tilespmem:s31], [sflag:$0x4] =	stream.linear.gather [hbm4b:s6+s3], $0x100, $0x38;
	[tilespmem:$0x1C400] =	vst v63  }
0x36: {  	_ =	swait.ge [sflag:s0], $0x4000  }
0x37: {  	[sflag:s0] =	ssyncset.done $0x0  }
0x38: {  	[sflag:s0] =	ssyncadd.s32 $0xFFFFC000  }
0x39: {  	[spmem:s1] =	stream.indirect.scatter.add.f32 [tilespmem:s26], [sflag:$0x7], $0x80, s25, s25, $0xb8;
	[tilespmem:$0x1C400] =	vst v63  }
0x3a: {  	_ =	swait.ge [sflag:s2], $0x100  }
0x3b: {  	[sflag:s2] =	ssyncset.done $0x0  }
0x3c: {  	[sflag:s2] =	ssyncadd.s32 $0xFFFFFF00  }
0x3d: {  	_ =	swait.ge [sflag:s7], $0x4000  }
0x3e: {  	[sflag:s7] =	ssyncset.done $0x0  }
0x3f: {  	[sflag:s7] =	ssyncadd.s32 $0xFFFFC000  }
0x40: {  	[tilespmem:s26], [sflag:$0x5] =	stream.indirect.gather [hbm4b:s4+s25], $0x80, s28, s25, $0xb8;
	[tilespmem:$0x1C400] =	vst v63  }
0x41: {  	s15 =	rddreg [dreg:$0x9]  }
0x42: {  	[tilespmem:s3], [sflag:$0x1] =	stream.linear.gather [hbm4b:s15+s3], $0x100, $0x38;
	[tilespmem:$0x1C400] =	vst v63  }
0x43: {  	_ =	swait.ge [sflag:s8], $0x4000  }
0x44: {  	[sflag:s8] =	ssyncset.done $0x0  }
0x45: {  	[sflag:s8] =	ssyncadd.s32 $0xFFFFC000  }
0x46: {  	[spmem:s1] =	stream.indirect.scatter.add.f32 [tilespmem:s30], [sflag:$0x8], $0x80, s9, s25, $0xb8;
	[tilespmem:$0x1C400] =	vst v63  }
0x47: {  	_ =	swait.ge [sflag:s10], $0x100  }
0x48: {  	[sflag:s10] =	ssyncset.done $0x0  }
0x49: {  	[sflag:s10] =	ssyncadd.s32 $0xFFFFFF00  }
0x4a: {  	_ =	swait.ge [sflag:s11], $0x4000  }
0x4b: {  	[sflag:s11] =	ssyncset.done $0x0  }
0x4c: {  	[sflag:s11] =	ssyncadd.s32 $0xFFFFC000  }
0x4d: {  	[tilespmem:s30], [sflag:$0x6] =	stream.indirect.gather [hbm4b:s4+s25], $0x80, s31, s25, $0xb8;
	[tilespmem:$0x1C400] =	vst v63  }
0x4e: {  	s6 =	rddreg [dreg:$0xa]  }
0x4f: {  	[tilespmem:s23], [sflag:$0x2] =	stream.linear.gather [hbm4b:s6+s3], $0x100, $0x38;
	[tilespmem:$0x1C400] =	vst v63  }
0x50: {  	_ =	swait.ge [sflag:s0], $0x4000  }
0x51: {  	[sflag:s0] =	ssyncset.done $0x0  }
0x52: {  	[sflag:s0] =	ssyncadd.s32 $0xFFFFC000  }
0x53: {  	[spmem:s1] =	stream.indirect.scatter.add.f32 [tilespmem:s26], [sflag:$0x7], $0x80, s12, s25, $0xb8;
	[tilespmem:$0x1C400] =	vst v63  }
0x54: {  	_ =	swait.ge [sflag:s24], $0x100  }
0x55: {  	[sflag:s24] =	ssyncset.done $0x0  }
0x56: {  	[sflag:s24] =	ssyncadd.s32 $0xFFFFFF00  }
0x57: {  	_ =	swait.ge [sflag:s7], $0x4000  }
0x58: {  	[sflag:s7] =	ssyncset.done $0x0  }
0x59: {  	[sflag:s7] =	ssyncadd.s32 $0xFFFFC000  }
0x5a: {  	[tilespmem:s26], [sflag:$0x5] =	stream.indirect.gather [hbm4b:s4+s25], $0x80, s3, s25, $0xb8;
	[tilespmem:$0x1C400] =	vst v63  }
0x5b: {  	s6 =	sadd.s32 $0x0, s19  }
0x5c: {  	[tilespmem:s28], [sflag:$0x3] =	stream.linear.gather [hbm4b:s6+s3], $0x100, $0x38;
	[tilespmem:$0x1C400] =	vst v63  }
0x5d: {  	_ =	swait.ge [sflag:s8], $0x4000  }
0x5e: {  	[sflag:s8] =	ssyncset.done $0x0  }
0x5f: {  	[sflag:s8] =	ssyncadd.s32 $0xFFFFC000  }
0x60: {  	[spmem:s1] =	stream.indirect.scatter.add.f32 [tilespmem:s30], [sflag:$0x8], $0x80, s13, s25, $0xb8;
	[tilespmem:$0x1C400] =	vst v63  }
0x61: {  	_ =	swait.ge [sflag:s29], $0x100  }
0x62: {  	[sflag:s29] =	ssyncset.done $0x0  }
0x63: {  	[sflag:s29] =	ssyncadd.s32 $0xFFFFFF00  }
0x64: {  	_ =	swait.ge [sflag:s11], $0x4000  }
0x65: {  	[sflag:s11] =	ssyncset.done $0x0  }
0x66: {  	[sflag:s11] =	ssyncadd.s32 $0xFFFFC000  }
0x67: {  	[tilespmem:s30], [sflag:$0x6] =	stream.indirect.gather [hbm4b:s4+s25], $0x80, s23, s25, $0xb8;
	[tilespmem:$0x1C400] =	vst v63  }
0x68: {  	s15 =	sadd.s32 $0x0, s18  }
0x69: {  	[tilespmem:s31], [sflag:$0x4] =	stream.linear.gather [hbm4b:s15+s3], $0x100, $0x38;
	[tilespmem:$0x1C400] =	vst v63  }
0x6a: {  	_ =	swait.ge [sflag:s0], $0x4000  }
0x6b: {  	[sflag:s0] =	ssyncset.done $0x0  }
0x6c: {  	[sflag:s0] =	ssyncadd.s32 $0xFFFFC000  }
0x6d: {  	[spmem:s1] =	stream.indirect.scatter.add.f32 [tilespmem:s26], [sflag:$0x7], $0x80, s25, s25, $0xb8;
	[tilespmem:$0x1C400] =	vst v63  }
0x6e: {  	_ =	swait.ge [sflag:s2], $0x100  }
0x6f: {  	[sflag:s2] =	ssyncset.done $0x0  }
0x70: {  	[sflag:s2] =	ssyncadd.s32 $0xFFFFFF00  }
0x71: {  	_ =	swait.ge [sflag:s7], $0x4000  }
0x72: {  	[sflag:s7] =	ssyncset.done $0x0  }
0x73: {  	[sflag:s7] =	ssyncadd.s32 $0xFFFFC000  }
0x74: {  	[tilespmem:s26], [sflag:$0x5] =	stream.indirect.gather [hbm4b:s4+s25], $0x80, s28, s25, $0xb8;
	[tilespmem:$0x1C400] =	vst v63  }
0x75: {  	s5 =	sadd.s32 $0x0, s17  }
0x76: {  	[tilespmem:s3], [sflag:$0x1] =	stream.linear.gather [hbm4b:s5+s3], $0x100, $0x38;
	[tilespmem:$0x1C400] =	vst v63  }
0x77: {  	_ =	swait.ge [sflag:s8], $0x4000  }
0x78: {  	[sflag:s8] =	ssyncset.done $0x0  }
0x79: {  	[sflag:s8] =	ssyncadd.s32 $0xFFFFC000  }
0x7a: {  	[spmem:s1] =	stream.indirect.scatter.add.f32 [tilespmem:s30], [sflag:$0x8], $0x80, s9, s25, $0xb8;
	[tilespmem:$0x1C400] =	vst v63  }
0x7b: {  	_ =	swait.ge [sflag:s10], $0x100  }
0x7c: {  	[sflag:s10] =	ssyncset.done $0x0  }
0x7d: {  	[sflag:s10] =	ssyncadd.s32 $0xFFFFFF00  }
0x7e: {  	_ =	swait.ge [sflag:s11], $0x4000  }
0x7f: {  	[sflag:s11] =	ssyncset.done $0x0  }
0x80: {  	[sflag:s11] =	ssyncadd.s32 $0xFFFFC000  }
0x81: {  	[tilespmem:s30], [sflag:$0x6] =	stream.indirect.gather [hbm4b:s4+s25], $0x80, s31, s25, $0xb8;
	[tilespmem:$0x1C400] =	vst v63  }
0x82: {  	s15 =	sadd.s32 $0x0, s16  }
0x83: {  	[tilespmem:s23], [sflag:$0x2] =	stream.linear.gather [hbm4b:s15+s3], $0x100, $0x38;
	[tilespmem:$0x1C400] =	vst v63  }
0x84: {  	_ =	swait.ge [sflag:s0], $0x4000  }
0x85: {  	[sflag:s0] =	ssyncset.done $0x0  }
0x86: {  	s15 =	simm.s32 $0x80;
	[sflag:s0] =	ssyncadd.s32 $0xFFFFC000  }
.LBB2_2:
0x87: {  	[spmem:s1] =	stream.indirect.scatter.add.f32 [tilespmem:s26], [sflag:$0x7], $0x80, s12, s25, $0xb8;
	[tilespmem:$0x1C400] =	vst v63  }
0x88: {  	s6 =	smov.u32 s15  }
0x89: {  	p0 =	sne.s32 s15, $0x880;
	s15 =	sadd.s32 $0x80, s15;
	_ =	swait.ge [sflag:s24], $0x100  }
0x8a: {  	[sflag:s24] =	ssyncset.done $0x0  }
0x8b: {  	[sflag:s24] =	ssyncadd.s32 $0xFFFFFF00  }
0x8c: {  	_ =	swait.ge [sflag:s7], $0x4000  }
0x8d: {  	[sflag:s7] =	ssyncset.done $0x0  }
0x8e: {  	[sflag:s7] =	ssyncadd.s32 $0xFFFFC000  }
0x8f: {  	[tilespmem:s26], [sflag:$0x5] =	stream.indirect.gather [hbm4b:s4+s25], $0x80, s3, s25, $0xb8;
	[tilespmem:$0x1C400] =	vst v63  }
0x90: {  	s5 =	sadd.s32 s6, s19  }
0x91: {  	[tilespmem:s28], [sflag:$0x3] =	stream.linear.gather [hbm4b:s5+s3], $0x100, $0x38;
	[tilespmem:$0x1C400] =	vst v63  }
0x92: {  	_ =	swait.ge [sflag:s8], $0x4000  }
0x93: {  	[sflag:s8] =	ssyncset.done $0x0  }
0x94: {  	[sflag:s8] =	ssyncadd.s32 $0xFFFFC000  }
0x95: {  	[spmem:s1] =	stream.indirect.scatter.add.f32 [tilespmem:s30], [sflag:$0x8], $0x80, s13, s25, $0xb8;
	[tilespmem:$0x1C400] =	vst v63  }
0x96: {  	_ =	swait.ge [sflag:s29], $0x100  }
0x97: {  	[sflag:s29] =	ssyncset.done $0x0  }
0x98: {  	[sflag:s29] =	ssyncadd.s32 $0xFFFFFF00  }
0x99: {  	_ =	swait.ge [sflag:s11], $0x4000  }
0x9a: {  	[sflag:s11] =	ssyncset.done $0x0  }
0x9b: {  	[sflag:s11] =	ssyncadd.s32 $0xFFFFC000  }
0x9c: {  	[tilespmem:s30], [sflag:$0x6] =	stream.indirect.gather [hbm4b:s4+s25], $0x80, s23, s25, $0xb8;
	[tilespmem:$0x1C400] =	vst v63  }
0x9d: {  	s5 =	sadd.s32 s6, s18  }
0x9e: {  	[tilespmem:s31], [sflag:$0x4] =	stream.linear.gather [hbm4b:s5+s3], $0x100, $0x38;
	[tilespmem:$0x1C400] =	vst v63  }
0x9f: {  	_ =	swait.ge [sflag:s0], $0x4000  }
0xa0: {  	[sflag:s0] =	ssyncset.done $0x0  }
0xa1: {  	[sflag:s0] =	ssyncadd.s32 $0xFFFFC000  }
0xa2: {  	[spmem:s1] =	stream.indirect.scatter.add.f32 [tilespmem:s26], [sflag:$0x7], $0x80, s25, s25, $0xb8;
	[tilespmem:$0x1C400] =	vst v63  }
0xa3: {  	_ =	swait.ge [sflag:s2], $0x100  }
0xa4: {  	[sflag:s2] =	ssyncset.done $0x0  }
0xa5: {  	[sflag:s2] =	ssyncadd.s32 $0xFFFFFF00  }
0xa6: {  	_ =	swait.ge [sflag:s7], $0x4000  }
0xa7: {  	[sflag:s7] =	ssyncset.done $0x0  }
0xa8: {  	[sflag:s7] =	ssyncadd.s32 $0xFFFFC000  }
0xa9: {  	[tilespmem:s26], [sflag:$0x5] =	stream.indirect.gather [hbm4b:s4+s25], $0x80, s28, s25, $0xb8;
	[tilespmem:$0x1C400] =	vst v63  }
0xaa: {  	s5 =	sadd.s32 s6, s17  }
0xab: {  	[tilespmem:s3], [sflag:$0x1] =	stream.linear.gather [hbm4b:s5+s3], $0x100, $0x38;
	[tilespmem:$0x1C400] =	vst v63  }
0xac: {  	_ =	swait.ge [sflag:s8], $0x4000  }
0xad: {  	[sflag:s8] =	ssyncset.done $0x0  }
0xae: {  	[sflag:s8] =	ssyncadd.s32 $0xFFFFC000  }
0xaf: {  	[spmem:s1] =	stream.indirect.scatter.add.f32 [tilespmem:s30], [sflag:$0x8], $0x80, s9, s25, $0xb8;
	[tilespmem:$0x1C400] =	vst v63  }
0xb0: {  	_ =	swait.ge [sflag:s10], $0x100  }
0xb1: {  	[sflag:s10] =	ssyncset.done $0x0  }
0xb2: {  	[sflag:s10] =	ssyncadd.s32 $0xFFFFFF00  }
0xb3: {  	_ =	swait.ge [sflag:s11], $0x4000  }
0xb4: {  	[sflag:s11] =	ssyncset.done $0x0  }
0xb5: {  	[sflag:s11] =	ssyncadd.s32 $0xFFFFC000  }
0xb6: {  	[tilespmem:s30], [sflag:$0x6] =	stream.indirect.gather [hbm4b:s4+s25], $0x80, s31, s25, $0xb8;
	[tilespmem:$0x1C400] =	vst v63  }
.Ltmp0:
0xb7: {  	s5 =	sadd.s32 s6, s16;
	(pc) =	sbr.rel @p0 .LBB2_2-.Ltmp0, $4  }
0xb8: {  	[tilespmem:s23], [sflag:$0x2] =	stream.linear.gather [hbm4b:s5+s3], $0x100, $0x38;
	[tilespmem:$0x1C400] =	vst v63  }
0xb9: {  	_ =	swait.ge [sflag:s0], $0x4000  }
0xba: {  	[sflag:s0] =	ssyncset.done $0x0  }
0xbb: {  	[sflag:s0] =	ssyncadd.s32 $0xFFFFC000  }
0xbc: {  	[spmem:s1] =	stream.indirect.scatter.add.f32 [tilespmem:s26], [sflag:$0x7], $0x80, s12, s25, $0xb8;
	[tilespmem:$0x1C400] =	vst v63  }
0xbd: {  	_ =	swait.ge [sflag:s24], $0x100  }
0xbe: {  	[sflag:s24] =	ssyncset.done $0x0  }
0xbf: {  	[sflag:s24] =	ssyncadd.s32 $0xFFFFFF00  }
0xc0: {  	_ =	swait.ge [sflag:s7], $0x4000  }
0xc1: {  	[sflag:s7] =	ssyncset.done $0x0  }
0xc2: {  	[sflag:s7] =	ssyncadd.s32 $0xFFFFC000  }
0xc3: {  	[tilespmem:s26], [sflag:$0x5] =	stream.indirect.gather [hbm4b:s4+s25], $0x80, s3, s25, $0xb8;
	[tilespmem:$0x1C400] =	vst v63  }
0xc4: {  	s5 =	rddreg [dreg:$0xb]  }
0xc5: {  	[tilespmem:s28], [sflag:$0x3] =	stream.linear.gather [hbm4b:s5+s3], $0x100, $0x38;
	[tilespmem:$0x1C400] =	vst v63  }
0xc6: {  	_ =	swait.ge [sflag:s8], $0x4000  }
0xc7: {  	[sflag:s8] =	ssyncset.done $0x0  }
0xc8: {  	[sflag:s8] =	ssyncadd.s32 $0xFFFFC000  }
0xc9: {  	[spmem:s1] =	stream.indirect.scatter.add.f32 [tilespmem:s30], [sflag:$0x8], $0x80, s13, s25, $0xb8;
	[tilespmem:$0x1C400] =	vst v63  }
0xca: {  	_ =	swait.ge [sflag:s29], $0x100  }
0xcb: {  	[sflag:s29] =	ssyncset.done $0x0  }
0xcc: {  	[sflag:s29] =	ssyncadd.s32 $0xFFFFFF00  }
0xcd: {  	_ =	swait.ge [sflag:s11], $0x4000  }
0xce: {  	[sflag:s11] =	ssyncset.done $0x0  }
0xcf: {  	[sflag:s11] =	ssyncadd.s32 $0xFFFFC000  }
0xd0: {  	[tilespmem:s30], [sflag:$0x6] =	stream.indirect.gather [hbm4b:s4+s25], $0x80, s23, s25, $0xb8;
	[tilespmem:$0x1C400] =	vst v63  }
0xd1: {  	s15 =	rddreg [dreg:$0xc]  }
0xd2: {  	[tilespmem:s31], [sflag:$0x4] =	stream.linear.gather [hbm4b:s15+s3], $0x100, $0x38;
	[tilespmem:$0x1C400] =	vst v63  }
0xd3: {  	_ =	swait.ge [sflag:s0], $0x4000  }
0xd4: {  	[sflag:s0] =	ssyncset.done $0x0  }
0xd5: {  	[sflag:s0] =	ssyncadd.s32 $0xFFFFC000  }
0xd6: {  	[spmem:s1] =	stream.indirect.scatter.add.f32 [tilespmem:s26], [sflag:$0x7], $0x80, s25, s25, $0xb8;
	[tilespmem:$0x1C400] =	vst v63  }
0xd7: {  	_ =	swait.ge [sflag:s2], $0x100  }
0xd8: {  	[sflag:s2] =	ssyncset.done $0x0  }
0xd9: {  	[sflag:s2] =	ssyncadd.s32 $0xFFFFFF00  }
0xda: {  	_ =	swait.ge [sflag:s7], $0x4000  }
0xdb: {  	[sflag:s7] =	ssyncset.done $0x0  }
0xdc: {  	[sflag:s7] =	ssyncadd.s32 $0xFFFFC000  }
0xdd: {  	[tilespmem:s26], [sflag:$0x5] =	stream.indirect.gather [hbm4b:s4+s25], $0x80, s28, s25, $0xb8;
	[tilespmem:$0x1C400] =	vst v63  }
0xde: {  	_ =	swait.ge [sflag:s8], $0x4000  }
0xdf: {  	[sflag:s8] =	ssyncset.done $0x0  }
0xe0: {  	[sflag:s8] =	ssyncadd.s32 $0xFFFFC000  }
0xe1: {  	[spmem:s1] =	stream.indirect.scatter.add.f32 [tilespmem:s30], [sflag:$0x8], $0x80, s9, s25, $0xb8;
	[tilespmem:$0x1C400] =	vst v63  }
0xe2: {  	_ =	swait.ge [sflag:s10], $0x100  }
0xe3: {  	[sflag:s10] =	ssyncset.done $0x0  }
0xe4: {  	[sflag:s10] =	ssyncadd.s32 $0xFFFFFF00  }
0xe5: {  	_ =	swait.ge [sflag:s11], $0x4000  }
0xe6: {  	[sflag:s11] =	ssyncset.done $0x0  }
0xe7: {  	[sflag:s11] =	ssyncadd.s32 $0xFFFFC000  }
0xe8: {  	[tilespmem:s30], [sflag:$0x6] =	stream.indirect.gather [hbm4b:s4+s25], $0x80, s31, s25, $0xb8;
	[tilespmem:$0x1C400] =	vst v63  }
0xe9: {  	_ =	swait.ge [sflag:s0], $0x4000  }
0xea: {  	[sflag:s0] =	ssyncset.done $0x0  }
0xeb: {  	[sflag:s0] =	ssyncadd.s32 $0xFFFFC000  }
0xec: {  	[spmem:s1] =	stream.indirect.scatter.add.f32 [tilespmem:s26], [sflag:$0x7], $0x80, s12, s25, $0xb8;
	[tilespmem:$0x1C400] =	vst v63  }
0xed: {  	_ =	swait.ge [sflag:s8], $0x4000  }
0xee: {  	[sflag:s8] =	ssyncset.done $0x0  }
0xef: {  	[sflag:s8] =	ssyncadd.s32 $0xFFFFC000  }
0xf0: {  	[spmem:s1] =	stream.indirect.scatter.add.f32 [tilespmem:s30], [sflag:$0x8], $0x80, s13, s25, $0xb8;
	[tilespmem:$0x1C400] =	vst v63  }
0xf1: {  	_ =	swait.ge [sflag:s7], $0x4000  }
0xf2: {  	[sflag:s7] =	ssyncset.done $0x0  }
0xf3: {  	[sflag:s7] =	ssyncadd.s32 $0xFFFFC000  }
0xf4: {  	_ =	swait.ge [sflag:s11], $0x4000  }
0xf5: {  	[sflag:s11] =	ssyncset.done $0x0  }
0xf6: {  	[sflag:s11] =	ssyncadd.s32 $0xFFFFC000  }
0xf7: {  	[bflag:$0x0] =	sbarrier.arrive $0xFFFF  }
0xf8: {  	s6 =	rddreg [dreg:$0xd]  }
0xf9: {  	[hbm:s6], [sflag:s20] =	dma.local [spmem:s21], $0x2800  }
0xfa: {  	_ =	swait.ge [sflag:s22], $0x2800  }
0xfb: {  	s14 =	sadd.s32 $0x1, s14;
	s15 =	rddreg [dreg:$0xe]  }
0xfc: {  	p0 =	sne.s32 s14, s15  }
.Ltmp1:
0xfd: {  	_ = 	snop;
	(pc) =	sbr.rel @p0 .LBB2_1-.Ltmp1, $3  }
0xfe: {  	_ =	sdelay $0x1  }
0xff: {  	[sflag:s22] =	ssyncset.done $0x0  }
0x100: {  	[sflag:s22] =	ssyncadd.s32 $0xFFFFD800  }
0x101: {  	_ =	sfence.sel $0x180000  }
0x102: {  	[bflag:$0x0] =	sbarrier.arrive $0xFFFF  }
0x103: {  	_ =	strace $0x9000004A  }
0x104: {  	s0 =	stileid.u32;
	[bflag:$0x2] =	sbarrier.arrive $0xFFFF  }
0x105: {  	p0 =	sne.s32 s0, $0x0;
	s0 =	rddreg [dreg:$0x3]  }
0x106: {  	s0 =	sadd.s32 @!p0 $0x100000, s0  }
0x107: {  	[sflag:s0] =	ssyncadd.tile.s32 @!p0 $0x1;
	_ =	shalt  }
.Lfunc_end2:
_tile_overlayer_lowered:
.L_overlay_start_2:
0x108: {  	(tag) =	ssettag $0x2  }
0x109: {  	s0 =	rddreg [dreg:$0x0];
	s2 =	stileid.u32  }
0x10a: {  	s1 =	rddreg [dreg:$0x1];
	p0 =	sne.s32 s2, $0x0  }
0x10b: {  	s3 =	rddreg [dreg:$0x2];
	[bflag:$0x3] =	sbarrier.arrive $0xFFFF;
	s2 =	simm.s32 @!p0 $0x1C09  }
0x10c: {  	[timem:s3], [sflag:s2] =	dma.local @!p0 [hbm:s0], s1  }
0x10d: {  	s0 =	simm.s32 @!p0 $0x9  }
0x10e: {  	_ =	swait.ge @!p0 [sflag:s0], s1  }
0x10f: {  	s1 =	ssub.s32 @!p0 $0x0, s1;
	[sflag:s0] =	ssyncset.done @!p0 $0x0  }
0x110: {  	[sflag:s0] =	ssyncadd.s32 @!p0 s1  }
0x111: {  	[bflag:$0x3] =	sbarrier.arrive $0xFFFF  }
0x112: {  	_ =	shalt  }

// kernel: kernel.16.cloned.1.call-start
scs
__scs_entry_jumppad:
0x0: {  	(pc) =	sbr.rel $0x88, $3  }
0x1: {  	(tag) =	ssettag $0x0;
	lr =	simm.s32 $0x1  }
0x2: {  	[smem:$0x3F98] =	sst lr;
	_ =	strace $0xD0000000  }
0x3: {  	_ = 	snop  }
0x4: {  	_ = 	snop  }
0x5: {  	_ = 	snop  }
0x6: {  	_ = 	snop  }
0x7: {  	_ = 	snop  }
__scs_overlays_trampoline_lowered:
0x8: {  	[smem:$0x3FA7] =	sst s0  }
0x9: {  	[smem:$0x3FA8] =	sst s1  }
0xa: {  	[smem:$0x3FA9] =	sst s2  }
0xb: {  	[smem:$0x3FAA] =	sst s3  }
0xc: {  	[smem:$0x3FAB] =	sst s4  }
0xd: {  	[smem:$0x3FAC] =	sst s5  }
0xe: {  	[smem:$0x3FAD] =	sst s6  }
0xf: {  	[smem:$0x3FAE] =	sst s7  }
0x10: {  	[smem:$0x3FAF] =	sst s8  }
0x11: {  	[smem:$0x3FB0] =	sst s9;
	s0 =	simm.s32 @!p0 $0x0  }
0x12: {  	s1 =	sld [smem:$0x3F96];
	s0 =	simm.s32 @p0 $0x1  }
0x13: {  	[smem:$0x3FB1] =	sst s0;
	s0 =	simm.s32 @!p1 $0x0  }
0x14: {  	s2 =	sld [smem:$0x3F95];
	s0 =	simm.s32 @p1 $0x1  }
0x15: {  	[smem:$0x3FB2] =	sst s0;
	s0 =	simm.s32 @!p2 $0x0  }
0x16: {  	s3 =	sld [smem:$0x3FDB];
	s0 =	simm.s32 @p2 $0x1  }
0x17: {  	s4 =	simm.s32 $0x1BF5;
	[smem:$0x3FB4] =	sst s0  }
0x18: {  	s0 =	sld [smem:$0x3F97];
	_ =	swait.ge [sflag:s4], $0x0  }
0x19: {  	s7 =	sld [smem:$0x3F98]  }
0x1a: {  	s8 =	sadd.s32 $0xFFFFE003, lr  }
0x1b: {  	s9 =	sadd.s32 $0xFFFFFEF7, lr;
	s5 =	simm.s32 $0xFFFFFFFF;
	p2 =	slt.u32 s8, $0xFFFFF086  }
0x1c: {  	p1 =	slt.u32 s9, $0xF7A;
	s5 =	simm.s32 @!p2 $0x0  }
0x1d: {  	s5 =	simm.s32 @p1 $0x1;
	p0 =	seq.s32 s7, s2  }
0x1e: {  	s7 =	smul.u32 @!p0 $0xF7A, s2;
	p2 =	seq.s32 @!p0 s5, $0x0  }
0x1f: {  	s9 =	smul.u32 $0xF7A, s1;
	s8 =	simm.s32 @!p0 $0x1BF5;
	p2 =	por !p2, p0  }
0x20: {  	[sflag:s8] =	ssyncset.s32 @!p0 $0xFFFFF086;
	s6 =	sadd.s32 @!p0 s3, s7;
	s7 =	simm.s32 @!p0 $0x108  }
0x21: {  	s3 =	sadd.s32 s3, s9;
	s6 =	sadd.s32 @!p0 $0x88, s6;
	s7 =	simm.s32 @p2 $0x1082  }
0x22: {  	[simem:s7], [sflag:s8] =	dma.local @!p0 [hbm:s6], $0xF7A  }
0x23: {  	s9 =	sor.u32 $0xD0000000, s2;
	s6 =	simm.s32 $0x108;
	_ =	swait.ge @!p0 [sflag:s8], $0x0  }
0x24: {  	s3 =	sadd.s32 $0x88, s3;
	s6 =	simm.s32 @!p1 $0x1082;
	[sflag:s4] =	ssyncset.s32 $0xFFFFF086  }
0x25: {  	[simem:s6], [sflag:s4] =	dma.local [hbm:s3], $0xF7A  }
0x26: {  	[smem:$0x3F98] =	sst s1;
	(tag) =	ssettag s2;
	_ =	strace s9  }
0x27: {  	s1 =	sld [smem:$0x3FA8]  }
0x28: {  	s2 =	sld [smem:$0x3FA9]  }
0x29: {  	s4 =	sld [smem:$0x3FAB]  }
0x2a: {  	p0 =	seq.s32 s5, $0x0;
	s5 =	sld [smem:$0x3FAC]  }
0x2b: {  	s6 =	sld [smem:$0x3FAD]  }
0x2c: {  	s7 =	sld [smem:$0x3FAE]  }
0x2d: {  	s3 =	simm.s32 $0x108;
	s8 =	sld [smem:$0x3FAF]  }
0x2e: {  	s3 =	simm.s32 @!p0 $0x1082;
	s9 =	sld [smem:$0x3FB0]  }
0x2f: {  	lr =	sadd.s32 s0, s3;
	s0 =	sld [smem:$0x3FA7]  }
0x30: {  	s3 =	sld [smem:$0x3FAA]  }
0x31: {  	[smem:$0x3FB3] =	sst s10  }
0x32: {  	s10 =	sld [smem:$0x3FB1];
	_ =	sdelay $0x3  }
0x33: {  	p0 =	seq.s32 s10, $0x1;
	s10 =	sld [smem:$0x3FB3];
	_ =	sdelay $0x3  }
0x34: {  	[smem:$0x3FB3] =	sst s10  }
0x35: {  	s10 =	sld [smem:$0x3FB2];
	_ =	sdelay $0x3  }
0x36: {  	p1 =	seq.s32 s10, $0x1;
	s10 =	sld [smem:$0x3FB3];
	_ =	sdelay $0x3  }
0x37: {  	[smem:$0x3FB3] =	sst s10  }
0x38: {  	s10 =	sld [smem:$0x3FB4]  }
0x39: {  	_ = 	snop;
	(pc) =	sbr.ind lr, $3  }
0x3a: {  	_ = 	snop  }
0x3b: {  	_ = 	snop  }
0x3c: {  	p2 =	seq.s32 s10, $0x1;
	s10 =	sld [smem:$0x3FB3]  }
0x3d: {  	_ =	shalt  }
0x3e: {  	_ =	shalt  }
0x3f: {  	_ =	shalt  }
0x40: {  	_ =	shalt  }
0x41: {  	_ =	shalt  }
0x42: {  	_ =	shalt  }
0x43: {  	_ =	shalt  }
0x44: {  	_ =	shalt  }
0x45: {  	_ =	shalt  }
0x46: {  	_ =	shalt  }
0x47: {  	_ =	shalt  }
0x48: {  	_ =	shalt  }
0x49: {  	_ =	shalt  }
0x4a: {  	_ =	shalt  }
0x4b: {  	_ =	shalt  }
0x4c: {  	_ =	shalt  }
0x4d: {  	_ =	shalt  }
0x4e: {  	_ =	shalt  }
0x4f: {  	_ =	shalt  }
0x50: {  	_ =	shalt  }
0x51: {  	_ =	shalt  }
0x52: {  	_ =	shalt  }
0x53: {  	_ =	shalt  }
0x54: {  	_ =	shalt  }
0x55: {  	_ =	shalt  }
0x56: {  	_ =	shalt  }
0x57: {  	_ =	shalt  }
0x58: {  	_ =	shalt  }
0x59: {  	_ =	shalt  }
0x5a: {  	_ =	shalt  }
0x5b: {  	_ =	shalt  }
0x5c: {  	_ =	shalt  }
0x5d: {  	_ =	shalt  }
0x5e: {  	_ =	shalt  }
0x5f: {  	_ =	shalt  }
0x60: {  	_ =	shalt  }
0x61: {  	_ =	shalt  }
0x62: {  	_ =	shalt  }
0x63: {  	_ =	shalt  }
0x64: {  	_ =	shalt  }
0x65: {  	_ =	shalt  }
0x66: {  	_ =	shalt  }
0x67: {  	_ =	shalt  }
0x68: {  	_ =	shalt  }
0x69: {  	_ =	shalt  }
0x6a: {  	_ =	shalt  }
0x6b: {  	_ =	shalt  }
0x6c: {  	_ =	shalt  }
0x6d: {  	_ =	shalt  }
0x6e: {  	_ =	shalt  }
0x6f: {  	_ =	shalt  }
0x70: {  	_ =	shalt  }
0x71: {  	_ =	shalt  }
0x72: {  	_ =	shalt  }
0x73: {  	_ =	shalt  }
0x74: {  	_ =	shalt  }
0x75: {  	_ =	shalt  }
0x76: {  	_ =	shalt  }
0x77: {  	_ =	shalt  }
0x78: {  	_ =	shalt  }
0x79: {  	_ =	shalt  }
0x7a: {  	_ =	shalt  }
0x7b: {  	_ =	shalt  }
0x7c: {  	_ =	shalt  }
0x7d: {  	_ =	shalt  }
0x7e: {  	_ =	shalt  }
0x7f: {  	_ =	shalt  }
0x80: {  	_ =	shalt  }
0x81: {  	_ =	shalt  }
0x82: {  	_ =	shalt  }
0x83: {  	_ =	shalt  }
0x84: {  	_ =	shalt  }
0x85: {  	_ =	shalt  }
0x86: {  	_ =	shalt  }
0x87: {  	_ =	shalt  }
.Lfunc_end0:
.L_simem_size_0:
called_computation.2_lowered:
.L_overlay_start_0:
0x88: {  	s2 =	sld [smem:$0x3FD9]  }
0x89: {  	s3 =	sld [smem:$0x3FFE];
	_ =	sdelay $0x1  }
0x8a: {  	s1 =	srdreg.scid  }
0x8b: {  	s0 =	sand.u32 $0x1, s1  }
0x8c: {  	s17 =	sshll.u32 s0, $0xA;
	s2 =	sadd.s32 s3, s2  }
0x8d: {  	s2 =	sadd.s32 s2, s17  }
0x8e: {  	[smem:$0x3FBF] =	sst s2  }
0x8f: {  	_ = 	snop  }
0x90: {  	s2 =	sld [smem:$0x3FD0];
	(tm) =	ssettm $0x1  }
0x91: {  	s18 =	sld [smem:$0x3FFB];
	_ =	sdelay $0x3  }
0x92: {  	_ =	strace s18  }
0x93: {  	s3 =	sld [smem:$0x3FFC];
	_ =	sdelay $0x3  }
0x94: {  	_ =	strace s3  }
0x95: {  	s3 =	sld [smem:$0x3FFD];
	_ =	sdelay $0x3  }
0x96: {  	_ =	strace s3  }
0x97: {  	_ =	strace $0x8FFFFFFF  }
0x98: {  	s19 =	sld [smem:$0x3FDB];
	_ =	sdelay $0x1  }
0x99: {  	s4 =	simm.s32 $_scs_section_size  }
0x9a: {  	s5 =	simm.s32 $_size__tile_overlayer_lowered;
	s6 =	simm.s32 $_tile_overlayer_lowered  }
0x9b: {  	s22 =	simm.s32 $0x1BFF;
	s21 =	sshll.u32 s6, $0x1;
	s3 =	sadd.s32 s4, s19  }
0x9c: {  	s7 =	simm.s32 $0x0;
	s20 =	sshll.u32 s5, $0x1;
	s5 =	sadd.s32 s21, s3  }
0x9d: {  	[timem:s7], [sflag:s22] =	dma.local [hbm:s5], s20  }
0x9e: {  	_ =	swait.ge [sflag:s22], s20  }
0x9f: {  	s4 =	ssub.s32 $0x0, s20;
	[sflag:s22] =	ssyncset.done $0x0  }
0xa0: {  	[sflag:s22] =	ssyncadd.s32 s4;
	_ =	sdelay $0x1  }
0xa1: {  	s23 =	simm.s32 $0x1B8B  }
0xa2: {  	_ =	swait.ge [sflag:s23], $0x1  }
0xa3: {  	[sflag:s23] =	ssyncset.done $0x0  }
0xa4: {  	s25 =	simm.s32 $0x1B8E;
	s24 =	sld [smem:$0x3FFE];
	[sflag:s23] =	ssyncadd.s32 $0xFFFFFFFF  }
0xa5: {  	s26 =	simm.s32 $execute0_lowered;
	[smem:$0x3FD2] =	sst s25  }
0xa6: {  	s5 =	sshll.u32 s26, $0x1;
	_ =	strace $0x8000004C;
	[dreg:$0x1] =	wrdreg $0xFFFFFFFF  }
0xa7: {  	s28 =	simm.s32 $_size_execute0_lowered;
	s3 =	sadd.s32 s3, s5;
	[dreg:$0x0] =	wrdreg $0x0  }
0xa8: {  	s5 =	sshll.u32 s28, $0x1;
	[dreg:$0x2] =	wrdreg s3  }
0xa9: {  	[dreg:$0x3] =	wrdreg s5  }
0xaa: {  	[dreg:$0x4] =	wrdreg $0xC0  }
0xab: {  	_ =	task [dreg:s7], $0x5FFFF  }
0xac: {  	[dreg:$0x1] =	wrdreg $0xFFFFFFFF  }
0xad: {  	[dreg:$0x0] =	wrdreg $0x60  }
0xae: {  	[dreg:$0x2] =	wrdreg s24  }
0xaf: {  	[dreg:$0x3] =	wrdreg s2  }
0xb0: {  	[dreg:$0x4] =	wrdreg $0x84000  }
0xb1: {  	[dreg:$0x5] =	wrdreg $0x9  }
0xb2: {  	_ =	task.clear_ibuf [dreg:s7], $0x6FFFF;
	_ =	strace $0x9000004C  }
0xb3: {  	s29 =	simm.s32 $0x9;
	_ =	strace $0x8000004E  }
0xb4: {  	_ =	swait.ge [sflag:s29], $0x1  }
0xb5: {  	[sflag:s29] =	ssyncadd.s32 $0xFFFFFFFF  }
0xb6: {  	_ =	strace $0x9000004E  }
0xb7: {  	_ =	sfence  }
0xb8: {  	s30 =	sld [smem:$0x0];
	_ =	sdelay $0x2  }
0xb9: {  	s31 =	sshll.u32 s1, $0xD;
	s1 =	sshrl.u32 s1, $0x2  }
0xba: {  	s3 =	sand.u32 $0x4000, s31;
	s1 =	sadd.s32 s1, s30  }
0xbb: {  	s0 =	sor.u32 s3, s0;
	s1 =	sshll.u32 s1, $0x11  }
0xbc: {  	s0 =	sor.u32 s1, s0  }
0xbd: {  	s0 =	sadd.s32 $0x8F2B, s0  }
0xbe: {  	[sflag:s0] =	ssyncadd.remote.s32 $0x1  }
0xbf: {  	_ =	sfence.sel $0xFFFF  }
0xc0: {  	[dreg:$0x0] =	wrdreg $0xFFFFFFFF;
	(pc) =	sbr.abs _section_cstart, $3  }
0xc1: {  	[dreg:$0x1] =	wrdreg $0xFFFFFFFF  }
0xc2: {  	_ =	task.clear_ibuf [dreg:s7], $0x2FFFF;
	_ =	strace $0x9FFFFFFF  }
0xc3: {  	(tm) =	ssettm $0x7FFFFFFF  }
tec
execute0_lowered:
.L_overlay_start_1:
0x0: {  	(tag) =	ssettag $0x1  }
0x1: {  	s0 =	rddreg [dreg:$0x0]  }
0x2: {  	s2 =	rddreg [dreg:$0x1]  }
0x3: {  	s1 =	rddreg [dreg:$0x2];
	s12 =	stileid.u32  }
0x4: {  	s3 =	srdreg.scid;
	s28 =	simm.s32 $0x200;
	s7 =	smul.u32 $0x14000, s12  }
0x5: {  	s29 =	simm.s32 $0x2;
	s30 =	simm.s32 $0x4400;
	s9 =	smul.u32 $0x50000, s12  }
0x6: {  	s31 =	simm.s32 $0x300;
	s6 =	sand.u32 $0x1, s3;
	s22 =	smul.u32 $0x2800, s12  }
0x7: {  	s3 =	simm.s32 $0x0;
	s4 =	sadd.s32 $0x20800, s0;
	s26 =	smul.u32 $0x5000, s12  }
0x8: {  	s11 =	sadd.s32 $0xC800, s0;
	s5 =	smul.u32 $0x140000, s6;
	[smem:$0x7FF] =	sst s3  }
0x9: {  	s20 =	sshll.u32 s6, $0x4;
	s8 =	ssub.s32 $0x2, s6;
	s24 =	smul.u32 $0x50000, s6  }
0xa: {  	p0 =	sne.s32 s6, $0x0;
	_ =	strace $0x8000004D;
	s10 =	sshrl.u32 s8, $0x1  }
0xb: {  	s21 =	sshrl.u32 s9, $0x2;
	s13 =	sadd.s32 s4, s22;
	s9 =	simm.s32 $0x180  }
0xc: {  	s5 =	sadd.s32 s7, s5;
	s7 =	sor.u32 s12, s20;
	s8 =	ssub.s32 s8, s10  }
0xd: {  	s10 =	sadd.s32 s21, s1;
	s13 =	smov.u32 @p0 s2;
	s2 =	simm.s32 $0x3  }
0xe: {  	s5 =	sshrl.u32 s5, $0x3;
	s7 =	smul.u32 $0x5000, s7;
	s20 =	smax.u32 s8, $0x1  }
0xf: {  	[dreg:$0x5] =	wrdreg s13;
	s8 =	simm.s32 $0x6;
	s0 =	sadd.s32 s5, s0  }
0x10: {  	[dreg:$0xe] =	wrdreg s20;
	s7 =	sshrl.u32 s7, $0x3;
	s0 =	sadd.s32 $0x48800, s0  }
0x11: {  	s13 =	simm.s32 $0x380;
	s23 =	sadd.s32 s11, s7;
	[dreg:$0xd] =	wrdreg s0  }
0x12: {  	s7 =	sadd.s32 s26, s24;
	s25 =	sadd.s32 $0x20, s23;
	[dreg:$0x4] =	wrdreg s23  }
0x13: {  	s26 =	sshll.u32 s12, $0x6;
	s14 =	sadd.s32 $0x40, s23;
	[dreg:$0x6] =	wrdreg s25  }
0x14: {  	s12 =	simm.s32 $0x280;
	s15 =	sadd.s32 $0x60, s23;
	[dreg:$0x7] =	wrdreg s14  }
0x15: {  	s16 =	sadd.s32 $0x80, s23;
	s17 =	sadd.s32 $0xA0, s23;
	[dreg:$0x8] =	wrdreg s15  }
0x16: {  	s18 =	sadd.s32 $0x9C0, s23;
	s5 =	sadd.s32 $0x9E0, s23;
	[dreg:$0x9] =	wrdreg s16  }
0x17: {  	s19 =	sor.u32 $0x900, s7;
	s21 =	sor.u32 $0x800, s7;
	[dreg:$0xa] =	wrdreg s17  }
0x18: {  	s23 =	sor.u32 $0x700, s7;
	s7 =	sor.u32 $0x600, s7;
	[dreg:$0xb] =	wrdreg s18  }
0x19: {  	s20 =	sor.u32 $0x1C09, s26;
	s26 =	simm.s32 $0x400;
	[dreg:$0xc] =	wrdreg s5  }
0x1a: {  	s0 =	sshrl.u32 s19, $0x3;
	s22 =	sshrl.u32 s21, $0x3;
	s24 =	sshrl.u32 s23, $0x3  }
0x1b: {  	s25 =	sshrl.u32 s7, $0x3;
	s21 =	sshrl.u32 s10, $0x3;
	s23 =	simm.s32 $0x100  }
0x1c: {  	s7 =	simm.s32 $0x7;
	s10 =	simm.s32 $0x4;
	s14 =	simm.s32 $0x0  }
0x1d: {  	s16 =	sadd.s32 s0, s11;
	s17 =	sadd.s32 s22, s11;
	s18 =	sadd.s32 s24, s11  }
0x1e: {  	s19 =	sadd.s32 s25, s11;
	s22 =	simm.s32 $0x9;
	s24 =	simm.s32 $0x1  }
0x1f: {  	s25 =	simm.s32 $0x80;
	s0 =	simm.s32 $0x5;
	s11 =	simm.s32 $0x8  }
.LBB2_1:
0x20: {  	s5 =	rddreg [dreg:$0x5]  }
0x21: {  	[spmem:s21], [sflag:s20] =	dma.local [hbm:s5], $0x2800  }
0x22: {  	_ =	swait.ge [sflag:s22], $0x2800  }
0x23: {  	[sflag:s22] =	ssyncset.done $0x0  }
0x24: {  	[sflag:s22] =	ssyncadd.s32 $0xFFFFD800  }
0x25: {  	[bflag:$0x0] =	sbarrier.arrive $0xFFFF  }
0x26: {  	s15 =	rddreg [dreg:$0x4]  }
0x27: {  	[tilespmem:s3], [sflag:$0x1] =	stream.linear.gather [hbm4b:s15+s3], $0x100, $0x38;
	[tilespmem:$0x1C400] =	vst v63  }
0x28: {  	s6 =	rddreg [dreg:$0x6]  }
0x29: {  	[tilespmem:s23], [sflag:$0x2] =	stream.linear.gather [hbm4b:s6+s3], $0x100, $0x38;
	[tilespmem:$0x1C400] =	vst v63  }
0x2a: {  	_ =	swait.ge [sflag:s24], $0x100  }
0x2b: {  	[sflag:s24] =	ssyncset.done $0x0  }
0x2c: {  	[sflag:s24] =	ssyncadd.s32 $0xFFFFFF00  }
0x2d: {  	[tilespmem:s26], [sflag:$0x5] =	stream.indirect.gather [hbm4b:s4+s25], $0x80, s3, s25, $0xb8;
	[tilespmem:$0x1C400] =	vst v63  }
0x2e: {  	s15 =	rddreg [dreg:$0x7]  }
0x2f: {  	[tilespmem:s28], [sflag:$0x3] =	stream.linear.gather [hbm4b:s15+s3], $0x100, $0x38;
	[tilespmem:$0x1C400] =	vst v63  }
0x30: {  	_ =	swait.ge [sflag:s29], $0x100  }
0x31: {  	[sflag:s29] =	ssyncset.done $0x0  }
0x32: {  	[sflag:s29] =	ssyncadd.s32 $0xFFFFFF00  }
0x33: {  	[tilespmem:s30], [sflag:$0x6] =	stream.indirect.gather [hbm4b:s4+s25], $0x80, s23, s25, $0xb8;
	[tilespmem:$0x1C400] =	vst v63  }
0x34: {  	s6 =	rddreg [dreg:$0x8]  }
0x35: {  	[tilespmem:s31], [sflag:$0x4] =	stream.linear.gather [hbm4b:s6+s3], $0x100, $0x38;
	[tilespmem:$0x1C400] =	vst v63  }
0x36: {  	_ =	swait.ge [sflag:s0], $0x4000  }
0x37: {  	[sflag:s0] =	ssyncset.done $0x0  }
0x38: {  	[sflag:s0] =	ssyncadd.s32 $0xFFFFC000  }
0x39: {  	[spmem:s1] =	stream.indirect.scatter.add.f32 [tilespmem:s26], [sflag:$0x7], $0x80, s25, s25, $0xb8;
	[tilespmem:$0x1C400] =	vst v63  }
0x3a: {  	_ =	swait.ge [sflag:s2], $0x100  }
0x3b: {  	[sflag:s2] =	ssyncset.done $0x0  }
0x3c: {  	[sflag:s2] =	ssyncadd.s32 $0xFFFFFF00  }
0x3d: {  	_ =	swait.ge [sflag:s7], $0x4000  }
0x3e: {  	[sflag:s7] =	ssyncset.done $0x0  }
0x3f: {  	[sflag:s7] =	ssyncadd.s32 $0xFFFFC000  }
0x40: {  	[tilespmem:s26], [sflag:$0x5] =	stream.indirect.gather [hbm4b:s4+s25], $0x80, s28, s25, $0xb8;
	[tilespmem:$0x1C400] =	vst v63  }
0x41: {  	s15 =	rddreg [dreg:$0x9]  }
0x42: {  	[tilespmem:s3], [sflag:$0x1] =	stream.linear.gather [hbm4b:s15+s3], $0x100, $0x38;
	[tilespmem:$0x1C400] =	vst v63  }
0x43: {  	_ =	swait.ge [sflag:s8], $0x4000  }
0x44: {  	[sflag:s8] =	ssyncset.done $0x0  }
0x45: {  	[sflag:s8] =	ssyncadd.s32 $0xFFFFC000  }
0x46: {  	[spmem:s1] =	stream.indirect.scatter.add.f32 [tilespmem:s30], [sflag:$0x8], $0x80, s9, s25, $0xb8;
	[tilespmem:$0x1C400] =	vst v63  }
0x47: {  	_ =	swait.ge [sflag:s10], $0x100  }
0x48: {  	[sflag:s10] =	ssyncset.done $0x0  }
0x49: {  	[sflag:s10] =	ssyncadd.s32 $0xFFFFFF00  }
0x4a: {  	_ =	swait.ge [sflag:s11], $0x4000  }
0x4b: {  	[sflag:s11] =	ssyncset.done $0x0  }
0x4c: {  	[sflag:s11] =	ssyncadd.s32 $0xFFFFC000  }
0x4d: {  	[tilespmem:s30], [sflag:$0x6] =	stream.indirect.gather [hbm4b:s4+s25], $0x80, s31, s25, $0xb8;
	[tilespmem:$0x1C400] =	vst v63  }
0x4e: {  	s6 =	rddreg [dreg:$0xa]  }
0x4f: {  	[tilespmem:s23], [sflag:$0x2] =	stream.linear.gather [hbm4b:s6+s3], $0x100, $0x38;
	[tilespmem:$0x1C400] =	vst v63  }
0x50: {  	_ =	swait.ge [sflag:s0], $0x4000  }
0x51: {  	[sflag:s0] =	ssyncset.done $0x0  }
0x52: {  	[sflag:s0] =	ssyncadd.s32 $0xFFFFC000  }
0x53: {  	[spmem:s1] =	stream.indirect.scatter.add.f32 [tilespmem:s26], [sflag:$0x7], $0x80, s12, s25, $0xb8;
	[tilespmem:$0x1C400] =	vst v63  }
0x54: {  	_ =	swait.ge [sflag:s24], $0x100  }
0x55: {  	[sflag:s24] =	ssyncset.done $0x0  }
0x56: {  	[sflag:s24] =	ssyncadd.s32 $0xFFFFFF00  }
0x57: {  	_ =	swait.ge [sflag:s7], $0x4000  }
0x58: {  	[sflag:s7] =	ssyncset.done $0x0  }
0x59: {  	[sflag:s7] =	ssyncadd.s32 $0xFFFFC000  }
0x5a: {  	[tilespmem:s26], [sflag:$0x5] =	stream.indirect.gather [hbm4b:s4+s25], $0x80, s3, s25, $0xb8;
	[tilespmem:$0x1C400] =	vst v63  }
0x5b: {  	s6 =	sadd.s32 $0x0, s19  }
0x5c: {  	[tilespmem:s28], [sflag:$0x3] =	stream.linear.gather [hbm4b:s6+s3], $0x100, $0x38;
	[tilespmem:$0x1C400] =	vst v63  }
0x5d: {  	_ =	swait.ge [sflag:s8], $0x4000  }
0x5e: {  	[sflag:s8] =	ssyncset.done $0x0  }
0x5f: {  	[sflag:s8] =	ssyncadd.s32 $0xFFFFC000  }
0x60: {  	[spmem:s1] =	stream.indirect.scatter.add.f32 [tilespmem:s30], [sflag:$0x8], $0x80, s13, s25, $0xb8;
	[tilespmem:$0x1C400] =	vst v63  }
0x61: {  	_ =	swait.ge [sflag:s29], $0x100  }
0x62: {  	[sflag:s29] =	ssyncset.done $0x0  }
0x63: {  	[sflag:s29] =	ssyncadd.s32 $0xFFFFFF00  }
0x64: {  	_ =	swait.ge [sflag:s11], $0x4000  }
0x65: {  	[sflag:s11] =	ssyncset.done $0x0  }
0x66: {  	[sflag:s11] =	ssyncadd.s32 $0xFFFFC000  }
0x67: {  	[tilespmem:s30], [sflag:$0x6] =	stream.indirect.gather [hbm4b:s4+s25], $0x80, s23, s25, $0xb8;
	[tilespmem:$0x1C400] =	vst v63  }
0x68: {  	s15 =	sadd.s32 $0x0, s18  }
0x69: {  	[tilespmem:s31], [sflag:$0x4] =	stream.linear.gather [hbm4b:s15+s3], $0x100, $0x38;
	[tilespmem:$0x1C400] =	vst v63  }
0x6a: {  	_ =	swait.ge [sflag:s0], $0x4000  }
0x6b: {  	[sflag:s0] =	ssyncset.done $0x0  }
0x6c: {  	[sflag:s0] =	ssyncadd.s32 $0xFFFFC000  }
0x6d: {  	[spmem:s1] =	stream.indirect.scatter.add.f32 [tilespmem:s26], [sflag:$0x7], $0x80, s25, s25, $0xb8;
	[tilespmem:$0x1C400] =	vst v63  }
0x6e: {  	_ =	swait.ge [sflag:s2], $0x100  }
0x6f: {  	[sflag:s2] =	ssyncset.done $0x0  }
0x70: {  	[sflag:s2] =	ssyncadd.s32 $0xFFFFFF00  }
0x71: {  	_ =	swait.ge [sflag:s7], $0x4000  }
0x72: {  	[sflag:s7] =	ssyncset.done $0x0  }
0x73: {  	[sflag:s7] =	ssyncadd.s32 $0xFFFFC000  }
0x74: {  	[tilespmem:s26], [sflag:$0x5] =	stream.indirect.gather [hbm4b:s4+s25], $0x80, s28, s25, $0xb8;
	[tilespmem:$0x1C400] =	vst v63  }
0x75: {  	s5 =	sadd.s32 $0x0, s17  }
0x76: {  	[tilespmem:s3], [sflag:$0x1] =	stream.linear.gather [hbm4b:s5+s3], $0x100, $0x38;
	[tilespmem:$0x1C400] =	vst v63  }
0x77: {  	_ =	swait.ge [sflag:s8], $0x4000  }
0x78: {  	[sflag:s8] =	ssyncset.done $0x0  }
0x79: {  	[sflag:s8] =	ssyncadd.s32 $0xFFFFC000  }
0x7a: {  	[spmem:s1] =	stream.indirect.scatter.add.f32 [tilespmem:s30], [sflag:$0x8], $0x80, s9, s25, $0xb8;
	[tilespmem:$0x1C400] =	vst v63  }
0x7b: {  	_ =	swait.ge [sflag:s10], $0x100  }
0x7c: {  	[sflag:s10] =	ssyncset.done $0x0  }
0x7d: {  	[sflag:s10] =	ssyncadd.s32 $0xFFFFFF00  }
0x7e: {  	_ =	swait.ge [sflag:s11], $0x4000  }
0x7f: {  	[sflag:s11] =	ssyncset.done $0x0  }
0x80: {  	[sflag:s11] =	ssyncadd.s32 $0xFFFFC000  }
0x81: {  	[tilespmem:s30], [sflag:$0x6] =	stream.indirect.gather [hbm4b:s4+s25], $0x80, s31, s25, $0xb8;
	[tilespmem:$0x1C400] =	vst v63  }
0x82: {  	s15 =	sadd.s32 $0x0, s16  }
0x83: {  	[tilespmem:s23], [sflag:$0x2] =	stream.linear.gather [hbm4b:s15+s3], $0x100, $0x38;
	[tilespmem:$0x1C400] =	vst v63  }
0x84: {  	_ =	swait.ge [sflag:s0], $0x4000  }
0x85: {  	[sflag:s0] =	ssyncset.done $0x0  }
0x86: {  	s15 =	simm.s32 $0x80;
	[sflag:s0] =	ssyncadd.s32 $0xFFFFC000  }
.LBB2_2:
0x87: {  	[spmem:s1] =	stream.indirect.scatter.add.f32 [tilespmem:s26], [sflag:$0x7], $0x80, s12, s25, $0xb8;
	[tilespmem:$0x1C400] =	vst v63  }
0x88: {  	s6 =	smov.u32 s15  }
0x89: {  	p0 =	sne.s32 s15, $0x880;
	s15 =	sadd.s32 $0x80, s15;
	_ =	swait.ge [sflag:s24], $0x100  }
0x8a: {  	[sflag:s24] =	ssyncset.done $0x0  }
0x8b: {  	[sflag:s24] =	ssyncadd.s32 $0xFFFFFF00  }
0x8c: {  	_ =	swait.ge [sflag:s7], $0x4000  }
0x8d: {  	[sflag:s7] =	ssyncset.done $0x0  }
0x8e: {  	[sflag:s7] =	ssyncadd.s32 $0xFFFFC000  }
0x8f: {  	[tilespmem:s26], [sflag:$0x5] =	stream.indirect.gather [hbm4b:s4+s25], $0x80, s3, s25, $0xb8;
	[tilespmem:$0x1C400] =	vst v63  }
0x90: {  	s5 =	sadd.s32 s6, s19  }
0x91: {  	[tilespmem:s28], [sflag:$0x3] =	stream.linear.gather [hbm4b:s5+s3], $0x100, $0x38;
	[tilespmem:$0x1C400] =	vst v63  }
0x92: {  	_ =	swait.ge [sflag:s8], $0x4000  }
0x93: {  	[sflag:s8] =	ssyncset.done $0x0  }
0x94: {  	[sflag:s8] =	ssyncadd.s32 $0xFFFFC000  }
0x95: {  	[spmem:s1] =	stream.indirect.scatter.add.f32 [tilespmem:s30], [sflag:$0x8], $0x80, s13, s25, $0xb8;
	[tilespmem:$0x1C400] =	vst v63  }
0x96: {  	_ =	swait.ge [sflag:s29], $0x100  }
0x97: {  	[sflag:s29] =	ssyncset.done $0x0  }
0x98: {  	[sflag:s29] =	ssyncadd.s32 $0xFFFFFF00  }
0x99: {  	_ =	swait.ge [sflag:s11], $0x4000  }
0x9a: {  	[sflag:s11] =	ssyncset.done $0x0  }
0x9b: {  	[sflag:s11] =	ssyncadd.s32 $0xFFFFC000  }
0x9c: {  	[tilespmem:s30], [sflag:$0x6] =	stream.indirect.gather [hbm4b:s4+s25], $0x80, s23, s25, $0xb8;
	[tilespmem:$0x1C400] =	vst v63  }
0x9d: {  	s5 =	sadd.s32 s6, s18  }
0x9e: {  	[tilespmem:s31], [sflag:$0x4] =	stream.linear.gather [hbm4b:s5+s3], $0x100, $0x38;
	[tilespmem:$0x1C400] =	vst v63  }
0x9f: {  	_ =	swait.ge [sflag:s0], $0x4000  }
0xa0: {  	[sflag:s0] =	ssyncset.done $0x0  }
0xa1: {  	[sflag:s0] =	ssyncadd.s32 $0xFFFFC000  }
0xa2: {  	[spmem:s1] =	stream.indirect.scatter.add.f32 [tilespmem:s26], [sflag:$0x7], $0x80, s25, s25, $0xb8;
	[tilespmem:$0x1C400] =	vst v63  }
0xa3: {  	_ =	swait.ge [sflag:s2], $0x100  }
0xa4: {  	[sflag:s2] =	ssyncset.done $0x0  }
0xa5: {  	[sflag:s2] =	ssyncadd.s32 $0xFFFFFF00  }
0xa6: {  	_ =	swait.ge [sflag:s7], $0x4000  }
0xa7: {  	[sflag:s7] =	ssyncset.done $0x0  }
0xa8: {  	[sflag:s7] =	ssyncadd.s32 $0xFFFFC000  }
0xa9: {  	[tilespmem:s26], [sflag:$0x5] =	stream.indirect.gather [hbm4b:s4+s25], $0x80, s28, s25, $0xb8;
	[tilespmem:$0x1C400] =	vst v63  }
0xaa: {  	s5 =	sadd.s32 s6, s17  }
0xab: {  	[tilespmem:s3], [sflag:$0x1] =	stream.linear.gather [hbm4b:s5+s3], $0x100, $0x38;
	[tilespmem:$0x1C400] =	vst v63  }
0xac: {  	_ =	swait.ge [sflag:s8], $0x4000  }
0xad: {  	[sflag:s8] =	ssyncset.done $0x0  }
0xae: {  	[sflag:s8] =	ssyncadd.s32 $0xFFFFC000  }
0xaf: {  	[spmem:s1] =	stream.indirect.scatter.add.f32 [tilespmem:s30], [sflag:$0x8], $0x80, s9, s25, $0xb8;
	[tilespmem:$0x1C400] =	vst v63  }
0xb0: {  	_ =	swait.ge [sflag:s10], $0x100  }
0xb1: {  	[sflag:s10] =	ssyncset.done $0x0  }
0xb2: {  	[sflag:s10] =	ssyncadd.s32 $0xFFFFFF00  }
0xb3: {  	_ =	swait.ge [sflag:s11], $0x4000  }
0xb4: {  	[sflag:s11] =	ssyncset.done $0x0  }
0xb5: {  	[sflag:s11] =	ssyncadd.s32 $0xFFFFC000  }
0xb6: {  	[tilespmem:s30], [sflag:$0x6] =	stream.indirect.gather [hbm4b:s4+s25], $0x80, s31, s25, $0xb8;
	[tilespmem:$0x1C400] =	vst v63  }
.Ltmp0:
0xb7: {  	s5 =	sadd.s32 s6, s16;
	(pc) =	sbr.rel @p0 .LBB2_2-.Ltmp0, $4  }
0xb8: {  	[tilespmem:s23], [sflag:$0x2] =	stream.linear.gather [hbm4b:s5+s3], $0x100, $0x38;
	[tilespmem:$0x1C400] =	vst v63  }
0xb9: {  	_ =	swait.ge [sflag:s0], $0x4000  }
0xba: {  	[sflag:s0] =	ssyncset.done $0x0  }
0xbb: {  	[sflag:s0] =	ssyncadd.s32 $0xFFFFC000  }
0xbc: {  	[spmem:s1] =	stream.indirect.scatter.add.f32 [tilespmem:s26], [sflag:$0x7], $0x80, s12, s25, $0xb8;
	[tilespmem:$0x1C400] =	vst v63  }
0xbd: {  	_ =	swait.ge [sflag:s24], $0x100  }
0xbe: {  	[sflag:s24] =	ssyncset.done $0x0  }
0xbf: {  	[sflag:s24] =	ssyncadd.s32 $0xFFFFFF00  }
0xc0: {  	_ =	swait.ge [sflag:s7], $0x4000  }
0xc1: {  	[sflag:s7] =	ssyncset.done $0x0  }
0xc2: {  	[sflag:s7] =	ssyncadd.s32 $0xFFFFC000  }
0xc3: {  	[tilespmem:s26], [sflag:$0x5] =	stream.indirect.gather [hbm4b:s4+s25], $0x80, s3, s25, $0xb8;
	[tilespmem:$0x1C400] =	vst v63  }
0xc4: {  	s5 =	rddreg [dreg:$0xb]  }
0xc5: {  	[tilespmem:s28], [sflag:$0x3] =	stream.linear.gather [hbm4b:s5+s3], $0x100, $0x38;
	[tilespmem:$0x1C400] =	vst v63  }
0xc6: {  	_ =	swait.ge [sflag:s8], $0x4000  }
0xc7: {  	[sflag:s8] =	ssyncset.done $0x0  }
0xc8: {  	[sflag:s8] =	ssyncadd.s32 $0xFFFFC000  }
0xc9: {  	[spmem:s1] =	stream.indirect.scatter.add.f32 [tilespmem:s30], [sflag:$0x8], $0x80, s13, s25, $0xb8;
	[tilespmem:$0x1C400] =	vst v63  }
0xca: {  	_ =	swait.ge [sflag:s29], $0x100  }
0xcb: {  	[sflag:s29] =	ssyncset.done $0x0  }
0xcc: {  	[sflag:s29] =	ssyncadd.s32 $0xFFFFFF00  }
0xcd: {  	_ =	swait.ge [sflag:s11], $0x4000  }
0xce: {  	[sflag:s11] =	ssyncset.done $0x0  }
0xcf: {  	[sflag:s11] =	ssyncadd.s32 $0xFFFFC000  }
0xd0: {  	[tilespmem:s30], [sflag:$0x6] =	stream.indirect.gather [hbm4b:s4+s25], $0x80, s23, s25, $0xb8;
	[tilespmem:$0x1C400] =	vst v63  }
0xd1: {  	s15 =	rddreg [dreg:$0xc]  }
0xd2: {  	[tilespmem:s31], [sflag:$0x4] =	stream.linear.gather [hbm4b:s15+s3], $0x100, $0x38;
	[tilespmem:$0x1C400] =	vst v63  }
0xd3: {  	_ =	swait.ge [sflag:s0], $0x4000  }
0xd4: {  	[sflag:s0] =	ssyncset.done $0x0  }
0xd5: {  	[sflag:s0] =	ssyncadd.s32 $0xFFFFC000  }
0xd6: {  	[spmem:s1] =	stream.indirect.scatter.add.f32 [tilespmem:s26], [sflag:$0x7], $0x80, s25, s25, $0xb8;
	[tilespmem:$0x1C400] =	vst v63  }
0xd7: {  	_ =	swait.ge [sflag:s2], $0x100  }
0xd8: {  	[sflag:s2] =	ssyncset.done $0x0  }
0xd9: {  	[sflag:s2] =	ssyncadd.s32 $0xFFFFFF00  }
0xda: {  	_ =	swait.ge [sflag:s7], $0x4000  }
0xdb: {  	[sflag:s7] =	ssyncset.done $0x0  }
0xdc: {  	[sflag:s7] =	ssyncadd.s32 $0xFFFFC000  }
0xdd: {  	[tilespmem:s26], [sflag:$0x5] =	stream.indirect.gather [hbm4b:s4+s25], $0x80, s28, s25, $0xb8;
	[tilespmem:$0x1C400] =	vst v63  }
0xde: {  	_ =	swait.ge [sflag:s8], $0x4000  }
0xdf: {  	[sflag:s8] =	ssyncset.done $0x0  }
0xe0: {  	[sflag:s8] =	ssyncadd.s32 $0xFFFFC000  }
0xe1: {  	[spmem:s1] =	stream.indirect.scatter.add.f32 [tilespmem:s30], [sflag:$0x8], $0x80, s9, s25, $0xb8;
	[tilespmem:$0x1C400] =	vst v63  }
0xe2: {  	_ =	swait.ge [sflag:s10], $0x100  }
0xe3: {  	[sflag:s10] =	ssyncset.done $0x0  }
0xe4: {  	[sflag:s10] =	ssyncadd.s32 $0xFFFFFF00  }
0xe5: {  	_ =	swait.ge [sflag:s11], $0x4000  }
0xe6: {  	[sflag:s11] =	ssyncset.done $0x0  }
0xe7: {  	[sflag:s11] =	ssyncadd.s32 $0xFFFFC000  }
0xe8: {  	[tilespmem:s30], [sflag:$0x6] =	stream.indirect.gather [hbm4b:s4+s25], $0x80, s31, s25, $0xb8;
	[tilespmem:$0x1C400] =	vst v63  }
0xe9: {  	_ =	swait.ge [sflag:s0], $0x4000  }
0xea: {  	[sflag:s0] =	ssyncset.done $0x0  }
0xeb: {  	[sflag:s0] =	ssyncadd.s32 $0xFFFFC000  }
0xec: {  	[spmem:s1] =	stream.indirect.scatter.add.f32 [tilespmem:s26], [sflag:$0x7], $0x80, s12, s25, $0xb8;
	[tilespmem:$0x1C400] =	vst v63  }
0xed: {  	_ =	swait.ge [sflag:s8], $0x4000  }
0xee: {  	[sflag:s8] =	ssyncset.done $0x0  }
0xef: {  	[sflag:s8] =	ssyncadd.s32 $0xFFFFC000  }
0xf0: {  	[spmem:s1] =	stream.indirect.scatter.add.f32 [tilespmem:s30], [sflag:$0x8], $0x80, s13, s25, $0xb8;
	[tilespmem:$0x1C400] =	vst v63  }
0xf1: {  	_ =	swait.ge [sflag:s7], $0x4000  }
0xf2: {  	[sflag:s7] =	ssyncset.done $0x0  }
0xf3: {  	[sflag:s7] =	ssyncadd.s32 $0xFFFFC000  }
0xf4: {  	_ =	swait.ge [sflag:s11], $0x4000  }
0xf5: {  	[sflag:s11] =	ssyncset.done $0x0  }
0xf6: {  	[sflag:s11] =	ssyncadd.s32 $0xFFFFC000  }
0xf7: {  	[bflag:$0x0] =	sbarrier.arrive $0xFFFF  }
0xf8: {  	s6 =	rddreg [dreg:$0xd]  }
0xf9: {  	[hbm:s6], [sflag:s20] =	dma.local [spmem:s21], $0x2800  }
0xfa: {  	_ =	swait.ge [sflag:s22], $0x2800  }
0xfb: {  	s14 =	sadd.s32 $0x1, s14;
	s15 =	rddreg [dreg:$0xe]  }
0xfc: {  	p0 =	sne.s32 s14, s15  }
.Ltmp1:
0xfd: {  	_ = 	snop;
	(pc) =	sbr.rel @p0 .LBB2_1-.Ltmp1, $3  }
0xfe: {  	_ =	sdelay $0x1  }
0xff: {  	[sflag:s22] =	ssyncset.done $0x0  }
0x100: {  	[sflag:s22] =	ssyncadd.s32 $0xFFFFD800  }
0x101: {  	_ =	sfence.sel $0x180000  }
0x102: {  	[bflag:$0x0] =	sbarrier.arrive $0xFFFF  }
0x103: {  	_ =	strace $0x9000004D  }
0x104: {  	s0 =	stileid.u32;
	[bflag:$0x2] =	sbarrier.arrive $0xFFFF  }
0x105: {  	p0 =	sne.s32 s0, $0x0;
	s0 =	rddreg [dreg:$0x3]  }
0x106: {  	s0 =	sadd.s32 @!p0 $0x100000, s0  }
0x107: {  	[sflag:s0] =	ssyncadd.tile.s32 @!p0 $0x1;
	_ =	shalt  }
.Lfunc_end2:
_tile_overlayer_lowered:
.L_overlay_start_2:
0x108: {  	(tag) =	ssettag $0x2  }
0x109: {  	s0 =	rddreg [dreg:$0x0];
	s2 =	stileid.u32  }
0x10a: {  	s1 =	rddreg [dreg:$0x1];
	p0 =	sne.s32 s2, $0x0  }
0x10b: {  	s3 =	rddreg [dreg:$0x2];
	[bflag:$0x3] =	sbarrier.arrive $0xFFFF;
	s2 =	simm.s32 @!p0 $0x1C09  }
0x10c: {  	[timem:s3], [sflag:s2] =	dma.local @!p0 [hbm:s0], s1  }
0x10d: {  	s0 =	simm.s32 @!p0 $0x9  }
0x10e: {  	_ =	swait.ge @!p0 [sflag:s0], s1  }
0x10f: {  	s1 =	ssub.s32 @!p0 $0x0, s1;
	[sflag:s0] =	ssyncset.done @!p0 $0x0  }
0x110: {  	[sflag:s0] =	ssyncadd.s32 @!p0 s1  }
0x111: {  	[bflag:$0x3] =	sbarrier.arrive $0xFFFF  }
0x112: {  	_ =	shalt  }

// kernel: kernel.19.cloned.1.call-start
scs
__scs_entry_jumppad:
0x0: {  	(pc) =	sbr.rel $0x88, $3  }
0x1: {  	(tag) =	ssettag $0x0;
	lr =	simm.s32 $0x1  }
0x2: {  	[smem:$0x3F98] =	sst lr;
	_ =	strace $0xD0000000  }
0x3: {  	_ = 	snop  }
0x4: {  	_ = 	snop  }
0x5: {  	_ = 	snop  }
0x6: {  	_ = 	snop  }
0x7: {  	_ = 	snop  }
__scs_overlays_trampoline_lowered:
0x8: {  	[smem:$0x3FA7] =	sst s0  }
0x9: {  	[smem:$0x3FA8] =	sst s1  }
0xa: {  	[smem:$0x3FA9] =	sst s2  }
0xb: {  	[smem:$0x3FAA] =	sst s3  }
0xc: {  	[smem:$0x3FAB] =	sst s4  }
0xd: {  	[smem:$0x3FAC] =	sst s5  }
0xe: {  	[smem:$0x3FAD] =	sst s6  }
0xf: {  	[smem:$0x3FAE] =	sst s7  }
0x10: {  	[smem:$0x3FAF] =	sst s8  }
0x11: {  	[smem:$0x3FB0] =	sst s9;
	s0 =	simm.s32 @!p0 $0x0  }
0x12: {  	s1 =	sld [smem:$0x3F96];
	s0 =	simm.s32 @p0 $0x1  }
0x13: {  	[smem:$0x3FB1] =	sst s0;
	s0 =	simm.s32 @!p1 $0x0  }
0x14: {  	s2 =	sld [smem:$0x3F95];
	s0 =	simm.s32 @p1 $0x1  }
0x15: {  	[smem:$0x3FB2] =	sst s0;
	s0 =	simm.s32 @!p2 $0x0  }
0x16: {  	s3 =	sld [smem:$0x3FDB];
	s0 =	simm.s32 @p2 $0x1  }
0x17: {  	s4 =	simm.s32 $0x1BF5;
	[smem:$0x3FB4] =	sst s0  }
0x18: {  	s0 =	sld [smem:$0x3F97];
	_ =	swait.ge [sflag:s4], $0x0  }
0x19: {  	s7 =	sld [smem:$0x3F98]  }
0x1a: {  	s8 =	sadd.s32 $0xFFFFE003, lr  }
0x1b: {  	s9 =	sadd.s32 $0xFFFFFEF7, lr;
	s5 =	simm.s32 $0xFFFFFFFF;
	p2 =	slt.u32 s8, $0xFFFFF086  }
0x1c: {  	p1 =	slt.u32 s9, $0xF7A;
	s5 =	simm.s32 @!p2 $0x0  }
0x1d: {  	s5 =	simm.s32 @p1 $0x1;
	p0 =	seq.s32 s7, s2  }
0x1e: {  	s7 =	smul.u32 @!p0 $0xF7A, s2;
	p2 =	seq.s32 @!p0 s5, $0x0  }
0x1f: {  	s9 =	smul.u32 $0xF7A, s1;
	s8 =	simm.s32 @!p0 $0x1BF5;
	p2 =	por !p2, p0  }
0x20: {  	[sflag:s8] =	ssyncset.s32 @!p0 $0xFFFFF086;
	s6 =	sadd.s32 @!p0 s3, s7;
	s7 =	simm.s32 @!p0 $0x108  }
0x21: {  	s3 =	sadd.s32 s3, s9;
	s6 =	sadd.s32 @!p0 $0x88, s6;
	s7 =	simm.s32 @p2 $0x1082  }
0x22: {  	[simem:s7], [sflag:s8] =	dma.local @!p0 [hbm:s6], $0xF7A  }
0x23: {  	s9 =	sor.u32 $0xD0000000, s2;
	s6 =	simm.s32 $0x108;
	_ =	swait.ge @!p0 [sflag:s8], $0x0  }
0x24: {  	s3 =	sadd.s32 $0x88, s3;
	s6 =	simm.s32 @!p1 $0x1082;
	[sflag:s4] =	ssyncset.s32 $0xFFFFF086  }
0x25: {  	[simem:s6], [sflag:s4] =	dma.local [hbm:s3], $0xF7A  }
0x26: {  	[smem:$0x3F98] =	sst s1;
	(tag) =	ssettag s2;
	_ =	strace s9  }
0x27: {  	s1 =	sld [smem:$0x3FA8]  }
0x28: {  	s2 =	sld [smem:$0x3FA9]  }
0x29: {  	s4 =	sld [smem:$0x3FAB]  }
0x2a: {  	p0 =	seq.s32 s5, $0x0;
	s5 =	sld [smem:$0x3FAC]  }
0x2b: {  	s6 =	sld [smem:$0x3FAD]  }
0x2c: {  	s7 =	sld [smem:$0x3FAE]  }
0x2d: {  	s3 =	simm.s32 $0x108;
	s8 =	sld [smem:$0x3FAF]  }
0x2e: {  	s3 =	simm.s32 @!p0 $0x1082;
	s9 =	sld [smem:$0x3FB0]  }
0x2f: {  	lr =	sadd.s32 s0, s3;
	s0 =	sld [smem:$0x3FA7]  }
0x30: {  	s3 =	sld [smem:$0x3FAA]  }
0x31: {  	[smem:$0x3FB3] =	sst s10  }
0x32: {  	s10 =	sld [smem:$0x3FB1];
	_ =	sdelay $0x3  }
0x33: {  	p0 =	seq.s32 s10, $0x1;
	s10 =	sld [smem:$0x3FB3];
	_ =	sdelay $0x3  }
0x34: {  	[smem:$0x3FB3] =	sst s10  }
0x35: {  	s10 =	sld [smem:$0x3FB2];
	_ =	sdelay $0x3  }
0x36: {  	p1 =	seq.s32 s10, $0x1;
	s10 =	sld [smem:$0x3FB3];
	_ =	sdelay $0x3  }
0x37: {  	[smem:$0x3FB3] =	sst s10  }
0x38: {  	s10 =	sld [smem:$0x3FB4]  }
0x39: {  	_ = 	snop;
	(pc) =	sbr.ind lr, $3  }
0x3a: {  	_ = 	snop  }
0x3b: {  	_ = 	snop  }
0x3c: {  	p2 =	seq.s32 s10, $0x1;
	s10 =	sld [smem:$0x3FB3]  }
0x3d: {  	_ =	shalt  }
0x3e: {  	_ =	shalt  }
0x3f: {  	_ =	shalt  }
0x40: {  	_ =	shalt  }
0x41: {  	_ =	shalt  }
0x42: {  	_ =	shalt  }
0x43: {  	_ =	shalt  }
0x44: {  	_ =	shalt  }
0x45: {  	_ =	shalt  }
0x46: {  	_ =	shalt  }
0x47: {  	_ =	shalt  }
0x48: {  	_ =	shalt  }
0x49: {  	_ =	shalt  }
0x4a: {  	_ =	shalt  }
0x4b: {  	_ =	shalt  }
0x4c: {  	_ =	shalt  }
0x4d: {  	_ =	shalt  }
0x4e: {  	_ =	shalt  }
0x4f: {  	_ =	shalt  }
0x50: {  	_ =	shalt  }
0x51: {  	_ =	shalt  }
0x52: {  	_ =	shalt  }
0x53: {  	_ =	shalt  }
0x54: {  	_ =	shalt  }
0x55: {  	_ =	shalt  }
0x56: {  	_ =	shalt  }
0x57: {  	_ =	shalt  }
0x58: {  	_ =	shalt  }
0x59: {  	_ =	shalt  }
0x5a: {  	_ =	shalt  }
0x5b: {  	_ =	shalt  }
0x5c: {  	_ =	shalt  }
0x5d: {  	_ =	shalt  }
0x5e: {  	_ =	shalt  }
0x5f: {  	_ =	shalt  }
0x60: {  	_ =	shalt  }
0x61: {  	_ =	shalt  }
0x62: {  	_ =	shalt  }
0x63: {  	_ =	shalt  }
0x64: {  	_ =	shalt  }
0x65: {  	_ =	shalt  }
0x66: {  	_ =	shalt  }
0x67: {  	_ =	shalt  }
0x68: {  	_ =	shalt  }
0x69: {  	_ =	shalt  }
0x6a: {  	_ =	shalt  }
0x6b: {  	_ =	shalt  }
0x6c: {  	_ =	shalt  }
0x6d: {  	_ =	shalt  }
0x6e: {  	_ =	shalt  }
0x6f: {  	_ =	shalt  }
0x70: {  	_ =	shalt  }
0x71: {  	_ =	shalt  }
0x72: {  	_ =	shalt  }
0x73: {  	_ =	shalt  }
0x74: {  	_ =	shalt  }
0x75: {  	_ =	shalt  }
0x76: {  	_ =	shalt  }
0x77: {  	_ =	shalt  }
0x78: {  	_ =	shalt  }
0x79: {  	_ =	shalt  }
0x7a: {  	_ =	shalt  }
0x7b: {  	_ =	shalt  }
0x7c: {  	_ =	shalt  }
0x7d: {  	_ =	shalt  }
0x7e: {  	_ =	shalt  }
0x7f: {  	_ =	shalt  }
0x80: {  	_ =	shalt  }
0x81: {  	_ =	shalt  }
0x82: {  	_ =	shalt  }
0x83: {  	_ =	shalt  }
0x84: {  	_ =	shalt  }
0x85: {  	_ =	shalt  }
0x86: {  	_ =	shalt  }
0x87: {  	_ =	shalt  }
.Lfunc_end0:
.L_simem_size_0:
called_computation.3_lowered:
.L_overlay_start_0:
0x88: {  	s2 =	sld [smem:$0x3FD9]  }
0x89: {  	s3 =	sld [smem:$0x3FFE];
	_ =	sdelay $0x1  }
0x8a: {  	s1 =	srdreg.scid  }
0x8b: {  	s0 =	sand.u32 $0x1, s1  }
0x8c: {  	s16 =	sshll.u32 s0, $0xA;
	s2 =	sadd.s32 s3, s2  }
0x8d: {  	s2 =	sadd.s32 s2, s16  }
0x8e: {  	[smem:$0x3FBF] =	sst s2  }
0x8f: {  	_ = 	snop  }
0x90: {  	(tm) =	ssettm $0x1  }
0x91: {  	s17 =	sld [smem:$0x3FFB];
	_ =	sdelay $0x3  }
0x92: {  	_ =	strace s17  }
0x93: {  	s2 =	sld [smem:$0x3FFC];
	_ =	sdelay $0x3  }
0x94: {  	_ =	strace s2  }
0x95: {  	s2 =	sld [smem:$0x3FFD];
	_ =	sdelay $0x3  }
0x96: {  	_ =	strace s2  }
0x97: {  	_ =	strace $0x8FFFFFFF  }
0x98: {  	s18 =	sld [smem:$0x3FDB];
	_ =	sdelay $0x1  }
0x99: {  	s19 =	simm.s32 $_scs_section_size  }
0x9a: {  	s4 =	simm.s32 $_size__tile_overlayer_lowered;
	s5 =	simm.s32 $_tile_overlayer_lowered  }
0x9b: {  	s22 =	simm.s32 $0x1BFF;
	s21 =	sshll.u32 s5, $0x1;
	s2 =	sadd.s32 s19, s18  }
0x9c: {  	s6 =	simm.s32 $0x0;
	s20 =	sshll.u32 s4, $0x1;
	s4 =	sadd.s32 s21, s2  }
0x9d: {  	[timem:s6], [sflag:s22] =	dma.local [hbm:s4], s20  }
0x9e: {  	_ =	swait.ge [sflag:s22], s20  }
0x9f: {  	s3 =	ssub.s32 $0x0, s20;
	[sflag:s22] =	ssyncset.done $0x0  }
0xa0: {  	[sflag:s22] =	ssyncadd.s32 s3;
	_ =	sdelay $0x1  }
0xa1: {  	s23 =	simm.s32 $0x1B8B  }
0xa2: {  	_ =	swait.ge [sflag:s23], $0x1  }
0xa3: {  	[sflag:s23] =	ssyncset.done $0x0  }
0xa4: {  	s25 =	simm.s32 $0x1B8E;
	s24 =	sld [smem:$0x3FFE];
	[sflag:s23] =	ssyncadd.s32 $0xFFFFFFFF  }
0xa5: {  	s26 =	simm.s32 $execute0_lowered;
	[smem:$0x3FD2] =	sst s25  }
0xa6: {  	s4 =	sshll.u32 s26, $0x1;
	_ =	strace $0x8000004F;
	[dreg:$0x1] =	wrdreg $0xFFFFFFFF  }
0xa7: {  	s28 =	simm.s32 $_size_execute0_lowered;
	s2 =	sadd.s32 s2, s4;
	[dreg:$0x0] =	wrdreg $0x0  }
0xa8: {  	s4 =	sshll.u32 s28, $0x1;
	[dreg:$0x2] =	wrdreg s2  }
0xa9: {  	[dreg:$0x3] =	wrdreg s4  }
0xaa: {  	[dreg:$0x4] =	wrdreg $0xC0  }
0xab: {  	_ =	task [dreg:s6], $0x5FFFF  }
0xac: {  	[dreg:$0x1] =	wrdreg $0xFFFFFFFF  }
0xad: {  	[dreg:$0x0] =	wrdreg $0x60  }
0xae: {  	[dreg:$0x2] =	wrdreg s24  }
0xaf: {  	[dreg:$0x3] =	wrdreg $0x0  }
0xb0: {  	[dreg:$0x4] =	wrdreg $0x9  }
0xb1: {  	_ =	task.clear_ibuf [dreg:s6], $0x5FFFF;
	_ =	strace $0x9000004F  }
0xb2: {  	s29 =	simm.s32 $0x9;
	_ =	strace $0x80000051  }
0xb3: {  	_ =	swait.ge [sflag:s29], $0x1  }
0xb4: {  	[sflag:s29] =	ssyncadd.s32 $0xFFFFFFFF  }
0xb5: {  	_ =	strace $0x90000051  }
0xb6: {  	_ =	sfence  }
0xb7: {  	s30 =	sld [smem:$0x0];
	_ =	sdelay $0x2  }
0xb8: {  	s31 =	sshll.u32 s1, $0xD;
	s1 =	sshrl.u32 s1, $0x2  }
0xb9: {  	s3 =	sand.u32 $0x4000, s31;
	s1 =	sadd.s32 s1, s30  }
0xba: {  	s0 =	sor.u32 s3, s0;
	s1 =	sshll.u32 s1, $0x11  }
0xbb: {  	s0 =	sor.u32 s1, s0  }
0xbc: {  	s0 =	sadd.s32 $0x8F2B, s0  }
0xbd: {  	[sflag:s0] =	ssyncadd.remote.s32 $0x1  }
0xbe: {  	_ =	sfence.sel $0xFFFF  }
0xbf: {  	[dreg:$0x0] =	wrdreg $0xFFFFFFFF;
	(pc) =	sbr.abs _section_cstart, $3  }
0xc0: {  	[dreg:$0x1] =	wrdreg $0xFFFFFFFF  }
0xc1: {  	_ =	task.clear_ibuf [dreg:s6], $0x2FFFF;
	_ =	strace $0x9FFFFFFF  }
0xc2: {  	(tm) =	ssettm $0x7FFFFFFF  }
0xc3: {  	_ =	shalt  }
tec
execute0_lowered:
.L_overlay_start_1:
0x0: {  	(tag) =	ssettag $0x1  }
0x1: {  	s4 =	rddreg [dreg:$0x0];
	s0 =	srdreg.scid  }
0x2: {  	s2 =	rddreg [dreg:$0x1];
	s1 =	stileid.u32;
	s3 =	simm.s32 $0x0  }
0x3: {  	s13 =	simm.s32 $0x14000;
	s14 =	simm.s32 $0x15C00;
	s15 =	simm.s32 $0x40  }
0x4: {  	s16 =	simm.s32 $0x17800;
	s17 =	simm.s32 $0x19800;
	s18 =	simm.s32 $0x1B800  }
0x5: {  	s19 =	simm.s32 $0x1D800;
	s20 =	simm.s32 $0x1;
	s21 =	simm.s32 $0x2  }
0x6: {  	s22 =	simm.s32 $0x3;
	s23 =	simm.s32 $0x4;
	s24 =	simm.s32 $0x5  }
0x7: {  	s25 =	simm.s32 $0x6;
	s26 =	simm.s32 $0x0;
	s7 =	smul.u32 $0x2800, s1  }
0x8: {  	s5 =	sand.u32 $0x1, s0;
	[smem:$0x7FF] =	sst s3;
	s8 =	smul.u32 $0x50000, s1  }
0x9: {  	s31 =	sshll.u32 s1, $0x6;
	s6 =	sshll.u32 s5, $0x4;
	_ =	strace $0x80000050  }
0xa: {  	s5 =	ssub.s32 $0x2, s5;
	s9 =	sor.u32 s1, s6;
	s7 =	sadd.s32 s7, s4  }
0xb: {  	s29 =	sshrl.u32 s5, $0x1;
	s30 =	sshrl.u32 s8, $0x2;
	s6 =	smul.u32 $0x380, s9  }
0xc: {  	s11 =	ssub.s32 s5, s29;
	s12 =	sadd.s32 s30, s2;
	s5 =	sadd.s32 $0x9600, s7  }
0xd: {  	s9 =	smul.u32 $0x64000, s9;
	s10 =	sadd.s32 s6, s4;
	s4 =	sadd.s32 $0x9F800, s4  }
0xe: {  	s6 =	sor.u32 $0x1C07, s31;
	s7 =	sadd.s32 $0x2600, s10;
	s8 =	sadd.s32 $0x98800, s10  }
0xf: {  	s10 =	smax.u32 s11, $0x1;
	s11 =	sshrl.u32 s12, $0x3;
	s12 =	simm.s32 $0x7  }
.LBB2_1:
0x10: {  	[spmem:s11], [sflag:s6] =	dma.local [hbm:s5], $0x2800  }
0x11: {  	_ =	swait.ge [sflag:s12], $0x2800  }
0x12: {  	[sflag:s12] =	ssyncset.done $0x0  }
0x13: {  	[sflag:s12] =	ssyncadd.s32 $0xFFFFD800  }
0x14: {  	[tilespmem:s13], [sflag:$0x7] =	stream.linear.gather [hbm4b:s7+s3], $0x1900, $0x38;
	[tilespmem:$0x1F800] =	vst v63  }
0x15: {  	_ =	swait.ge [sflag:s12], $0x1900  }
0x16: {  	[sflag:s12] =	ssyncset.done $0x0  }
0x17: {  	[sflag:s12] =	ssyncadd.s32 $0xFFFFE700  }
0x18: {  	[tilespmem:s14], [sflag:$0x7] =	stream.linear.gather [hbm4b:s8+s3], $0x1900, $0x38;
	[tilespmem:$0x1F800] =	vst v63  }
0x19: {  	_ =	swait.ge [sflag:s12], $0x1900  }
0x1a: {  	[sflag:s12] =	ssyncset.done $0x0  }
0x1b: {  	[sflag:s12] =	ssyncadd.s32 $0xFFFFE700  }
0x1c: {  	s28 =	simm.s32 $0x0;
	[bflag:$0x0] =	sbarrier.arrive $0xFFFF  }
.LBB2_2:
0x1d: {  	s29 =	sshll.u32 s28, $0x8  }
0x1e: {  	s30 =	sadd.s32 $0x14000, s29  }
0x1f: {  	[tilespmem:s16], [sflag:$0x1] =	stream.indirect.gather [spmem:s2], $0x80, s30, s15, $0xb8;
	[tilespmem:$0x1F800] =	vst v63  }
0x20: {  	s29 =	sadd.s32 $0x15C00, s29  }
0x21: {  	[tilespmem:s17], [sflag:$0x2] =	stream.indirect.gather [spmem:s2], $0x80, s29, s15, $0xb8;
	[tilespmem:$0x1F800] =	vst v63  }
0x22: {  	s29 =	sshllo.u32 s28, $0x1  }
0x23: {  	s30 =	sshll.u32 s29, $0x7  }
0x24: {  	s31 =	sadd.s32 $0x14000, s30  }
0x25: {  	[tilespmem:s18], [sflag:$0x3] =	stream.indirect.gather [spmem:s2], $0x80, s31, s15, $0xb8;
	[tilespmem:$0x1F800] =	vst v63  }
0x26: {  	s30 =	sadd.s32 $0x15C00, s30  }
0x27: {  	[tilespmem:s19], [sflag:$0x4] =	stream.indirect.gather [spmem:s2], $0x80, s30, s15, $0xb8;
	[tilespmem:$0x1F800] =	vst v63  }
0x28: {  	_ =	swait.ge [sflag:s20], $0x2000  }
0x29: {  	[sflag:s20] =	ssyncset.done $0x0  }
0x2a: {  	[sflag:s20] =	ssyncadd.s32 $0xFFFFE000  }
0x2b: {  	_ =	swait.ge [sflag:s21], $0x2000  }
0x2c: {  	[sflag:s21] =	ssyncset.done $0x0  }
0x2d: {  	s30 =	simm.s32 $0x0;
	[sflag:s21] =	ssyncadd.s32 $0xFFFFE000  }
0x2e: {  	v7 =	vld [tilespmem:s30+$0x19800]  }
0x2f: {  	v11 =	vld [tilespmem:s30+$0x19810]  }
0x30: {  	v5 =	vld [tilespmem:s30+$0x19820]  }
0x31: {  	v4 =	vld [tilespmem:s30+$0x19830]  }
0x32: {  	v3 =	vld [tilespmem:s30+$0x19840]  }
0x33: {  	v2 =	vld [tilespmem:s30+$0x19850]  }
0x34: {  	v1 =	vld [tilespmem:s30+$0x19860]  }
0x35: {  	v0 =	vld [tilespmem:s30+$0x19870]  }
0x36: {  	v12 =	vld [tilespmem:s30+$0x17800]  }
0x37: {  	v13 =	vld [tilespmem:s30+$0x17810]  }
0x38: {  	v10 =	vld [tilespmem:s30+$0x17820]  }
0x39: {  	v9 =	vld [tilespmem:s30+$0x17830]  }
0x3a: {  	v8 =	vld [tilespmem:s30+$0x17840]  }
0x3b: {  	v6 =	vld [tilespmem:s30+$0x17850];
	v12 =	vmul.f32 v7, v12  }
0x3c: {  	s31 =	simm.s32 $0x200;
	v11 =	vmul.f32 v11, v13;
	v7 =	vld [tilespmem:s30+$0x17860]  }
.LBB2_3:
0x3d: {  	s0 =	sshra.s32 s31, $0x2;
	p0 =	sne.s32 s31, $0x7E00;
	[tilespmem:s30+$0x17800] =	vst v12;
	v5 =	vmul.f32 v5, v10;
	v10 =	vld [tilespmem:s30+$0x17870]  }
0x3e: {  	v12 =	vld [tilespmem:s0+$0x19800];
	[tilespmem:s30+$0x17810] =	vst v11;
	v4 =	vmul.f32 v4, v9  }
0x3f: {  	v11 =	vld [tilespmem:s0+$0x19810];
	[tilespmem:s30+$0x17820] =	vst v5;
	v3 =	vmul.f32 v3, v8  }
0x40: {  	v5 =	vld [tilespmem:s0+$0x19820];
	[tilespmem:s30+$0x17830] =	vst v4;
	v2 =	vmul.f32 v2, v6  }
0x41: {  	v4 =	vld [tilespmem:s0+$0x19830];
	[tilespmem:s30+$0x17840] =	vst v3;
	v1 =	vmul.f32 v1, v7  }
0x42: {  	v3 =	vld [tilespmem:s0+$0x19840];
	[tilespmem:s30+$0x17850] =	vst v2;
	v0 =	vmul.f32 v0, v10  }
0x43: {  	v2 =	vld [tilespmem:s0+$0x19850];
	[tilespmem:s30+$0x17860] =	vst v1  }
0x44: {  	v1 =	vld [tilespmem:s0+$0x19860];
	[tilespmem:s30+$0x17870] =	vst v0;
	s30 =	smov.u32 s0  }
0x45: {  	v0 =	vld [tilespmem:s30+$0x19870]  }
0x46: {  	v6 =	vld [tilespmem:s30+$0x17800]  }
0x47: {  	v7 =	vld [tilespmem:s30+$0x17810]  }
.Ltmp0:
0x48: {  	v10 =	vld [tilespmem:s30+$0x17820];
	(pc) =	sbr.rel @p0 .LBB2_3-.Ltmp0, $4  }
0x49: {  	v9 =	vld [tilespmem:s30+$0x17830]  }
0x4a: {  	v8 =	vld [tilespmem:s30+$0x17840]  }
0x4b: {  	v12 =	vmul.f32 v12, v6;
	v6 =	vld [tilespmem:s30+$0x17850]  }
0x4c: {  	s31 =	sadd.s32 $0x200, s31;
	v11 =	vmul.f32 v11, v7;
	v7 =	vld [tilespmem:s30+$0x17860]  }
0x4d: {  	[tilespmem:s30+$0x17800] =	vst v12;
	v5 =	vmul.f32 v5, v10;
	v10 =	vld [tilespmem:s30+$0x17870]  }
0x4e: {  	[tilespmem:s30+$0x17810] =	vst v11;
	v4 =	vmul.f32 v4, v9  }
0x4f: {  	[tilespmem:s30+$0x17820] =	vst v5;
	v3 =	vmul.f32 v3, v8  }
0x50: {  	[tilespmem:s30+$0x17830] =	vst v4;
	v2 =	vmul.f32 v2, v6  }
0x51: {  	s0 =	sshll.u32 s28, $0xE;
	[tilespmem:s30+$0x17840] =	vst v3;
	v1 =	vmul.f32 v1, v7  }
0x52: {  	s0 =	sadd.s32 s9, s0;
	[tilespmem:s30+$0x17850] =	vst v2;
	v0 =	vmul.f32 v0, v10  }
0x53: {  	s0 =	sshrl.u32 s0, $0x3;
	[tilespmem:s30+$0x17860] =	vst v1  }
0x54: {  	s0 =	sadd.s32 s4, s0;
	[tilespmem:s30+$0x17870] =	vst v0;
	s30 =	simm.s32 $0x0  }
0x55: {  	[hbm4b:s0+s30] =	stream.linear.scatter [tilespmem:s16], [sflag:$0x5], $0x2000, $0x38;
	[tilespmem:$0x1F800] =	vst v63  }
0x56: {  	_ =	swait.ge [sflag:s22], $0x2000  }
0x57: {  	[sflag:s22] =	ssyncset.done $0x0  }
0x58: {  	[sflag:s22] =	ssyncadd.s32 $0xFFFFE000  }
0x59: {  	_ =	swait.ge [sflag:s23], $0x2000  }
0x5a: {  	[sflag:s23] =	ssyncset.done $0x0  }
0x5b: {  	s30 =	simm.s32 $0x0;
	[sflag:s23] =	ssyncadd.s32 $0xFFFFE000  }
0x5c: {  	v7 =	vld [tilespmem:s30+$0x1D800]  }
0x5d: {  	v11 =	vld [tilespmem:s30+$0x1D810]  }
0x5e: {  	v5 =	vld [tilespmem:s30+$0x1D820]  }
0x5f: {  	v4 =	vld [tilespmem:s30+$0x1D830]  }
0x60: {  	v3 =	vld [tilespmem:s30+$0x1D840]  }
0x61: {  	v2 =	vld [tilespmem:s30+$0x1D850]  }
0x62: {  	v1 =	vld [tilespmem:s30+$0x1D860]  }
0x63: {  	v0 =	vld [tilespmem:s30+$0x1D870]  }
0x64: {  	v12 =	vld [tilespmem:s30+$0x1B800]  }
0x65: {  	v13 =	vld [tilespmem:s30+$0x1B810]  }
0x66: {  	v10 =	vld [tilespmem:s30+$0x1B820]  }
0x67: {  	v9 =	vld [tilespmem:s30+$0x1B830]  }
0x68: {  	v8 =	vld [tilespmem:s30+$0x1B840]  }
0x69: {  	v6 =	vld [tilespmem:s30+$0x1B850];
	v12 =	vmul.f32 v7, v12  }
0x6a: {  	s31 =	simm.s32 $0x200;
	v11 =	vmul.f32 v11, v13;
	v7 =	vld [tilespmem:s30+$0x1B860]  }
.LBB2_5:
0x6b: {  	s0 =	sshra.s32 s31, $0x2;
	p0 =	sne.s32 s31, $0x7E00;
	[tilespmem:s30+$0x1B800] =	vst v12;
	v5 =	vmul.f32 v5, v10;
	v10 =	vld [tilespmem:s30+$0x1B870]  }
0x6c: {  	v12 =	vld [tilespmem:s0+$0x1D800];
	[tilespmem:s30+$0x1B810] =	vst v11;
	v4 =	vmul.f32 v4, v9  }
0x6d: {  	v11 =	vld [tilespmem:s0+$0x1D810];
	[tilespmem:s30+$0x1B820] =	vst v5;
	v3 =	vmul.f32 v3, v8  }
0x6e: {  	v5 =	vld [tilespmem:s0+$0x1D820];
	[tilespmem:s30+$0x1B830] =	vst v4;
	v2 =	vmul.f32 v2, v6  }
0x6f: {  	v4 =	vld [tilespmem:s0+$0x1D830];
	[tilespmem:s30+$0x1B840] =	vst v3;
	v1 =	vmul.f32 v1, v7  }
0x70: {  	v3 =	vld [tilespmem:s0+$0x1D840];
	[tilespmem:s30+$0x1B850] =	vst v2;
	v0 =	vmul.f32 v0, v10  }
0x71: {  	v2 =	vld [tilespmem:s0+$0x1D850];
	[tilespmem:s30+$0x1B860] =	vst v1  }
0x72: {  	v1 =	vld [tilespmem:s0+$0x1D860];
	[tilespmem:s30+$0x1B870] =	vst v0;
	s30 =	smov.u32 s0  }
0x73: {  	v0 =	vld [tilespmem:s30+$0x1D870]  }
0x74: {  	v6 =	vld [tilespmem:s30+$0x1B800]  }
0x75: {  	v7 =	vld [tilespmem:s30+$0x1B810]  }
.Ltmp1:
0x76: {  	v10 =	vld [tilespmem:s30+$0x1B820];
	(pc) =	sbr.rel @p0 .LBB2_5-.Ltmp1, $4  }
0x77: {  	v9 =	vld [tilespmem:s30+$0x1B830]  }
0x78: {  	v8 =	vld [tilespmem:s30+$0x1B840]  }
0x79: {  	v12 =	vmul.f32 v12, v6;
	v6 =	vld [tilespmem:s30+$0x1B850]  }
0x7a: {  	s31 =	sadd.s32 $0x200, s31;
	v11 =	vmul.f32 v11, v7;
	v7 =	vld [tilespmem:s30+$0x1B860]  }
0x7b: {  	[tilespmem:s30+$0x1B800] =	vst v12;
	v5 =	vmul.f32 v5, v10;
	v63 =	vld [tilespmem:s30+$0x1B870]  }
0x7c: {  	[tilespmem:s30+$0x1B810] =	vst v11;
	v4 =	vmul.f32 v4, v9  }
0x7d: {  	[tilespmem:s30+$0x1B820] =	vst v5;
	v3 =	vmul.f32 v3, v8  }
0x7e: {  	[tilespmem:s30+$0x1B830] =	vst v4;
	v2 =	vmul.f32 v2, v6  }
0x7f: {  	s0 =	sshll.u32 s29, $0xD;
	[tilespmem:s30+$0x1B840] =	vst v3;
	v1 =	vmul.f32 v1, v7  }
0x80: {  	s0 =	sadd.s32 s9, s0;
	[tilespmem:s30+$0x1B850] =	vst v2;
	v0 =	vmul.f32 v0, v63  }
0x81: {  	s0 =	sshrl.u32 s0, $0x3;
	[tilespmem:s30+$0x1B860] =	vst v1  }
0x82: {  	s28 =	sadd.s32 $0x1, s28;
	s0 =	sadd.s32 s4, s0;
	[tilespmem:s30+$0x1B870] =	vst v0  }
0x83: {  	[hbm4b:s0+s3] =	stream.linear.scatter [tilespmem:s18], [sflag:$0x6], $0x2000, $0x38;
	[tilespmem:$0x1F800] =	vst v63  }
0x84: {  	p0 =	sne.s32 s28, $0x19;
	_ =	swait.ge [sflag:s24], $0x2000  }
.Ltmp2:
0x85: {  	[sflag:s24] =	ssyncset.done $0x0;
	(pc) =	sbr.rel @p0 .LBB2_2-.Ltmp2, $4  }
0x86: {  	[sflag:s24] =	ssyncadd.s32 $0xFFFFE000  }
0x87: {  	_ =	swait.ge [sflag:s25], $0x2000  }
0x88: {  	[sflag:s25] =	ssyncset.done $0x0  }
0x89: {  	[sflag:s25] =	ssyncadd.s32 $0xFFFFE000  }
0x8a: {  	s26 =	sadd.s32 $0x1, s26  }
0x8b: {  	p0 =	sne.s32 s26, s10  }
.Ltmp3:
0x8c: {  	_ = 	snop;
	(pc) =	sbr.rel @p0 .LBB2_1-.Ltmp3, $1  }
0x8d: {  	_ =	sdelay $0x3  }
0x8e: {  	_ =	sfence.sel $0x180000  }
0x8f: {  	[bflag:$0x0] =	sbarrier.arrive $0xFFFF  }
0x90: {  	_ =	strace $0x90000050  }
0x91: {  	[bflag:$0x2] =	sbarrier.arrive $0xFFFF  }
0x92: {  	p0 =	sne.s32 s1, $0x0;
	s0 =	rddreg [dreg:$0x2]  }
0x93: {  	s0 =	sadd.s32 @!p0 $0x100000, s0  }
0x94: {  	[sflag:s0] =	ssyncadd.tile.s32 @!p0 $0x1;
	_ =	shalt  }
.Lfunc_end2:
_tile_overlayer_lowered:
.L_overlay_start_2:
0x95: {  	(tag) =	ssettag $0x2  }
0x96: {  	s0 =	rddreg [dreg:$0x0];
	s2 =	stileid.u32  }
0x97: {  	s1 =	rddreg [dreg:$0x1];
	p0 =	sne.s32 s2, $0x0  }
0x98: {  	s3 =	rddreg [dreg:$0x2];
	[bflag:$0x3] =	sbarrier.arrive $0xFFFF;
	s2 =	simm.s32 @!p0 $0x1C07  }
0x99: {  	[timem:s3], [sflag:s2] =	dma.local @!p0 [hbm:s0], s1  }
0x9a: {  	s0 =	simm.s32 @!p0 $0x7  }
0x9b: {  	_ =	swait.ge @!p0 [sflag:s0], s1  }
0x9c: {  	s1 =	ssub.s32 @!p0 $0x0, s1;
	[sflag:s0] =	ssyncset.done @!p0 $0x0  }
0x9d: {  	[sflag:s0] =	ssyncadd.s32 @!p0 s1  }
0x9e: {  	[bflag:$0x3] =	sbarrier.arrive $0xFFFF  }
0x9f: {  	_ =	shalt  }

</sc_bundles>
